<compile_context>
chip_gen: v7x
topology: tpu7x:2x2x1
jax: 0.10.2.dev20260603
libtpu: 0.0.44.dev20260713+nightly
codegen_flags: <defaults>
</compile_context>

<pallas_src>
import functools
import math

import jax
import jax.numpy as jnp
from jax import lax
from jax.experimental import pallas as pl
from jax.experimental.pallas import tpu as pltpu
from jax.experimental.pallas import tpu_sc as plsc

B = 8
N = 5000
C = 91
NC = 90
NI = B * NC
NP = 5120
NV = NP // 16
M = 100
OS = 128
CAP = 1024
THR = 0.05
CLIP = math.log(1000.0 / 16.0)
NSC = 32
IPW = (NI + NSC - 1) // NSC

_i32 = jnp.int32
_f32 = jnp.float32


def _softmax_body(x_ref, o_ref):
    blk = x_ref.shape[1]
    j = pl.program_id(1)
    x = x_ref[0]
    lane = jax.lax.broadcasted_iota(_i32, (blk, 128), 1)
    row = jax.lax.broadcasted_iota(_i32, (blk, 128), 0) + j * blk
    x = jnp.where(lane < C, x, -1e30)
    m = jnp.max(x, axis=-1, keepdims=True)
    e = jnp.exp(x - m)
    s = jnp.sum(e, axis=-1, keepdims=True)
    p = e / s
    o_ref[...] = jnp.transpose(jnp.where(row < N, p, 0.0), (1, 0))


def _softmax(raw_scores):
    blk = 512
    return pl.pallas_call(
        _softmax_body,
        grid=(B, NP // blk),
        in_specs=[pl.BlockSpec((1, blk, 128), lambda b, j: (b, j, 0))],
        out_specs=pl.BlockSpec((128, blk), lambda b, j: (b, j)),
        out_shape=jax.ShapeDtypeStruct((B * 128, NP), _f32),
    )(raw_scores)


def _sc_main_body(scoresT, rb_tbl, an_tbl, img_hbm,
                  outs, outb,
                  sbuf, cidx, cs, bidx, bpar, aidx, apar, brows, arows,
                  by0, bx0, by1, bx1, bar, osc, obx, img_v, sem, sem2, sem3):
    wid = lax.axis_index("s") * 2 + lax.axis_index("c")
    iota16 = lax.iota(_i32, 16)
    pltpu.sync_copy(img_hbm, img_v)

    def inst_body(it, _):
        inst = wid + NSC * it

        @pl.when(inst < NI)
        def _():
            b = inst // NC
            c = inst % NC

            @pl.when(it == 0)
            def _():
                pltpu.sync_copy(scoresT.at[b * 128 + c + 1], sbuf)

            @pl.when(it > 0)
            def _():
                pltpu.make_async_copy(
                    scoresT.at[b * 128 + c + 1], sbuf, sem2).wait()
                pltpu.make_async_copy(osc.at[pl.ds(0, OS)], outs.at[inst],
                                      sem3).wait()
                pltpu.make_async_copy(obx.at[pl.ds(0, 4 * OS)], outb.at[inst],
                                      sem3).wait()

            def chalf(base, off):
                v = sbuf[pl.ds(base, 16)]
                m = v > THR
                rank = plsc.cumsum(m.astype(_i32))
                pos = jnp.maximum(off + rank - 1, 0)
                lane = base + iota16
                plsc.store_scatter(cidx, [pos], lane, mask=m)
                plsc.store_scatter(cs, [pos], v, mask=m)
                return off + plsc.all_reduce_population_count(m)[0]

            def cbody(j, off):
                base = 32 * j
                off = chalf(base, off)
                return chalf(base + 16, off)

            n0 = lax.fori_loop(0, NV // 2, cbody, _i32(0))

            def _refine():
                def bis(_, lh):
                    lo, hi = lh
                    mid = (lo + hi) // 2
                    tv = plsc.bitcast(jnp.full((16,), mid, _i32), _f32)

                    def cnt(j, acc):
                        v = sbuf[pl.ds(16 * j, 16)]
                        return acc + plsc.all_reduce_population_count(v >= tv)[0]

                    cge = lax.fori_loop(0, NV, cnt, _i32(0))
                    big = cge >= 1000
                    return (jnp.where(big, mid, lo), jnp.where(big, hi, mid))

                lo, _hi = lax.fori_loop(
                    0, 31, bis, (_i32(0x3D4CCCCD), _i32(0x40000000)))
                skv = plsc.bitcast(jnp.full((16,), lo, _i32), _f32)

                def cntg(j, acc):
                    v = sbuf[pl.ds(16 * j, 16)]
                    return acc + plsc.all_reduce_population_count(v > skv)[0]

                ngt = lax.fori_loop(0, NV, cntg, _i32(0))
                quota = 1000 - ngt

                def rc(j, st):
                    off, taken = st
                    base = 16 * j
                    v = sbuf[pl.ds(base, 16)]
                    mgt = v > skv
                    meq = v == skv
                    eqrank = plsc.cumsum(meq.astype(_i32))
                    tk = meq & ((taken + eqrank) <= quota)
                    m = mgt | tk
                    rank = plsc.cumsum(m.astype(_i32))
                    pos = jnp.maximum(off + rank - 1, 0)
                    lane = base + iota16
                    plsc.store_scatter(cidx, [pos], lane, mask=m)
                    plsc.store_scatter(cs, [pos], v, mask=m)
                    tkrank = plsc.cumsum(tk.astype(_i32))
                    return (off + rank[15], taken + tkrank[15])

                off, _t = lax.fori_loop(0, NV, rc, (_i32(0), _i32(0)))
                return off

            n_cand = lax.cond(n0 > 1000, _refine, lambda: n0)

            nxt = inst + NSC

            @pl.when(nxt < NI)
            def _():
                pltpu.async_copy(
                    scoresT.at[(nxt // NC) * 128 + nxt % NC + 1], sbuf, sem2)

            plsc.store_scatter(cs, [n_cand + iota16],
                               jnp.full((16,), -2.0, _f32),
                               mask=jnp.full((16,), True))
            plsc.store_scatter(cs, [n_cand + 16 + iota16],
                               jnp.full((16,), -2.0, _f32),
                               mask=jnp.full((16,), True))
            nv = (n_cand + 15) // 16
            nv2 = (n_cand + 31) // 32

            rb_base = b * (N * C) + c + 1
            an_base = b * N

            def gidx(j, _):
                base = 16 * j
                nvals = jnp.clip(cidx[pl.ds(base, 16)], 0, N - 1)
                r4b = nvals * C + rb_base
                r4a = nvals + an_base
                bidx[pl.ds(base, 16)] = r4b // 2
                bpar[pl.ds(base, 16)] = (r4b % 2) * 4
                aidx[pl.ds(base, 16)] = r4a // 2
                apar[pl.ds(base, 16)] = (r4a % 2) * 4
                return 0

            lax.fori_loop(0, CAP // 16, gidx, 0)

            for jj in range(CAP // 128):
                @pl.when(jj * 128 < n_cand)
                def _():
                    sl = pl.ds(jj * 128, 128)
                    pltpu.async_copy(rb_tbl.at[bidx.at[sl]], brows.at[sl], sem)
                    pltpu.async_copy(an_tbl.at[aidx.at[sl]], arows.at[sl], sem)
            for jj in range(CAP // 128):
                @pl.when(jj * 128 < n_cand)
                def _():
                    sl = pl.ds(jj * 128, 128)
                    pltpu.make_async_copy(
                        rb_tbl.at[bidx.at[sl]], brows.at[sl], sem).wait()
                    pltpu.make_async_copy(
                        an_tbl.at[aidx.at[sl]], arows.at[sl], sem).wait()

            hv = plsc.load_gather(img_v, [jnp.full((16,), 8 * b, _i32)])
            wv = plsc.load_gather(img_v, [jnp.full((16,), 8 * b + 1, _i32)])

            def dbody(j, _):
                base = 16 * j
                rows = base + iota16
                sl16 = pl.ds(base, 16)
                zb = bpar[sl16]
                za = apar[sl16]
                dy = plsc.load_gather(brows, [rows, zb])
                dx = plsc.load_gather(brows, [rows, zb + 1])
                dh = plsc.load_gather(brows, [rows, zb + 2])
                dw = plsc.load_gather(brows, [rows, zb + 3])
                ay0 = plsc.load_gather(arows, [rows, za])
                ax0 = plsc.load_gather(arows, [rows, za + 1])
                ay1 = plsc.load_gather(arows, [rows, za + 2])
                ax1 = plsc.load_gather(arows, [rows, za + 3])
                dh = jnp.minimum(dh, CLIP)
                dw = jnp.minimum(dw, CLIP)
                ah = ay1 - ay0 + 1.0
                aw = ax1 - ax0 + 1.0
                yc = dy * ah + (ay0 + 0.5 * ah)
                xc = dx * aw + (ax0 + 0.5 * aw)
                h = jnp.exp(dh) * ah
                w = jnp.exp(dw) * aw
                y0 = yc - 0.5 * h
                x0 = xc - 0.5 * w
                y1 = y0 + h - 1.0
                x1 = x0 + w - 1.0
                y0 = jnp.minimum(jnp.maximum(y0, 0.0), hv)
                x0 = jnp.minimum(jnp.maximum(x0, 0.0), wv)
                y1 = jnp.minimum(jnp.maximum(y1, 0.0), hv)
                x1 = jnp.minimum(jnp.maximum(x1, 0.0), wv)
                sl = pl.ds(base, 16)
                by0[sl] = y0
                bx0[sl] = x0
                by1[sl] = y1
                bx1[sl] = x1
                bar[sl] = jnp.maximum(y1 - y0, 0.0) * jnp.maximum(x1 - x0, 0.0)
                return 0

            lax.fori_loop(0, nv, dbody, 0)

            for t in range(OS // 16 + 1):
                osc[pl.ds(16 * t, 16)] = jnp.full((16,), -1.0, _f32)
            for t in range(4 * OS // 16):
                obx[pl.ds(16 * t, 16)] = jnp.zeros((16,), _f32)

            def amax(j, carry):
                vmax, vidx = carry
                base = 16 * j
                v = cs[pl.ds(base, 16)]
                m = v > vmax
                return (jnp.where(m, v, vmax),
                        jnp.where(m, base + iota16, vidx))

            vmax0, vidx0 = lax.fori_loop(
                0, nv, amax,
                (jnp.full((16,), -4.0, _f32), jnp.zeros((16,), _i32)))
            smax0 = jnp.max(vmax0)
            sidx0 = jnp.min(jnp.where(vmax0 == smax0, vidx0, _i32(NP)))

            def nms_cond(st):
                step, _sidx, smax = st
                return (step < M) & (smax > -1.0)

            lane0 = iota16 == 0
            lane4 = iota16 < 4

            def nms_body(st):
                step, sidx, smax = st
                selv = jnp.full((16,), sidx, _i32)
                sy0 = plsc.load_gather(by0, [selv])
                sx0 = plsc.load_gather(bx0, [selv])
                sy1 = plsc.load_gather(by1, [selv])
                sx1 = plsc.load_gather(bx1, [selv])
                sar = plsc.load_gather(bar, [selv])
                plsc.store_scatter(osc, [jnp.full((16,), step, _i32)],
                                   jnp.full((16,), smax, _f32), mask=lane0)
                coords = jnp.where(iota16 == 0, sy0,
                                   jnp.where(iota16 == 1, sx0,
                                             jnp.where(iota16 == 2, sy1, sx1)))
                plsc.store_scatter(obx, [4 * step + iota16], coords, mask=lane4)

                def one(base):
                    sl = pl.ds(base, 16)
                    v = cs[sl]
                    yy1 = jnp.maximum(by0[sl], sy0)
                    xx1 = jnp.maximum(bx0[sl], sx0)
                    yy2 = jnp.minimum(by1[sl], sy1)
                    xx2 = jnp.minimum(bx1[sl], sx1)
                    inter = (jnp.maximum(yy2 - yy1, 0.0)
                             * jnp.maximum(xx2 - xx1, 0.0))
                    union = bar[sl] + sar - inter
                    pos = union > 0.0
                    iou = jnp.where(pos,
                                    inter / jnp.where(pos, union, 1.0), 0.0)
                    lane = base + iota16
                    vn = jnp.where((iou > 0.5) | (lane == sidx), -1.0, v)
                    cs[sl] = vn
                    return vn, lane

                def sup(j, carry):
                    vmaxa, vidxa, vmaxb, vidxb = carry
                    base = 32 * j
                    vna, lanea = one(base)
                    vnb, laneb = one(base + 16)
                    ma = vna > vmaxa
                    mb = vnb > vmaxb
                    return (jnp.where(ma, vna, vmaxa),
                            jnp.where(ma, lanea, vidxa),
                            jnp.where(mb, vnb, vmaxb),
                            jnp.where(mb, laneb, vidxb))

                neg4 = jnp.full((16,), -4.0, _f32)
                zi = jnp.zeros((16,), _i32)
                vmaxa, vidxa, vmaxb, vidxb = lax.fori_loop(
                    0, nv2, sup, (neg4, zi, neg4, zi))
                mgt = vmaxb > vmaxa
                meq = vmaxb == vmaxa
                vmax = jnp.where(mgt, vmaxb, vmaxa)
                vidx = jnp.where(mgt, vidxb,
                                 jnp.where(meq, jnp.minimum(vidxa, vidxb),
                                           vidxa))
                smax2 = jnp.max(vmax)
                sidx2 = jnp.min(jnp.where(vmax == smax2, vidx, _i32(NP)))
                return (step + 1, sidx2, smax2)

            lax.while_loop(nms_cond, nms_body, (_i32(0), sidx0, smax0))

            pltpu.async_copy(osc.at[pl.ds(0, OS)], outs.at[inst], sem3)
            pltpu.async_copy(obx.at[pl.ds(0, 4 * OS)], outb.at[inst], sem3)

        return 0

    lax.fori_loop(0, IPW, inst_body, 0)
    last = wid + 672 + jnp.where(wid < 16, 32, 0)
    pltpu.make_async_copy(osc.at[pl.ds(0, OS)], outs.at[last], sem3).wait()
    pltpu.make_async_copy(obx.at[pl.ds(0, 4 * OS)], outb.at[last], sem3).wait()


def _sc_main(scoresT, rb_tbl, an_tbl, img):
    mesh = plsc.VectorSubcoreMesh(
        core_axis_name="c", subcore_axis_name="s",
        num_cores=2, num_subcores=16)
    f = pl.kernel(
        _sc_main_body,
        compiler_params=pltpu.CompilerParams(
            needs_layout_passes=False, use_tc_tiling_on_sc=False),
        out_type=[jax.ShapeDtypeStruct((NI, OS), _f32),
                  jax.ShapeDtypeStruct((NI, 4 * OS), _f32)],
        mesh=mesh,
        scratch_types=[
            pltpu.VMEM((NP,), _f32),
            pltpu.VMEM((NP + 16,), _i32),
            pltpu.VMEM((NP + 48,), _f32),
            pltpu.VMEM((CAP,), _i32),
            pltpu.VMEM((CAP,), _i32),
            pltpu.VMEM((CAP,), _i32),
            pltpu.VMEM((CAP,), _i32),
            pltpu.VMEM((CAP, 8), _f32),
            pltpu.VMEM((CAP, 8), _f32),
            pltpu.VMEM((CAP + 48,), _f32),
            pltpu.VMEM((CAP + 48,), _f32),
            pltpu.VMEM((CAP + 48,), _f32),
            pltpu.VMEM((CAP + 48,), _f32),
            pltpu.VMEM((CAP + 48,), _f32),
            pltpu.VMEM((OS + 16,), _f32),
            pltpu.VMEM((4 * OS,), _f32),
            pltpu.VMEM((64,), _f32),
            pltpu.SemaphoreType.DMA,
            pltpu.SemaphoreType.DMA,
            pltpu.SemaphoreType.DMA,
        ],
    )
    return f(scoresT, rb_tbl, an_tbl, img)


def _sc_merge_body(s_all, b_all,
                   obox, oscr, ocls, oval,
                   sbuf, bbuf, hsc, hptr, fsc, fcls, fbox, vbuf):
    wid = lax.axis_index("s") * 2 + lax.axis_index("c")
    iota16 = lax.iota(_i32, 16)

    @pl.when(wid < B)
    def _():
        bb = wid
        pltpu.sync_copy(s_all.at[bb], sbuf)
        pltpu.sync_copy(b_all.at[bb], bbuf)

        for k in range(6):
            cls = 16 * k + iota16
            ok = cls < NC
            idx = jnp.minimum(cls, NC - 1) * OS
            v = plsc.load_gather(sbuf, [idx])
            hsc[pl.ds(16 * k, 16)] = jnp.where(ok, v, -3.0)
            hptr[pl.ds(16 * k, 16)] = jnp.zeros((16,), _i32)

        lane0 = iota16 == 0
        lane4 = iota16 < 4

        def step(t, vc):
            vmax = jnp.full((16,), -4.0, _f32)
            vcls = jnp.zeros((16,), _i32)
            for k in range(6):
                v = hsc[pl.ds(16 * k, 16)]
                m = v > vmax
                vmax = jnp.where(m, v, vmax)
                vcls = jnp.where(m, 16 * k + iota16, vcls)
            smax = jnp.max(vmax)
            scls = jnp.min(jnp.where(vmax == smax, vcls, _i32(999)))
            p = plsc.load_gather(hptr, [jnp.full((16,), scls, _i32)])[0]
            gbase = scls * OS + p
            plsc.store_scatter(fsc, [jnp.full((16,), t, _i32)],
                               jnp.full((16,), smax, _f32), mask=lane0)
            plsc.store_scatter(fcls, [jnp.full((16,), t, _i32)],
                               jnp.full((16,), scls, _i32), mask=lane0)
            bv = plsc.load_gather(
                bbuf, [jnp.minimum(4 * gbase + iota16, 4 * NC * OS - 1)])
            plsc.store_scatter(fbox, [4 * t + iota16], bv, mask=lane4)
            p1 = p + 1
            nxt = plsc.load_gather(
                sbuf, [jnp.full((16,), jnp.minimum(gbase + 1, NC * OS - 1), _i32)])
            newhead = jnp.where(p1 < M, nxt[0], -2.0)
            plsc.store_scatter(hsc, [jnp.full((16,), scls, _i32)],
                               jnp.full((16,), newhead, _f32), mask=lane0)
            plsc.store_scatter(hptr, [jnp.full((16,), scls, _i32)],
                               jnp.full((16,), p1, _i32), mask=lane0)
            return vc + jnp.where(smax > -1.0, 1, 0).astype(_i32)

        vc = lax.fori_loop(0, M, step, _i32(0))
        plsc.store_scatter(vbuf, [iota16],
                           jnp.full((16,), vc, _i32), mask=lane0)
        pltpu.sync_copy(fsc.at[pl.ds(0, OS)], oscr.at[bb])
        pltpu.sync_copy(fcls.at[pl.ds(0, OS)], ocls.at[bb])
        pltpu.sync_copy(fbox.at[pl.ds(0, 4 * OS)], obox.at[bb])
        pltpu.sync_copy(vbuf.at[pl.ds(0, 128)], oval.at[bb])


def _sc_merge(s_all, b_all):
    mesh = plsc.VectorSubcoreMesh(
        core_axis_name="c", subcore_axis_name="s",
        num_cores=2, num_subcores=16)
    f = pl.kernel(
        _sc_merge_body,
        compiler_params=pltpu.CompilerParams(needs_layout_passes=False),
        out_type=[jax.ShapeDtypeStruct((B, 4 * OS), _f32),
                  jax.ShapeDtypeStruct((B, OS), _f32),
                  jax.ShapeDtypeStruct((B, OS), _i32),
                  jax.ShapeDtypeStruct((B, 128), _i32)],
        mesh=mesh,
        scratch_types=[
            pltpu.VMEM((NC * OS,), _f32),
            pltpu.VMEM((NC * OS * 4,), _f32),
            pltpu.VMEM((96,), _f32),
            pltpu.VMEM((96,), _i32),
            pltpu.VMEM((OS + 16,), _f32),
            pltpu.VMEM((OS + 16,), _i32),
            pltpu.VMEM((4 * OS,), _f32),
            pltpu.VMEM((128,), _i32),
        ],
    )
    return f(s_all, b_all)


@jax.jit
def kernel(raw_boxes, raw_scores, anchor_boxes, image_shape):
    scoresT = _softmax(raw_scores)
    rb_tbl = raw_boxes.reshape(B * N * C // 2, 8)
    an_tbl = anchor_boxes.reshape(B * N // 2, 8)
    img = jnp.pad(image_shape, ((0, 0), (0, 6))).reshape(64)
    outs, outb = _sc_main(scoresT, rb_tbl, an_tbl, img)
    s_all = outs.reshape(B, NC * OS)
    b_all = outb.reshape(B, NC * OS * 4)
    obox, oscr, ocls, oval = _sc_merge(s_all, b_all)
    return (obox.reshape(B, OS, 4)[:, :M],
            oscr[:, :M],
            ocls[:, :M],
            oval[:, 0])

# --- scband reference (transcript-rebuilt; emitter-appended) ---
"""Pipeline reference for scband-detection-generator-58488864637189 (READ-ONLY COPY).

The authoritative reference and input builder live on the scoring server;
editing this copy changes nothing except your own understanding.
"""

import jax, jax.numpy as jnp
import numpy as np
import math

PRE_NMS_TOP_K = 1000
PRE_NMS_SCORE_THRESHOLD = 0.05
NMS_IOU_THRESHOLD = 0.5
MAX_NUM_DETECTIONS = 100
BBOX_XFORM_CLIP = math.log(1000.0 / 16.0)


def decode_boxes(encoded_boxes, anchors):
    dy, dx, dh, dw = jnp.split(encoded_boxes, 4, axis=-1)
    dh = jnp.minimum(dh, BBOX_XFORM_CLIP)
    dw = jnp.minimum(dw, BBOX_XFORM_CLIP)
    a_ymin, a_xmin, a_ymax, a_xmax = jnp.split(anchors, 4, axis=-1)
    a_h = a_ymax - a_ymin + 1.0
    a_w = a_xmax - a_xmin + 1.0
    a_yc = a_ymin + 0.5 * a_h
    a_xc = a_xmin + 0.5 * a_w
    yc = dy * a_h + a_yc
    xc = dx * a_w + a_xc
    h = jnp.exp(dh) * a_h
    w = jnp.exp(dw) * a_w
    ymin = yc - 0.5 * h
    xmin = xc - 0.5 * w
    ymax = ymin + h - 1.0
    xmax = xmin + w - 1.0
    return jnp.concatenate([ymin, xmin, ymax, xmax], axis=-1)


def clip_boxes(boxes, image_shape):
    h = image_shape[..., 0:1]
    w = image_shape[..., 1:2]
    max_len = jnp.concatenate([h, w, h, w], axis=-1)
    return jnp.maximum(jnp.minimum(boxes, max_len), 0.0)


def _nms_single(boxes, scores):
    # boxes: [k, 4] sorted by score desc, scores: [k] (-1 marks filtered).
    areas = jnp.maximum(boxes[:, 2] - boxes[:, 0], 0.0) * jnp.maximum(boxes[:, 3] - boxes[:, 1], 0.0)

    def step(scores_w, _):
        idx = jnp.argmax(scores_w)
        sel_score = scores_w[idx]
        sel_box = boxes[idx]
        valid = sel_score > -1.0
        yx1 = jnp.maximum(boxes[:, :2], sel_box[:2])
        yx2 = jnp.minimum(boxes[:, 2:], sel_box[2:])
        wh = jnp.maximum(yx2 - yx1, 0.0)
        inter = wh[:, 0] * wh[:, 1]
        sel_area = jnp.maximum(sel_box[2] - sel_box[0], 0.0) * jnp.maximum(sel_box[3] - sel_box[1], 0.0)
        union = areas + sel_area - inter
        iou = jnp.where(union > 0.0, inter / jnp.where(union > 0.0, union, 1.0), 0.0)
        suppress = iou > NMS_IOU_THRESHOLD
        new_scores = jnp.where(suppress, -jnp.ones_like(scores_w), scores_w)
        new_scores = new_scores.at[idx].set(-1.0)
        out_s = jnp.where(valid, sel_score, -1.0)
        out_b = jnp.where(valid, sel_box, jnp.zeros_like(sel_box))
        return new_scores, (out_s, out_b)

    _, (sel_scores, sel_boxes) = jax.lax.scan(step, scores, None, length=MAX_NUM_DETECTIONS)
    return sel_scores, sel_boxes


def _generate_detections_v2(boxes, scores):
    # boxes: [B, N, C, 4], scores: [B, N, C]
    B, N, Cb, _ = boxes.shape
    C = scores.shape[-1]
    k = min(N, PRE_NMS_TOP_K)
    st = jnp.transpose(scores, (0, 2, 1))            # [B, C, N]
    top_s, top_i = jax.lax.top_k(st, k)               # [B, C, k] sorted desc
    bt = jnp.transpose(boxes, (0, 2, 1, 3))           # [B, Cb, N, 4]
    if Cb < C:
        bt = jnp.broadcast_to(bt[:, -1:, :, :], (B, C, N, 4))
    gathered = jnp.take_along_axis(bt, top_i[..., None], axis=2)   # [B, C, k, 4]
    # filter_boxes_by_scores
    mask = top_s > PRE_NMS_SCORE_THRESHOLD
    fs = jnp.where(mask, top_s, -jnp.ones_like(top_s))
    fb = gathered * mask[..., None].astype(gathered.dtype)
    # per-(batch, class) padded greedy NMS
    sel_s, sel_b = jax.vmap(_nms_single)(fb.reshape(B * C, k, 4), fs.reshape(B * C, k))
    M = MAX_NUM_DETECTIONS
    sel_s = sel_s.reshape(B, C * M)
    sel_b = sel_b.reshape(B, C * M, 4)
    classes = jnp.broadcast_to(jnp.repeat(jnp.arange(C, dtype=jnp.int32), M)[None, :], (B, C * M))
    fs2, fi2 = jax.lax.top_k(sel_s, M)
    fb2 = jnp.take_along_axis(sel_b, fi2[..., None], axis=1)
    fc2 = jnp.take_along_axis(classes, fi2, axis=1)
    valid = jnp.sum((fs2 > -1.0).astype(jnp.int32), axis=1)
    return fb2, fs2, fc2, valid


def _decode(raw_boxes, raw_scores, anchor_boxes, image_shape):
    B, N, C = raw_scores.shape
    box_scores = jax.nn.softmax(raw_scores, axis=-1)[:, :, 1:]   # drop background
    nc = C - 1
    rb = raw_boxes.reshape(B, N, C, 4)[:, :, 1:, :].reshape(B, N * nc, 4)
    an = jnp.broadcast_to(anchor_boxes[:, :, None, :], (B, N, nc, 4)).reshape(B, N * nc, 4)
    decoded = decode_boxes(rb, an)
    decoded = clip_boxes(decoded, image_shape[:, None, :])
    return decoded.reshape(B, N, nc, 4), box_scores


def setup_inputs(seed: int = 0) -> dict:
    key = jax.random.key(seed)
    k1, k2, k3, k4 = jax.random.split(key, 4)
    B, N, C = 8, 5000, 91
    raw_boxes = jax.random.normal(k1, (B, N, C * 4), dtype=jnp.float32) * 0.5
    raw_scores = jax.random.normal(k2, (B, N, C), dtype=jnp.float32) * 2.0
    mins = jax.random.uniform(k3, (B, N, 2), minval=0.0, maxval=700.0)
    sizes = jax.random.uniform(k4, (B, N, 2), minval=16.0, maxval=128.0)
    anchor_boxes = jnp.concatenate([mins, mins + sizes], axis=-1).astype(jnp.float32)
    image_shape = jnp.full((B, 2), 800.0, dtype=jnp.float32)
    return {"raw_boxes": raw_boxes, "raw_scores": raw_scores, "anchor_boxes": anchor_boxes, "image_shape": image_shape}


def reference(raw_boxes, raw_scores, anchor_boxes, image_shape):
    boxes, scores = _decode(raw_boxes, raw_scores, anchor_boxes, image_shape)
    nmsed_boxes, nmsed_scores, nmsed_classes, valid_detections = _generate_detections_v2(boxes, scores)
    return nmsed_boxes, nmsed_scores, nmsed_classes, valid_detections

if __name__ == "__main__":
    import jax
    _d = setup_inputs()
    print(jax.jit(kernel)(*tuple(_d.values())))

</pallas_src>

<mosaic_0001>
#map = affine_map<(d0, d1) -> (0, 0)>
module attributes {stable_mosaic.version = 14 : i64} {
  func.func @_sc_merge_body(%arg0: i32, %arg1: i32, %arg2: memref<8x11520xf32, #tpu.memory_space<hbm>>, %arg3: memref<8x46080xf32, #tpu.memory_space<hbm>>, %arg4: memref<8x512xf32, #tpu.memory_space<hbm>>, %arg5: memref<8x128xf32, #tpu.memory_space<hbm>>, %arg6: memref<8x128xi32, #tpu.memory_space<hbm>>, %arg7: memref<8x128xi32, #tpu.memory_space<hbm>>, %arg8: memref<11520xf32, #tpu.memory_space<vmem>>, %arg9: memref<46080xf32, #tpu.memory_space<vmem>>, %arg10: memref<96xf32, #tpu.memory_space<vmem>>, %arg11: memref<96xi32, #tpu.memory_space<vmem>>, %arg12: memref<144xf32, #tpu.memory_space<vmem>>, %arg13: memref<144xi32, #tpu.memory_space<vmem>>, %arg14: memref<512xf32, #tpu.memory_space<vmem>>, %arg15: memref<128xi32, #tpu.memory_space<vmem>>) attributes {dimension_semantics = [#tpu.dimension_semantics<core_parallel>, #tpu.dimension_semantics<subcore_parallel>], iteration_bounds = array<i64: 2, 16>, scalar_prefetch = 0 : i64, scratch_operands = 8 : i64, tpu.core_type = #tpu.core_type<sc_vector_subcore>, window_params = [{transform_indices = #map}, {transform_indices = #map}, {transform_indices = #map}, {transform_indices = #map}, {transform_indices = #map}, {transform_indices = #map}]} {
    %mul3A = arith.constant 2 : i32
    %mul3A_0 = arith.muli %arg1, %mul3A : i32
    %add3A = arith.addi %mul3A_0, %arg0 : i32
    %iota3A = tpu.iota {dimensions = array<i32: 0>} : vector<16xi32>
    %lt3A = arith.constant 8 : i32
    %lt3A_1 = arith.cmpi slt, %add3A, %lt3A : i32
    %convert_element_type3A = arith.extui %lt3A_1 : i1 to i32
    %cond3A = arith.constant 0 : i32
    %cond3A_2 = arith.cmpi ne, %convert_element_type3A, %cond3A : i32
    scf.if %cond3A_2 {
      "tpu.region"() ({
        %run_scoped3A = tpu.sem_alloc : memref<!tpu.dma_semaphore, #tpu.memory_space<semaphore_mem>>
        %dma_start3A = arith.constant 0 : i32
        %dma_start3A_141 = tpu.memref_slice %arg2[%add3A, %dma_start3A] : memref<8x11520xf32, #tpu.memory_space<hbm>> -> memref<1x11520xf32, #tpu.memory_space<hbm>>
        %dma_start3A_142 = tpu.memref_squeeze %dma_start3A_141 : memref<1x11520xf32, #tpu.memory_space<hbm>> -> memref<11520xf32, #tpu.memory_space<hbm>>
        %dma_start3A_143 = arith.constant 0 : i32
        %dma_start3A_144 = tpu.memref_slice %arg2[%add3A, %dma_start3A_143] : memref<8x11520xf32, #tpu.memory_space<hbm>> -> memref<1x11520xf32, #tpu.memory_space<hbm>>
        %dma_start3A_145 = tpu.memref_squeeze %dma_start3A_144 : memref<1x11520xf32, #tpu.memory_space<hbm>> -> memref<11520xf32, #tpu.memory_space<hbm>>
        tpu.enqueue_dma source(%dma_start3A_145 : memref<11520xf32, #tpu.memory_space<hbm>>) target(%arg8 : memref<11520xf32, #tpu.memory_space<vmem>>) target_semaphore(%run_scoped3A : memref<!tpu.dma_semaphore, #tpu.memory_space<semaphore_mem>>)
        %dma_wait3A = arith.constant 0 : i32
        %dma_wait3A_146 = tpu.memref_slice %arg2[%add3A, %dma_wait3A] : memref<8x11520xf32, #tpu.memory_space<hbm>> -> memref<1x11520xf32, #tpu.memory_space<hbm>>
        %dma_wait3A_147 = tpu.memref_squeeze %dma_wait3A_146 : memref<1x11520xf32, #tpu.memory_space<hbm>> -> memref<11520xf32, #tpu.memory_space<hbm>>
        %dma_wait3A_148 = arith.constant 0 : i32
        %dma_wait3A_149 = tpu.memref_slice %arg2[%add3A, %dma_wait3A_148] : memref<8x11520xf32, #tpu.memory_space<hbm>> -> memref<1x11520xf32, #tpu.memory_space<hbm>>
        %dma_wait3A_150 = tpu.memref_squeeze %dma_wait3A_149 : memref<1x11520xf32, #tpu.memory_space<hbm>> -> memref<11520xf32, #tpu.memory_space<hbm>>
        tpu.wait_dma2 semaphore(%run_scoped3A : memref<!tpu.dma_semaphore, #tpu.memory_space<semaphore_mem>>) src(%dma_wait3A_150 : memref<11520xf32, #tpu.memory_space<hbm>>) dst(%arg8 : memref<11520xf32, #tpu.memory_space<vmem>>)
        tpu.yield
      }) : () -> ()
      "tpu.region"() ({
        %run_scoped3A = tpu.sem_alloc : memref<!tpu.dma_semaphore, #tpu.memory_space<semaphore_mem>>
        %dma_start3A = arith.constant 0 : i32
        %dma_start3A_141 = tpu.memref_slice %arg3[%add3A, %dma_start3A] : memref<8x46080xf32, #tpu.memory_space<hbm>> -> memref<1x46080xf32, #tpu.memory_space<hbm>>
        %dma_start3A_142 = tpu.memref_squeeze %dma_start3A_141 : memref<1x46080xf32, #tpu.memory_space<hbm>> -> memref<46080xf32, #tpu.memory_space<hbm>>
        %dma_start3A_143 = arith.constant 0 : i32
        %dma_start3A_144 = tpu.memref_slice %arg3[%add3A, %dma_start3A_143] : memref<8x46080xf32, #tpu.memory_space<hbm>> -> memref<1x46080xf32, #tpu.memory_space<hbm>>
        %dma_start3A_145 = tpu.memref_squeeze %dma_start3A_144 : memref<1x46080xf32, #tpu.memory_space<hbm>> -> memref<46080xf32, #tpu.memory_space<hbm>>
        tpu.enqueue_dma source(%dma_start3A_145 : memref<46080xf32, #tpu.memory_space<hbm>>) target(%arg9 : memref<46080xf32, #tpu.memory_space<vmem>>) target_semaphore(%run_scoped3A : memref<!tpu.dma_semaphore, #tpu.memory_space<semaphore_mem>>)
        %dma_wait3A = arith.constant 0 : i32
        %dma_wait3A_146 = tpu.memref_slice %arg3[%add3A, %dma_wait3A] : memref<8x46080xf32, #tpu.memory_space<hbm>> -> memref<1x46080xf32, #tpu.memory_space<hbm>>
        %dma_wait3A_147 = tpu.memref_squeeze %dma_wait3A_146 : memref<1x46080xf32, #tpu.memory_space<hbm>> -> memref<46080xf32, #tpu.memory_space<hbm>>
        %dma_wait3A_148 = arith.constant 0 : i32
        %dma_wait3A_149 = tpu.memref_slice %arg3[%add3A, %dma_wait3A_148] : memref<8x46080xf32, #tpu.memory_space<hbm>> -> memref<1x46080xf32, #tpu.memory_space<hbm>>
        %dma_wait3A_150 = tpu.memref_squeeze %dma_wait3A_149 : memref<1x46080xf32, #tpu.memory_space<hbm>> -> memref<46080xf32, #tpu.memory_space<hbm>>
        tpu.wait_dma2 semaphore(%run_scoped3A : memref<!tpu.dma_semaphore, #tpu.memory_space<semaphore_mem>>) src(%dma_wait3A_150 : memref<46080xf32, #tpu.memory_space<hbm>>) dst(%arg9 : memref<46080xf32, #tpu.memory_space<vmem>>)
        tpu.yield
      }) : () -> ()
      %add3A_3 = arith.constant 0 : i32
      %add3A_4 = vector.broadcast %add3A_3 : i32 to vector<16xi32>
      %add3A_5 = arith.addi %add3A_4, %iota3A : vector<16xi32>
      %lt3A_6 = arith.constant 90 : i32
      %lt3A_7 = vector.broadcast %lt3A_6 : i32 to vector<16xi32>
      %lt3A_8 = arith.cmpi slt, %add3A_5, %lt3A_7 : vector<16xi32>
      %min3A = arith.constant 89 : i32
      %min3A_9 = vector.broadcast %min3A : i32 to vector<16xi32>
      %min3A_10 = arith.minsi %add3A_5, %min3A_9 : vector<16xi32>
      %mul3A_11 = arith.constant 128 : i32
      %mul3A_12 = vector.broadcast %mul3A_11 : i32 to vector<16xi32>
      %mul3A_13 = arith.muli %min3A_10, %mul3A_12 : vector<16xi32>
      %gather3A = tpu.vector_load_idx %arg8[%mul3A_13] : memref<11520xf32, #tpu.memory_space<vmem>>[vector<16xi32>], vector<16xf32>,
      %jit3A = arith.constant -3.000000e+00 : f32
      %broadcast_in_dim3A = vector.broadcast %jit3A : f32 to vector<16xf32>
      %select_n3A = arith.select %lt3A_8, %gather3A, %broadcast_in_dim3A : vector<16xi1>, vector<16xf32>
      %swap3A = arith.constant 0 : index
      %swap3A_14 = tpu.vector_load %arg10[%swap3A] {strides = array<i32>} : memref<96xf32, #tpu.memory_space<vmem>>, vector<16xf32>,
      tpu.vector_store %arg10[%swap3A], %select_n3A {strides = array<i32>} : memref<96xf32, #tpu.memory_space<vmem>>, vector<16xf32>,
      %broadcast_in_dim3A_15 = arith.constant 0 : i32
      %broadcast_in_dim3A_16 = vector.broadcast %broadcast_in_dim3A_15 : i32 to vector<16xi32>
      %swap3A_17 = arith.constant 0 : index
      %swap3A_18 = tpu.vector_load %arg11[%swap3A_17] {strides = array<i32>} : memref<96xi32, #tpu.memory_space<vmem>>, vector<16xi32>,
      tpu.vector_store %arg11[%swap3A_17], %broadcast_in_dim3A_16 {strides = array<i32>} : memref<96xi32, #tpu.memory_space<vmem>>, vector<16xi32>,
      %add3A_19 = arith.constant 16 : i32
      %add3A_20 = vector.broadcast %add3A_19 : i32 to vector<16xi32>
      %add3A_21 = arith.addi %add3A_20, %iota3A : vector<16xi32>
      %lt3A_22 = arith.constant 90 : i32
      %lt3A_23 = vector.broadcast %lt3A_22 : i32 to vector<16xi32>
      %lt3A_24 = arith.cmpi slt, %add3A_21, %lt3A_23 : vector<16xi32>
      %min3A_25 = arith.constant 89 : i32
      %min3A_26 = vector.broadcast %min3A_25 : i32 to vector<16xi32>
      %min3A_27 = arith.minsi %add3A_21, %min3A_26 : vector<16xi32>
      %mul3A_28 = arith.constant 128 : i32
      %mul3A_29 = vector.broadcast %mul3A_28 : i32 to vector<16xi32>
      %mul3A_30 = arith.muli %min3A_27, %mul3A_29 : vector<16xi32>
      %gather3A_31 = tpu.vector_load_idx %arg8[%mul3A_30] : memref<11520xf32, #tpu.memory_space<vmem>>[vector<16xi32>], vector<16xf32>,
      %jit3A_32 = arith.constant -3.000000e+00 : f32
      %broadcast_in_dim3A_33 = vector.broadcast %jit3A_32 : f32 to vector<16xf32>
      %select_n3A_34 = arith.select %lt3A_24, %gather3A_31, %broadcast_in_dim3A_33 : vector<16xi1>, vector<16xf32>
      %swap3A_35 = arith.constant 16 : index
      %swap3A_36 = tpu.vector_load %arg10[%swap3A_35] {strides = array<i32>} : memref<96xf32, #tpu.memory_space<vmem>>, vector<16xf32>,
      tpu.vector_store %arg10[%swap3A_35], %select_n3A_34 {strides = array<i32>} : memref<96xf32, #tpu.memory_space<vmem>>, vector<16xf32>,
      %broadcast_in_dim3A_37 = arith.constant 0 : i32
      %broadcast_in_dim3A_38 = vector.broadcast %broadcast_in_dim3A_37 : i32 to vector<16xi32>
      %swap3A_39 = arith.constant 16 : index
      %swap3A_40 = tpu.vector_load %arg11[%swap3A_39] {strides = array<i32>} : memref<96xi32, #tpu.memory_space<vmem>>, vector<16xi32>,
      tpu.vector_store %arg11[%swap3A_39], %broadcast_in_dim3A_38 {strides = array<i32>} : memref<96xi32, #tpu.memory_space<vmem>>, vector<16xi32>,
      %add3A_41 = arith.constant 32 : i32
      %add3A_42 = vector.broadcast %add3A_41 : i32 to vector<16xi32>
      %add3A_43 = arith.addi %add3A_42, %iota3A : vector<16xi32>
      %lt3A_44 = arith.constant 90 : i32
      %lt3A_45 = vector.broadcast %lt3A_44 : i32 to vector<16xi32>
      %lt3A_46 = arith.cmpi slt, %add3A_43, %lt3A_45 : vector<16xi32>
      %min3A_47 = arith.constant 89 : i32
      %min3A_48 = vector.broadcast %min3A_47 : i32 to vector<16xi32>
      %min3A_49 = arith.minsi %add3A_43, %min3A_48 : vector<16xi32>
      %mul3A_50 = arith.constant 128 : i32
      %mul3A_51 = vector.broadcast %mul3A_50 : i32 to vector<16xi32>
      %mul3A_52 = arith.muli %min3A_49, %mul3A_51 : vector<16xi32>
      %gather3A_53 = tpu.vector_load_idx %arg8[%mul3A_52] : memref<11520xf32, #tpu.memory_space<vmem>>[vector<16xi32>], vector<16xf32>,
      %jit3A_54 = arith.constant -3.000000e+00 : f32
      %broadcast_in_dim3A_55 = vector.broadcast %jit3A_54 : f32 to vector<16xf32>
      %select_n3A_56 = arith.select %lt3A_46, %gather3A_53, %broadcast_in_dim3A_55 : vector<16xi1>, vector<16xf32>
      %swap3A_57 = arith.constant 32 : index
      %swap3A_58 = tpu.vector_load %arg10[%swap3A_57] {strides = array<i32>} : memref<96xf32, #tpu.memory_space<vmem>>, vector<16xf32>,
      tpu.vector_store %arg10[%swap3A_57], %select_n3A_56 {strides = array<i32>} : memref<96xf32, #tpu.memory_space<vmem>>, vector<16xf32>,
      %broadcast_in_dim3A_59 = arith.constant 0 : i32
      %broadcast_in_dim3A_60 = vector.broadcast %broadcast_in_dim3A_59 : i32 to vector<16xi32>
      %swap3A_61 = arith.constant 32 : index
      %swap3A_62 = tpu.vector_load %arg11[%swap3A_61] {strides = array<i32>} : memref<96xi32, #tpu.memory_space<vmem>>, vector<16xi32>,
      tpu.vector_store %arg11[%swap3A_61], %broadcast_in_dim3A_60 {strides = array<i32>} : memref<96xi32, #tpu.memory_space<vmem>>, vector<16xi32>,
      %add3A_63 = arith.constant 48 : i32
      %add3A_64 = vector.broadcast %add3A_63 : i32 to vector<16xi32>
      %add3A_65 = arith.addi %add3A_64, %iota3A : vector<16xi32>
      %lt3A_66 = arith.constant 90 : i32
      %lt3A_67 = vector.broadcast %lt3A_66 : i32 to vector<16xi32>
      %lt3A_68 = arith.cmpi slt, %add3A_65, %lt3A_67 : vector<16xi32>
      %min3A_69 = arith.constant 89 : i32
      %min3A_70 = vector.broadcast %min3A_69 : i32 to vector<16xi32>
      %min3A_71 = arith.minsi %add3A_65, %min3A_70 : vector<16xi32>
      %mul3A_72 = arith.constant 128 : i32
      %mul3A_73 = vector.broadcast %mul3A_72 : i32 to vector<16xi32>
      %mul3A_74 = arith.muli %min3A_71, %mul3A_73 : vector<16xi32>
      %gather3A_75 = tpu.vector_load_idx %arg8[%mul3A_74] : memref<11520xf32, #tpu.memory_space<vmem>>[vector<16xi32>], vector<16xf32>,
      %jit3A_76 = arith.constant -3.000000e+00 : f32
      %broadcast_in_dim3A_77 = vector.broadcast %jit3A_76 : f32 to vector<16xf32>
      %select_n3A_78 = arith.select %lt3A_68, %gather3A_75, %broadcast_in_dim3A_77 : vector<16xi1>, vector<16xf32>
      %swap3A_79 = arith.constant 48 : index
      %swap3A_80 = tpu.vector_load %arg10[%swap3A_79] {strides = array<i32>} : memref<96xf32, #tpu.memory_space<vmem>>, vector<16xf32>,
      tpu.vector_store %arg10[%swap3A_79], %select_n3A_78 {strides = array<i32>} : memref<96xf32, #tpu.memory_space<vmem>>, vector<16xf32>,
      %broadcast_in_dim3A_81 = arith.constant 0 : i32
      %broadcast_in_dim3A_82 = vector.broadcast %broadcast_in_dim3A_81 : i32 to vector<16xi32>
      %swap3A_83 = arith.constant 48 : index
      %swap3A_84 = tpu.vector_load %arg11[%swap3A_83] {strides = array<i32>} : memref<96xi32, #tpu.memory_space<vmem>>, vector<16xi32>,
      tpu.vector_store %arg11[%swap3A_83], %broadcast_in_dim3A_82 {strides = array<i32>} : memref<96xi32, #tpu.memory_space<vmem>>, vector<16xi32>,
      %add3A_85 = arith.constant 64 : i32
      %add3A_86 = vector.broadcast %add3A_85 : i32 to vector<16xi32>
      %add3A_87 = arith.addi %add3A_86, %iota3A : vector<16xi32>
      %lt3A_88 = arith.constant 90 : i32
      %lt3A_89 = vector.broadcast %lt3A_88 : i32 to vector<16xi32>
      %lt3A_90 = arith.cmpi slt, %add3A_87, %lt3A_89 : vector<16xi32>
      %min3A_91 = arith.constant 89 : i32
      %min3A_92 = vector.broadcast %min3A_91 : i32 to vector<16xi32>
      %min3A_93 = arith.minsi %add3A_87, %min3A_92 : vector<16xi32>
      %mul3A_94 = arith.constant 128 : i32
      %mul3A_95 = vector.broadcast %mul3A_94 : i32 to vector<16xi32>
      %mul3A_96 = arith.muli %min3A_93, %mul3A_95 : vector<16xi32>
      %gather3A_97 = tpu.vector_load_idx %arg8[%mul3A_96] : memref<11520xf32, #tpu.memory_space<vmem>>[vector<16xi32>], vector<16xf32>,
      %jit3A_98 = arith.constant -3.000000e+00 : f32
      %broadcast_in_dim3A_99 = vector.broadcast %jit3A_98 : f32 to vector<16xf32>
      %select_n3A_100 = arith.select %lt3A_90, %gather3A_97, %broadcast_in_dim3A_99 : vector<16xi1>, vector<16xf32>
      %swap3A_101 = arith.constant 64 : index
      %swap3A_102 = tpu.vector_load %arg10[%swap3A_101] {strides = array<i32>} : memref<96xf32, #tpu.memory_space<vmem>>, vector<16xf32>,
      tpu.vector_store %arg10[%swap3A_101], %select_n3A_100 {strides = array<i32>} : memref<96xf32, #tpu.memory_space<vmem>>, vector<16xf32>,
      %broadcast_in_dim3A_103 = arith.constant 0 : i32
      %broadcast_in_dim3A_104 = vector.broadcast %broadcast_in_dim3A_103 : i32 to vector<16xi32>
      %swap3A_105 = arith.constant 64 : index
      %swap3A_106 = tpu.vector_load %arg11[%swap3A_105] {strides = array<i32>} : memref<96xi32, #tpu.memory_space<vmem>>, vector<16xi32>,
      tpu.vector_store %arg11[%swap3A_105], %broadcast_in_dim3A_104 {strides = array<i32>} : memref<96xi32, #tpu.memory_space<vmem>>, vector<16xi32>,
      %add3A_107 = arith.constant 80 : i32
      %add3A_108 = vector.broadcast %add3A_107 : i32 to vector<16xi32>
      %add3A_109 = arith.addi %add3A_108, %iota3A : vector<16xi32>
      %lt3A_110 = arith.constant 90 : i32
      %lt3A_111 = vector.broadcast %lt3A_110 : i32 to vector<16xi32>
      %lt3A_112 = arith.cmpi slt, %add3A_109, %lt3A_111 : vector<16xi32>
      %min3A_113 = arith.constant 89 : i32
      %min3A_114 = vector.broadcast %min3A_113 : i32 to vector<16xi32>
      %min3A_115 = arith.minsi %add3A_109, %min3A_114 : vector<16xi32>
      %mul3A_116 = arith.constant 128 : i32
      %mul3A_117 = vector.broadcast %mul3A_116 : i32 to vector<16xi32>
      %mul3A_118 = arith.muli %min3A_115, %mul3A_117 : vector<16xi32>
      %gather3A_119 = tpu.vector_load_idx %arg8[%mul3A_118] : memref<11520xf32, #tpu.memory_space<vmem>>[vector<16xi32>], vector<16xf32>,
      %jit3A_120 = arith.constant -3.000000e+00 : f32
      %broadcast_in_dim3A_121 = vector.broadcast %jit3A_120 : f32 to vector<16xf32>
      %select_n3A_122 = arith.select %lt3A_112, %gather3A_119, %broadcast_in_dim3A_121 : vector<16xi1>, vector<16xf32>
      %swap3A_123 = arith.constant 80 : index
      %swap3A_124 = tpu.vector_load %arg10[%swap3A_123] {strides = array<i32>} : memref<96xf32, #tpu.memory_space<vmem>>, vector<16xf32>,
      tpu.vector_store %arg10[%swap3A_123], %select_n3A_122 {strides = array<i32>} : memref<96xf32, #tpu.memory_space<vmem>>, vector<16xf32>,
      %broadcast_in_dim3A_125 = arith.constant 0 : i32
      %broadcast_in_dim3A_126 = vector.broadcast %broadcast_in_dim3A_125 : i32 to vector<16xi32>
      %swap3A_127 = arith.constant 80 : index
      %swap3A_128 = tpu.vector_load %arg11[%swap3A_127] {strides = array<i32>} : memref<96xi32, #tpu.memory_space<vmem>>, vector<16xi32>,
      tpu.vector_store %arg11[%swap3A_127], %broadcast_in_dim3A_126 {strides = array<i32>} : memref<96xi32, #tpu.memory_space<vmem>>, vector<16xi32>,
      %eq3A = arith.constant 0 : i32
      %eq3A_129 = vector.broadcast %eq3A : i32 to vector<16xi32>
      %eq3A_130 = arith.cmpi eq, %iota3A, %eq3A_129 : vector<16xi32>
      %lt3A_131 = arith.constant 4 : i32
      %lt3A_132 = vector.broadcast %lt3A_131 : i32 to vector<16xi32>
      %lt3A_133 = arith.cmpi slt, %iota3A, %lt3A_132 : vector<16xi32>
      %scan3A = arith.constant 0 : i32
      %scan3A_134 = arith.constant 0 : i32
      %scan3A_135 = arith.constant 100 : i32
      %scan3A_136 = arith.addi %scan3A_134, %scan3A_135 : i32
      %scan3A_137 = arith.constant 1 : i32
      %scan3A_138 = scf.for %scan3A_141 = %scan3A_134 to %scan3A_136 step %scan3A_137 iter_args(%scan3A_142 = %scan3A) -> (i32)  : i32 {
        %broadcast_in_dim3A_143 = arith.constant -4.000000e+00 : f32
        %broadcast_in_dim3A_144 = vector.broadcast %broadcast_in_dim3A_143 : f32 to vector<16xf32>
        %broadcast_in_dim3A_145 = arith.constant 0 : i32
        %broadcast_in_dim3A_146 = vector.broadcast %broadcast_in_dim3A_145 : i32 to vector<16xi32>
        %get3A = arith.constant 0 : index
        %get3A_147 = tpu.vector_load %arg10[%get3A] {strides = array<i32>} : memref<96xf32, #tpu.memory_space<vmem>>, vector<16xf32>,
        %gt3A = arith.cmpf ogt, %get3A_147, %broadcast_in_dim3A_144 : vector<16xf32>
        %select_n3A_148 = arith.select %gt3A, %get3A_147, %broadcast_in_dim3A_144 : vector<16xi1>, vector<16xf32>
        %add3A_149 = arith.constant 0 : i32
        %add3A_150 = vector.broadcast %add3A_149 : i32 to vector<16xi32>
        %add3A_151 = arith.addi %add3A_150, %iota3A : vector<16xi32>
        %select_n3A_152 = arith.select %gt3A, %add3A_151, %broadcast_in_dim3A_146 : vector<16xi1>, vector<16xi32>
        %get3A_153 = arith.constant 16 : index
        %get3A_154 = tpu.vector_load %arg10[%get3A_153] {strides = array<i32>} : memref<96xf32, #tpu.memory_space<vmem>>, vector<16xf32>,
        %gt3A_155 = arith.cmpf ogt, %get3A_154, %select_n3A_148 : vector<16xf32>
        %select_n3A_156 = arith.select %gt3A_155, %get3A_154, %select_n3A_148 : vector<16xi1>, vector<16xf32>
        %add3A_157 = arith.constant 16 : i32
        %add3A_158 = vector.broadcast %add3A_157 : i32 to vector<16xi32>
        %add3A_159 = arith.addi %add3A_158, %iota3A : vector<16xi32>
        %select_n3A_160 = arith.select %gt3A_155, %add3A_159, %select_n3A_152 : vector<16xi1>, vector<16xi32>
        %get3A_161 = arith.constant 32 : index
        %get3A_162 = tpu.vector_load %arg10[%get3A_161] {strides = array<i32>} : memref<96xf32, #tpu.memory_space<vmem>>, vector<16xf32>,
        %gt3A_163 = arith.cmpf ogt, %get3A_162, %select_n3A_156 : vector<16xf32>
        %select_n3A_164 = arith.select %gt3A_163, %get3A_162, %select_n3A_156 : vector<16xi1>, vector<16xf32>
        %add3A_165 = arith.constant 32 : i32
        %add3A_166 = vector.broadcast %add3A_165 : i32 to vector<16xi32>
        %add3A_167 = arith.addi %add3A_166, %iota3A : vector<16xi32>
        %select_n3A_168 = arith.select %gt3A_163, %add3A_167, %select_n3A_160 : vector<16xi1>, vector<16xi32>
        %get3A_169 = arith.constant 48 : index
        %get3A_170 = tpu.vector_load %arg10[%get3A_169] {strides = array<i32>} : memref<96xf32, #tpu.memory_space<vmem>>, vector<16xf32>,
        %gt3A_171 = arith.cmpf ogt, %get3A_170, %select_n3A_164 : vector<16xf32>
        %select_n3A_172 = arith.select %gt3A_171, %get3A_170, %select_n3A_164 : vector<16xi1>, vector<16xf32>
        %add3A_173 = arith.constant 48 : i32
        %add3A_174 = vector.broadcast %add3A_173 : i32 to vector<16xi32>
        %add3A_175 = arith.addi %add3A_174, %iota3A : vector<16xi32>
        %select_n3A_176 = arith.select %gt3A_171, %add3A_175, %select_n3A_168 : vector<16xi1>, vector<16xi32>
        %get3A_177 = arith.constant 64 : index
        %get3A_178 = tpu.vector_load %arg10[%get3A_177] {strides = array<i32>} : memref<96xf32, #tpu.memory_space<vmem>>, vector<16xf32>,
        %gt3A_179 = arith.cmpf ogt, %get3A_178, %select_n3A_172 : vector<16xf32>
        %select_n3A_180 = arith.select %gt3A_179, %get3A_178, %select_n3A_172 : vector<16xi1>, vector<16xf32>
        %add3A_181 = arith.constant 64 : i32
        %add3A_182 = vector.broadcast %add3A_181 : i32 to vector<16xi32>
        %add3A_183 = arith.addi %add3A_182, %iota3A : vector<16xi32>
        %select_n3A_184 = arith.select %gt3A_179, %add3A_183, %select_n3A_176 : vector<16xi1>, vector<16xi32>
        %get3A_185 = arith.constant 80 : index
        %get3A_186 = tpu.vector_load %arg10[%get3A_185] {strides = array<i32>} : memref<96xf32, #tpu.memory_space<vmem>>, vector<16xf32>,
        %gt3A_187 = arith.cmpf ogt, %get3A_186, %select_n3A_180 : vector<16xf32>
        %select_n3A_188 = arith.select %gt3A_187, %get3A_186, %select_n3A_180 : vector<16xi1>, vector<16xf32>
        %add3A_189 = arith.constant 80 : i32
        %add3A_190 = vector.broadcast %add3A_189 : i32 to vector<16xi32>
        %add3A_191 = arith.addi %add3A_190, %iota3A : vector<16xi32>
        %select_n3A_192 = arith.select %gt3A_187, %add3A_191, %select_n3A_184 : vector<16xi1>, vector<16xi32>
        %reduce_max3A = arith.constant true
        %reduce_max3A_193 = vector.broadcast %reduce_max3A : i1 to vector<16xi1>
        %reduce_max3A_194 = tpu.scan <max>, %select_n3A_188 masked %reduce_max3A_193 : vector<16xf32>, vector<16xi1> -> vector<16xf32>
        %reduce_max3A_195 = vector.extract %reduce_max3A_194[15] : f32 from vector<16xf32>
        %eq3A_196 = vector.broadcast %reduce_max3A_195 : f32 to vector<16xf32>
        %eq3A_197 = arith.cmpf oeq, %select_n3A_188, %eq3A_196 : vector<16xf32>
        %jit3A_198 = arith.constant 999 : i32
        %broadcast_in_dim3A_199 = vector.broadcast %jit3A_198 : i32 to vector<16xi32>
        %select_n3A_200 = arith.select %eq3A_197, %select_n3A_192, %broadcast_in_dim3A_199 : vector<16xi1>, vector<16xi32>
        %reduce_min3A = arith.constant true
        %reduce_min3A_201 = vector.broadcast %reduce_min3A : i1 to vector<16xi1>
        %reduce_min3A_202 = arith.constant -2147483648 : i32
        %reduce_min3A_203 = vector.broadcast %reduce_min3A_202 : i32 to vector<16xi32>
        %reduce_min3A_204 = arith.xori %select_n3A_200, %reduce_min3A_203 : vector<16xi32>
        %reduce_min3A_205 = tpu.scan <min>, %reduce_min3A_204 masked %reduce_min3A_201 : vector<16xi32>, vector<16xi1> -> vector<16xi32>
        %reduce_min3A_206 = arith.xori %reduce_min3A_205, %reduce_min3A_203 : vector<16xi32>
        %reduce_min3A_207 = vector.extract %reduce_min3A_206[15] : i32 from vector<16xi32>
        %broadcast_in_dim3A_208 = vector.broadcast %reduce_min3A_207 : i32 to vector<16xi32>
        %gather3A_209 = tpu.vector_load_idx %arg11[%broadcast_in_dim3A_208] : memref<96xi32, #tpu.memory_space<vmem>>[vector<16xi32>], vector<16xi32>,
        %slice3A = vector.extract_strided_slice %gather3A_209 {offsets = [0], sizes = [1], strides = [1]} : vector<16xi32> to vector<1xi32>
        %squeeze3A = vector.extract %slice3A[0] : i32 from vector<1xi32>
        %mul3A_210 = arith.constant 128 : i32
        %mul3A_211 = arith.muli %reduce_min3A_207, %mul3A_210 : i32
        %add3A_212 = arith.addi %mul3A_211, %squeeze3A : i32
        %broadcast_in_dim3A_213 = vector.broadcast %scan3A_141 : i32 to vector<16xi32>
        %broadcast_in_dim3A_214 = vector.broadcast %reduce_max3A_195 : f32 to vector<16xf32>
        tpu.vector_store_idx %arg12[%broadcast_in_dim3A_213], %broadcast_in_dim3A_214 masked %eq3A_130 : memref<144xf32, #tpu.memory_space<vmem>>[vector<16xi32>], vector<16xf32>, vector<16xi1>
        %broadcast_in_dim3A_215 = vector.broadcast %scan3A_141 : i32 to vector<16xi32>
        %broadcast_in_dim3A_216 = vector.broadcast %reduce_min3A_207 : i32 to vector<16xi32>
        tpu.vector_store_idx %arg13[%broadcast_in_dim3A_215], %broadcast_in_dim3A_216 masked %eq3A_130 : memref<144xi32, #tpu.memory_space<vmem>>[vector<16xi32>], vector<16xi32>, vector<16xi1>
        %mul3A_217 = arith.constant 4 : i32
        %mul3A_218 = arith.muli %mul3A_217, %add3A_212 : i32
        %add3A_219 = vector.broadcast %mul3A_218 : i32 to vector<16xi32>
        %add3A_220 = arith.addi %add3A_219, %iota3A : vector<16xi32>
        %min3A_221 = arith.constant 46079 : i32
        %min3A_222 = vector.broadcast %min3A_221 : i32 to vector<16xi32>
        %min3A_223 = arith.minsi %add3A_220, %min3A_222 : vector<16xi32>
        %gather3A_224 = tpu.vector_load_idx %arg9[%min3A_223] : memref<46080xf32, #tpu.memory_space<vmem>>[vector<16xi32>], vector<16xf32>,
        %mul3A_225 = arith.constant 4 : i32
        %mul3A_226 = arith.muli %mul3A_225, %scan3A_141 : i32
        %add3A_227 = vector.broadcast %mul3A_226 : i32 to vector<16xi32>
        %add3A_228 = arith.addi %add3A_227, %iota3A : vector<16xi32>
        tpu.vector_store_idx %arg14[%add3A_228], %gather3A_224 masked %lt3A_133 : memref<512xf32, #tpu.memory_space<vmem>>[vector<16xi32>], vector<16xf32>, vector<16xi1>
        %add3A_229 = arith.constant 1 : i32
        %add3A_230 = arith.addi %squeeze3A, %add3A_229 : i32
        %add3A_231 = arith.constant 1 : i32
        %add3A_232 = arith.addi %add3A_212, %add3A_231 : i32
        %min3A_233 = arith.constant 11519 : i32
        %min3A_234 = arith.minsi %add3A_232, %min3A_233 : i32
        %broadcast_in_dim3A_235 = vector.broadcast %min3A_234 : i32 to vector<16xi32>
        %gather3A_236 = tpu.vector_load_idx %arg8[%broadcast_in_dim3A_235] : memref<11520xf32, #tpu.memory_space<vmem>>[vector<16xi32>], vector<16xf32>,
        %lt3A_237 = arith.constant 100 : i32
        %lt3A_238 = arith.cmpi slt, %add3A_230, %lt3A_237 : i32
        %slice3A_239 = vector.extract_strided_slice %gather3A_236 {offsets = [0], sizes = [1], strides = [1]} : vector<16xf32> to vector<1xf32>
        %squeeze3A_240 = vector.extract %slice3A_239[0] : f32 from vector<1xf32>
        %jit3A_241 = arith.constant -2.000000e+00 : f32
        %select_n3A_242 = arith.select %lt3A_238, %squeeze3A_240, %jit3A_241 : f32
        %broadcast_in_dim3A_243 = vector.broadcast %reduce_min3A_207 : i32 to vector<16xi32>
        %broadcast_in_dim3A_244 = vector.broadcast %select_n3A_242 : f32 to vector<16xf32>
        tpu.vector_store_idx %arg10[%broadcast_in_dim3A_243], %broadcast_in_dim3A_244 masked %eq3A_130 : memref<96xf32, #tpu.memory_space<vmem>>[vector<16xi32>], vector<16xf32>, vector<16xi1>
        %broadcast_in_dim3A_245 = vector.broadcast %reduce_min3A_207 : i32 to vector<16xi32>
        %broadcast_in_dim3A_246 = vector.broadcast %add3A_230 : i32 to vector<16xi32>
        tpu.vector_store_idx %arg11[%broadcast_in_dim3A_245], %broadcast_in_dim3A_246 masked %eq3A_130 : memref<96xi32, #tpu.memory_space<vmem>>[vector<16xi32>], vector<16xi32>, vector<16xi1>
        %gt3A_247 = arith.constant -1.000000e+00 : f32
        %gt3A_248 = arith.cmpf ogt, %reduce_max3A_195, %gt3A_247 : f32
        %jit3A_249 = arith.constant 1 : i32
        %jit3A_250 = arith.constant 0 : i32
        %select_n3A_251 = arith.select %gt3A_248, %jit3A_249, %jit3A_250 : i32
        %add3A_252 = arith.addi %scan3A_142, %select_n3A_251 : i32
        scf.yield %add3A_252 : i32
      }
      %scan3A_139 = arith.constant 100 : i32
      %broadcast_in_dim3A_140 = vector.broadcast %scan3A_138 : i32 to vector<16xi32>
      tpu.vector_store_idx %arg15[%iota3A], %broadcast_in_dim3A_140 masked %eq3A_130 : memref<128xi32, #tpu.memory_space<vmem>>[vector<16xi32>], vector<16xi32>, vector<16xi1>
      "tpu.region"() ({
        %run_scoped3A = tpu.sem_alloc : memref<!tpu.dma_semaphore, #tpu.memory_space<semaphore_mem>>
        %dma_start3A = arith.constant 0 : i32
        %dma_start3A_141 = tpu.memref_slice %arg12[%dma_start3A] : memref<144xf32, #tpu.memory_space<vmem>> -> memref<128xf32, #tpu.memory_space<vmem>>
        %dma_start3A_142 = arith.constant 0 : i32
        %dma_start3A_143 = tpu.memref_slice %arg5[%add3A, %dma_start3A_142] : memref<8x128xf32, #tpu.memory_space<hbm>> -> memref<1x128xf32, #tpu.memory_space<hbm>>
        %dma_start3A_144 = tpu.memref_squeeze %dma_start3A_143 : memref<1x128xf32, #tpu.memory_space<hbm>> -> memref<128xf32, #tpu.memory_space<hbm>>
        %dma_start3A_145 = arith.constant 0 : i32
        %dma_start3A_146 = tpu.memref_slice %arg5[%add3A, %dma_start3A_145] : memref<8x128xf32, #tpu.memory_space<hbm>> -> memref<1x128xf32, #tpu.memory_space<hbm>>
        %dma_start3A_147 = tpu.memref_squeeze %dma_start3A_146 : memref<1x128xf32, #tpu.memory_space<hbm>> -> memref<128xf32, #tpu.memory_space<hbm>>
        %dma_start3A_148 = arith.constant 0 : i32
        %dma_start3A_149 = tpu.memref_slice %arg12[%dma_start3A_148] : memref<144xf32, #tpu.memory_space<vmem>> -> memref<128xf32, #tpu.memory_space<vmem>>
        tpu.enqueue_dma source(%dma_start3A_149 : memref<128xf32, #tpu.memory_space<vmem>>) target(%dma_start3A_147 : memref<128xf32, #tpu.memory_space<hbm>>) target_semaphore(%run_scoped3A : memref<!tpu.dma_semaphore, #tpu.memory_space<semaphore_mem>>)
        %dma_wait3A = arith.constant 0 : i32
        %dma_wait3A_150 = tpu.memref_slice %arg12[%dma_wait3A] : memref<144xf32, #tpu.memory_space<vmem>> -> memref<128xf32, #tpu.memory_space<vmem>>
        %dma_wait3A_151 = arith.constant 0 : i32
        %dma_wait3A_152 = tpu.memref_slice %arg5[%add3A, %dma_wait3A_151] : memref<8x128xf32, #tpu.memory_space<hbm>> -> memref<1x128xf32, #tpu.memory_space<hbm>>
        %dma_wait3A_153 = tpu.memref_squeeze %dma_wait3A_152 : memref<1x128xf32, #tpu.memory_space<hbm>> -> memref<128xf32, #tpu.memory_space<hbm>>
        %dma_wait3A_154 = arith.constant 0 : i32
        %dma_wait3A_155 = tpu.memref_slice %arg5[%add3A, %dma_wait3A_154] : memref<8x128xf32, #tpu.memory_space<hbm>> -> memref<1x128xf32, #tpu.memory_space<hbm>>
        %dma_wait3A_156 = tpu.memref_squeeze %dma_wait3A_155 : memref<1x128xf32, #tpu.memory_space<hbm>> -> memref<128xf32, #tpu.memory_space<hbm>>
        %dma_wait3A_157 = arith.constant 0 : i32
        %dma_wait3A_158 = tpu.memref_slice %arg12[%dma_wait3A_157] : memref<144xf32, #tpu.memory_space<vmem>> -> memref<128xf32, #tpu.memory_space<vmem>>
        tpu.wait_dma2 semaphore(%run_scoped3A : memref<!tpu.dma_semaphore, #tpu.memory_space<semaphore_mem>>) src(%dma_wait3A_158 : memref<128xf32, #tpu.memory_space<vmem>>) dst(%dma_wait3A_156 : memref<128xf32, #tpu.memory_space<hbm>>)
        tpu.yield
      }) : () -> ()
      "tpu.region"() ({
        %run_scoped3A = tpu.sem_alloc : memref<!tpu.dma_semaphore, #tpu.memory_space<semaphore_mem>>
        %dma_start3A = arith.constant 0 : i32
        %dma_start3A_141 = tpu.memref_slice %arg13[%dma_start3A] : memref<144xi32, #tpu.memory_space<vmem>> -> memref<128xi32, #tpu.memory_space<vmem>>
        %dma_start3A_142 = arith.constant 0 : i32
        %dma_start3A_143 = tpu.memref_slice %arg6[%add3A, %dma_start3A_142] : memref<8x128xi32, #tpu.memory_space<hbm>> -> memref<1x128xi32, #tpu.memory_space<hbm>>
        %dma_start3A_144 = tpu.memref_squeeze %dma_start3A_143 : memref<1x128xi32, #tpu.memory_space<hbm>> -> memref<128xi32, #tpu.memory_space<hbm>>
        %dma_start3A_145 = arith.constant 0 : i32
        %dma_start3A_146 = tpu.memref_slice %arg6[%add3A, %dma_start3A_145] : memref<8x128xi32, #tpu.memory_space<hbm>> -> memref<1x128xi32, #tpu.memory_space<hbm>>
        %dma_start3A_147 = tpu.memref_squeeze %dma_start3A_146 : memref<1x128xi32, #tpu.memory_space<hbm>> -> memref<128xi32, #tpu.memory_space<hbm>>
        %dma_start3A_148 = arith.constant 0 : i32
        %dma_start3A_149 = tpu.memref_slice %arg13[%dma_start3A_148] : memref<144xi32, #tpu.memory_space<vmem>> -> memref<128xi32, #tpu.memory_space<vmem>>
        tpu.enqueue_dma source(%dma_start3A_149 : memref<128xi32, #tpu.memory_space<vmem>>) target(%dma_start3A_147 : memref<128xi32, #tpu.memory_space<hbm>>) target_semaphore(%run_scoped3A : memref<!tpu.dma_semaphore, #tpu.memory_space<semaphore_mem>>)
        %dma_wait3A = arith.constant 0 : i32
        %dma_wait3A_150 = tpu.memref_slice %arg13[%dma_wait3A] : memref<144xi32, #tpu.memory_space<vmem>> -> memref<128xi32, #tpu.memory_space<vmem>>
        %dma_wait3A_151 = arith.constant 0 : i32
        %dma_wait3A_152 = tpu.memref_slice %arg6[%add3A, %dma_wait3A_151] : memref<8x128xi32, #tpu.memory_space<hbm>> -> memref<1x128xi32, #tpu.memory_space<hbm>>
        %dma_wait3A_153 = tpu.memref_squeeze %dma_wait3A_152 : memref<1x128xi32, #tpu.memory_space<hbm>> -> memref<128xi32, #tpu.memory_space<hbm>>
        %dma_wait3A_154 = arith.constant 0 : i32
        %dma_wait3A_155 = tpu.memref_slice %arg6[%add3A, %dma_wait3A_154] : memref<8x128xi32, #tpu.memory_space<hbm>> -> memref<1x128xi32, #tpu.memory_space<hbm>>
        %dma_wait3A_156 = tpu.memref_squeeze %dma_wait3A_155 : memref<1x128xi32, #tpu.memory_space<hbm>> -> memref<128xi32, #tpu.memory_space<hbm>>
        %dma_wait3A_157 = arith.constant 0 : i32
        %dma_wait3A_158 = tpu.memref_slice %arg13[%dma_wait3A_157] : memref<144xi32, #tpu.memory_space<vmem>> -> memref<128xi32, #tpu.memory_space<vmem>>
        tpu.wait_dma2 semaphore(%run_scoped3A : memref<!tpu.dma_semaphore, #tpu.memory_space<semaphore_mem>>) src(%dma_wait3A_158 : memref<128xi32, #tpu.memory_space<vmem>>) dst(%dma_wait3A_156 : memref<128xi32, #tpu.memory_space<hbm>>)
        tpu.yield
      }) : () -> ()
      "tpu.region"() ({
        %run_scoped3A = tpu.sem_alloc : memref<!tpu.dma_semaphore, #tpu.memory_space<semaphore_mem>>
        %dma_start3A = arith.constant 0 : i32
        %dma_start3A_141 = tpu.memref_slice %arg14[%dma_start3A] : memref<512xf32, #tpu.memory_space<vmem>> -> memref<512xf32, #tpu.memory_space<vmem>>
        %dma_start3A_142 = arith.constant 0 : i32
        %dma_start3A_143 = tpu.memref_slice %arg4[%add3A, %dma_start3A_142] : memref<8x512xf32, #tpu.memory_space<hbm>> -> memref<1x512xf32, #tpu.memory_space<hbm>>
        %dma_start3A_144 = tpu.memref_squeeze %dma_start3A_143 : memref<1x512xf32, #tpu.memory_space<hbm>> -> memref<512xf32, #tpu.memory_space<hbm>>
        %dma_start3A_145 = arith.constant 0 : i32
        %dma_start3A_146 = tpu.memref_slice %arg4[%add3A, %dma_start3A_145] : memref<8x512xf32, #tpu.memory_space<hbm>> -> memref<1x512xf32, #tpu.memory_space<hbm>>
        %dma_start3A_147 = tpu.memref_squeeze %dma_start3A_146 : memref<1x512xf32, #tpu.memory_space<hbm>> -> memref<512xf32, #tpu.memory_space<hbm>>
        %dma_start3A_148 = arith.constant 0 : i32
        %dma_start3A_149 = tpu.memref_slice %arg14[%dma_start3A_148] : memref<512xf32, #tpu.memory_space<vmem>> -> memref<512xf32, #tpu.memory_space<vmem>>
        tpu.enqueue_dma source(%dma_start3A_149 : memref<512xf32, #tpu.memory_space<vmem>>) target(%dma_start3A_147 : memref<512xf32, #tpu.memory_space<hbm>>) target_semaphore(%run_scoped3A : memref<!tpu.dma_semaphore, #tpu.memory_space<semaphore_mem>>)
        %dma_wait3A = arith.constant 0 : i32
        %dma_wait3A_150 = tpu.memref_slice %arg14[%dma_wait3A] : memref<512xf32, #tpu.memory_space<vmem>> -> memref<512xf32, #tpu.memory_space<vmem>>
        %dma_wait3A_151 = arith.constant 0 : i32
        %dma_wait3A_152 = tpu.memref_slice %arg4[%add3A, %dma_wait3A_151] : memref<8x512xf32, #tpu.memory_space<hbm>> -> memref<1x512xf32, #tpu.memory_space<hbm>>
        %dma_wait3A_153 = tpu.memref_squeeze %dma_wait3A_152 : memref<1x512xf32, #tpu.memory_space<hbm>> -> memref<512xf32, #tpu.memory_space<hbm>>
        %dma_wait3A_154 = arith.constant 0 : i32
        %dma_wait3A_155 = tpu.memref_slice %arg4[%add3A, %dma_wait3A_154] : memref<8x512xf32, #tpu.memory_space<hbm>> -> memref<1x512xf32, #tpu.memory_space<hbm>>
        %dma_wait3A_156 = tpu.memref_squeeze %dma_wait3A_155 : memref<1x512xf32, #tpu.memory_space<hbm>> -> memref<512xf32, #tpu.memory_space<hbm>>
        %dma_wait3A_157 = arith.constant 0 : i32
        %dma_wait3A_158 = tpu.memref_slice %arg14[%dma_wait3A_157] : memref<512xf32, #tpu.memory_space<vmem>> -> memref<512xf32, #tpu.memory_space<vmem>>
        tpu.wait_dma2 semaphore(%run_scoped3A : memref<!tpu.dma_semaphore, #tpu.memory_space<semaphore_mem>>) src(%dma_wait3A_158 : memref<512xf32, #tpu.memory_space<vmem>>) dst(%dma_wait3A_156 : memref<512xf32, #tpu.memory_space<hbm>>)
        tpu.yield
      }) : () -> ()
      "tpu.region"() ({
        %run_scoped3A = tpu.sem_alloc : memref<!tpu.dma_semaphore, #tpu.memory_space<semaphore_mem>>
        %dma_start3A = arith.constant 0 : i32
        %dma_start3A_141 = tpu.memref_slice %arg15[%dma_start3A] : memref<128xi32, #tpu.memory_space<vmem>> -> memref<128xi32, #tpu.memory_space<vmem>>
        %dma_start3A_142 = arith.constant 0 : i32
        %dma_start3A_143 = tpu.memref_slice %arg7[%add3A, %dma_start3A_142] : memref<8x128xi32, #tpu.memory_space<hbm>> -> memref<1x128xi32, #tpu.memory_space<hbm>>
        %dma_start3A_144 = tpu.memref_squeeze %dma_start3A_143 : memref<1x128xi32, #tpu.memory_space<hbm>> -> memref<128xi32, #tpu.memory_space<hbm>>
        %dma_start3A_145 = arith.constant 0 : i32
        %dma_start3A_146 = tpu.memref_slice %arg7[%add3A, %dma_start3A_145] : memref<8x128xi32, #tpu.memory_space<hbm>> -> memref<1x128xi32, #tpu.memory_space<hbm>>
        %dma_start3A_147 = tpu.memref_squeeze %dma_start3A_146 : memref<1x128xi32, #tpu.memory_space<hbm>> -> memref<128xi32, #tpu.memory_space<hbm>>
        %dma_start3A_148 = arith.constant 0 : i32
        %dma_start3A_149 = tpu.memref_slice %arg15[%dma_start3A_148] : memref<128xi32, #tpu.memory_space<vmem>> -> memref<128xi32, #tpu.memory_space<vmem>>
        tpu.enqueue_dma source(%dma_start3A_149 : memref<128xi32, #tpu.memory_space<vmem>>) target(%dma_start3A_147 : memref<128xi32, #tpu.memory_space<hbm>>) target_semaphore(%run_scoped3A : memref<!tpu.dma_semaphore, #tpu.memory_space<semaphore_mem>>)
        %dma_wait3A = arith.constant 0 : i32
        %dma_wait3A_150 = tpu.memref_slice %arg15[%dma_wait3A] : memref<128xi32, #tpu.memory_space<vmem>> -> memref<128xi32, #tpu.memory_space<vmem>>
        %dma_wait3A_151 = arith.constant 0 : i32
        %dma_wait3A_152 = tpu.memref_slice %arg7[%add3A, %dma_wait3A_151] : memref<8x128xi32, #tpu.memory_space<hbm>> -> memref<1x128xi32, #tpu.memory_space<hbm>>
        %dma_wait3A_153 = tpu.memref_squeeze %dma_wait3A_152 : memref<1x128xi32, #tpu.memory_space<hbm>> -> memref<128xi32, #tpu.memory_space<hbm>>
        %dma_wait3A_154 = arith.constant 0 : i32
        %dma_wait3A_155 = tpu.memref_slice %arg7[%add3A, %dma_wait3A_154] : memref<8x128xi32, #tpu.memory_space<hbm>> -> memref<1x128xi32, #tpu.memory_space<hbm>>
        %dma_wait3A_156 = tpu.memref_squeeze %dma_wait3A_155 : memref<1x128xi32, #tpu.memory_space<hbm>> -> memref<128xi32, #tpu.memory_space<hbm>>
        %dma_wait3A_157 = arith.constant 0 : i32
        %dma_wait3A_158 = tpu.memref_slice %arg15[%dma_wait3A_157] : memref<128xi32, #tpu.memory_space<vmem>> -> memref<128xi32, #tpu.memory_space<vmem>>
        tpu.wait_dma2 semaphore(%run_scoped3A : memref<!tpu.dma_semaphore, #tpu.memory_space<semaphore_mem>>) src(%dma_wait3A_158 : memref<128xi32, #tpu.memory_space<vmem>>) dst(%dma_wait3A_156 : memref<128xi32, #tpu.memory_space<hbm>>)
        tpu.yield
      }) : () -> ()
    } else {
    }
    return
  }
}

#map = affine_map<(d0, d1) -> (0, 0)>
#map1 = affine_map<(d0, d1) -> (0)>
module attributes {stable_mosaic.version = 14 : i64} {
  func.func @_sc_main_body(%arg0: i32, %arg1: i32, %arg2: memref<1024x5120xf32, #tpu.memory_space<hbm>>, %arg3: memref<1820000x8xf32, #tpu.memory_space<hbm>>, %arg4: memref<20000x8xf32, #tpu.memory_space<hbm>>, %arg5: memref<64xf32, #tpu.memory_space<hbm>>, %arg6: memref<720x128xf32, #tpu.memory_space<hbm>>, %arg7: memref<720x512xf32, #tpu.memory_space<hbm>>, %arg8: memref<5120xf32, #tpu.memory_space<vmem>>, %arg9: memref<5136xi32, #tpu.memory_space<vmem>>, %arg10: memref<5168xf32, #tpu.memory_space<vmem>>, %arg11: memref<1024xi32, #tpu.memory_space<vmem>>, %arg12: memref<1024xi32, #tpu.memory_space<vmem>>, %arg13: memref<1024xi32, #tpu.memory_space<vmem>>, %arg14: memref<1024xi32, #tpu.memory_space<vmem>>, %arg15: memref<1024x8xf32, #tpu.memory_space<vmem>>, %arg16: memref<1024x8xf32, #tpu.memory_space<vmem>>, %arg17: memref<1072xf32, #tpu.memory_space<vmem>>, %arg18: memref<1072xf32, #tpu.memory_space<vmem>>, %arg19: memref<1072xf32, #tpu.memory_space<vmem>>, %arg20: memref<1072xf32, #tpu.memory_space<vmem>>, %arg21: memref<1072xf32, #tpu.memory_space<vmem>>, %arg22: memref<144xf32, #tpu.memory_space<vmem>>, %arg23: memref<512xf32, #tpu.memory_space<vmem>>, %arg24: memref<64xf32, #tpu.memory_space<vmem>>, %arg25: memref<!tpu.dma_semaphore, #tpu.memory_space<semaphore_mem>>, %arg26: memref<!tpu.dma_semaphore, #tpu.memory_space<semaphore_mem>>, %arg27: memref<!tpu.dma_semaphore, #tpu.memory_space<semaphore_mem>>) attributes {dimension_semantics = [#tpu.dimension_semantics<core_parallel>, #tpu.dimension_semantics<subcore_parallel>], iteration_bounds = array<i64: 2, 16>, scalar_prefetch = 0 : i64, scratch_operands = 20 : i64, tpu.core_type = #tpu.core_type<sc_vector_subcore>, window_params = [{transform_indices = #map}, {transform_indices = #map}, {transform_indices = #map}, {transform_indices = #map1}, {transform_indices = #map}, {transform_indices = #map}]} {
    %mul3A = arith.constant 2 : i32
    %mul3A_0 = arith.muli %arg1, %mul3A : i32
    %add3A = arith.addi %mul3A_0, %arg0 : i32
    %iota3A = tpu.iota {dimensions = array<i32: 0>} : vector<16xi32>
    "tpu.region"() ({
      %run_scoped3A = tpu.sem_alloc : memref<!tpu.dma_semaphore, #tpu.memory_space<semaphore_mem>>
      tpu.enqueue_dma source(%arg5 : memref<64xf32, #tpu.memory_space<hbm>>) target(%arg24 : memref<64xf32, #tpu.memory_space<vmem>>) target_semaphore(%run_scoped3A : memref<!tpu.dma_semaphore, #tpu.memory_space<semaphore_mem>>)
      tpu.wait_dma2 semaphore(%run_scoped3A : memref<!tpu.dma_semaphore, #tpu.memory_space<semaphore_mem>>) src(%arg5 : memref<64xf32, #tpu.memory_space<hbm>>) dst(%arg24 : memref<64xf32, #tpu.memory_space<vmem>>)
      tpu.yield
    }) : () -> ()
    %scan3A = arith.constant 0 : i32
    %scan3A_1 = arith.constant 0 : i32
    %scan3A_2 = arith.constant 23 : i32
    %scan3A_3 = arith.addi %scan3A_1, %scan3A_2 : i32
    %scan3A_4 = arith.constant 1 : i32
    %scan3A_5 = scf.for %scan3A_31 = %scan3A_1 to %scan3A_3 step %scan3A_4 iter_args(%scan3A_32 = %scan3A) -> (i32)  : i32 {
      %mul3A_33 = arith.constant 32 : i32
      %mul3A_34 = arith.muli %mul3A_33, %scan3A_31 : i32
      %add3A_35 = arith.addi %add3A, %mul3A_34 : i32
      %lt3A_36 = arith.constant 720 : i32
      %lt3A_37 = arith.cmpi slt, %add3A_35, %lt3A_36 : i32
      %convert_element_type3A = arith.extui %lt3A_37 : i1 to i32
      %cond3A = arith.constant 0 : i32
      %cond3A_38 = arith.cmpi ne, %convert_element_type3A, %cond3A : i32
      scf.if %cond3A_38 {
        %jit3A_40 = arith.constant 90 : i32
        %div3A = arith.divsi %add3A_35, %jit3A_40 : i32
        %sign3A = arith.constant 0 : i32
        %sign3A_41 = arith.cmpi sgt, %add3A_35, %sign3A : i32
        %sign3A_42 = arith.extui %sign3A_41 : i1 to i32
        %sign3A_43 = arith.constant 0 : i32
        %sign3A_44 = arith.cmpi slt, %add3A_35, %sign3A_43 : i32
        %sign3A_45 = arith.extui %sign3A_44 : i1 to i32
        %sign3A_46 = arith.subi %sign3A_42, %sign3A_45 : i32
        %sign3A_47 = arith.constant 0 : i32
        %sign3A_48 = arith.cmpi sgt, %jit3A_40, %sign3A_47 : i32
        %sign3A_49 = arith.extui %sign3A_48 : i1 to i32
        %sign3A_50 = arith.constant 0 : i32
        %sign3A_51 = arith.cmpi slt, %jit3A_40, %sign3A_50 : i32
        %sign3A_52 = arith.extui %sign3A_51 : i1 to i32
        %sign3A_53 = arith.subi %sign3A_49, %sign3A_52 : i32
        %ne3A = arith.cmpi ne, %sign3A_46, %sign3A_53 : i32
        %rem3A = arith.remsi %add3A_35, %jit3A_40 : i32
        %ne3A_54 = arith.constant 0 : i32
        %ne3A_55 = arith.cmpi ne, %rem3A, %ne3A_54 : i32
        %and3A = arith.andi %ne3A, %ne3A_55 : i1
        %sub3A = arith.constant 1 : i32
        %sub3A_56 = arith.subi %div3A, %sub3A : i32
        %select_n3A_57 = arith.select %and3A, %sub3A_56, %div3A : i32
        %jit3A_58 = arith.constant 90 : i32
        %eq3A = arith.constant 0 : i32
        %eq3A_59 = arith.cmpi eq, %jit3A_58, %eq3A : i32
        %jit3A_60 = arith.constant 1 : i32
        %select_n3A_61 = arith.select %eq3A_59, %jit3A_60, %jit3A_58 : i32
        %rem3A_62 = arith.remsi %add3A_35, %select_n3A_61 : i32
        %ne3A_63 = arith.constant 0 : i32
        %ne3A_64 = arith.cmpi ne, %rem3A_62, %ne3A_63 : i32
        %lt3A_65 = arith.constant 0 : i32
        %lt3A_66 = arith.cmpi slt, %rem3A_62, %lt3A_65 : i32
        %lt3A_67 = arith.constant 0 : i32
        %lt3A_68 = arith.cmpi slt, %select_n3A_61, %lt3A_67 : i32
        %ne3A_69 = arith.xori %lt3A_66, %lt3A_68 : i1
        %and3A_70 = arith.andi %ne3A_69, %ne3A_64 : i1
        %add3A_71 = arith.addi %rem3A_62, %select_n3A_61 : i32
        %select_n3A_72 = arith.select %and3A_70, %add3A_71, %rem3A_62 : i32
        %eq3A_73 = arith.constant 0 : i32
        %eq3A_74 = arith.cmpi eq, %scan3A_31, %eq3A_73 : i32
        %convert_element_type3A_75 = arith.extui %eq3A_74 : i1 to i32
        %cond3A_76 = arith.constant 0 : i32
        %cond3A_77 = arith.cmpi ne, %convert_element_type3A_75, %cond3A_76 : i32
        scf.if %cond3A_77 {
          %mul3A_501 = arith.constant 128 : i32
          %mul3A_502 = arith.muli %select_n3A_57, %mul3A_501 : i32
          %add3A_503 = arith.addi %mul3A_502, %select_n3A_72 : i32
          %add3A_504 = arith.constant 1 : i32
          %add3A_505 = arith.addi %add3A_503, %add3A_504 : i32
          "tpu.region"() ({
            %run_scoped3A = tpu.sem_alloc : memref<!tpu.dma_semaphore, #tpu.memory_space<semaphore_mem>>
            %dma_start3A_506 = arith.constant 0 : i32
            %dma_start3A_507 = tpu.memref_slice %arg2[%add3A_505, %dma_start3A_506] : memref<1024x5120xf32, #tpu.memory_space<hbm>> -> memref<1x5120xf32, #tpu.memory_space<hbm>>
            %dma_start3A_508 = tpu.memref_squeeze %dma_start3A_507 : memref<1x5120xf32, #tpu.memory_space<hbm>> -> memref<5120xf32, #tpu.memory_space<hbm>>
            %dma_start3A_509 = arith.constant 0 : i32
            %dma_start3A_510 = tpu.memref_slice %arg2[%add3A_505, %dma_start3A_509] : memref<1024x5120xf32, #tpu.memory_space<hbm>> -> memref<1x5120xf32, #tpu.memory_space<hbm>>
            %dma_start3A_511 = tpu.memref_squeeze %dma_start3A_510 : memref<1x5120xf32, #tpu.memory_space<hbm>> -> memref<5120xf32, #tpu.memory_space<hbm>>
            tpu.enqueue_dma source(%dma_start3A_511 : memref<5120xf32, #tpu.memory_space<hbm>>) target(%arg8 : memref<5120xf32, #tpu.memory_space<vmem>>) target_semaphore(%run_scoped3A : memref<!tpu.dma_semaphore, #tpu.memory_space<semaphore_mem>>)
            %dma_wait3A_512 = arith.constant 0 : i32
            %dma_wait3A_513 = tpu.memref_slice %arg2[%add3A_505, %dma_wait3A_512] : memref<1024x5120xf32, #tpu.memory_space<hbm>> -> memref<1x5120xf32, #tpu.memory_space<hbm>>
            %dma_wait3A_514 = tpu.memref_squeeze %dma_wait3A_513 : memref<1x5120xf32, #tpu.memory_space<hbm>> -> memref<5120xf32, #tpu.memory_space<hbm>>
            %dma_wait3A_515 = arith.constant 0 : i32
            %dma_wait3A_516 = tpu.memref_slice %arg2[%add3A_505, %dma_wait3A_515] : memref<1024x5120xf32, #tpu.memory_space<hbm>> -> memref<1x5120xf32, #tpu.memory_space<hbm>>
            %dma_wait3A_517 = tpu.memref_squeeze %dma_wait3A_516 : memref<1x5120xf32, #tpu.memory_space<hbm>> -> memref<5120xf32, #tpu.memory_space<hbm>>
            tpu.wait_dma2 semaphore(%run_scoped3A : memref<!tpu.dma_semaphore, #tpu.memory_space<semaphore_mem>>) src(%dma_wait3A_517 : memref<5120xf32, #tpu.memory_space<hbm>>) dst(%arg8 : memref<5120xf32, #tpu.memory_space<vmem>>)
            tpu.yield
          }) : () -> ()
        } else {
        }
        %gt3A = arith.constant 0 : i32
        %gt3A_78 = arith.cmpi sgt, %scan3A_31, %gt3A : i32
        %convert_element_type3A_79 = arith.extui %gt3A_78 : i1 to i32
        %cond3A_80 = arith.constant 0 : i32
        %cond3A_81 = arith.cmpi ne, %convert_element_type3A_79, %cond3A_80 : i32
        scf.if %cond3A_81 {
          %mul3A_501 = arith.constant 128 : i32
          %mul3A_502 = arith.muli %select_n3A_57, %mul3A_501 : i32
          %add3A_503 = arith.addi %mul3A_502, %select_n3A_72 : i32
          %add3A_504 = arith.constant 1 : i32
          %add3A_505 = arith.addi %add3A_503, %add3A_504 : i32
          %dma_wait3A_506 = arith.constant 0 : i32
          %dma_wait3A_507 = tpu.memref_slice %arg2[%add3A_505, %dma_wait3A_506] : memref<1024x5120xf32, #tpu.memory_space<hbm>> -> memref<1x5120xf32, #tpu.memory_space<hbm>>
          %dma_wait3A_508 = tpu.memref_squeeze %dma_wait3A_507 : memref<1x5120xf32, #tpu.memory_space<hbm>> -> memref<5120xf32, #tpu.memory_space<hbm>>
          %dma_wait3A_509 = arith.constant 0 : i32
          %dma_wait3A_510 = tpu.memref_slice %arg2[%add3A_505, %dma_wait3A_509] : memref<1024x5120xf32, #tpu.memory_space<hbm>> -> memref<1x5120xf32, #tpu.memory_space<hbm>>
          %dma_wait3A_511 = tpu.memref_squeeze %dma_wait3A_510 : memref<1x5120xf32, #tpu.memory_space<hbm>> -> memref<5120xf32, #tpu.memory_space<hbm>>
          tpu.wait_dma2 semaphore(%arg26 : memref<!tpu.dma_semaphore, #tpu.memory_space<semaphore_mem>>) src(%dma_wait3A_511 : memref<5120xf32, #tpu.memory_space<hbm>>) dst(%arg8 : memref<5120xf32, #tpu.memory_space<vmem>>)
          %dma_wait3A_512 = arith.constant 0 : i32
          %dma_wait3A_513 = tpu.memref_slice %arg22[%dma_wait3A_512] : memref<144xf32, #tpu.memory_space<vmem>> -> memref<128xf32, #tpu.memory_space<vmem>>
          %dma_wait3A_514 = arith.constant 0 : i32
          %dma_wait3A_515 = tpu.memref_slice %arg6[%add3A_35, %dma_wait3A_514] : memref<720x128xf32, #tpu.memory_space<hbm>> -> memref<1x128xf32, #tpu.memory_space<hbm>>
          %dma_wait3A_516 = tpu.memref_squeeze %dma_wait3A_515 : memref<1x128xf32, #tpu.memory_space<hbm>> -> memref<128xf32, #tpu.memory_space<hbm>>
          %dma_wait3A_517 = arith.constant 0 : i32
          %dma_wait3A_518 = tpu.memref_slice %arg6[%add3A_35, %dma_wait3A_517] : memref<720x128xf32, #tpu.memory_space<hbm>> -> memref<1x128xf32, #tpu.memory_space<hbm>>
          %dma_wait3A_519 = tpu.memref_squeeze %dma_wait3A_518 : memref<1x128xf32, #tpu.memory_space<hbm>> -> memref<128xf32, #tpu.memory_space<hbm>>
          %dma_wait3A_520 = arith.constant 0 : i32
          %dma_wait3A_521 = tpu.memref_slice %arg22[%dma_wait3A_520] : memref<144xf32, #tpu.memory_space<vmem>> -> memref<128xf32, #tpu.memory_space<vmem>>
          tpu.wait_dma2 semaphore(%arg27 : memref<!tpu.dma_semaphore, #tpu.memory_space<semaphore_mem>>) src(%dma_wait3A_521 : memref<128xf32, #tpu.memory_space<vmem>>) dst(%dma_wait3A_519 : memref<128xf32, #tpu.memory_space<hbm>>)
          %dma_wait3A_522 = arith.constant 0 : i32
          %dma_wait3A_523 = tpu.memref_slice %arg23[%dma_wait3A_522] : memref<512xf32, #tpu.memory_space<vmem>> -> memref<512xf32, #tpu.memory_space<vmem>>
          %dma_wait3A_524 = arith.constant 0 : i32
          %dma_wait3A_525 = tpu.memref_slice %arg7[%add3A_35, %dma_wait3A_524] : memref<720x512xf32, #tpu.memory_space<hbm>> -> memref<1x512xf32, #tpu.memory_space<hbm>>
          %dma_wait3A_526 = tpu.memref_squeeze %dma_wait3A_525 : memref<1x512xf32, #tpu.memory_space<hbm>> -> memref<512xf32, #tpu.memory_space<hbm>>
          %dma_wait3A_527 = arith.constant 0 : i32
          %dma_wait3A_528 = tpu.memref_slice %arg7[%add3A_35, %dma_wait3A_527] : memref<720x512xf32, #tpu.memory_space<hbm>> -> memref<1x512xf32, #tpu.memory_space<hbm>>
          %dma_wait3A_529 = tpu.memref_squeeze %dma_wait3A_528 : memref<1x512xf32, #tpu.memory_space<hbm>> -> memref<512xf32, #tpu.memory_space<hbm>>
          %dma_wait3A_530 = arith.constant 0 : i32
          %dma_wait3A_531 = tpu.memref_slice %arg23[%dma_wait3A_530] : memref<512xf32, #tpu.memory_space<vmem>> -> memref<512xf32, #tpu.memory_space<vmem>>
          tpu.wait_dma2 semaphore(%arg27 : memref<!tpu.dma_semaphore, #tpu.memory_space<semaphore_mem>>) src(%dma_wait3A_531 : memref<512xf32, #tpu.memory_space<vmem>>) dst(%dma_wait3A_529 : memref<512xf32, #tpu.memory_space<hbm>>)
        } else {
        }
        %scan3A_82 = arith.constant 0 : i32
        %scan3A_83 = arith.constant 0 : i32
        %scan3A_84 = arith.constant 160 : i32
        %scan3A_85 = arith.addi %scan3A_83, %scan3A_84 : i32
        %scan3A_86 = arith.constant 1 : i32
        %scan3A_87 = scf.for %scan3A_501 = %scan3A_83 to %scan3A_85 step %scan3A_86 iter_args(%scan3A_502 = %scan3A_82) -> (i32)  : i32 {
          %mul3A_503 = arith.constant 32 : i32
          %mul3A_504 = arith.muli %mul3A_503, %scan3A_501 : i32
          %get3A = arith.index_cast %mul3A_504 : i32 to index
          %get3A_505 = tpu.vector_load %arg8[%get3A] {strides = array<i32>} : memref<5120xf32, #tpu.memory_space<vmem>>, vector<16xf32>,
          %gt3A_506 = arith.constant 5.000000e-02 : f32
          %gt3A_507 = vector.broadcast %gt3A_506 : f32 to vector<16xf32>
          %gt3A_508 = arith.cmpf ogt, %get3A_505, %gt3A_507 : vector<16xf32>
          %convert_element_type3A_509 = arith.extui %gt3A_508 : vector<16xi1> to vector<16xi32>
          %broadcast_in_dim3A_510 = arith.constant true
          %broadcast_in_dim3A_511 = vector.broadcast %broadcast_in_dim3A_510 : i1 to vector<16xi1>
          %masked_cumsum3A = tpu.scan <sum>, %convert_element_type3A_509 masked %broadcast_in_dim3A_511 : vector<16xi32>, vector<16xi1> -> vector<16xi32>
          %add3A_512 = vector.broadcast %scan3A_502 : i32 to vector<16xi32>
          %add3A_513 = arith.addi %add3A_512, %masked_cumsum3A : vector<16xi32>
          %sub3A_514 = arith.constant 1 : i32
          %sub3A_515 = vector.broadcast %sub3A_514 : i32 to vector<16xi32>
          %sub3A_516 = arith.subi %add3A_513, %sub3A_515 : vector<16xi32>
          %max3A = arith.constant 0 : i32
          %max3A_517 = vector.broadcast %max3A : i32 to vector<16xi32>
          %max3A_518 = arith.maxsi %sub3A_516, %max3A_517 : vector<16xi32>
          %add3A_519 = vector.broadcast %mul3A_504 : i32 to vector<16xi32>
          %add3A_520 = arith.addi %add3A_519, %iota3A : vector<16xi32>
          tpu.vector_store_idx %arg9[%max3A_518], %add3A_520 masked %gt3A_508 : memref<5136xi32, #tpu.memory_space<vmem>>[vector<16xi32>], vector<16xi32>, vector<16xi1>
          tpu.vector_store_idx %arg10[%max3A_518], %get3A_505 masked %gt3A_508 : memref<5168xf32, #tpu.memory_space<vmem>>[vector<16xi32>], vector<16xf32>, vector<16xi1>
          %all_reduce_population_count3A = tpu.all_reduce %gt3A_508 {dim = 0 : i64, kind = #tpu.reduction_kind<sum>} : vector<16xi1> -> vector<16xi32>
          %slice3A = vector.extract_strided_slice %all_reduce_population_count3A {offsets = [0], sizes = [1], strides = [1]} : vector<16xi32> to vector<1xi32>
          %squeeze3A = vector.extract %slice3A[0] : i32 from vector<1xi32>
          %add3A_521 = arith.addi %scan3A_502, %squeeze3A : i32
          %add3A_522 = arith.constant 16 : i32
          %add3A_523 = arith.addi %mul3A_504, %add3A_522 : i32
          %get3A_524 = arith.index_cast %add3A_523 : i32 to index
          %get3A_525 = tpu.vector_load %arg8[%get3A_524] {strides = array<i32>} : memref<5120xf32, #tpu.memory_space<vmem>>, vector<16xf32>,
          %gt3A_526 = arith.constant 5.000000e-02 : f32
          %gt3A_527 = vector.broadcast %gt3A_526 : f32 to vector<16xf32>
          %gt3A_528 = arith.cmpf ogt, %get3A_525, %gt3A_527 : vector<16xf32>
          %convert_element_type3A_529 = arith.extui %gt3A_528 : vector<16xi1> to vector<16xi32>
          %broadcast_in_dim3A_530 = arith.constant true
          %broadcast_in_dim3A_531 = vector.broadcast %broadcast_in_dim3A_530 : i1 to vector<16xi1>
          %masked_cumsum3A_532 = tpu.scan <sum>, %convert_element_type3A_529 masked %broadcast_in_dim3A_531 : vector<16xi32>, vector<16xi1> -> vector<16xi32>
          %add3A_533 = vector.broadcast %add3A_521 : i32 to vector<16xi32>
          %add3A_534 = arith.addi %add3A_533, %masked_cumsum3A_532 : vector<16xi32>
          %sub3A_535 = arith.constant 1 : i32
          %sub3A_536 = vector.broadcast %sub3A_535 : i32 to vector<16xi32>
          %sub3A_537 = arith.subi %add3A_534, %sub3A_536 : vector<16xi32>
          %max3A_538 = arith.constant 0 : i32
          %max3A_539 = vector.broadcast %max3A_538 : i32 to vector<16xi32>
          %max3A_540 = arith.maxsi %sub3A_537, %max3A_539 : vector<16xi32>
          %add3A_541 = vector.broadcast %add3A_523 : i32 to vector<16xi32>
          %add3A_542 = arith.addi %add3A_541, %iota3A : vector<16xi32>
          tpu.vector_store_idx %arg9[%max3A_540], %add3A_542 masked %gt3A_528 : memref<5136xi32, #tpu.memory_space<vmem>>[vector<16xi32>], vector<16xi32>, vector<16xi1>
          tpu.vector_store_idx %arg10[%max3A_540], %get3A_525 masked %gt3A_528 : memref<5168xf32, #tpu.memory_space<vmem>>[vector<16xi32>], vector<16xf32>, vector<16xi1>
          %all_reduce_population_count3A_543 = tpu.all_reduce %gt3A_528 {dim = 0 : i64, kind = #tpu.reduction_kind<sum>} : vector<16xi1> -> vector<16xi32>
          %slice3A_544 = vector.extract_strided_slice %all_reduce_population_count3A_543 {offsets = [0], sizes = [1], strides = [1]} : vector<16xi32> to vector<1xi32>
          %squeeze3A_545 = vector.extract %slice3A_544[0] : i32 from vector<1xi32>
          %add3A_546 = arith.addi %add3A_521, %squeeze3A_545 : i32
          scf.yield %add3A_546 : i32
        }
        %scan3A_88 = arith.constant 160 : i32
        %gt3A_89 = arith.constant 1000 : i32
        %gt3A_90 = arith.cmpi sgt, %scan3A_87, %gt3A_89 : i32
        %convert_element_type3A_91 = arith.extui %gt3A_90 : i1 to i32
        %cond3A_92 = arith.constant 0 : i32
        %cond3A_93 = arith.cmpi ne, %convert_element_type3A_91, %cond3A_92 : i32
        %cond3A_94 = scf.if %cond3A_93 -> (i32) {
          %scan3A_501 = arith.constant 1028443341 : i32
          %scan3A_502 = arith.constant 1073741824 : i32
          %scan3A_503 = arith.constant 0 : i32
          %scan3A_504 = arith.constant 31 : i32
          %scan3A_505 = arith.addi %scan3A_503, %scan3A_504 : i32
          %scan3A_506 = arith.constant 1 : i32
          %scan3A_507:2 = scf.for %scan3A_527 = %scan3A_503 to %scan3A_505 step %scan3A_506 iter_args(%scan3A_528 = %scan3A_501, %scan3A_529 = %scan3A_502) -> (i32, i32)  : i32 {
            %add3A_530 = arith.addi %scan3A_528, %scan3A_529 : i32
            %jit3A_531 = arith.constant 2 : i32
            %div3A_532 = arith.divsi %add3A_530, %jit3A_531 : i32
            %sign3A_533 = arith.constant 0 : i32
            %sign3A_534 = arith.cmpi sgt, %add3A_530, %sign3A_533 : i32
            %sign3A_535 = arith.extui %sign3A_534 : i1 to i32
            %sign3A_536 = arith.constant 0 : i32
            %sign3A_537 = arith.cmpi slt, %add3A_530, %sign3A_536 : i32
            %sign3A_538 = arith.extui %sign3A_537 : i1 to i32
            %sign3A_539 = arith.subi %sign3A_535, %sign3A_538 : i32
            %sign3A_540 = arith.constant 0 : i32
            %sign3A_541 = arith.cmpi sgt, %jit3A_531, %sign3A_540 : i32
            %sign3A_542 = arith.extui %sign3A_541 : i1 to i32
            %sign3A_543 = arith.constant 0 : i32
            %sign3A_544 = arith.cmpi slt, %jit3A_531, %sign3A_543 : i32
            %sign3A_545 = arith.extui %sign3A_544 : i1 to i32
            %sign3A_546 = arith.subi %sign3A_542, %sign3A_545 : i32
            %ne3A_547 = arith.cmpi ne, %sign3A_539, %sign3A_546 : i32
            %rem3A_548 = arith.remsi %add3A_530, %jit3A_531 : i32
            %ne3A_549 = arith.constant 0 : i32
            %ne3A_550 = arith.cmpi ne, %rem3A_548, %ne3A_549 : i32
            %and3A_551 = arith.andi %ne3A_547, %ne3A_550 : i1
            %sub3A_552 = arith.constant 1 : i32
            %sub3A_553 = arith.subi %div3A_532, %sub3A_552 : i32
            %select_n3A_554 = arith.select %and3A_551, %sub3A_553, %div3A_532 : i32
            %broadcast_in_dim3A_555 = vector.broadcast %select_n3A_554 : i32 to vector<16xi32>
            %bitcast3A_556 = vector.bitcast %broadcast_in_dim3A_555 : vector<16xi32> to vector<16xf32>
            %scan3A_557 = arith.constant 0 : i32
            %scan3A_558 = arith.constant 0 : i32
            %scan3A_559 = arith.constant 320 : i32
            %scan3A_560 = arith.addi %scan3A_558, %scan3A_559 : i32
            %scan3A_561 = arith.constant 1 : i32
            %scan3A_562 = scf.for %scan3A_567 = %scan3A_558 to %scan3A_560 step %scan3A_561 iter_args(%scan3A_568 = %scan3A_557) -> (i32)  : i32 {
              %mul3A_569 = arith.constant 16 : i32
              %mul3A_570 = arith.muli %mul3A_569, %scan3A_567 : i32
              %get3A = arith.index_cast %mul3A_570 : i32 to index
              %get3A_571 = tpu.vector_load %arg8[%get3A] {strides = array<i32>} : memref<5120xf32, #tpu.memory_space<vmem>>, vector<16xf32>,
              %ge3A_572 = arith.cmpf oge, %get3A_571, %bitcast3A_556 : vector<16xf32>
              %all_reduce_population_count3A = tpu.all_reduce %ge3A_572 {dim = 0 : i64, kind = #tpu.reduction_kind<sum>} : vector<16xi1> -> vector<16xi32>
              %slice3A = vector.extract_strided_slice %all_reduce_population_count3A {offsets = [0], sizes = [1], strides = [1]} : vector<16xi32> to vector<1xi32>
              %squeeze3A = vector.extract %slice3A[0] : i32 from vector<1xi32>
              %add3A_573 = arith.addi %scan3A_568, %squeeze3A : i32
              scf.yield %add3A_573 : i32
            }
            %scan3A_563 = arith.constant 320 : i32
            %ge3A = arith.constant 1000 : i32
            %ge3A_564 = arith.cmpi sge, %scan3A_562, %ge3A : i32
            %select_n3A_565 = arith.select %ge3A_564, %select_n3A_554, %scan3A_528 : i32
            %select_n3A_566 = arith.select %ge3A_564, %scan3A_529, %select_n3A_554 : i32
            scf.yield %select_n3A_565, %select_n3A_566 : i32, i32
          }
          %scan3A_508 = arith.constant 31 : i32
          %broadcast_in_dim3A_509 = vector.broadcast %scan3A_507#0 : i32 to vector<16xi32>
          %bitcast3A = vector.bitcast %broadcast_in_dim3A_509 : vector<16xi32> to vector<16xf32>
          %scan3A_510 = arith.constant 0 : i32
          %scan3A_511 = arith.constant 0 : i32
          %scan3A_512 = arith.constant 320 : i32
          %scan3A_513 = arith.addi %scan3A_511, %scan3A_512 : i32
          %scan3A_514 = arith.constant 1 : i32
          %scan3A_515 = scf.for %scan3A_527 = %scan3A_511 to %scan3A_513 step %scan3A_514 iter_args(%scan3A_528 = %scan3A_510) -> (i32)  : i32 {
            %mul3A_529 = arith.constant 16 : i32
            %mul3A_530 = arith.muli %mul3A_529, %scan3A_527 : i32
            %get3A = arith.index_cast %mul3A_530 : i32 to index
            %get3A_531 = tpu.vector_load %arg8[%get3A] {strides = array<i32>} : memref<5120xf32, #tpu.memory_space<vmem>>, vector<16xf32>,
            %gt3A_532 = arith.cmpf ogt, %get3A_531, %bitcast3A : vector<16xf32>
            %all_reduce_population_count3A = tpu.all_reduce %gt3A_532 {dim = 0 : i64, kind = #tpu.reduction_kind<sum>} : vector<16xi1> -> vector<16xi32>
            %slice3A = vector.extract_strided_slice %all_reduce_population_count3A {offsets = [0], sizes = [1], strides = [1]} : vector<16xi32> to vector<1xi32>
            %squeeze3A = vector.extract %slice3A[0] : i32 from vector<1xi32>
            %add3A_533 = arith.addi %scan3A_528, %squeeze3A : i32
            scf.yield %add3A_533 : i32
          }
          %scan3A_516 = arith.constant 320 : i32
          %sub3A_517 = arith.constant 1000 : i32
          %sub3A_518 = arith.subi %sub3A_517, %scan3A_515 : i32
          %scan3A_519 = arith.constant 0 : i32
          %scan3A_520 = arith.constant 0 : i32
          %scan3A_521 = arith.constant 0 : i32
          %scan3A_522 = arith.constant 320 : i32
          %scan3A_523 = arith.addi %scan3A_521, %scan3A_522 : i32
          %scan3A_524 = arith.constant 1 : i32
          %scan3A_525:2 = scf.for %scan3A_527 = %scan3A_521 to %scan3A_523 step %scan3A_524 iter_args(%scan3A_528 = %scan3A_519, %scan3A_529 = %scan3A_520) -> (i32, i32)  : i32 {
            %mul3A_530 = arith.constant 16 : i32
            %mul3A_531 = arith.muli %mul3A_530, %scan3A_527 : i32
            %get3A = arith.index_cast %mul3A_531 : i32 to index
            %get3A_532 = tpu.vector_load %arg8[%get3A] {strides = array<i32>} : memref<5120xf32, #tpu.memory_space<vmem>>, vector<16xf32>,
            %gt3A_533 = arith.cmpf ogt, %get3A_532, %bitcast3A : vector<16xf32>
            %eq3A_534 = arith.cmpf oeq, %get3A_532, %bitcast3A : vector<16xf32>
            %convert_element_type3A_535 = arith.extui %eq3A_534 : vector<16xi1> to vector<16xi32>
            %broadcast_in_dim3A_536 = arith.constant true
            %broadcast_in_dim3A_537 = vector.broadcast %broadcast_in_dim3A_536 : i1 to vector<16xi1>
            %masked_cumsum3A = tpu.scan <sum>, %convert_element_type3A_535 masked %broadcast_in_dim3A_537 : vector<16xi32>, vector<16xi1> -> vector<16xi32>
            %add3A_538 = vector.broadcast %scan3A_529 : i32 to vector<16xi32>
            %add3A_539 = arith.addi %add3A_538, %masked_cumsum3A : vector<16xi32>
            %le3A = vector.broadcast %sub3A_518 : i32 to vector<16xi32>
            %le3A_540 = arith.cmpi sle, %add3A_539, %le3A : vector<16xi32>
            %and3A_541 = arith.andi %eq3A_534, %le3A_540 : vector<16xi1>
            %or3A = arith.ori %gt3A_533, %and3A_541 : vector<16xi1>
            %convert_element_type3A_542 = arith.extui %or3A : vector<16xi1> to vector<16xi32>
            %broadcast_in_dim3A_543 = arith.constant true
            %broadcast_in_dim3A_544 = vector.broadcast %broadcast_in_dim3A_543 : i1 to vector<16xi1>
            %masked_cumsum3A_545 = tpu.scan <sum>, %convert_element_type3A_542 masked %broadcast_in_dim3A_544 : vector<16xi32>, vector<16xi1> -> vector<16xi32>
            %add3A_546 = vector.broadcast %scan3A_528 : i32 to vector<16xi32>
            %add3A_547 = arith.addi %add3A_546, %masked_cumsum3A_545 : vector<16xi32>
            %sub3A_548 = arith.constant 1 : i32
            %sub3A_549 = vector.broadcast %sub3A_548 : i32 to vector<16xi32>
            %sub3A_550 = arith.subi %add3A_547, %sub3A_549 : vector<16xi32>
            %max3A = arith.constant 0 : i32
            %max3A_551 = vector.broadcast %max3A : i32 to vector<16xi32>
            %max3A_552 = arith.maxsi %sub3A_550, %max3A_551 : vector<16xi32>
            %add3A_553 = vector.broadcast %mul3A_531 : i32 to vector<16xi32>
            %add3A_554 = arith.addi %add3A_553, %iota3A : vector<16xi32>
            tpu.vector_store_idx %arg9[%max3A_552], %add3A_554 masked %or3A : memref<5136xi32, #tpu.memory_space<vmem>>[vector<16xi32>], vector<16xi32>, vector<16xi1>
            tpu.vector_store_idx %arg10[%max3A_552], %get3A_532 masked %or3A : memref<5168xf32, #tpu.memory_space<vmem>>[vector<16xi32>], vector<16xf32>, vector<16xi1>
            %convert_element_type3A_555 = arith.extui %and3A_541 : vector<16xi1> to vector<16xi32>
            %broadcast_in_dim3A_556 = arith.constant true
            %broadcast_in_dim3A_557 = vector.broadcast %broadcast_in_dim3A_556 : i1 to vector<16xi1>
            %masked_cumsum3A_558 = tpu.scan <sum>, %convert_element_type3A_555 masked %broadcast_in_dim3A_557 : vector<16xi32>, vector<16xi1> -> vector<16xi32>
            %slice3A = vector.extract_strided_slice %masked_cumsum3A_545 {offsets = [15], sizes = [1], strides = [1]} : vector<16xi32> to vector<1xi32>
            %squeeze3A = vector.extract %slice3A[0] : i32 from vector<1xi32>
            %add3A_559 = arith.addi %scan3A_528, %squeeze3A : i32
            %slice3A_560 = vector.extract_strided_slice %masked_cumsum3A_558 {offsets = [15], sizes = [1], strides = [1]} : vector<16xi32> to vector<1xi32>
            %squeeze3A_561 = vector.extract %slice3A_560[0] : i32 from vector<1xi32>
            %add3A_562 = arith.addi %scan3A_529, %squeeze3A_561 : i32
            scf.yield %add3A_559, %add3A_562 : i32, i32
          }
          %scan3A_526 = arith.constant 320 : i32
          scf.yield %scan3A_525#0 : i32
        } else {
          scf.yield %scan3A_87 : i32
        }
        %add3A_95 = arith.constant 32 : i32
        %add3A_96 = arith.addi %add3A_35, %add3A_95 : i32
        %lt3A_97 = arith.constant 720 : i32
        %lt3A_98 = arith.cmpi slt, %add3A_96, %lt3A_97 : i32
        %convert_element_type3A_99 = arith.extui %lt3A_98 : i1 to i32
        %cond3A_100 = arith.constant 0 : i32
        %cond3A_101 = arith.cmpi ne, %convert_element_type3A_99, %cond3A_100 : i32
        scf.if %cond3A_101 {
          %jit3A_501 = arith.constant 90 : i32
          %div3A_502 = arith.divsi %add3A_96, %jit3A_501 : i32
          %sign3A_503 = arith.constant 0 : i32
          %sign3A_504 = arith.cmpi sgt, %add3A_96, %sign3A_503 : i32
          %sign3A_505 = arith.extui %sign3A_504 : i1 to i32
          %sign3A_506 = arith.constant 0 : i32
          %sign3A_507 = arith.cmpi slt, %add3A_96, %sign3A_506 : i32
          %sign3A_508 = arith.extui %sign3A_507 : i1 to i32
          %sign3A_509 = arith.subi %sign3A_505, %sign3A_508 : i32
          %sign3A_510 = arith.constant 0 : i32
          %sign3A_511 = arith.cmpi sgt, %jit3A_501, %sign3A_510 : i32
          %sign3A_512 = arith.extui %sign3A_511 : i1 to i32
          %sign3A_513 = arith.constant 0 : i32
          %sign3A_514 = arith.cmpi slt, %jit3A_501, %sign3A_513 : i32
          %sign3A_515 = arith.extui %sign3A_514 : i1 to i32
          %sign3A_516 = arith.subi %sign3A_512, %sign3A_515 : i32
          %ne3A_517 = arith.cmpi ne, %sign3A_509, %sign3A_516 : i32
          %rem3A_518 = arith.remsi %add3A_96, %jit3A_501 : i32
          %ne3A_519 = arith.constant 0 : i32
          %ne3A_520 = arith.cmpi ne, %rem3A_518, %ne3A_519 : i32
          %and3A_521 = arith.andi %ne3A_517, %ne3A_520 : i1
          %sub3A_522 = arith.constant 1 : i32
          %sub3A_523 = arith.subi %div3A_502, %sub3A_522 : i32
          %select_n3A_524 = arith.select %and3A_521, %sub3A_523, %div3A_502 : i32
          %mul3A_525 = arith.constant 128 : i32
          %mul3A_526 = arith.muli %select_n3A_524, %mul3A_525 : i32
          %jit3A_527 = arith.constant 90 : i32
          %eq3A_528 = arith.constant 0 : i32
          %eq3A_529 = arith.cmpi eq, %jit3A_527, %eq3A_528 : i32
          %jit3A_530 = arith.constant 1 : i32
          %select_n3A_531 = arith.select %eq3A_529, %jit3A_530, %jit3A_527 : i32
          %rem3A_532 = arith.remsi %add3A_96, %select_n3A_531 : i32
          %ne3A_533 = arith.constant 0 : i32
          %ne3A_534 = arith.cmpi ne, %rem3A_532, %ne3A_533 : i32
          %lt3A_535 = arith.constant 0 : i32
          %lt3A_536 = arith.cmpi slt, %rem3A_532, %lt3A_535 : i32
          %lt3A_537 = arith.constant 0 : i32
          %lt3A_538 = arith.cmpi slt, %select_n3A_531, %lt3A_537 : i32
          %ne3A_539 = arith.xori %lt3A_536, %lt3A_538 : i1
          %and3A_540 = arith.andi %ne3A_539, %ne3A_534 : i1
          %add3A_541 = arith.addi %rem3A_532, %select_n3A_531 : i32
          %select_n3A_542 = arith.select %and3A_540, %add3A_541, %rem3A_532 : i32
          %add3A_543 = arith.addi %mul3A_526, %select_n3A_542 : i32
          %add3A_544 = arith.constant 1 : i32
          %add3A_545 = arith.addi %add3A_543, %add3A_544 : i32
          %dma_start3A_546 = arith.constant 0 : i32
          %dma_start3A_547 = tpu.memref_slice %arg2[%add3A_545, %dma_start3A_546] : memref<1024x5120xf32, #tpu.memory_space<hbm>> -> memref<1x5120xf32, #tpu.memory_space<hbm>>
          %dma_start3A_548 = tpu.memref_squeeze %dma_start3A_547 : memref<1x5120xf32, #tpu.memory_space<hbm>> -> memref<5120xf32, #tpu.memory_space<hbm>>
          %dma_start3A_549 = arith.constant 0 : i32
          %dma_start3A_550 = tpu.memref_slice %arg2[%add3A_545, %dma_start3A_549] : memref<1024x5120xf32, #tpu.memory_space<hbm>> -> memref<1x5120xf32, #tpu.memory_space<hbm>>
          %dma_start3A_551 = tpu.memref_squeeze %dma_start3A_550 : memref<1x5120xf32, #tpu.memory_space<hbm>> -> memref<5120xf32, #tpu.memory_space<hbm>>
          tpu.enqueue_dma source(%dma_start3A_551 : memref<5120xf32, #tpu.memory_space<hbm>>) target(%arg8 : memref<5120xf32, #tpu.memory_space<vmem>>) target_semaphore(%arg26 : memref<!tpu.dma_semaphore, #tpu.memory_space<semaphore_mem>>)
        } else {
        }
        %add3A_102 = vector.broadcast %cond3A_94 : i32 to vector<16xi32>
        %add3A_103 = arith.addi %add3A_102, %iota3A : vector<16xi32>
        %broadcast_in_dim3A = arith.constant -2.000000e+00 : f32
        %broadcast_in_dim3A_104 = vector.broadcast %broadcast_in_dim3A : f32 to vector<16xf32>
        %broadcast_in_dim3A_105 = arith.constant true
        %broadcast_in_dim3A_106 = vector.broadcast %broadcast_in_dim3A_105 : i1 to vector<16xi1>
        tpu.vector_store_idx %arg10[%add3A_103], %broadcast_in_dim3A_104 masked %broadcast_in_dim3A_106 : memref<5168xf32, #tpu.memory_space<vmem>>[vector<16xi32>], vector<16xf32>, vector<16xi1>
        %add3A_107 = arith.constant 16 : i32
        %add3A_108 = arith.addi %cond3A_94, %add3A_107 : i32
        %add3A_109 = vector.broadcast %add3A_108 : i32 to vector<16xi32>
        %add3A_110 = arith.addi %add3A_109, %iota3A : vector<16xi32>
        %broadcast_in_dim3A_111 = arith.constant -2.000000e+00 : f32
        %broadcast_in_dim3A_112 = vector.broadcast %broadcast_in_dim3A_111 : f32 to vector<16xf32>
        %broadcast_in_dim3A_113 = arith.constant true
        %broadcast_in_dim3A_114 = vector.broadcast %broadcast_in_dim3A_113 : i1 to vector<16xi1>
        tpu.vector_store_idx %arg10[%add3A_110], %broadcast_in_dim3A_112 masked %broadcast_in_dim3A_114 : memref<5168xf32, #tpu.memory_space<vmem>>[vector<16xi32>], vector<16xf32>, vector<16xi1>
        %add3A_115 = arith.constant 15 : i32
        %add3A_116 = arith.addi %cond3A_94, %add3A_115 : i32
        %jit3A_117 = arith.constant 16 : i32
        %div3A_118 = arith.divsi %add3A_116, %jit3A_117 : i32
        %sign3A_119 = arith.constant 0 : i32
        %sign3A_120 = arith.cmpi sgt, %add3A_116, %sign3A_119 : i32
        %sign3A_121 = arith.extui %sign3A_120 : i1 to i32
        %sign3A_122 = arith.constant 0 : i32
        %sign3A_123 = arith.cmpi slt, %add3A_116, %sign3A_122 : i32
        %sign3A_124 = arith.extui %sign3A_123 : i1 to i32
        %sign3A_125 = arith.subi %sign3A_121, %sign3A_124 : i32
        %sign3A_126 = arith.constant 0 : i32
        %sign3A_127 = arith.cmpi sgt, %jit3A_117, %sign3A_126 : i32
        %sign3A_128 = arith.extui %sign3A_127 : i1 to i32
        %sign3A_129 = arith.constant 0 : i32
        %sign3A_130 = arith.cmpi slt, %jit3A_117, %sign3A_129 : i32
        %sign3A_131 = arith.extui %sign3A_130 : i1 to i32
        %sign3A_132 = arith.subi %sign3A_128, %sign3A_131 : i32
        %ne3A_133 = arith.cmpi ne, %sign3A_125, %sign3A_132 : i32
        %rem3A_134 = arith.remsi %add3A_116, %jit3A_117 : i32
        %ne3A_135 = arith.constant 0 : i32
        %ne3A_136 = arith.cmpi ne, %rem3A_134, %ne3A_135 : i32
        %and3A_137 = arith.andi %ne3A_133, %ne3A_136 : i1
        %sub3A_138 = arith.constant 1 : i32
        %sub3A_139 = arith.subi %div3A_118, %sub3A_138 : i32
        %select_n3A_140 = arith.select %and3A_137, %sub3A_139, %div3A_118 : i32
        %add3A_141 = arith.constant 31 : i32
        %add3A_142 = arith.addi %cond3A_94, %add3A_141 : i32
        %jit3A_143 = arith.constant 32 : i32
        %div3A_144 = arith.divsi %add3A_142, %jit3A_143 : i32
        %sign3A_145 = arith.constant 0 : i32
        %sign3A_146 = arith.cmpi sgt, %add3A_142, %sign3A_145 : i32
        %sign3A_147 = arith.extui %sign3A_146 : i1 to i32
        %sign3A_148 = arith.constant 0 : i32
        %sign3A_149 = arith.cmpi slt, %add3A_142, %sign3A_148 : i32
        %sign3A_150 = arith.extui %sign3A_149 : i1 to i32
        %sign3A_151 = arith.subi %sign3A_147, %sign3A_150 : i32
        %sign3A_152 = arith.constant 0 : i32
        %sign3A_153 = arith.cmpi sgt, %jit3A_143, %sign3A_152 : i32
        %sign3A_154 = arith.extui %sign3A_153 : i1 to i32
        %sign3A_155 = arith.constant 0 : i32
        %sign3A_156 = arith.cmpi slt, %jit3A_143, %sign3A_155 : i32
        %sign3A_157 = arith.extui %sign3A_156 : i1 to i32
        %sign3A_158 = arith.subi %sign3A_154, %sign3A_157 : i32
        %ne3A_159 = arith.cmpi ne, %sign3A_151, %sign3A_158 : i32
        %rem3A_160 = arith.remsi %add3A_142, %jit3A_143 : i32
        %ne3A_161 = arith.constant 0 : i32
        %ne3A_162 = arith.cmpi ne, %rem3A_160, %ne3A_161 : i32
        %and3A_163 = arith.andi %ne3A_159, %ne3A_162 : i1
        %sub3A_164 = arith.constant 1 : i32
        %sub3A_165 = arith.subi %div3A_144, %sub3A_164 : i32
        %select_n3A_166 = arith.select %and3A_163, %sub3A_165, %div3A_144 : i32
        %mul3A_167 = arith.constant 455000 : i32
        %mul3A_168 = arith.muli %select_n3A_57, %mul3A_167 : i32
        %add3A_169 = arith.addi %mul3A_168, %select_n3A_72 : i32
        %add3A_170 = arith.constant 1 : i32
        %add3A_171 = arith.addi %add3A_169, %add3A_170 : i32
        %mul3A_172 = arith.constant 5000 : i32
        %mul3A_173 = arith.muli %select_n3A_57, %mul3A_172 : i32
        %scan3A_174 = arith.constant 0 : i32
        %scan3A_175 = arith.constant 0 : i32
        %scan3A_176 = arith.constant 64 : i32
        %scan3A_177 = arith.addi %scan3A_175, %scan3A_176 : i32
        %scan3A_178 = arith.constant 1 : i32
        %scan3A_179 = scf.for %scan3A_501 = %scan3A_175 to %scan3A_177 step %scan3A_178 iter_args(%scan3A_502 = %scan3A_174) -> (i32)  : i32 {
          %mul3A_503 = arith.constant 16 : i32
          %mul3A_504 = arith.muli %mul3A_503, %scan3A_501 : i32
          %get3A = arith.index_cast %mul3A_504 : i32 to index
          %get3A_505 = tpu.vector_load %arg9[%get3A] {strides = array<i32>} : memref<5136xi32, #tpu.memory_space<vmem>>, vector<16xi32>,
          %jit3A_506 = arith.constant 0 : i32
          %jit3A_507 = arith.constant 4999 : i32
          %max3A = vector.broadcast %jit3A_506 : i32 to vector<16xi32>
          %max3A_508 = arith.maxsi %max3A, %get3A_505 : vector<16xi32>
          %min3A = vector.broadcast %jit3A_507 : i32 to vector<16xi32>
          %min3A_509 = arith.minsi %min3A, %max3A_508 : vector<16xi32>
          %mul3A_510 = arith.constant 91 : i32
          %mul3A_511 = vector.broadcast %mul3A_510 : i32 to vector<16xi32>
          %mul3A_512 = arith.muli %min3A_509, %mul3A_511 : vector<16xi32>
          %add3A_513 = vector.broadcast %add3A_171 : i32 to vector<16xi32>
          %add3A_514 = arith.addi %mul3A_512, %add3A_513 : vector<16xi32>
          %add3A_515 = vector.broadcast %mul3A_173 : i32 to vector<16xi32>
          %add3A_516 = arith.addi %min3A_509, %add3A_515 : vector<16xi32>
          %jit3A_517 = arith.constant 2 : i32
          %div3A_518 = vector.broadcast %jit3A_517 : i32 to vector<16xi32>
          %div3A_519 = arith.divsi %add3A_514, %div3A_518 : vector<16xi32>
          %sign3A_520 = arith.constant 0 : i32
          %sign3A_521 = vector.broadcast %sign3A_520 : i32 to vector<16xi32>
          %sign3A_522 = arith.cmpi sgt, %add3A_514, %sign3A_521 : vector<16xi32>
          %sign3A_523 = arith.extui %sign3A_522 : vector<16xi1> to vector<16xi32>
          %sign3A_524 = arith.constant 0 : i32
          %sign3A_525 = vector.broadcast %sign3A_524 : i32 to vector<16xi32>
          %sign3A_526 = arith.cmpi slt, %add3A_514, %sign3A_525 : vector<16xi32>
          %sign3A_527 = arith.extui %sign3A_526 : vector<16xi1> to vector<16xi32>
          %sign3A_528 = arith.subi %sign3A_523, %sign3A_527 : vector<16xi32>
          %sign3A_529 = arith.constant 0 : i32
          %sign3A_530 = arith.cmpi sgt, %jit3A_517, %sign3A_529 : i32
          %sign3A_531 = arith.extui %sign3A_530 : i1 to i32
          %sign3A_532 = arith.constant 0 : i32
          %sign3A_533 = arith.cmpi slt, %jit3A_517, %sign3A_532 : i32
          %sign3A_534 = arith.extui %sign3A_533 : i1 to i32
          %sign3A_535 = arith.subi %sign3A_531, %sign3A_534 : i32
          %ne3A_536 = vector.broadcast %sign3A_535 : i32 to vector<16xi32>
          %ne3A_537 = arith.cmpi ne, %sign3A_528, %ne3A_536 : vector<16xi32>
          %rem3A_538 = vector.broadcast %jit3A_517 : i32 to vector<16xi32>
          %rem3A_539 = arith.remsi %add3A_514, %rem3A_538 : vector<16xi32>
          %ne3A_540 = arith.constant 0 : i32
          %ne3A_541 = vector.broadcast %ne3A_540 : i32 to vector<16xi32>
          %ne3A_542 = arith.cmpi ne, %rem3A_539, %ne3A_541 : vector<16xi32>
          %and3A_543 = arith.andi %ne3A_537, %ne3A_542 : vector<16xi1>
          %sub3A_544 = arith.constant 1 : i32
          %sub3A_545 = vector.broadcast %sub3A_544 : i32 to vector<16xi32>
          %sub3A_546 = arith.subi %div3A_519, %sub3A_545 : vector<16xi32>
          %select_n3A_547 = arith.select %and3A_543, %sub3A_546, %div3A_519 : vector<16xi1>, vector<16xi32>
          %swap3A_548 = arith.index_cast %mul3A_504 : i32 to index
          %swap3A_549 = tpu.vector_load %arg11[%swap3A_548] {strides = array<i32>} : memref<1024xi32, #tpu.memory_space<vmem>>, vector<16xi32>,
          tpu.vector_store %arg11[%swap3A_548], %select_n3A_547 {strides = array<i32>} : memref<1024xi32, #tpu.memory_space<vmem>>, vector<16xi32>,
          %jit3A_550 = arith.constant 2 : i32
          %eq3A_551 = arith.constant 0 : i32
          %eq3A_552 = arith.cmpi eq, %jit3A_550, %eq3A_551 : i32
          %jit3A_553 = arith.constant 1 : i32
          %select_n3A_554 = arith.select %eq3A_552, %jit3A_553, %jit3A_550 : i32
          %rem3A_555 = vector.broadcast %select_n3A_554 : i32 to vector<16xi32>
          %rem3A_556 = arith.remsi %add3A_514, %rem3A_555 : vector<16xi32>
          %ne3A_557 = arith.constant 0 : i32
          %ne3A_558 = vector.broadcast %ne3A_557 : i32 to vector<16xi32>
          %ne3A_559 = arith.cmpi ne, %rem3A_556, %ne3A_558 : vector<16xi32>
          %lt3A_560 = arith.constant 0 : i32
          %lt3A_561 = vector.broadcast %lt3A_560 : i32 to vector<16xi32>
          %lt3A_562 = arith.cmpi slt, %rem3A_556, %lt3A_561 : vector<16xi32>
          %lt3A_563 = arith.constant 0 : i32
          %lt3A_564 = arith.cmpi slt, %select_n3A_554, %lt3A_563 : i32
          %ne3A_565 = vector.broadcast %lt3A_564 : i1 to vector<16xi1>
          %ne3A_566 = vector.broadcast %ne3A_565 : vector<16xi1> to vector<16xi1>
          %ne3A_567 = arith.xori %lt3A_562, %ne3A_566 : vector<16xi1>
          %and3A_568 = arith.andi %ne3A_567, %ne3A_559 : vector<16xi1>
          %add3A_569 = vector.broadcast %select_n3A_554 : i32 to vector<16xi32>
          %add3A_570 = arith.addi %rem3A_556, %add3A_569 : vector<16xi32>
          %select_n3A_571 = arith.select %and3A_568, %add3A_570, %rem3A_556 : vector<16xi1>, vector<16xi32>
          %mul3A_572 = arith.constant 4 : i32
          %mul3A_573 = vector.broadcast %mul3A_572 : i32 to vector<16xi32>
          %mul3A_574 = arith.muli %select_n3A_571, %mul3A_573 : vector<16xi32>
          %swap3A_575 = arith.index_cast %mul3A_504 : i32 to index
          %swap3A_576 = tpu.vector_load %arg12[%swap3A_575] {strides = array<i32>} : memref<1024xi32, #tpu.memory_space<vmem>>, vector<16xi32>,
          tpu.vector_store %arg12[%swap3A_575], %mul3A_574 {strides = array<i32>} : memref<1024xi32, #tpu.memory_space<vmem>>, vector<16xi32>,
          %jit3A_577 = arith.constant 2 : i32
          %div3A_578 = vector.broadcast %jit3A_577 : i32 to vector<16xi32>
          %div3A_579 = arith.divsi %add3A_516, %div3A_578 : vector<16xi32>
          %sign3A_580 = arith.constant 0 : i32
          %sign3A_581 = vector.broadcast %sign3A_580 : i32 to vector<16xi32>
          %sign3A_582 = arith.cmpi sgt, %add3A_516, %sign3A_581 : vector<16xi32>
          %sign3A_583 = arith.extui %sign3A_582 : vector<16xi1> to vector<16xi32>
          %sign3A_584 = arith.constant 0 : i32
          %sign3A_585 = vector.broadcast %sign3A_584 : i32 to vector<16xi32>
          %sign3A_586 = arith.cmpi slt, %add3A_516, %sign3A_585 : vector<16xi32>
          %sign3A_587 = arith.extui %sign3A_586 : vector<16xi1> to vector<16xi32>
          %sign3A_588 = arith.subi %sign3A_583, %sign3A_587 : vector<16xi32>
          %sign3A_589 = arith.constant 0 : i32
          %sign3A_590 = arith.cmpi sgt, %jit3A_577, %sign3A_589 : i32
          %sign3A_591 = arith.extui %sign3A_590 : i1 to i32
          %sign3A_592 = arith.constant 0 : i32
          %sign3A_593 = arith.cmpi slt, %jit3A_577, %sign3A_592 : i32
          %sign3A_594 = arith.extui %sign3A_593 : i1 to i32
          %sign3A_595 = arith.subi %sign3A_591, %sign3A_594 : i32
          %ne3A_596 = vector.broadcast %sign3A_595 : i32 to vector<16xi32>
          %ne3A_597 = arith.cmpi ne, %sign3A_588, %ne3A_596 : vector<16xi32>
          %rem3A_598 = vector.broadcast %jit3A_577 : i32 to vector<16xi32>
          %rem3A_599 = arith.remsi %add3A_516, %rem3A_598 : vector<16xi32>
          %ne3A_600 = arith.constant 0 : i32
          %ne3A_601 = vector.broadcast %ne3A_600 : i32 to vector<16xi32>
          %ne3A_602 = arith.cmpi ne, %rem3A_599, %ne3A_601 : vector<16xi32>
          %and3A_603 = arith.andi %ne3A_597, %ne3A_602 : vector<16xi1>
          %sub3A_604 = arith.constant 1 : i32
          %sub3A_605 = vector.broadcast %sub3A_604 : i32 to vector<16xi32>
          %sub3A_606 = arith.subi %div3A_579, %sub3A_605 : vector<16xi32>
          %select_n3A_607 = arith.select %and3A_603, %sub3A_606, %div3A_579 : vector<16xi1>, vector<16xi32>
          %swap3A_608 = arith.index_cast %mul3A_504 : i32 to index
          %swap3A_609 = tpu.vector_load %arg13[%swap3A_608] {strides = array<i32>} : memref<1024xi32, #tpu.memory_space<vmem>>, vector<16xi32>,
          tpu.vector_store %arg13[%swap3A_608], %select_n3A_607 {strides = array<i32>} : memref<1024xi32, #tpu.memory_space<vmem>>, vector<16xi32>,
          %jit3A_610 = arith.constant 2 : i32
          %eq3A_611 = arith.constant 0 : i32
          %eq3A_612 = arith.cmpi eq, %jit3A_610, %eq3A_611 : i32
          %jit3A_613 = arith.constant 1 : i32
          %select_n3A_614 = arith.select %eq3A_612, %jit3A_613, %jit3A_610 : i32
          %rem3A_615 = vector.broadcast %select_n3A_614 : i32 to vector<16xi32>
          %rem3A_616 = arith.remsi %add3A_516, %rem3A_615 : vector<16xi32>
          %ne3A_617 = arith.constant 0 : i32
          %ne3A_618 = vector.broadcast %ne3A_617 : i32 to vector<16xi32>
          %ne3A_619 = arith.cmpi ne, %rem3A_616, %ne3A_618 : vector<16xi32>
          %lt3A_620 = arith.constant 0 : i32
          %lt3A_621 = vector.broadcast %lt3A_620 : i32 to vector<16xi32>
          %lt3A_622 = arith.cmpi slt, %rem3A_616, %lt3A_621 : vector<16xi32>
          %lt3A_623 = arith.constant 0 : i32
          %lt3A_624 = arith.cmpi slt, %select_n3A_614, %lt3A_623 : i32
          %ne3A_625 = vector.broadcast %lt3A_624 : i1 to vector<16xi1>
          %ne3A_626 = vector.broadcast %ne3A_625 : vector<16xi1> to vector<16xi1>
          %ne3A_627 = arith.xori %lt3A_622, %ne3A_626 : vector<16xi1>
          %and3A_628 = arith.andi %ne3A_627, %ne3A_619 : vector<16xi1>
          %add3A_629 = vector.broadcast %select_n3A_614 : i32 to vector<16xi32>
          %add3A_630 = arith.addi %rem3A_616, %add3A_629 : vector<16xi32>
          %select_n3A_631 = arith.select %and3A_628, %add3A_630, %rem3A_616 : vector<16xi1>, vector<16xi32>
          %mul3A_632 = arith.constant 4 : i32
          %mul3A_633 = vector.broadcast %mul3A_632 : i32 to vector<16xi32>
          %mul3A_634 = arith.muli %select_n3A_631, %mul3A_633 : vector<16xi32>
          %swap3A_635 = arith.index_cast %mul3A_504 : i32 to index
          %swap3A_636 = tpu.vector_load %arg14[%swap3A_635] {strides = array<i32>} : memref<1024xi32, #tpu.memory_space<vmem>>, vector<16xi32>,
          tpu.vector_store %arg14[%swap3A_635], %mul3A_634 {strides = array<i32>} : memref<1024xi32, #tpu.memory_space<vmem>>, vector<16xi32>,
          %scan3A_637 = arith.constant 0 : i32
          scf.yield %scan3A_637 : i32
        }
        %scan3A_180 = arith.constant 64 : i32
        %gt3A_181 = arith.constant 0 : i32
        %gt3A_182 = arith.cmpi sgt, %cond3A_94, %gt3A_181 : i32
        %convert_element_type3A_183 = arith.extui %gt3A_182 : i1 to i32
        %cond3A_184 = arith.constant 0 : i32
        %cond3A_185 = arith.cmpi ne, %convert_element_type3A_183, %cond3A_184 : i32
        scf.if %cond3A_185 {
          %dma_start3A_501 = arith.constant 0 : i32
          %dma_start3A_502 = arith.constant 0 : i32
          %dma_start3A_503 = tpu.memref_slice %arg15[%dma_start3A_501, %dma_start3A_502] : memref<1024x8xf32, #tpu.memory_space<vmem>> -> memref<128x8xf32, #tpu.memory_space<vmem>>
          %dma_start3A_504 = arith.constant 0 : i32
          %dma_start3A_505 = tpu.memref_slice %arg11[%dma_start3A_504] : memref<1024xi32, #tpu.memory_space<vmem>> -> memref<128xi32, #tpu.memory_space<vmem>>
          %dma_start3A_506 = arith.constant 0 : i32
          %dma_start3A_507 = arith.constant 0 : i32
          %dma_start3A_508 = tpu.memref_slice %arg3[%dma_start3A_506, %dma_start3A_507] : memref<1820000x8xf32, #tpu.memory_space<hbm>> -> memref<1820000x8xf32, #tpu.memory_space<hbm>>
          tpu.enqueue_indirect_dma source(%dma_start3A_508 : memref<1820000x8xf32, #tpu.memory_space<hbm>>) target(%dma_start3A_503 : memref<128x8xf32, #tpu.memory_space<vmem>>) offsets(%dma_start3A_505 : memref<128xi32, #tpu.memory_space<vmem>>) semaphore(%arg25 : memref<!tpu.dma_semaphore, #tpu.memory_space<semaphore_mem>>)
          %dma_start3A_509 = arith.constant 0 : i32
          %dma_start3A_510 = arith.constant 0 : i32
          %dma_start3A_511 = tpu.memref_slice %arg16[%dma_start3A_509, %dma_start3A_510] : memref<1024x8xf32, #tpu.memory_space<vmem>> -> memref<128x8xf32, #tpu.memory_space<vmem>>
          %dma_start3A_512 = arith.constant 0 : i32
          %dma_start3A_513 = tpu.memref_slice %arg13[%dma_start3A_512] : memref<1024xi32, #tpu.memory_space<vmem>> -> memref<128xi32, #tpu.memory_space<vmem>>
          %dma_start3A_514 = arith.constant 0 : i32
          %dma_start3A_515 = arith.constant 0 : i32
          %dma_start3A_516 = tpu.memref_slice %arg4[%dma_start3A_514, %dma_start3A_515] : memref<20000x8xf32, #tpu.memory_space<hbm>> -> memref<20000x8xf32, #tpu.memory_space<hbm>>
          tpu.enqueue_indirect_dma source(%dma_start3A_516 : memref<20000x8xf32, #tpu.memory_space<hbm>>) target(%dma_start3A_511 : memref<128x8xf32, #tpu.memory_space<vmem>>) offsets(%dma_start3A_513 : memref<128xi32, #tpu.memory_space<vmem>>) semaphore(%arg25 : memref<!tpu.dma_semaphore, #tpu.memory_space<semaphore_mem>>)
        } else {
        }
        %gt3A_186 = arith.constant 128 : i32
        %gt3A_187 = arith.cmpi sgt, %cond3A_94, %gt3A_186 : i32
        %convert_element_type3A_188 = arith.extui %gt3A_187 : i1 to i32
        %cond3A_189 = arith.constant 0 : i32
        %cond3A_190 = arith.cmpi ne, %convert_element_type3A_188, %cond3A_189 : i32
        scf.if %cond3A_190 {
          %dma_start3A_501 = arith.constant 128 : i32
          %dma_start3A_502 = arith.constant 0 : i32
          %dma_start3A_503 = tpu.memref_slice %arg15[%dma_start3A_501, %dma_start3A_502] : memref<1024x8xf32, #tpu.memory_space<vmem>> -> memref<128x8xf32, #tpu.memory_space<vmem>>
          %dma_start3A_504 = arith.constant 128 : i32
          %dma_start3A_505 = tpu.memref_slice %arg11[%dma_start3A_504] : memref<1024xi32, #tpu.memory_space<vmem>> -> memref<128xi32, #tpu.memory_space<vmem>>
          %dma_start3A_506 = arith.constant 0 : i32
          %dma_start3A_507 = arith.constant 0 : i32
          %dma_start3A_508 = tpu.memref_slice %arg3[%dma_start3A_506, %dma_start3A_507] : memref<1820000x8xf32, #tpu.memory_space<hbm>> -> memref<1820000x8xf32, #tpu.memory_space<hbm>>
          tpu.enqueue_indirect_dma source(%dma_start3A_508 : memref<1820000x8xf32, #tpu.memory_space<hbm>>) target(%dma_start3A_503 : memref<128x8xf32, #tpu.memory_space<vmem>>) offsets(%dma_start3A_505 : memref<128xi32, #tpu.memory_space<vmem>>) semaphore(%arg25 : memref<!tpu.dma_semaphore, #tpu.memory_space<semaphore_mem>>)
          %dma_start3A_509 = arith.constant 128 : i32
          %dma_start3A_510 = arith.constant 0 : i32
          %dma_start3A_511 = tpu.memref_slice %arg16[%dma_start3A_509, %dma_start3A_510] : memref<1024x8xf32, #tpu.memory_space<vmem>> -> memref<128x8xf32, #tpu.memory_space<vmem>>
          %dma_start3A_512 = arith.constant 128 : i32
          %dma_start3A_513 = tpu.memref_slice %arg13[%dma_start3A_512] : memref<1024xi32, #tpu.memory_space<vmem>> -> memref<128xi32, #tpu.memory_space<vmem>>
          %dma_start3A_514 = arith.constant 0 : i32
          %dma_start3A_515 = arith.constant 0 : i32
          %dma_start3A_516 = tpu.memref_slice %arg4[%dma_start3A_514, %dma_start3A_515] : memref<20000x8xf32, #tpu.memory_space<hbm>> -> memref<20000x8xf32, #tpu.memory_space<hbm>>
          tpu.enqueue_indirect_dma source(%dma_start3A_516 : memref<20000x8xf32, #tpu.memory_space<hbm>>) target(%dma_start3A_511 : memref<128x8xf32, #tpu.memory_space<vmem>>) offsets(%dma_start3A_513 : memref<128xi32, #tpu.memory_space<vmem>>) semaphore(%arg25 : memref<!tpu.dma_semaphore, #tpu.memory_space<semaphore_mem>>)
        } else {
        }
        %gt3A_191 = arith.constant 256 : i32
        %gt3A_192 = arith.cmpi sgt, %cond3A_94, %gt3A_191 : i32
        %convert_element_type3A_193 = arith.extui %gt3A_192 : i1 to i32
        %cond3A_194 = arith.constant 0 : i32
        %cond3A_195 = arith.cmpi ne, %convert_element_type3A_193, %cond3A_194 : i32
        scf.if %cond3A_195 {
          %dma_start3A_501 = arith.constant 256 : i32
          %dma_start3A_502 = arith.constant 0 : i32
          %dma_start3A_503 = tpu.memref_slice %arg15[%dma_start3A_501, %dma_start3A_502] : memref<1024x8xf32, #tpu.memory_space<vmem>> -> memref<128x8xf32, #tpu.memory_space<vmem>>
          %dma_start3A_504 = arith.constant 256 : i32
          %dma_start3A_505 = tpu.memref_slice %arg11[%dma_start3A_504] : memref<1024xi32, #tpu.memory_space<vmem>> -> memref<128xi32, #tpu.memory_space<vmem>>
          %dma_start3A_506 = arith.constant 0 : i32
          %dma_start3A_507 = arith.constant 0 : i32
          %dma_start3A_508 = tpu.memref_slice %arg3[%dma_start3A_506, %dma_start3A_507] : memref<1820000x8xf32, #tpu.memory_space<hbm>> -> memref<1820000x8xf32, #tpu.memory_space<hbm>>
          tpu.enqueue_indirect_dma source(%dma_start3A_508 : memref<1820000x8xf32, #tpu.memory_space<hbm>>) target(%dma_start3A_503 : memref<128x8xf32, #tpu.memory_space<vmem>>) offsets(%dma_start3A_505 : memref<128xi32, #tpu.memory_space<vmem>>) semaphore(%arg25 : memref<!tpu.dma_semaphore, #tpu.memory_space<semaphore_mem>>)
          %dma_start3A_509 = arith.constant 256 : i32
          %dma_start3A_510 = arith.constant 0 : i32
          %dma_start3A_511 = tpu.memref_slice %arg16[%dma_start3A_509, %dma_start3A_510] : memref<1024x8xf32, #tpu.memory_space<vmem>> -> memref<128x8xf32, #tpu.memory_space<vmem>>
          %dma_start3A_512 = arith.constant 256 : i32
          %dma_start3A_513 = tpu.memref_slice %arg13[%dma_start3A_512] : memref<1024xi32, #tpu.memory_space<vmem>> -> memref<128xi32, #tpu.memory_space<vmem>>
          %dma_start3A_514 = arith.constant 0 : i32
          %dma_start3A_515 = arith.constant 0 : i32
          %dma_start3A_516 = tpu.memref_slice %arg4[%dma_start3A_514, %dma_start3A_515] : memref<20000x8xf32, #tpu.memory_space<hbm>> -> memref<20000x8xf32, #tpu.memory_space<hbm>>
          tpu.enqueue_indirect_dma source(%dma_start3A_516 : memref<20000x8xf32, #tpu.memory_space<hbm>>) target(%dma_start3A_511 : memref<128x8xf32, #tpu.memory_space<vmem>>) offsets(%dma_start3A_513 : memref<128xi32, #tpu.memory_space<vmem>>) semaphore(%arg25 : memref<!tpu.dma_semaphore, #tpu.memory_space<semaphore_mem>>)
        } else {
        }
        %gt3A_196 = arith.constant 384 : i32
        %gt3A_197 = arith.cmpi sgt, %cond3A_94, %gt3A_196 : i32
        %convert_element_type3A_198 = arith.extui %gt3A_197 : i1 to i32
        %cond3A_199 = arith.constant 0 : i32
        %cond3A_200 = arith.cmpi ne, %convert_element_type3A_198, %cond3A_199 : i32
        scf.if %cond3A_200 {
          %dma_start3A_501 = arith.constant 384 : i32
          %dma_start3A_502 = arith.constant 0 : i32
          %dma_start3A_503 = tpu.memref_slice %arg15[%dma_start3A_501, %dma_start3A_502] : memref<1024x8xf32, #tpu.memory_space<vmem>> -> memref<128x8xf32, #tpu.memory_space<vmem>>
          %dma_start3A_504 = arith.constant 384 : i32
          %dma_start3A_505 = tpu.memref_slice %arg11[%dma_start3A_504] : memref<1024xi32, #tpu.memory_space<vmem>> -> memref<128xi32, #tpu.memory_space<vmem>>
          %dma_start3A_506 = arith.constant 0 : i32
          %dma_start3A_507 = arith.constant 0 : i32
          %dma_start3A_508 = tpu.memref_slice %arg3[%dma_start3A_506, %dma_start3A_507] : memref<1820000x8xf32, #tpu.memory_space<hbm>> -> memref<1820000x8xf32, #tpu.memory_space<hbm>>
          tpu.enqueue_indirect_dma source(%dma_start3A_508 : memref<1820000x8xf32, #tpu.memory_space<hbm>>) target(%dma_start3A_503 : memref<128x8xf32, #tpu.memory_space<vmem>>) offsets(%dma_start3A_505 : memref<128xi32, #tpu.memory_space<vmem>>) semaphore(%arg25 : memref<!tpu.dma_semaphore, #tpu.memory_space<semaphore_mem>>)
          %dma_start3A_509 = arith.constant 384 : i32
          %dma_start3A_510 = arith.constant 0 : i32
          %dma_start3A_511 = tpu.memref_slice %arg16[%dma_start3A_509, %dma_start3A_510] : memref<1024x8xf32, #tpu.memory_space<vmem>> -> memref<128x8xf32, #tpu.memory_space<vmem>>
          %dma_start3A_512 = arith.constant 384 : i32
          %dma_start3A_513 = tpu.memref_slice %arg13[%dma_start3A_512] : memref<1024xi32, #tpu.memory_space<vmem>> -> memref<128xi32, #tpu.memory_space<vmem>>
          %dma_start3A_514 = arith.constant 0 : i32
          %dma_start3A_515 = arith.constant 0 : i32
          %dma_start3A_516 = tpu.memref_slice %arg4[%dma_start3A_514, %dma_start3A_515] : memref<20000x8xf32, #tpu.memory_space<hbm>> -> memref<20000x8xf32, #tpu.memory_space<hbm>>
          tpu.enqueue_indirect_dma source(%dma_start3A_516 : memref<20000x8xf32, #tpu.memory_space<hbm>>) target(%dma_start3A_511 : memref<128x8xf32, #tpu.memory_space<vmem>>) offsets(%dma_start3A_513 : memref<128xi32, #tpu.memory_space<vmem>>) semaphore(%arg25 : memref<!tpu.dma_semaphore, #tpu.memory_space<semaphore_mem>>)
        } else {
        }
        %gt3A_201 = arith.constant 512 : i32
        %gt3A_202 = arith.cmpi sgt, %cond3A_94, %gt3A_201 : i32
        %convert_element_type3A_203 = arith.extui %gt3A_202 : i1 to i32
        %cond3A_204 = arith.constant 0 : i32
        %cond3A_205 = arith.cmpi ne, %convert_element_type3A_203, %cond3A_204 : i32
        scf.if %cond3A_205 {
          %dma_start3A_501 = arith.constant 512 : i32
          %dma_start3A_502 = arith.constant 0 : i32
          %dma_start3A_503 = tpu.memref_slice %arg15[%dma_start3A_501, %dma_start3A_502] : memref<1024x8xf32, #tpu.memory_space<vmem>> -> memref<128x8xf32, #tpu.memory_space<vmem>>
          %dma_start3A_504 = arith.constant 512 : i32
          %dma_start3A_505 = tpu.memref_slice %arg11[%dma_start3A_504] : memref<1024xi32, #tpu.memory_space<vmem>> -> memref<128xi32, #tpu.memory_space<vmem>>
          %dma_start3A_506 = arith.constant 0 : i32
          %dma_start3A_507 = arith.constant 0 : i32
          %dma_start3A_508 = tpu.memref_slice %arg3[%dma_start3A_506, %dma_start3A_507] : memref<1820000x8xf32, #tpu.memory_space<hbm>> -> memref<1820000x8xf32, #tpu.memory_space<hbm>>
          tpu.enqueue_indirect_dma source(%dma_start3A_508 : memref<1820000x8xf32, #tpu.memory_space<hbm>>) target(%dma_start3A_503 : memref<128x8xf32, #tpu.memory_space<vmem>>) offsets(%dma_start3A_505 : memref<128xi32, #tpu.memory_space<vmem>>) semaphore(%arg25 : memref<!tpu.dma_semaphore, #tpu.memory_space<semaphore_mem>>)
          %dma_start3A_509 = arith.constant 512 : i32
          %dma_start3A_510 = arith.constant 0 : i32
          %dma_start3A_511 = tpu.memref_slice %arg16[%dma_start3A_509, %dma_start3A_510] : memref<1024x8xf32, #tpu.memory_space<vmem>> -> memref<128x8xf32, #tpu.memory_space<vmem>>
          %dma_start3A_512 = arith.constant 512 : i32
          %dma_start3A_513 = tpu.memref_slice %arg13[%dma_start3A_512] : memref<1024xi32, #tpu.memory_space<vmem>> -> memref<128xi32, #tpu.memory_space<vmem>>
          %dma_start3A_514 = arith.constant 0 : i32
          %dma_start3A_515 = arith.constant 0 : i32
          %dma_start3A_516 = tpu.memref_slice %arg4[%dma_start3A_514, %dma_start3A_515] : memref<20000x8xf32, #tpu.memory_space<hbm>> -> memref<20000x8xf32, #tpu.memory_space<hbm>>
          tpu.enqueue_indirect_dma source(%dma_start3A_516 : memref<20000x8xf32, #tpu.memory_space<hbm>>) target(%dma_start3A_511 : memref<128x8xf32, #tpu.memory_space<vmem>>) offsets(%dma_start3A_513 : memref<128xi32, #tpu.memory_space<vmem>>) semaphore(%arg25 : memref<!tpu.dma_semaphore, #tpu.memory_space<semaphore_mem>>)
        } else {
        }
        %gt3A_206 = arith.constant 640 : i32
        %gt3A_207 = arith.cmpi sgt, %cond3A_94, %gt3A_206 : i32
        %convert_element_type3A_208 = arith.extui %gt3A_207 : i1 to i32
        %cond3A_209 = arith.constant 0 : i32
        %cond3A_210 = arith.cmpi ne, %convert_element_type3A_208, %cond3A_209 : i32
        scf.if %cond3A_210 {
          %dma_start3A_501 = arith.constant 640 : i32
          %dma_start3A_502 = arith.constant 0 : i32
          %dma_start3A_503 = tpu.memref_slice %arg15[%dma_start3A_501, %dma_start3A_502] : memref<1024x8xf32, #tpu.memory_space<vmem>> -> memref<128x8xf32, #tpu.memory_space<vmem>>
          %dma_start3A_504 = arith.constant 640 : i32
          %dma_start3A_505 = tpu.memref_slice %arg11[%dma_start3A_504] : memref<1024xi32, #tpu.memory_space<vmem>> -> memref<128xi32, #tpu.memory_space<vmem>>
          %dma_start3A_506 = arith.constant 0 : i32
          %dma_start3A_507 = arith.constant 0 : i32
          %dma_start3A_508 = tpu.memref_slice %arg3[%dma_start3A_506, %dma_start3A_507] : memref<1820000x8xf32, #tpu.memory_space<hbm>> -> memref<1820000x8xf32, #tpu.memory_space<hbm>>
          tpu.enqueue_indirect_dma source(%dma_start3A_508 : memref<1820000x8xf32, #tpu.memory_space<hbm>>) target(%dma_start3A_503 : memref<128x8xf32, #tpu.memory_space<vmem>>) offsets(%dma_start3A_505 : memref<128xi32, #tpu.memory_space<vmem>>) semaphore(%arg25 : memref<!tpu.dma_semaphore, #tpu.memory_space<semaphore_mem>>)
          %dma_start3A_509 = arith.constant 640 : i32
          %dma_start3A_510 = arith.constant 0 : i32
          %dma_start3A_511 = tpu.memref_slice %arg16[%dma_start3A_509, %dma_start3A_510] : memref<1024x8xf32, #tpu.memory_space<vmem>> -> memref<128x8xf32, #tpu.memory_space<vmem>>
          %dma_start3A_512 = arith.constant 640 : i32
          %dma_start3A_513 = tpu.memref_slice %arg13[%dma_start3A_512] : memref<1024xi32, #tpu.memory_space<vmem>> -> memref<128xi32, #tpu.memory_space<vmem>>
          %dma_start3A_514 = arith.constant 0 : i32
          %dma_start3A_515 = arith.constant 0 : i32
          %dma_start3A_516 = tpu.memref_slice %arg4[%dma_start3A_514, %dma_start3A_515] : memref<20000x8xf32, #tpu.memory_space<hbm>> -> memref<20000x8xf32, #tpu.memory_space<hbm>>
          tpu.enqueue_indirect_dma source(%dma_start3A_516 : memref<20000x8xf32, #tpu.memory_space<hbm>>) target(%dma_start3A_511 : memref<128x8xf32, #tpu.memory_space<vmem>>) offsets(%dma_start3A_513 : memref<128xi32, #tpu.memory_space<vmem>>) semaphore(%arg25 : memref<!tpu.dma_semaphore, #tpu.memory_space<semaphore_mem>>)
        } else {
        }
        %gt3A_211 = arith.constant 768 : i32
        %gt3A_212 = arith.cmpi sgt, %cond3A_94, %gt3A_211 : i32
        %convert_element_type3A_213 = arith.extui %gt3A_212 : i1 to i32
        %cond3A_214 = arith.constant 0 : i32
        %cond3A_215 = arith.cmpi ne, %convert_element_type3A_213, %cond3A_214 : i32
        scf.if %cond3A_215 {
          %dma_start3A_501 = arith.constant 768 : i32
          %dma_start3A_502 = arith.constant 0 : i32
          %dma_start3A_503 = tpu.memref_slice %arg15[%dma_start3A_501, %dma_start3A_502] : memref<1024x8xf32, #tpu.memory_space<vmem>> -> memref<128x8xf32, #tpu.memory_space<vmem>>
          %dma_start3A_504 = arith.constant 768 : i32
          %dma_start3A_505 = tpu.memref_slice %arg11[%dma_start3A_504] : memref<1024xi32, #tpu.memory_space<vmem>> -> memref<128xi32, #tpu.memory_space<vmem>>
          %dma_start3A_506 = arith.constant 0 : i32
          %dma_start3A_507 = arith.constant 0 : i32
          %dma_start3A_508 = tpu.memref_slice %arg3[%dma_start3A_506, %dma_start3A_507] : memref<1820000x8xf32, #tpu.memory_space<hbm>> -> memref<1820000x8xf32, #tpu.memory_space<hbm>>
          tpu.enqueue_indirect_dma source(%dma_start3A_508 : memref<1820000x8xf32, #tpu.memory_space<hbm>>) target(%dma_start3A_503 : memref<128x8xf32, #tpu.memory_space<vmem>>) offsets(%dma_start3A_505 : memref<128xi32, #tpu.memory_space<vmem>>) semaphore(%arg25 : memref<!tpu.dma_semaphore, #tpu.memory_space<semaphore_mem>>)
          %dma_start3A_509 = arith.constant 768 : i32
          %dma_start3A_510 = arith.constant 0 : i32
          %dma_start3A_511 = tpu.memref_slice %arg16[%dma_start3A_509, %dma_start3A_510] : memref<1024x8xf32, #tpu.memory_space<vmem>> -> memref<128x8xf32, #tpu.memory_space<vmem>>
          %dma_start3A_512 = arith.constant 768 : i32
          %dma_start3A_513 = tpu.memref_slice %arg13[%dma_start3A_512] : memref<1024xi32, #tpu.memory_space<vmem>> -> memref<128xi32, #tpu.memory_space<vmem>>
          %dma_start3A_514 = arith.constant 0 : i32
          %dma_start3A_515 = arith.constant 0 : i32
          %dma_start3A_516 = tpu.memref_slice %arg4[%dma_start3A_514, %dma_start3A_515] : memref<20000x8xf32, #tpu.memory_space<hbm>> -> memref<20000x8xf32, #tpu.memory_space<hbm>>
          tpu.enqueue_indirect_dma source(%dma_start3A_516 : memref<20000x8xf32, #tpu.memory_space<hbm>>) target(%dma_start3A_511 : memref<128x8xf32, #tpu.memory_space<vmem>>) offsets(%dma_start3A_513 : memref<128xi32, #tpu.memory_space<vmem>>) semaphore(%arg25 : memref<!tpu.dma_semaphore, #tpu.memory_space<semaphore_mem>>)
        } else {
        }
        %gt3A_216 = arith.constant 896 : i32
        %gt3A_217 = arith.cmpi sgt, %cond3A_94, %gt3A_216 : i32
        %convert_element_type3A_218 = arith.extui %gt3A_217 : i1 to i32
        %cond3A_219 = arith.constant 0 : i32
        %cond3A_220 = arith.cmpi ne, %convert_element_type3A_218, %cond3A_219 : i32
        scf.if %cond3A_220 {
          %dma_start3A_501 = arith.constant 896 : i32
          %dma_start3A_502 = arith.constant 0 : i32
          %dma_start3A_503 = tpu.memref_slice %arg15[%dma_start3A_501, %dma_start3A_502] : memref<1024x8xf32, #tpu.memory_space<vmem>> -> memref<128x8xf32, #tpu.memory_space<vmem>>
          %dma_start3A_504 = arith.constant 896 : i32
          %dma_start3A_505 = tpu.memref_slice %arg11[%dma_start3A_504] : memref<1024xi32, #tpu.memory_space<vmem>> -> memref<128xi32, #tpu.memory_space<vmem>>
          %dma_start3A_506 = arith.constant 0 : i32
          %dma_start3A_507 = arith.constant 0 : i32
          %dma_start3A_508 = tpu.memref_slice %arg3[%dma_start3A_506, %dma_start3A_507] : memref<1820000x8xf32, #tpu.memory_space<hbm>> -> memref<1820000x8xf32, #tpu.memory_space<hbm>>
          tpu.enqueue_indirect_dma source(%dma_start3A_508 : memref<1820000x8xf32, #tpu.memory_space<hbm>>) target(%dma_start3A_503 : memref<128x8xf32, #tpu.memory_space<vmem>>) offsets(%dma_start3A_505 : memref<128xi32, #tpu.memory_space<vmem>>) semaphore(%arg25 : memref<!tpu.dma_semaphore, #tpu.memory_space<semaphore_mem>>)
          %dma_start3A_509 = arith.constant 896 : i32
          %dma_start3A_510 = arith.constant 0 : i32
          %dma_start3A_511 = tpu.memref_slice %arg16[%dma_start3A_509, %dma_start3A_510] : memref<1024x8xf32, #tpu.memory_space<vmem>> -> memref<128x8xf32, #tpu.memory_space<vmem>>
          %dma_start3A_512 = arith.constant 896 : i32
          %dma_start3A_513 = tpu.memref_slice %arg13[%dma_start3A_512] : memref<1024xi32, #tpu.memory_space<vmem>> -> memref<128xi32, #tpu.memory_space<vmem>>
          %dma_start3A_514 = arith.constant 0 : i32
          %dma_start3A_515 = arith.constant 0 : i32
          %dma_start3A_516 = tpu.memref_slice %arg4[%dma_start3A_514, %dma_start3A_515] : memref<20000x8xf32, #tpu.memory_space<hbm>> -> memref<20000x8xf32, #tpu.memory_space<hbm>>
          tpu.enqueue_indirect_dma source(%dma_start3A_516 : memref<20000x8xf32, #tpu.memory_space<hbm>>) target(%dma_start3A_511 : memref<128x8xf32, #tpu.memory_space<vmem>>) offsets(%dma_start3A_513 : memref<128xi32, #tpu.memory_space<vmem>>) semaphore(%arg25 : memref<!tpu.dma_semaphore, #tpu.memory_space<semaphore_mem>>)
        } else {
        }
        %gt3A_221 = arith.constant 0 : i32
        %gt3A_222 = arith.cmpi sgt, %cond3A_94, %gt3A_221 : i32
        %convert_element_type3A_223 = arith.extui %gt3A_222 : i1 to i32
        %cond3A_224 = arith.constant 0 : i32
        %cond3A_225 = arith.cmpi ne, %convert_element_type3A_223, %cond3A_224 : i32
        scf.if %cond3A_225 {
          %dma_wait3A_501 = arith.constant 0 : i32
          %dma_wait3A_502 = arith.constant 0 : i32
          %dma_wait3A_503 = tpu.memref_slice %arg15[%dma_wait3A_501, %dma_wait3A_502] : memref<1024x8xf32, #tpu.memory_space<vmem>> -> memref<128x8xf32, #tpu.memory_space<vmem>>
          %dma_wait3A_504 = arith.constant 0 : i32
          %dma_wait3A_505 = tpu.memref_slice %arg11[%dma_wait3A_504] : memref<1024xi32, #tpu.memory_space<vmem>> -> memref<128xi32, #tpu.memory_space<vmem>>
          %dma_wait3A_506 = arith.constant 0 : i32
          %dma_wait3A_507 = arith.constant 0 : i32
          %dma_wait3A_508 = tpu.memref_slice %arg3[%dma_wait3A_506, %dma_wait3A_507] : memref<1820000x8xf32, #tpu.memory_space<hbm>> -> memref<1820000x8xf32, #tpu.memory_space<hbm>>
          tpu.wait_indirect_dma semaphore(%arg25 : memref<!tpu.dma_semaphore, #tpu.memory_space<semaphore_mem>>) src(%dma_wait3A_508 : memref<1820000x8xf32, #tpu.memory_space<hbm>>) dst(%dma_wait3A_503 : memref<128x8xf32, #tpu.memory_space<vmem>>)
          %dma_wait3A_509 = arith.constant 0 : i32
          %dma_wait3A_510 = arith.constant 0 : i32
          %dma_wait3A_511 = tpu.memref_slice %arg16[%dma_wait3A_509, %dma_wait3A_510] : memref<1024x8xf32, #tpu.memory_space<vmem>> -> memref<128x8xf32, #tpu.memory_space<vmem>>
          %dma_wait3A_512 = arith.constant 0 : i32
          %dma_wait3A_513 = tpu.memref_slice %arg13[%dma_wait3A_512] : memref<1024xi32, #tpu.memory_space<vmem>> -> memref<128xi32, #tpu.memory_space<vmem>>
          %dma_wait3A_514 = arith.constant 0 : i32
          %dma_wait3A_515 = arith.constant 0 : i32
          %dma_wait3A_516 = tpu.memref_slice %arg4[%dma_wait3A_514, %dma_wait3A_515] : memref<20000x8xf32, #tpu.memory_space<hbm>> -> memref<20000x8xf32, #tpu.memory_space<hbm>>
          tpu.wait_indirect_dma semaphore(%arg25 : memref<!tpu.dma_semaphore, #tpu.memory_space<semaphore_mem>>) src(%dma_wait3A_516 : memref<20000x8xf32, #tpu.memory_space<hbm>>) dst(%dma_wait3A_511 : memref<128x8xf32, #tpu.memory_space<vmem>>)
        } else {
        }
        %gt3A_226 = arith.constant 128 : i32
        %gt3A_227 = arith.cmpi sgt, %cond3A_94, %gt3A_226 : i32
        %convert_element_type3A_228 = arith.extui %gt3A_227 : i1 to i32
        %cond3A_229 = arith.constant 0 : i32
        %cond3A_230 = arith.cmpi ne, %convert_element_type3A_228, %cond3A_229 : i32
        scf.if %cond3A_230 {
          %dma_wait3A_501 = arith.constant 128 : i32
          %dma_wait3A_502 = arith.constant 0 : i32
          %dma_wait3A_503 = tpu.memref_slice %arg15[%dma_wait3A_501, %dma_wait3A_502] : memref<1024x8xf32, #tpu.memory_space<vmem>> -> memref<128x8xf32, #tpu.memory_space<vmem>>
          %dma_wait3A_504 = arith.constant 128 : i32
          %dma_wait3A_505 = tpu.memref_slice %arg11[%dma_wait3A_504] : memref<1024xi32, #tpu.memory_space<vmem>> -> memref<128xi32, #tpu.memory_space<vmem>>
          %dma_wait3A_506 = arith.constant 0 : i32
          %dma_wait3A_507 = arith.constant 0 : i32
          %dma_wait3A_508 = tpu.memref_slice %arg3[%dma_wait3A_506, %dma_wait3A_507] : memref<1820000x8xf32, #tpu.memory_space<hbm>> -> memref<1820000x8xf32, #tpu.memory_space<hbm>>
          tpu.wait_indirect_dma semaphore(%arg25 : memref<!tpu.dma_semaphore, #tpu.memory_space<semaphore_mem>>) src(%dma_wait3A_508 : memref<1820000x8xf32, #tpu.memory_space<hbm>>) dst(%dma_wait3A_503 : memref<128x8xf32, #tpu.memory_space<vmem>>)
          %dma_wait3A_509 = arith.constant 128 : i32
          %dma_wait3A_510 = arith.constant 0 : i32
          %dma_wait3A_511 = tpu.memref_slice %arg16[%dma_wait3A_509, %dma_wait3A_510] : memref<1024x8xf32, #tpu.memory_space<vmem>> -> memref<128x8xf32, #tpu.memory_space<vmem>>
          %dma_wait3A_512 = arith.constant 128 : i32
          %dma_wait3A_513 = tpu.memref_slice %arg13[%dma_wait3A_512] : memref<1024xi32, #tpu.memory_space<vmem>> -> memref<128xi32, #tpu.memory_space<vmem>>
          %dma_wait3A_514 = arith.constant 0 : i32
          %dma_wait3A_515 = arith.constant 0 : i32
          %dma_wait3A_516 = tpu.memref_slice %arg4[%dma_wait3A_514, %dma_wait3A_515] : memref<20000x8xf32, #tpu.memory_space<hbm>> -> memref<20000x8xf32, #tpu.memory_space<hbm>>
          tpu.wait_indirect_dma semaphore(%arg25 : memref<!tpu.dma_semaphore, #tpu.memory_space<semaphore_mem>>) src(%dma_wait3A_516 : memref<20000x8xf32, #tpu.memory_space<hbm>>) dst(%dma_wait3A_511 : memref<128x8xf32, #tpu.memory_space<vmem>>)
        } else {
        }
        %gt3A_231 = arith.constant 256 : i32
        %gt3A_232 = arith.cmpi sgt, %cond3A_94, %gt3A_231 : i32
        %convert_element_type3A_233 = arith.extui %gt3A_232 : i1 to i32
        %cond3A_234 = arith.constant 0 : i32
        %cond3A_235 = arith.cmpi ne, %convert_element_type3A_233, %cond3A_234 : i32
        scf.if %cond3A_235 {
          %dma_wait3A_501 = arith.constant 256 : i32
          %dma_wait3A_502 = arith.constant 0 : i32
          %dma_wait3A_503 = tpu.memref_slice %arg15[%dma_wait3A_501, %dma_wait3A_502] : memref<1024x8xf32, #tpu.memory_space<vmem>> -> memref<128x8xf32, #tpu.memory_space<vmem>>
          %dma_wait3A_504 = arith.constant 256 : i32
          %dma_wait3A_505 = tpu.memref_slice %arg11[%dma_wait3A_504] : memref<1024xi32, #tpu.memory_space<vmem>> -> memref<128xi32, #tpu.memory_space<vmem>>
          %dma_wait3A_506 = arith.constant 0 : i32
          %dma_wait3A_507 = arith.constant 0 : i32
          %dma_wait3A_508 = tpu.memref_slice %arg3[%dma_wait3A_506, %dma_wait3A_507] : memref<1820000x8xf32, #tpu.memory_space<hbm>> -> memref<1820000x8xf32, #tpu.memory_space<hbm>>
          tpu.wait_indirect_dma semaphore(%arg25 : memref<!tpu.dma_semaphore, #tpu.memory_space<semaphore_mem>>) src(%dma_wait3A_508 : memref<1820000x8xf32, #tpu.memory_space<hbm>>) dst(%dma_wait3A_503 : memref<128x8xf32, #tpu.memory_space<vmem>>)
          %dma_wait3A_509 = arith.constant 256 : i32
          %dma_wait3A_510 = arith.constant 0 : i32
          %dma_wait3A_511 = tpu.memref_slice %arg16[%dma_wait3A_509, %dma_wait3A_510] : memref<1024x8xf32, #tpu.memory_space<vmem>> -> memref<128x8xf32, #tpu.memory_space<vmem>>
          %dma_wait3A_512 = arith.constant 256 : i32
          %dma_wait3A_513 = tpu.memref_slice %arg13[%dma_wait3A_512] : memref<1024xi32, #tpu.memory_space<vmem>> -> memref<128xi32, #tpu.memory_space<vmem>>
          %dma_wait3A_514 = arith.constant 0 : i32
          %dma_wait3A_515 = arith.constant 0 : i32
          %dma_wait3A_516 = tpu.memref_slice %arg4[%dma_wait3A_514, %dma_wait3A_515] : memref<20000x8xf32, #tpu.memory_space<hbm>> -> memref<20000x8xf32, #tpu.memory_space<hbm>>
          tpu.wait_indirect_dma semaphore(%arg25 : memref<!tpu.dma_semaphore, #tpu.memory_space<semaphore_mem>>) src(%dma_wait3A_516 : memref<20000x8xf32, #tpu.memory_space<hbm>>) dst(%dma_wait3A_511 : memref<128x8xf32, #tpu.memory_space<vmem>>)
        } else {
        }
        %gt3A_236 = arith.constant 384 : i32
        %gt3A_237 = arith.cmpi sgt, %cond3A_94, %gt3A_236 : i32
        %convert_element_type3A_238 = arith.extui %gt3A_237 : i1 to i32
        %cond3A_239 = arith.constant 0 : i32
        %cond3A_240 = arith.cmpi ne, %convert_element_type3A_238, %cond3A_239 : i32
        scf.if %cond3A_240 {
          %dma_wait3A_501 = arith.constant 384 : i32
          %dma_wait3A_502 = arith.constant 0 : i32
          %dma_wait3A_503 = tpu.memref_slice %arg15[%dma_wait3A_501, %dma_wait3A_502] : memref<1024x8xf32, #tpu.memory_space<vmem>> -> memref<128x8xf32, #tpu.memory_space<vmem>>
          %dma_wait3A_504 = arith.constant 384 : i32
          %dma_wait3A_505 = tpu.memref_slice %arg11[%dma_wait3A_504] : memref<1024xi32, #tpu.memory_space<vmem>> -> memref<128xi32, #tpu.memory_space<vmem>>
          %dma_wait3A_506 = arith.constant 0 : i32
          %dma_wait3A_507 = arith.constant 0 : i32
          %dma_wait3A_508 = tpu.memref_slice %arg3[%dma_wait3A_506, %dma_wait3A_507] : memref<1820000x8xf32, #tpu.memory_space<hbm>> -> memref<1820000x8xf32, #tpu.memory_space<hbm>>
          tpu.wait_indirect_dma semaphore(%arg25 : memref<!tpu.dma_semaphore, #tpu.memory_space<semaphore_mem>>) src(%dma_wait3A_508 : memref<1820000x8xf32, #tpu.memory_space<hbm>>) dst(%dma_wait3A_503 : memref<128x8xf32, #tpu.memory_space<vmem>>)
          %dma_wait3A_509 = arith.constant 384 : i32
          %dma_wait3A_510 = arith.constant 0 : i32
          %dma_wait3A_511 = tpu.memref_slice %arg16[%dma_wait3A_509, %dma_wait3A_510] : memref<1024x8xf32, #tpu.memory_space<vmem>> -> memref<128x8xf32, #tpu.memory_space<vmem>>
          %dma_wait3A_512 = arith.constant 384 : i32
          %dma_wait3A_513 = tpu.memref_slice %arg13[%dma_wait3A_512] : memref<1024xi32, #tpu.memory_space<vmem>> -> memref<128xi32, #tpu.memory_space<vmem>>
          %dma_wait3A_514 = arith.constant 0 : i32
          %dma_wait3A_515 = arith.constant 0 : i32
          %dma_wait3A_516 = tpu.memref_slice %arg4[%dma_wait3A_514, %dma_wait3A_515] : memref<20000x8xf32, #tpu.memory_space<hbm>> -> memref<20000x8xf32, #tpu.memory_space<hbm>>
          tpu.wait_indirect_dma semaphore(%arg25 : memref<!tpu.dma_semaphore, #tpu.memory_space<semaphore_mem>>) src(%dma_wait3A_516 : memref<20000x8xf32, #tpu.memory_space<hbm>>) dst(%dma_wait3A_511 : memref<128x8xf32, #tpu.memory_space<vmem>>)
        } else {
        }
        %gt3A_241 = arith.constant 512 : i32
        %gt3A_242 = arith.cmpi sgt, %cond3A_94, %gt3A_241 : i32
        %convert_element_type3A_243 = arith.extui %gt3A_242 : i1 to i32
        %cond3A_244 = arith.constant 0 : i32
        %cond3A_245 = arith.cmpi ne, %convert_element_type3A_243, %cond3A_244 : i32
        scf.if %cond3A_245 {
          %dma_wait3A_501 = arith.constant 512 : i32
          %dma_wait3A_502 = arith.constant 0 : i32
          %dma_wait3A_503 = tpu.memref_slice %arg15[%dma_wait3A_501, %dma_wait3A_502] : memref<1024x8xf32, #tpu.memory_space<vmem>> -> memref<128x8xf32, #tpu.memory_space<vmem>>
          %dma_wait3A_504 = arith.constant 512 : i32
          %dma_wait3A_505 = tpu.memref_slice %arg11[%dma_wait3A_504] : memref<1024xi32, #tpu.memory_space<vmem>> -> memref<128xi32, #tpu.memory_space<vmem>>
          %dma_wait3A_506 = arith.constant 0 : i32
          %dma_wait3A_507 = arith.constant 0 : i32
          %dma_wait3A_508 = tpu.memref_slice %arg3[%dma_wait3A_506, %dma_wait3A_507] : memref<1820000x8xf32, #tpu.memory_space<hbm>> -> memref<1820000x8xf32, #tpu.memory_space<hbm>>
          tpu.wait_indirect_dma semaphore(%arg25 : memref<!tpu.dma_semaphore, #tpu.memory_space<semaphore_mem>>) src(%dma_wait3A_508 : memref<1820000x8xf32, #tpu.memory_space<hbm>>) dst(%dma_wait3A_503 : memref<128x8xf32, #tpu.memory_space<vmem>>)
          %dma_wait3A_509 = arith.constant 512 : i32
          %dma_wait3A_510 = arith.constant 0 : i32
          %dma_wait3A_511 = tpu.memref_slice %arg16[%dma_wait3A_509, %dma_wait3A_510] : memref<1024x8xf32, #tpu.memory_space<vmem>> -> memref<128x8xf32, #tpu.memory_space<vmem>>
          %dma_wait3A_512 = arith.constant 512 : i32
          %dma_wait3A_513 = tpu.memref_slice %arg13[%dma_wait3A_512] : memref<1024xi32, #tpu.memory_space<vmem>> -> memref<128xi32, #tpu.memory_space<vmem>>
          %dma_wait3A_514 = arith.constant 0 : i32
          %dma_wait3A_515 = arith.constant 0 : i32
          %dma_wait3A_516 = tpu.memref_slice %arg4[%dma_wait3A_514, %dma_wait3A_515] : memref<20000x8xf32, #tpu.memory_space<hbm>> -> memref<20000x8xf32, #tpu.memory_space<hbm>>
          tpu.wait_indirect_dma semaphore(%arg25 : memref<!tpu.dma_semaphore, #tpu.memory_space<semaphore_mem>>) src(%dma_wait3A_516 : memref<20000x8xf32, #tpu.memory_space<hbm>>) dst(%dma_wait3A_511 : memref<128x8xf32, #tpu.memory_space<vmem>>)
        } else {
        }
        %gt3A_246 = arith.constant 640 : i32
        %gt3A_247 = arith.cmpi sgt, %cond3A_94, %gt3A_246 : i32
        %convert_element_type3A_248 = arith.extui %gt3A_247 : i1 to i32
        %cond3A_249 = arith.constant 0 : i32
        %cond3A_250 = arith.cmpi ne, %convert_element_type3A_248, %cond3A_249 : i32
        scf.if %cond3A_250 {
          %dma_wait3A_501 = arith.constant 640 : i32
          %dma_wait3A_502 = arith.constant 0 : i32
          %dma_wait3A_503 = tpu.memref_slice %arg15[%dma_wait3A_501, %dma_wait3A_502] : memref<1024x8xf32, #tpu.memory_space<vmem>> -> memref<128x8xf32, #tpu.memory_space<vmem>>
          %dma_wait3A_504 = arith.constant 640 : i32
          %dma_wait3A_505 = tpu.memref_slice %arg11[%dma_wait3A_504] : memref<1024xi32, #tpu.memory_space<vmem>> -> memref<128xi32, #tpu.memory_space<vmem>>
          %dma_wait3A_506 = arith.constant 0 : i32
          %dma_wait3A_507 = arith.constant 0 : i32
          %dma_wait3A_508 = tpu.memref_slice %arg3[%dma_wait3A_506, %dma_wait3A_507] : memref<1820000x8xf32, #tpu.memory_space<hbm>> -> memref<1820000x8xf32, #tpu.memory_space<hbm>>
          tpu.wait_indirect_dma semaphore(%arg25 : memref<!tpu.dma_semaphore, #tpu.memory_space<semaphore_mem>>) src(%dma_wait3A_508 : memref<1820000x8xf32, #tpu.memory_space<hbm>>) dst(%dma_wait3A_503 : memref<128x8xf32, #tpu.memory_space<vmem>>)
          %dma_wait3A_509 = arith.constant 640 : i32
          %dma_wait3A_510 = arith.constant 0 : i32
          %dma_wait3A_511 = tpu.memref_slice %arg16[%dma_wait3A_509, %dma_wait3A_510] : memref<1024x8xf32, #tpu.memory_space<vmem>> -> memref<128x8xf32, #tpu.memory_space<vmem>>
          %dma_wait3A_512 = arith.constant 640 : i32
          %dma_wait3A_513 = tpu.memref_slice %arg13[%dma_wait3A_512] : memref<1024xi32, #tpu.memory_space<vmem>> -> memref<128xi32, #tpu.memory_space<vmem>>
          %dma_wait3A_514 = arith.constant 0 : i32
          %dma_wait3A_515 = arith.constant 0 : i32
          %dma_wait3A_516 = tpu.memref_slice %arg4[%dma_wait3A_514, %dma_wait3A_515] : memref<20000x8xf32, #tpu.memory_space<hbm>> -> memref<20000x8xf32, #tpu.memory_space<hbm>>
          tpu.wait_indirect_dma semaphore(%arg25 : memref<!tpu.dma_semaphore, #tpu.memory_space<semaphore_mem>>) src(%dma_wait3A_516 : memref<20000x8xf32, #tpu.memory_space<hbm>>) dst(%dma_wait3A_511 : memref<128x8xf32, #tpu.memory_space<vmem>>)
        } else {
        }
        %gt3A_251 = arith.constant 768 : i32
        %gt3A_252 = arith.cmpi sgt, %cond3A_94, %gt3A_251 : i32
        %convert_element_type3A_253 = arith.extui %gt3A_252 : i1 to i32
        %cond3A_254 = arith.constant 0 : i32
        %cond3A_255 = arith.cmpi ne, %convert_element_type3A_253, %cond3A_254 : i32
        scf.if %cond3A_255 {
          %dma_wait3A_501 = arith.constant 768 : i32
          %dma_wait3A_502 = arith.constant 0 : i32
          %dma_wait3A_503 = tpu.memref_slice %arg15[%dma_wait3A_501, %dma_wait3A_502] : memref<1024x8xf32, #tpu.memory_space<vmem>> -> memref<128x8xf32, #tpu.memory_space<vmem>>
          %dma_wait3A_504 = arith.constant 768 : i32
          %dma_wait3A_505 = tpu.memref_slice %arg11[%dma_wait3A_504] : memref<1024xi32, #tpu.memory_space<vmem>> -> memref<128xi32, #tpu.memory_space<vmem>>
          %dma_wait3A_506 = arith.constant 0 : i32
          %dma_wait3A_507 = arith.constant 0 : i32
          %dma_wait3A_508 = tpu.memref_slice %arg3[%dma_wait3A_506, %dma_wait3A_507] : memref<1820000x8xf32, #tpu.memory_space<hbm>> -> memref<1820000x8xf32, #tpu.memory_space<hbm>>
          tpu.wait_indirect_dma semaphore(%arg25 : memref<!tpu.dma_semaphore, #tpu.memory_space<semaphore_mem>>) src(%dma_wait3A_508 : memref<1820000x8xf32, #tpu.memory_space<hbm>>) dst(%dma_wait3A_503 : memref<128x8xf32, #tpu.memory_space<vmem>>)
          %dma_wait3A_509 = arith.constant 768 : i32
          %dma_wait3A_510 = arith.constant 0 : i32
          %dma_wait3A_511 = tpu.memref_slice %arg16[%dma_wait3A_509, %dma_wait3A_510] : memref<1024x8xf32, #tpu.memory_space<vmem>> -> memref<128x8xf32, #tpu.memory_space<vmem>>
          %dma_wait3A_512 = arith.constant 768 : i32
          %dma_wait3A_513 = tpu.memref_slice %arg13[%dma_wait3A_512] : memref<1024xi32, #tpu.memory_space<vmem>> -> memref<128xi32, #tpu.memory_space<vmem>>
          %dma_wait3A_514 = arith.constant 0 : i32
          %dma_wait3A_515 = arith.constant 0 : i32
          %dma_wait3A_516 = tpu.memref_slice %arg4[%dma_wait3A_514, %dma_wait3A_515] : memref<20000x8xf32, #tpu.memory_space<hbm>> -> memref<20000x8xf32, #tpu.memory_space<hbm>>
          tpu.wait_indirect_dma semaphore(%arg25 : memref<!tpu.dma_semaphore, #tpu.memory_space<semaphore_mem>>) src(%dma_wait3A_516 : memref<20000x8xf32, #tpu.memory_space<hbm>>) dst(%dma_wait3A_511 : memref<128x8xf32, #tpu.memory_space<vmem>>)
        } else {
        }
        %gt3A_256 = arith.constant 896 : i32
        %gt3A_257 = arith.cmpi sgt, %cond3A_94, %gt3A_256 : i32
        %convert_element_type3A_258 = arith.extui %gt3A_257 : i1 to i32
        %cond3A_259 = arith.constant 0 : i32
        %cond3A_260 = arith.cmpi ne, %convert_element_type3A_258, %cond3A_259 : i32
        scf.if %cond3A_260 {
          %dma_wait3A_501 = arith.constant 896 : i32
          %dma_wait3A_502 = arith.constant 0 : i32
          %dma_wait3A_503 = tpu.memref_slice %arg15[%dma_wait3A_501, %dma_wait3A_502] : memref<1024x8xf32, #tpu.memory_space<vmem>> -> memref<128x8xf32, #tpu.memory_space<vmem>>
          %dma_wait3A_504 = arith.constant 896 : i32
          %dma_wait3A_505 = tpu.memref_slice %arg11[%dma_wait3A_504] : memref<1024xi32, #tpu.memory_space<vmem>> -> memref<128xi32, #tpu.memory_space<vmem>>
          %dma_wait3A_506 = arith.constant 0 : i32
          %dma_wait3A_507 = arith.constant 0 : i32
          %dma_wait3A_508 = tpu.memref_slice %arg3[%dma_wait3A_506, %dma_wait3A_507] : memref<1820000x8xf32, #tpu.memory_space<hbm>> -> memref<1820000x8xf32, #tpu.memory_space<hbm>>
          tpu.wait_indirect_dma semaphore(%arg25 : memref<!tpu.dma_semaphore, #tpu.memory_space<semaphore_mem>>) src(%dma_wait3A_508 : memref<1820000x8xf32, #tpu.memory_space<hbm>>) dst(%dma_wait3A_503 : memref<128x8xf32, #tpu.memory_space<vmem>>)
          %dma_wait3A_509 = arith.constant 896 : i32
          %dma_wait3A_510 = arith.constant 0 : i32
          %dma_wait3A_511 = tpu.memref_slice %arg16[%dma_wait3A_509, %dma_wait3A_510] : memref<1024x8xf32, #tpu.memory_space<vmem>> -> memref<128x8xf32, #tpu.memory_space<vmem>>
          %dma_wait3A_512 = arith.constant 896 : i32
          %dma_wait3A_513 = tpu.memref_slice %arg13[%dma_wait3A_512] : memref<1024xi32, #tpu.memory_space<vmem>> -> memref<128xi32, #tpu.memory_space<vmem>>
          %dma_wait3A_514 = arith.constant 0 : i32
          %dma_wait3A_515 = arith.constant 0 : i32
          %dma_wait3A_516 = tpu.memref_slice %arg4[%dma_wait3A_514, %dma_wait3A_515] : memref<20000x8xf32, #tpu.memory_space<hbm>> -> memref<20000x8xf32, #tpu.memory_space<hbm>>
          tpu.wait_indirect_dma semaphore(%arg25 : memref<!tpu.dma_semaphore, #tpu.memory_space<semaphore_mem>>) src(%dma_wait3A_516 : memref<20000x8xf32, #tpu.memory_space<hbm>>) dst(%dma_wait3A_511 : memref<128x8xf32, #tpu.memory_space<vmem>>)
        } else {
        }
        %mul3A_261 = arith.constant 8 : i32
        %mul3A_262 = arith.muli %mul3A_261, %select_n3A_57 : i32
        %broadcast_in_dim3A_263 = vector.broadcast %mul3A_262 : i32 to vector<16xi32>
        %gather3A = tpu.vector_load_idx %arg24[%broadcast_in_dim3A_263] : memref<64xf32, #tpu.memory_space<vmem>>[vector<16xi32>], vector<16xf32>,
        %mul3A_264 = arith.constant 8 : i32
        %mul3A_265 = arith.muli %mul3A_264, %select_n3A_57 : i32
        %add3A_266 = arith.constant 1 : i32
        %add3A_267 = arith.addi %mul3A_265, %add3A_266 : i32
        %broadcast_in_dim3A_268 = vector.broadcast %add3A_267 : i32 to vector<16xi32>
        %gather3A_269 = tpu.vector_load_idx %arg24[%broadcast_in_dim3A_268] : memref<64xf32, #tpu.memory_space<vmem>>[vector<16xi32>], vector<16xf32>,
        %while3A = arith.constant 0 : i32
        %while3A_270 = arith.constant 0 : i32
        %while3A_271 = arith.subi %select_n3A_140, %while3A : i32
        %while3A_272 = arith.addi %while3A, %while3A_271 : i32
        %while3A_273 = arith.constant 1 : i32
        %while3A_274 = arith.divsi %while3A_271, %while3A_273 : i32
        %while3A_275 = arith.muli %while3A_274, %while3A_273 : i32
        %while3A_276 = arith.addi %while3A, %while3A_275 : i32
        %while3A_277 = arith.constant 1 : i32
        %while3A_278 = scf.for %while3A_501 = %while3A to %while3A_276 step %while3A_277 iter_args(%while3A_502 = %while3A_270) -> (i32)  : i32 {
          %mul3A_503 = arith.constant 16 : i32
          %mul3A_504 = arith.muli %mul3A_503, %while3A_501 : i32
          %add3A_505 = vector.broadcast %mul3A_504 : i32 to vector<16xi32>
          %add3A_506 = arith.addi %add3A_505, %iota3A : vector<16xi32>
          %get3A = arith.index_cast %mul3A_504 : i32 to index
          %get3A_507 = tpu.vector_load %arg12[%get3A] {strides = array<i32>} : memref<1024xi32, #tpu.memory_space<vmem>>, vector<16xi32>,
          %get3A_508 = arith.index_cast %mul3A_504 : i32 to index
          %get3A_509 = tpu.vector_load %arg14[%get3A_508] {strides = array<i32>} : memref<1024xi32, #tpu.memory_space<vmem>>, vector<16xi32>,
          %gather3A_510 = tpu.vector_load_idx %arg15[%add3A_506, %get3A_507] : memref<1024x8xf32, #tpu.memory_space<vmem>>[vector<16xi32>, vector<16xi32>], vector<16xf32>,
          %add3A_511 = arith.constant 1 : i32
          %add3A_512 = vector.broadcast %add3A_511 : i32 to vector<16xi32>
          %add3A_513 = arith.addi %get3A_507, %add3A_512 : vector<16xi32>
          %gather3A_514 = tpu.vector_load_idx %arg15[%add3A_506, %add3A_513] : memref<1024x8xf32, #tpu.memory_space<vmem>>[vector<16xi32>, vector<16xi32>], vector<16xf32>,
          %add3A_515 = arith.constant 2 : i32
          %add3A_516 = vector.broadcast %add3A_515 : i32 to vector<16xi32>
          %add3A_517 = arith.addi %get3A_507, %add3A_516 : vector<16xi32>
          %gather3A_518 = tpu.vector_load_idx %arg15[%add3A_506, %add3A_517] : memref<1024x8xf32, #tpu.memory_space<vmem>>[vector<16xi32>, vector<16xi32>], vector<16xf32>,
          %add3A_519 = arith.constant 3 : i32
          %add3A_520 = vector.broadcast %add3A_519 : i32 to vector<16xi32>
          %add3A_521 = arith.addi %get3A_507, %add3A_520 : vector<16xi32>
          %gather3A_522 = tpu.vector_load_idx %arg15[%add3A_506, %add3A_521] : memref<1024x8xf32, #tpu.memory_space<vmem>>[vector<16xi32>, vector<16xi32>], vector<16xf32>,
          %gather3A_523 = tpu.vector_load_idx %arg16[%add3A_506, %get3A_509] : memref<1024x8xf32, #tpu.memory_space<vmem>>[vector<16xi32>, vector<16xi32>], vector<16xf32>,
          %add3A_524 = arith.constant 1 : i32
          %add3A_525 = vector.broadcast %add3A_524 : i32 to vector<16xi32>
          %add3A_526 = arith.addi %get3A_509, %add3A_525 : vector<16xi32>
          %gather3A_527 = tpu.vector_load_idx %arg16[%add3A_506, %add3A_526] : memref<1024x8xf32, #tpu.memory_space<vmem>>[vector<16xi32>, vector<16xi32>], vector<16xf32>,
          %add3A_528 = arith.constant 2 : i32
          %add3A_529 = vector.broadcast %add3A_528 : i32 to vector<16xi32>
          %add3A_530 = arith.addi %get3A_509, %add3A_529 : vector<16xi32>
          %gather3A_531 = tpu.vector_load_idx %arg16[%add3A_506, %add3A_530] : memref<1024x8xf32, #tpu.memory_space<vmem>>[vector<16xi32>, vector<16xi32>], vector<16xf32>,
          %add3A_532 = arith.constant 3 : i32
          %add3A_533 = vector.broadcast %add3A_532 : i32 to vector<16xi32>
          %add3A_534 = arith.addi %get3A_509, %add3A_533 : vector<16xi32>
          %gather3A_535 = tpu.vector_load_idx %arg16[%add3A_506, %add3A_534] : memref<1024x8xf32, #tpu.memory_space<vmem>>[vector<16xi32>, vector<16xi32>], vector<16xf32>,
          %min3A = arith.constant 4.13516665 : f32
          %min3A_536 = vector.broadcast %min3A : f32 to vector<16xf32>
          %min3A_537 = arith.minimumf %gather3A_518, %min3A_536 : vector<16xf32>
          %min3A_538 = arith.constant 4.13516665 : f32
          %min3A_539 = vector.broadcast %min3A_538 : f32 to vector<16xf32>
          %min3A_540 = arith.minimumf %gather3A_522, %min3A_539 : vector<16xf32>
          %sub3A_541 = arith.subf %gather3A_531, %gather3A_523 : vector<16xf32>
          %add3A_542 = arith.constant 1.000000e+00 : f32
          %add3A_543 = vector.broadcast %add3A_542 : f32 to vector<16xf32>
          %add3A_544 = arith.addf %sub3A_541, %add3A_543 : vector<16xf32>
          %sub3A_545 = arith.subf %gather3A_535, %gather3A_527 : vector<16xf32>
          %add3A_546 = arith.constant 1.000000e+00 : f32
          %add3A_547 = vector.broadcast %add3A_546 : f32 to vector<16xf32>
          %add3A_548 = arith.addf %sub3A_545, %add3A_547 : vector<16xf32>
          %mul3A_549 = arith.mulf %gather3A_510, %add3A_544 : vector<16xf32>
          %mul3A_550 = arith.constant 5.000000e-01 : f32
          %mul3A_551 = vector.broadcast %mul3A_550 : f32 to vector<16xf32>
          %mul3A_552 = arith.mulf %mul3A_551, %add3A_544 : vector<16xf32>
          %add3A_553 = arith.addf %gather3A_523, %mul3A_552 : vector<16xf32>
          %add3A_554 = arith.addf %mul3A_549, %add3A_553 : vector<16xf32>
          %mul3A_555 = arith.mulf %gather3A_514, %add3A_548 : vector<16xf32>
          %mul3A_556 = arith.constant 5.000000e-01 : f32
          %mul3A_557 = vector.broadcast %mul3A_556 : f32 to vector<16xf32>
          %mul3A_558 = arith.mulf %mul3A_557, %add3A_548 : vector<16xf32>
          %add3A_559 = arith.addf %gather3A_527, %mul3A_558 : vector<16xf32>
          %add3A_560 = arith.addf %mul3A_555, %add3A_559 : vector<16xf32>
          %exp3A = math.exp %min3A_537 : vector<16xf32>
          %mul3A_561 = arith.mulf %exp3A, %add3A_544 : vector<16xf32>
          %exp3A_562 = math.exp %min3A_540 : vector<16xf32>
          %mul3A_563 = arith.mulf %exp3A_562, %add3A_548 : vector<16xf32>
          %mul3A_564 = arith.constant 5.000000e-01 : f32
          %mul3A_565 = vector.broadcast %mul3A_564 : f32 to vector<16xf32>
          %mul3A_566 = arith.mulf %mul3A_565, %mul3A_561 : vector<16xf32>
          %sub3A_567 = arith.subf %add3A_554, %mul3A_566 : vector<16xf32>
          %mul3A_568 = arith.constant 5.000000e-01 : f32
          %mul3A_569 = vector.broadcast %mul3A_568 : f32 to vector<16xf32>
          %mul3A_570 = arith.mulf %mul3A_569, %mul3A_563 : vector<16xf32>
          %sub3A_571 = arith.subf %add3A_560, %mul3A_570 : vector<16xf32>
          %add3A_572 = arith.addf %sub3A_567, %mul3A_561 : vector<16xf32>
          %sub3A_573 = arith.constant 1.000000e+00 : f32
          %sub3A_574 = vector.broadcast %sub3A_573 : f32 to vector<16xf32>
          %sub3A_575 = arith.subf %add3A_572, %sub3A_574 : vector<16xf32>
          %add3A_576 = arith.addf %sub3A_571, %mul3A_563 : vector<16xf32>
          %sub3A_577 = arith.constant 1.000000e+00 : f32
          %sub3A_578 = vector.broadcast %sub3A_577 : f32 to vector<16xf32>
          %sub3A_579 = arith.subf %add3A_576, %sub3A_578 : vector<16xf32>
          %max3A = arith.constant 0.000000e+00 : f32
          %max3A_580 = vector.broadcast %max3A : f32 to vector<16xf32>
          %max3A_581 = arith.maximumf %sub3A_567, %max3A_580 : vector<16xf32>
          %min3A_582 = arith.minimumf %max3A_581, %gather3A : vector<16xf32>
          %max3A_583 = arith.constant 0.000000e+00 : f32
          %max3A_584 = vector.broadcast %max3A_583 : f32 to vector<16xf32>
          %max3A_585 = arith.maximumf %sub3A_571, %max3A_584 : vector<16xf32>
          %min3A_586 = arith.minimumf %max3A_585, %gather3A_269 : vector<16xf32>
          %max3A_587 = arith.constant 0.000000e+00 : f32
          %max3A_588 = vector.broadcast %max3A_587 : f32 to vector<16xf32>
          %max3A_589 = arith.maximumf %sub3A_575, %max3A_588 : vector<16xf32>
          %min3A_590 = arith.minimumf %max3A_589, %gather3A : vector<16xf32>
          %max3A_591 = arith.constant 0.000000e+00 : f32
          %max3A_592 = vector.broadcast %max3A_591 : f32 to vector<16xf32>
          %max3A_593 = arith.maximumf %sub3A_579, %max3A_592 : vector<16xf32>
          %min3A_594 = arith.minimumf %max3A_593, %gather3A_269 : vector<16xf32>
          %swap3A_595 = arith.index_cast %mul3A_504 : i32 to index
          %swap3A_596 = tpu.vector_load %arg17[%swap3A_595] {strides = array<i32>} : memref<1072xf32, #tpu.memory_space<vmem>>, vector<16xf32>,
          tpu.vector_store %arg17[%swap3A_595], %min3A_582 {strides = array<i32>} : memref<1072xf32, #tpu.memory_space<vmem>>, vector<16xf32>,
          %swap3A_597 = arith.index_cast %mul3A_504 : i32 to index
          %swap3A_598 = tpu.vector_load %arg18[%swap3A_597] {strides = array<i32>} : memref<1072xf32, #tpu.memory_space<vmem>>, vector<16xf32>,
          tpu.vector_store %arg18[%swap3A_597], %min3A_586 {strides = array<i32>} : memref<1072xf32, #tpu.memory_space<vmem>>, vector<16xf32>,
          %swap3A_599 = arith.index_cast %mul3A_504 : i32 to index
          %swap3A_600 = tpu.vector_load %arg19[%swap3A_599] {strides = array<i32>} : memref<1072xf32, #tpu.memory_space<vmem>>, vector<16xf32>,
          tpu.vector_store %arg19[%swap3A_599], %min3A_590 {strides = array<i32>} : memref<1072xf32, #tpu.memory_space<vmem>>, vector<16xf32>,
          %swap3A_601 = arith.index_cast %mul3A_504 : i32 to index
          %swap3A_602 = tpu.vector_load %arg20[%swap3A_601] {strides = array<i32>} : memref<1072xf32, #tpu.memory_space<vmem>>, vector<16xf32>,
          tpu.vector_store %arg20[%swap3A_601], %min3A_594 {strides = array<i32>} : memref<1072xf32, #tpu.memory_space<vmem>>, vector<16xf32>,
          %sub3A_603 = arith.subf %min3A_590, %min3A_582 : vector<16xf32>
          %max3A_604 = arith.constant 0.000000e+00 : f32
          %max3A_605 = vector.broadcast %max3A_604 : f32 to vector<16xf32>
          %max3A_606 = arith.maximumf %sub3A_603, %max3A_605 : vector<16xf32>
          %sub3A_607 = arith.subf %min3A_594, %min3A_586 : vector<16xf32>
          %max3A_608 = arith.constant 0.000000e+00 : f32
          %max3A_609 = vector.broadcast %max3A_608 : f32 to vector<16xf32>
          %max3A_610 = arith.maximumf %sub3A_607, %max3A_609 : vector<16xf32>
          %mul3A_611 = arith.mulf %max3A_606, %max3A_610 : vector<16xf32>
          %swap3A_612 = arith.index_cast %mul3A_504 : i32 to index
          %swap3A_613 = tpu.vector_load %arg21[%swap3A_612] {strides = array<i32>} : memref<1072xf32, #tpu.memory_space<vmem>>, vector<16xf32>,
          tpu.vector_store %arg21[%swap3A_612], %mul3A_611 {strides = array<i32>} : memref<1072xf32, #tpu.memory_space<vmem>>, vector<16xf32>,
          %while3A_614 = arith.constant 0 : i32
          scf.yield %while3A_614 : i32
        }
        %while3A_279 = arith.constant 1 : i32
        %while3A_280 = scf.for %while3A_501 = %while3A_276 to %while3A_272 step %while3A_279 iter_args(%while3A_502 = %while3A_278) -> (i32)  : i32 {
          %mul3A_503 = arith.constant 16 : i32
          %mul3A_504 = arith.muli %mul3A_503, %while3A_501 : i32
          %add3A_505 = vector.broadcast %mul3A_504 : i32 to vector<16xi32>
          %add3A_506 = arith.addi %add3A_505, %iota3A : vector<16xi32>
          %get3A = arith.index_cast %mul3A_504 : i32 to index
          %get3A_507 = tpu.vector_load %arg12[%get3A] {strides = array<i32>} : memref<1024xi32, #tpu.memory_space<vmem>>, vector<16xi32>,
          %get3A_508 = arith.index_cast %mul3A_504 : i32 to index
          %get3A_509 = tpu.vector_load %arg14[%get3A_508] {strides = array<i32>} : memref<1024xi32, #tpu.memory_space<vmem>>, vector<16xi32>,
          %gather3A_510 = tpu.vector_load_idx %arg15[%add3A_506, %get3A_507] : memref<1024x8xf32, #tpu.memory_space<vmem>>[vector<16xi32>, vector<16xi32>], vector<16xf32>,
          %add3A_511 = arith.constant 1 : i32
          %add3A_512 = vector.broadcast %add3A_511 : i32 to vector<16xi32>
          %add3A_513 = arith.addi %get3A_507, %add3A_512 : vector<16xi32>
          %gather3A_514 = tpu.vector_load_idx %arg15[%add3A_506, %add3A_513] : memref<1024x8xf32, #tpu.memory_space<vmem>>[vector<16xi32>, vector<16xi32>], vector<16xf32>,
          %add3A_515 = arith.constant 2 : i32
          %add3A_516 = vector.broadcast %add3A_515 : i32 to vector<16xi32>
          %add3A_517 = arith.addi %get3A_507, %add3A_516 : vector<16xi32>
          %gather3A_518 = tpu.vector_load_idx %arg15[%add3A_506, %add3A_517] : memref<1024x8xf32, #tpu.memory_space<vmem>>[vector<16xi32>, vector<16xi32>], vector<16xf32>,
          %add3A_519 = arith.constant 3 : i32
          %add3A_520 = vector.broadcast %add3A_519 : i32 to vector<16xi32>
          %add3A_521 = arith.addi %get3A_507, %add3A_520 : vector<16xi32>
          %gather3A_522 = tpu.vector_load_idx %arg15[%add3A_506, %add3A_521] : memref<1024x8xf32, #tpu.memory_space<vmem>>[vector<16xi32>, vector<16xi32>], vector<16xf32>,
          %gather3A_523 = tpu.vector_load_idx %arg16[%add3A_506, %get3A_509] : memref<1024x8xf32, #tpu.memory_space<vmem>>[vector<16xi32>, vector<16xi32>], vector<16xf32>,
          %add3A_524 = arith.constant 1 : i32
          %add3A_525 = vector.broadcast %add3A_524 : i32 to vector<16xi32>
          %add3A_526 = arith.addi %get3A_509, %add3A_525 : vector<16xi32>
          %gather3A_527 = tpu.vector_load_idx %arg16[%add3A_506, %add3A_526] : memref<1024x8xf32, #tpu.memory_space<vmem>>[vector<16xi32>, vector<16xi32>], vector<16xf32>,
          %add3A_528 = arith.constant 2 : i32
          %add3A_529 = vector.broadcast %add3A_528 : i32 to vector<16xi32>
          %add3A_530 = arith.addi %get3A_509, %add3A_529 : vector<16xi32>
          %gather3A_531 = tpu.vector_load_idx %arg16[%add3A_506, %add3A_530] : memref<1024x8xf32, #tpu.memory_space<vmem>>[vector<16xi32>, vector<16xi32>], vector<16xf32>,
          %add3A_532 = arith.constant 3 : i32
          %add3A_533 = vector.broadcast %add3A_532 : i32 to vector<16xi32>
          %add3A_534 = arith.addi %get3A_509, %add3A_533 : vector<16xi32>
          %gather3A_535 = tpu.vector_load_idx %arg16[%add3A_506, %add3A_534] : memref<1024x8xf32, #tpu.memory_space<vmem>>[vector<16xi32>, vector<16xi32>], vector<16xf32>,
          %min3A = arith.constant 4.13516665 : f32
          %min3A_536 = vector.broadcast %min3A : f32 to vector<16xf32>
          %min3A_537 = arith.minimumf %gather3A_518, %min3A_536 : vector<16xf32>
          %min3A_538 = arith.constant 4.13516665 : f32
          %min3A_539 = vector.broadcast %min3A_538 : f32 to vector<16xf32>
          %min3A_540 = arith.minimumf %gather3A_522, %min3A_539 : vector<16xf32>
          %sub3A_541 = arith.subf %gather3A_531, %gather3A_523 : vector<16xf32>
          %add3A_542 = arith.constant 1.000000e+00 : f32
          %add3A_543 = vector.broadcast %add3A_542 : f32 to vector<16xf32>
          %add3A_544 = arith.addf %sub3A_541, %add3A_543 : vector<16xf32>
          %sub3A_545 = arith.subf %gather3A_535, %gather3A_527 : vector<16xf32>
          %add3A_546 = arith.constant 1.000000e+00 : f32
          %add3A_547 = vector.broadcast %add3A_546 : f32 to vector<16xf32>
          %add3A_548 = arith.addf %sub3A_545, %add3A_547 : vector<16xf32>
          %mul3A_549 = arith.mulf %gather3A_510, %add3A_544 : vector<16xf32>
          %mul3A_550 = arith.constant 5.000000e-01 : f32
          %mul3A_551 = vector.broadcast %mul3A_550 : f32 to vector<16xf32>
          %mul3A_552 = arith.mulf %mul3A_551, %add3A_544 : vector<16xf32>
          %add3A_553 = arith.addf %gather3A_523, %mul3A_552 : vector<16xf32>
          %add3A_554 = arith.addf %mul3A_549, %add3A_553 : vector<16xf32>
          %mul3A_555 = arith.mulf %gather3A_514, %add3A_548 : vector<16xf32>
          %mul3A_556 = arith.constant 5.000000e-01 : f32
          %mul3A_557 = vector.broadcast %mul3A_556 : f32 to vector<16xf32>
          %mul3A_558 = arith.mulf %mul3A_557, %add3A_548 : vector<16xf32>
          %add3A_559 = arith.addf %gather3A_527, %mul3A_558 : vector<16xf32>
          %add3A_560 = arith.addf %mul3A_555, %add3A_559 : vector<16xf32>
          %exp3A = math.exp %min3A_537 : vector<16xf32>
          %mul3A_561 = arith.mulf %exp3A, %add3A_544 : vector<16xf32>
          %exp3A_562 = math.exp %min3A_540 : vector<16xf32>
          %mul3A_563 = arith.mulf %exp3A_562, %add3A_548 : vector<16xf32>
          %mul3A_564 = arith.constant 5.000000e-01 : f32
          %mul3A_565 = vector.broadcast %mul3A_564 : f32 to vector<16xf32>
          %mul3A_566 = arith.mulf %mul3A_565, %mul3A_561 : vector<16xf32>
          %sub3A_567 = arith.subf %add3A_554, %mul3A_566 : vector<16xf32>
          %mul3A_568 = arith.constant 5.000000e-01 : f32
          %mul3A_569 = vector.broadcast %mul3A_568 : f32 to vector<16xf32>
          %mul3A_570 = arith.mulf %mul3A_569, %mul3A_563 : vector<16xf32>
          %sub3A_571 = arith.subf %add3A_560, %mul3A_570 : vector<16xf32>
          %add3A_572 = arith.addf %sub3A_567, %mul3A_561 : vector<16xf32>
          %sub3A_573 = arith.constant 1.000000e+00 : f32
          %sub3A_574 = vector.broadcast %sub3A_573 : f32 to vector<16xf32>
          %sub3A_575 = arith.subf %add3A_572, %sub3A_574 : vector<16xf32>
          %add3A_576 = arith.addf %sub3A_571, %mul3A_563 : vector<16xf32>
          %sub3A_577 = arith.constant 1.000000e+00 : f32
          %sub3A_578 = vector.broadcast %sub3A_577 : f32 to vector<16xf32>
          %sub3A_579 = arith.subf %add3A_576, %sub3A_578 : vector<16xf32>
          %max3A = arith.constant 0.000000e+00 : f32
          %max3A_580 = vector.broadcast %max3A : f32 to vector<16xf32>
          %max3A_581 = arith.maximumf %sub3A_567, %max3A_580 : vector<16xf32>
          %min3A_582 = arith.minimumf %max3A_581, %gather3A : vector<16xf32>
          %max3A_583 = arith.constant 0.000000e+00 : f32
          %max3A_584 = vector.broadcast %max3A_583 : f32 to vector<16xf32>
          %max3A_585 = arith.maximumf %sub3A_571, %max3A_584 : vector<16xf32>
          %min3A_586 = arith.minimumf %max3A_585, %gather3A_269 : vector<16xf32>
          %max3A_587 = arith.constant 0.000000e+00 : f32
          %max3A_588 = vector.broadcast %max3A_587 : f32 to vector<16xf32>
          %max3A_589 = arith.maximumf %sub3A_575, %max3A_588 : vector<16xf32>
          %min3A_590 = arith.minimumf %max3A_589, %gather3A : vector<16xf32>
          %max3A_591 = arith.constant 0.000000e+00 : f32
          %max3A_592 = vector.broadcast %max3A_591 : f32 to vector<16xf32>
          %max3A_593 = arith.maximumf %sub3A_579, %max3A_592 : vector<16xf32>
          %min3A_594 = arith.minimumf %max3A_593, %gather3A_269 : vector<16xf32>
          %swap3A_595 = arith.index_cast %mul3A_504 : i32 to index
          %swap3A_596 = tpu.vector_load %arg17[%swap3A_595] {strides = array<i32>} : memref<1072xf32, #tpu.memory_space<vmem>>, vector<16xf32>,
          tpu.vector_store %arg17[%swap3A_595], %min3A_582 {strides = array<i32>} : memref<1072xf32, #tpu.memory_space<vmem>>, vector<16xf32>,
          %swap3A_597 = arith.index_cast %mul3A_504 : i32 to index
          %swap3A_598 = tpu.vector_load %arg18[%swap3A_597] {strides = array<i32>} : memref<1072xf32, #tpu.memory_space<vmem>>, vector<16xf32>,
          tpu.vector_store %arg18[%swap3A_597], %min3A_586 {strides = array<i32>} : memref<1072xf32, #tpu.memory_space<vmem>>, vector<16xf32>,
          %swap3A_599 = arith.index_cast %mul3A_504 : i32 to index
          %swap3A_600 = tpu.vector_load %arg19[%swap3A_599] {strides = array<i32>} : memref<1072xf32, #tpu.memory_space<vmem>>, vector<16xf32>,
          tpu.vector_store %arg19[%swap3A_599], %min3A_590 {strides = array<i32>} : memref<1072xf32, #tpu.memory_space<vmem>>, vector<16xf32>,
          %swap3A_601 = arith.index_cast %mul3A_504 : i32 to index
          %swap3A_602 = tpu.vector_load %arg20[%swap3A_601] {strides = array<i32>} : memref<1072xf32, #tpu.memory_space<vmem>>, vector<16xf32>,
          tpu.vector_store %arg20[%swap3A_601], %min3A_594 {strides = array<i32>} : memref<1072xf32, #tpu.memory_space<vmem>>, vector<16xf32>,
          %sub3A_603 = arith.subf %min3A_590, %min3A_582 : vector<16xf32>
          %max3A_604 = arith.constant 0.000000e+00 : f32
          %max3A_605 = vector.broadcast %max3A_604 : f32 to vector<16xf32>
          %max3A_606 = arith.maximumf %sub3A_603, %max3A_605 : vector<16xf32>
          %sub3A_607 = arith.subf %min3A_594, %min3A_586 : vector<16xf32>
          %max3A_608 = arith.constant 0.000000e+00 : f32
          %max3A_609 = vector.broadcast %max3A_608 : f32 to vector<16xf32>
          %max3A_610 = arith.maximumf %sub3A_607, %max3A_609 : vector<16xf32>
          %mul3A_611 = arith.mulf %max3A_606, %max3A_610 : vector<16xf32>
          %swap3A_612 = arith.index_cast %mul3A_504 : i32 to index
          %swap3A_613 = tpu.vector_load %arg21[%swap3A_612] {strides = array<i32>} : memref<1072xf32, #tpu.memory_space<vmem>>, vector<16xf32>,
          tpu.vector_store %arg21[%swap3A_612], %mul3A_611 {strides = array<i32>} : memref<1072xf32, #tpu.memory_space<vmem>>, vector<16xf32>,
          %while3A_614 = arith.constant 0 : i32
          scf.yield %while3A_614 : i32
        }
        %broadcast_in_dim3A_281 = arith.constant -1.000000e+00 : f32
        %broadcast_in_dim3A_282 = vector.broadcast %broadcast_in_dim3A_281 : f32 to vector<16xf32>
        %swap3A = arith.constant 0 : index
        %swap3A_283 = tpu.vector_load %arg22[%swap3A] {strides = array<i32>} : memref<144xf32, #tpu.memory_space<vmem>>, vector<16xf32>,
        tpu.vector_store %arg22[%swap3A], %broadcast_in_dim3A_282 {strides = array<i32>} : memref<144xf32, #tpu.memory_space<vmem>>, vector<16xf32>,
        %broadcast_in_dim3A_284 = arith.constant -1.000000e+00 : f32
        %broadcast_in_dim3A_285 = vector.broadcast %broadcast_in_dim3A_284 : f32 to vector<16xf32>
        %swap3A_286 = arith.constant 16 : index
        %swap3A_287 = tpu.vector_load %arg22[%swap3A_286] {strides = array<i32>} : memref<144xf32, #tpu.memory_space<vmem>>, vector<16xf32>,
        tpu.vector_store %arg22[%swap3A_286], %broadcast_in_dim3A_285 {strides = array<i32>} : memref<144xf32, #tpu.memory_space<vmem>>, vector<16xf32>,
        %broadcast_in_dim3A_288 = arith.constant -1.000000e+00 : f32
        %broadcast_in_dim3A_289 = vector.broadcast %broadcast_in_dim3A_288 : f32 to vector<16xf32>
        %swap3A_290 = arith.constant 32 : index
        %swap3A_291 = tpu.vector_load %arg22[%swap3A_290] {strides = array<i32>} : memref<144xf32, #tpu.memory_space<vmem>>, vector<16xf32>,
        tpu.vector_store %arg22[%swap3A_290], %broadcast_in_dim3A_289 {strides = array<i32>} : memref<144xf32, #tpu.memory_space<vmem>>, vector<16xf32>,
        %broadcast_in_dim3A_292 = arith.constant -1.000000e+00 : f32
        %broadcast_in_dim3A_293 = vector.broadcast %broadcast_in_dim3A_292 : f32 to vector<16xf32>
        %swap3A_294 = arith.constant 48 : index
        %swap3A_295 = tpu.vector_load %arg22[%swap3A_294] {strides = array<i32>} : memref<144xf32, #tpu.memory_space<vmem>>, vector<16xf32>,
        tpu.vector_store %arg22[%swap3A_294], %broadcast_in_dim3A_293 {strides = array<i32>} : memref<144xf32, #tpu.memory_space<vmem>>, vector<16xf32>,
        %broadcast_in_dim3A_296 = arith.constant -1.000000e+00 : f32
        %broadcast_in_dim3A_297 = vector.broadcast %broadcast_in_dim3A_296 : f32 to vector<16xf32>
        %swap3A_298 = arith.constant 64 : index
        %swap3A_299 = tpu.vector_load %arg22[%swap3A_298] {strides = array<i32>} : memref<144xf32, #tpu.memory_space<vmem>>, vector<16xf32>,
        tpu.vector_store %arg22[%swap3A_298], %broadcast_in_dim3A_297 {strides = array<i32>} : memref<144xf32, #tpu.memory_space<vmem>>, vector<16xf32>,
        %broadcast_in_dim3A_300 = arith.constant -1.000000e+00 : f32
        %broadcast_in_dim3A_301 = vector.broadcast %broadcast_in_dim3A_300 : f32 to vector<16xf32>
        %swap3A_302 = arith.constant 80 : index
        %swap3A_303 = tpu.vector_load %arg22[%swap3A_302] {strides = array<i32>} : memref<144xf32, #tpu.memory_space<vmem>>, vector<16xf32>,
        tpu.vector_store %arg22[%swap3A_302], %broadcast_in_dim3A_301 {strides = array<i32>} : memref<144xf32, #tpu.memory_space<vmem>>, vector<16xf32>,
        %broadcast_in_dim3A_304 = arith.constant -1.000000e+00 : f32
        %broadcast_in_dim3A_305 = vector.broadcast %broadcast_in_dim3A_304 : f32 to vector<16xf32>
        %swap3A_306 = arith.constant 96 : index
        %swap3A_307 = tpu.vector_load %arg22[%swap3A_306] {strides = array<i32>} : memref<144xf32, #tpu.memory_space<vmem>>, vector<16xf32>,
        tpu.vector_store %arg22[%swap3A_306], %broadcast_in_dim3A_305 {strides = array<i32>} : memref<144xf32, #tpu.memory_space<vmem>>, vector<16xf32>,
        %broadcast_in_dim3A_308 = arith.constant -1.000000e+00 : f32
        %broadcast_in_dim3A_309 = vector.broadcast %broadcast_in_dim3A_308 : f32 to vector<16xf32>
        %swap3A_310 = arith.constant 112 : index
        %swap3A_311 = tpu.vector_load %arg22[%swap3A_310] {strides = array<i32>} : memref<144xf32, #tpu.memory_space<vmem>>, vector<16xf32>,
        tpu.vector_store %arg22[%swap3A_310], %broadcast_in_dim3A_309 {strides = array<i32>} : memref<144xf32, #tpu.memory_space<vmem>>, vector<16xf32>,
        %broadcast_in_dim3A_312 = arith.constant -1.000000e+00 : f32
        %broadcast_in_dim3A_313 = vector.broadcast %broadcast_in_dim3A_312 : f32 to vector<16xf32>
        %swap3A_314 = arith.constant 128 : index
        %swap3A_315 = tpu.vector_load %arg22[%swap3A_314] {strides = array<i32>} : memref<144xf32, #tpu.memory_space<vmem>>, vector<16xf32>,
        tpu.vector_store %arg22[%swap3A_314], %broadcast_in_dim3A_313 {strides = array<i32>} : memref<144xf32, #tpu.memory_space<vmem>>, vector<16xf32>,
        %broadcast_in_dim3A_316 = arith.constant 0.000000e+00 : f32
        %broadcast_in_dim3A_317 = vector.broadcast %broadcast_in_dim3A_316 : f32 to vector<16xf32>
        %swap3A_318 = arith.constant 0 : index
        %swap3A_319 = tpu.vector_load %arg23[%swap3A_318] {strides = array<i32>} : memref<512xf32, #tpu.memory_space<vmem>>, vector<16xf32>,
        tpu.vector_store %arg23[%swap3A_318], %broadcast_in_dim3A_317 {strides = array<i32>} : memref<512xf32, #tpu.memory_space<vmem>>, vector<16xf32>,
        %broadcast_in_dim3A_320 = arith.constant 0.000000e+00 : f32
        %broadcast_in_dim3A_321 = vector.broadcast %broadcast_in_dim3A_320 : f32 to vector<16xf32>
        %swap3A_322 = arith.constant 16 : index
        %swap3A_323 = tpu.vector_load %arg23[%swap3A_322] {strides = array<i32>} : memref<512xf32, #tpu.memory_space<vmem>>, vector<16xf32>,
        tpu.vector_store %arg23[%swap3A_322], %broadcast_in_dim3A_321 {strides = array<i32>} : memref<512xf32, #tpu.memory_space<vmem>>, vector<16xf32>,
        %broadcast_in_dim3A_324 = arith.constant 0.000000e+00 : f32
        %broadcast_in_dim3A_325 = vector.broadcast %broadcast_in_dim3A_324 : f32 to vector<16xf32>
        %swap3A_326 = arith.constant 32 : index
        %swap3A_327 = tpu.vector_load %arg23[%swap3A_326] {strides = array<i32>} : memref<512xf32, #tpu.memory_space<vmem>>, vector<16xf32>,
        tpu.vector_store %arg23[%swap3A_326], %broadcast_in_dim3A_325 {strides = array<i32>} : memref<512xf32, #tpu.memory_space<vmem>>, vector<16xf32>,
        %broadcast_in_dim3A_328 = arith.constant 0.000000e+00 : f32
        %broadcast_in_dim3A_329 = vector.broadcast %broadcast_in_dim3A_328 : f32 to vector<16xf32>
        %swap3A_330 = arith.constant 48 : index
        %swap3A_331 = tpu.vector_load %arg23[%swap3A_330] {strides = array<i32>} : memref<512xf32, #tpu.memory_space<vmem>>, vector<16xf32>,
        tpu.vector_store %arg23[%swap3A_330], %broadcast_in_dim3A_329 {strides = array<i32>} : memref<512xf32, #tpu.memory_space<vmem>>, vector<16xf32>,
        %broadcast_in_dim3A_332 = arith.constant 0.000000e+00 : f32
        %broadcast_in_dim3A_333 = vector.broadcast %broadcast_in_dim3A_332 : f32 to vector<16xf32>
        %swap3A_334 = arith.constant 64 : index
        %swap3A_335 = tpu.vector_load %arg23[%swap3A_334] {strides = array<i32>} : memref<512xf32, #tpu.memory_space<vmem>>, vector<16xf32>,
        tpu.vector_store %arg23[%swap3A_334], %broadcast_in_dim3A_333 {strides = array<i32>} : memref<512xf32, #tpu.memory_space<vmem>>, vector<16xf32>,
        %broadcast_in_dim3A_336 = arith.constant 0.000000e+00 : f32
        %broadcast_in_dim3A_337 = vector.broadcast %broadcast_in_dim3A_336 : f32 to vector<16xf32>
        %swap3A_338 = arith.constant 80 : index
        %swap3A_339 = tpu.vector_load %arg23[%swap3A_338] {strides = array<i32>} : memref<512xf32, #tpu.memory_space<vmem>>, vector<16xf32>,
        tpu.vector_store %arg23[%swap3A_338], %broadcast_in_dim3A_337 {strides = array<i32>} : memref<512xf32, #tpu.memory_space<vmem>>, vector<16xf32>,
        %broadcast_in_dim3A_340 = arith.constant 0.000000e+00 : f32
        %broadcast_in_dim3A_341 = vector.broadcast %broadcast_in_dim3A_340 : f32 to vector<16xf32>
        %swap3A_342 = arith.constant 96 : index
        %swap3A_343 = tpu.vector_load %arg23[%swap3A_342] {strides = array<i32>} : memref<512xf32, #tpu.memory_space<vmem>>, vector<16xf32>,
        tpu.vector_store %arg23[%swap3A_342], %broadcast_in_dim3A_341 {strides = array<i32>} : memref<512xf32, #tpu.memory_space<vmem>>, vector<16xf32>,
        %broadcast_in_dim3A_344 = arith.constant 0.000000e+00 : f32
        %broadcast_in_dim3A_345 = vector.broadcast %broadcast_in_dim3A_344 : f32 to vector<16xf32>
        %swap3A_346 = arith.constant 112 : index
        %swap3A_347 = tpu.vector_load %arg23[%swap3A_346] {strides = array<i32>} : memref<512xf32, #tpu.memory_space<vmem>>, vector<16xf32>,
        tpu.vector_store %arg23[%swap3A_346], %broadcast_in_dim3A_345 {strides = array<i32>} : memref<512xf32, #tpu.memory_space<vmem>>, vector<16xf32>,
        %broadcast_in_dim3A_348 = arith.constant 0.000000e+00 : f32
        %broadcast_in_dim3A_349 = vector.broadcast %broadcast_in_dim3A_348 : f32 to vector<16xf32>
        %swap3A_350 = arith.constant 128 : index
        %swap3A_351 = tpu.vector_load %arg23[%swap3A_350] {strides = array<i32>} : memref<512xf32, #tpu.memory_space<vmem>>, vector<16xf32>,
        tpu.vector_store %arg23[%swap3A_350], %broadcast_in_dim3A_349 {strides = array<i32>} : memref<512xf32, #tpu.memory_space<vmem>>, vector<16xf32>,
        %broadcast_in_dim3A_352 = arith.constant 0.000000e+00 : f32
        %broadcast_in_dim3A_353 = vector.broadcast %broadcast_in_dim3A_352 : f32 to vector<16xf32>
        %swap3A_354 = arith.constant 144 : index
        %swap3A_355 = tpu.vector_load %arg23[%swap3A_354] {strides = array<i32>} : memref<512xf32, #tpu.memory_space<vmem>>, vector<16xf32>,
        tpu.vector_store %arg23[%swap3A_354], %broadcast_in_dim3A_353 {strides = array<i32>} : memref<512xf32, #tpu.memory_space<vmem>>, vector<16xf32>,
        %broadcast_in_dim3A_356 = arith.constant 0.000000e+00 : f32
        %broadcast_in_dim3A_357 = vector.broadcast %broadcast_in_dim3A_356 : f32 to vector<16xf32>
        %swap3A_358 = arith.constant 160 : index
        %swap3A_359 = tpu.vector_load %arg23[%swap3A_358] {strides = array<i32>} : memref<512xf32, #tpu.memory_space<vmem>>, vector<16xf32>,
        tpu.vector_store %arg23[%swap3A_358], %broadcast_in_dim3A_357 {strides = array<i32>} : memref<512xf32, #tpu.memory_space<vmem>>, vector<16xf32>,
        %broadcast_in_dim3A_360 = arith.constant 0.000000e+00 : f32
        %broadcast_in_dim3A_361 = vector.broadcast %broadcast_in_dim3A_360 : f32 to vector<16xf32>
        %swap3A_362 = arith.constant 176 : index
        %swap3A_363 = tpu.vector_load %arg23[%swap3A_362] {strides = array<i32>} : memref<512xf32, #tpu.memory_space<vmem>>, vector<16xf32>,
        tpu.vector_store %arg23[%swap3A_362], %broadcast_in_dim3A_361 {strides = array<i32>} : memref<512xf32, #tpu.memory_space<vmem>>, vector<16xf32>,
        %broadcast_in_dim3A_364 = arith.constant 0.000000e+00 : f32
        %broadcast_in_dim3A_365 = vector.broadcast %broadcast_in_dim3A_364 : f32 to vector<16xf32>
        %swap3A_366 = arith.constant 192 : index
        %swap3A_367 = tpu.vector_load %arg23[%swap3A_366] {strides = array<i32>} : memref<512xf32, #tpu.memory_space<vmem>>, vector<16xf32>,
        tpu.vector_store %arg23[%swap3A_366], %broadcast_in_dim3A_365 {strides = array<i32>} : memref<512xf32, #tpu.memory_space<vmem>>, vector<16xf32>,
        %broadcast_in_dim3A_368 = arith.constant 0.000000e+00 : f32
        %broadcast_in_dim3A_369 = vector.broadcast %broadcast_in_dim3A_368 : f32 to vector<16xf32>
        %swap3A_370 = arith.constant 208 : index
        %swap3A_371 = tpu.vector_load %arg23[%swap3A_370] {strides = array<i32>} : memref<512xf32, #tpu.memory_space<vmem>>, vector<16xf32>,
        tpu.vector_store %arg23[%swap3A_370], %broadcast_in_dim3A_369 {strides = array<i32>} : memref<512xf32, #tpu.memory_space<vmem>>, vector<16xf32>,
        %broadcast_in_dim3A_372 = arith.constant 0.000000e+00 : f32
        %broadcast_in_dim3A_373 = vector.broadcast %broadcast_in_dim3A_372 : f32 to vector<16xf32>
        %swap3A_374 = arith.constant 224 : index
        %swap3A_375 = tpu.vector_load %arg23[%swap3A_374] {strides = array<i32>} : memref<512xf32, #tpu.memory_space<vmem>>, vector<16xf32>,
        tpu.vector_store %arg23[%swap3A_374], %broadcast_in_dim3A_373 {strides = array<i32>} : memref<512xf32, #tpu.memory_space<vmem>>, vector<16xf32>,
        %broadcast_in_dim3A_376 = arith.constant 0.000000e+00 : f32
        %broadcast_in_dim3A_377 = vector.broadcast %broadcast_in_dim3A_376 : f32 to vector<16xf32>
        %swap3A_378 = arith.constant 240 : index
        %swap3A_379 = tpu.vector_load %arg23[%swap3A_378] {strides = array<i32>} : memref<512xf32, #tpu.memory_space<vmem>>, vector<16xf32>,
        tpu.vector_store %arg23[%swap3A_378], %broadcast_in_dim3A_377 {strides = array<i32>} : memref<512xf32, #tpu.memory_space<vmem>>, vector<16xf32>,
        %broadcast_in_dim3A_380 = arith.constant 0.000000e+00 : f32
        %broadcast_in_dim3A_381 = vector.broadcast %broadcast_in_dim3A_380 : f32 to vector<16xf32>
        %swap3A_382 = arith.constant 256 : index
        %swap3A_383 = tpu.vector_load %arg23[%swap3A_382] {strides = array<i32>} : memref<512xf32, #tpu.memory_space<vmem>>, vector<16xf32>,
        tpu.vector_store %arg23[%swap3A_382], %broadcast_in_dim3A_381 {strides = array<i32>} : memref<512xf32, #tpu.memory_space<vmem>>, vector<16xf32>,
        %broadcast_in_dim3A_384 = arith.constant 0.000000e+00 : f32
        %broadcast_in_dim3A_385 = vector.broadcast %broadcast_in_dim3A_384 : f32 to vector<16xf32>
        %swap3A_386 = arith.constant 272 : index
        %swap3A_387 = tpu.vector_load %arg23[%swap3A_386] {strides = array<i32>} : memref<512xf32, #tpu.memory_space<vmem>>, vector<16xf32>,
        tpu.vector_store %arg23[%swap3A_386], %broadcast_in_dim3A_385 {strides = array<i32>} : memref<512xf32, #tpu.memory_space<vmem>>, vector<16xf32>,
        %broadcast_in_dim3A_388 = arith.constant 0.000000e+00 : f32
        %broadcast_in_dim3A_389 = vector.broadcast %broadcast_in_dim3A_388 : f32 to vector<16xf32>
        %swap3A_390 = arith.constant 288 : index
        %swap3A_391 = tpu.vector_load %arg23[%swap3A_390] {strides = array<i32>} : memref<512xf32, #tpu.memory_space<vmem>>, vector<16xf32>,
        tpu.vector_store %arg23[%swap3A_390], %broadcast_in_dim3A_389 {strides = array<i32>} : memref<512xf32, #tpu.memory_space<vmem>>, vector<16xf32>,
        %broadcast_in_dim3A_392 = arith.constant 0.000000e+00 : f32
        %broadcast_in_dim3A_393 = vector.broadcast %broadcast_in_dim3A_392 : f32 to vector<16xf32>
        %swap3A_394 = arith.constant 304 : index
        %swap3A_395 = tpu.vector_load %arg23[%swap3A_394] {strides = array<i32>} : memref<512xf32, #tpu.memory_space<vmem>>, vector<16xf32>,
        tpu.vector_store %arg23[%swap3A_394], %broadcast_in_dim3A_393 {strides = array<i32>} : memref<512xf32, #tpu.memory_space<vmem>>, vector<16xf32>,
        %broadcast_in_dim3A_396 = arith.constant 0.000000e+00 : f32
        %broadcast_in_dim3A_397 = vector.broadcast %broadcast_in_dim3A_396 : f32 to vector<16xf32>
        %swap3A_398 = arith.constant 320 : index
        %swap3A_399 = tpu.vector_load %arg23[%swap3A_398] {strides = array<i32>} : memref<512xf32, #tpu.memory_space<vmem>>, vector<16xf32>,
        tpu.vector_store %arg23[%swap3A_398], %broadcast_in_dim3A_397 {strides = array<i32>} : memref<512xf32, #tpu.memory_space<vmem>>, vector<16xf32>,
        %broadcast_in_dim3A_400 = arith.constant 0.000000e+00 : f32
        %broadcast_in_dim3A_401 = vector.broadcast %broadcast_in_dim3A_400 : f32 to vector<16xf32>
        %swap3A_402 = arith.constant 336 : index
        %swap3A_403 = tpu.vector_load %arg23[%swap3A_402] {strides = array<i32>} : memref<512xf32, #tpu.memory_space<vmem>>, vector<16xf32>,
        tpu.vector_store %arg23[%swap3A_402], %broadcast_in_dim3A_401 {strides = array<i32>} : memref<512xf32, #tpu.memory_space<vmem>>, vector<16xf32>,
        %broadcast_in_dim3A_404 = arith.constant 0.000000e+00 : f32
        %broadcast_in_dim3A_405 = vector.broadcast %broadcast_in_dim3A_404 : f32 to vector<16xf32>
        %swap3A_406 = arith.constant 352 : index
        %swap3A_407 = tpu.vector_load %arg23[%swap3A_406] {strides = array<i32>} : memref<512xf32, #tpu.memory_space<vmem>>, vector<16xf32>,
        tpu.vector_store %arg23[%swap3A_406], %broadcast_in_dim3A_405 {strides = array<i32>} : memref<512xf32, #tpu.memory_space<vmem>>, vector<16xf32>,
        %broadcast_in_dim3A_408 = arith.constant 0.000000e+00 : f32
        %broadcast_in_dim3A_409 = vector.broadcast %broadcast_in_dim3A_408 : f32 to vector<16xf32>
        %swap3A_410 = arith.constant 368 : index
        %swap3A_411 = tpu.vector_load %arg23[%swap3A_410] {strides = array<i32>} : memref<512xf32, #tpu.memory_space<vmem>>, vector<16xf32>,
        tpu.vector_store %arg23[%swap3A_410], %broadcast_in_dim3A_409 {strides = array<i32>} : memref<512xf32, #tpu.memory_space<vmem>>, vector<16xf32>,
        %broadcast_in_dim3A_412 = arith.constant 0.000000e+00 : f32
        %broadcast_in_dim3A_413 = vector.broadcast %broadcast_in_dim3A_412 : f32 to vector<16xf32>
        %swap3A_414 = arith.constant 384 : index
        %swap3A_415 = tpu.vector_load %arg23[%swap3A_414] {strides = array<i32>} : memref<512xf32, #tpu.memory_space<vmem>>, vector<16xf32>,
        tpu.vector_store %arg23[%swap3A_414], %broadcast_in_dim3A_413 {strides = array<i32>} : memref<512xf32, #tpu.memory_space<vmem>>, vector<16xf32>,
        %broadcast_in_dim3A_416 = arith.constant 0.000000e+00 : f32
        %broadcast_in_dim3A_417 = vector.broadcast %broadcast_in_dim3A_416 : f32 to vector<16xf32>
        %swap3A_418 = arith.constant 400 : index
        %swap3A_419 = tpu.vector_load %arg23[%swap3A_418] {strides = array<i32>} : memref<512xf32, #tpu.memory_space<vmem>>, vector<16xf32>,
        tpu.vector_store %arg23[%swap3A_418], %broadcast_in_dim3A_417 {strides = array<i32>} : memref<512xf32, #tpu.memory_space<vmem>>, vector<16xf32>,
        %broadcast_in_dim3A_420 = arith.constant 0.000000e+00 : f32
        %broadcast_in_dim3A_421 = vector.broadcast %broadcast_in_dim3A_420 : f32 to vector<16xf32>
        %swap3A_422 = arith.constant 416 : index
        %swap3A_423 = tpu.vector_load %arg23[%swap3A_422] {strides = array<i32>} : memref<512xf32, #tpu.memory_space<vmem>>, vector<16xf32>,
        tpu.vector_store %arg23[%swap3A_422], %broadcast_in_dim3A_421 {strides = array<i32>} : memref<512xf32, #tpu.memory_space<vmem>>, vector<16xf32>,
        %broadcast_in_dim3A_424 = arith.constant 0.000000e+00 : f32
        %broadcast_in_dim3A_425 = vector.broadcast %broadcast_in_dim3A_424 : f32 to vector<16xf32>
        %swap3A_426 = arith.constant 432 : index
        %swap3A_427 = tpu.vector_load %arg23[%swap3A_426] {strides = array<i32>} : memref<512xf32, #tpu.memory_space<vmem>>, vector<16xf32>,
        tpu.vector_store %arg23[%swap3A_426], %broadcast_in_dim3A_425 {strides = array<i32>} : memref<512xf32, #tpu.memory_space<vmem>>, vector<16xf32>,
        %broadcast_in_dim3A_428 = arith.constant 0.000000e+00 : f32
        %broadcast_in_dim3A_429 = vector.broadcast %broadcast_in_dim3A_428 : f32 to vector<16xf32>
        %swap3A_430 = arith.constant 448 : index
        %swap3A_431 = tpu.vector_load %arg23[%swap3A_430] {strides = array<i32>} : memref<512xf32, #tpu.memory_space<vmem>>, vector<16xf32>,
        tpu.vector_store %arg23[%swap3A_430], %broadcast_in_dim3A_429 {strides = array<i32>} : memref<512xf32, #tpu.memory_space<vmem>>, vector<16xf32>,
        %broadcast_in_dim3A_432 = arith.constant 0.000000e+00 : f32
        %broadcast_in_dim3A_433 = vector.broadcast %broadcast_in_dim3A_432 : f32 to vector<16xf32>
        %swap3A_434 = arith.constant 464 : index
        %swap3A_435 = tpu.vector_load %arg23[%swap3A_434] {strides = array<i32>} : memref<512xf32, #tpu.memory_space<vmem>>, vector<16xf32>,
        tpu.vector_store %arg23[%swap3A_434], %broadcast_in_dim3A_433 {strides = array<i32>} : memref<512xf32, #tpu.memory_space<vmem>>, vector<16xf32>,
        %broadcast_in_dim3A_436 = arith.constant 0.000000e+00 : f32
        %broadcast_in_dim3A_437 = vector.broadcast %broadcast_in_dim3A_436 : f32 to vector<16xf32>
        %swap3A_438 = arith.constant 480 : index
        %swap3A_439 = tpu.vector_load %arg23[%swap3A_438] {strides = array<i32>} : memref<512xf32, #tpu.memory_space<vmem>>, vector<16xf32>,
        tpu.vector_store %arg23[%swap3A_438], %broadcast_in_dim3A_437 {strides = array<i32>} : memref<512xf32, #tpu.memory_space<vmem>>, vector<16xf32>,
        %broadcast_in_dim3A_440 = arith.constant 0.000000e+00 : f32
        %broadcast_in_dim3A_441 = vector.broadcast %broadcast_in_dim3A_440 : f32 to vector<16xf32>
        %swap3A_442 = arith.constant 496 : index
        %swap3A_443 = tpu.vector_load %arg23[%swap3A_442] {strides = array<i32>} : memref<512xf32, #tpu.memory_space<vmem>>, vector<16xf32>,
        tpu.vector_store %arg23[%swap3A_442], %broadcast_in_dim3A_441 {strides = array<i32>} : memref<512xf32, #tpu.memory_space<vmem>>, vector<16xf32>,
        %broadcast_in_dim3A_444 = arith.constant -4.000000e+00 : f32
        %broadcast_in_dim3A_445 = vector.broadcast %broadcast_in_dim3A_444 : f32 to vector<16xf32>
        %broadcast_in_dim3A_446 = arith.constant 0 : i32
        %broadcast_in_dim3A_447 = vector.broadcast %broadcast_in_dim3A_446 : i32 to vector<16xi32>
        %while3A_448 = arith.constant 0 : i32
        %while3A_449 = arith.subi %select_n3A_140, %while3A_448 : i32
        %while3A_450 = arith.addi %while3A_448, %while3A_449 : i32
        %while3A_451 = arith.constant 1 : i32
        %while3A_452 = arith.divsi %while3A_449, %while3A_451 : i32
        %while3A_453 = arith.muli %while3A_452, %while3A_451 : i32
        %while3A_454 = arith.addi %while3A_448, %while3A_453 : i32
        %while3A_455 = arith.constant 1 : i32
        %while3A_456:2 = scf.for %while3A_501 = %while3A_448 to %while3A_454 step %while3A_455 iter_args(%while3A_502 = %broadcast_in_dim3A_445, %while3A_503 = %broadcast_in_dim3A_447) -> (vector<16xf32>, vector<16xi32>)  : i32 {
          %mul3A_504 = arith.constant 16 : i32
          %mul3A_505 = arith.muli %mul3A_504, %while3A_501 : i32
          %get3A = arith.index_cast %mul3A_505 : i32 to index
          %get3A_506 = tpu.vector_load %arg10[%get3A] {strides = array<i32>} : memref<5168xf32, #tpu.memory_space<vmem>>, vector<16xf32>,
          %gt3A_507 = arith.cmpf ogt, %get3A_506, %while3A_502 : vector<16xf32>
          %select_n3A_508 = arith.select %gt3A_507, %get3A_506, %while3A_502 : vector<16xi1>, vector<16xf32>
          %add3A_509 = vector.broadcast %mul3A_505 : i32 to vector<16xi32>
          %add3A_510 = arith.addi %add3A_509, %iota3A : vector<16xi32>
          %select_n3A_511 = arith.select %gt3A_507, %add3A_510, %while3A_503 : vector<16xi1>, vector<16xi32>
          scf.yield %select_n3A_508, %select_n3A_511 : vector<16xf32>, vector<16xi32>
        }
        %while3A_457 = arith.constant 1 : i32
        %while3A_458:2 = scf.for %while3A_501 = %while3A_454 to %while3A_450 step %while3A_457 iter_args(%while3A_502 = %while3A_456#0, %while3A_503 = %while3A_456#1) -> (vector<16xf32>, vector<16xi32>)  : i32 {
          %mul3A_504 = arith.constant 16 : i32
          %mul3A_505 = arith.muli %mul3A_504, %while3A_501 : i32
          %get3A = arith.index_cast %mul3A_505 : i32 to index
          %get3A_506 = tpu.vector_load %arg10[%get3A] {strides = array<i32>} : memref<5168xf32, #tpu.memory_space<vmem>>, vector<16xf32>,
          %gt3A_507 = arith.cmpf ogt, %get3A_506, %while3A_502 : vector<16xf32>
          %select_n3A_508 = arith.select %gt3A_507, %get3A_506, %while3A_502 : vector<16xi1>, vector<16xf32>
          %add3A_509 = vector.broadcast %mul3A_505 : i32 to vector<16xi32>
          %add3A_510 = arith.addi %add3A_509, %iota3A : vector<16xi32>
          %select_n3A_511 = arith.select %gt3A_507, %add3A_510, %while3A_503 : vector<16xi1>, vector<16xi32>
          scf.yield %select_n3A_508, %select_n3A_511 : vector<16xf32>, vector<16xi32>
        }
        %reduce_max3A = arith.constant true
        %reduce_max3A_459 = vector.broadcast %reduce_max3A : i1 to vector<16xi1>
        %reduce_max3A_460 = tpu.scan <max>, %while3A_458#0 masked %reduce_max3A_459 : vector<16xf32>, vector<16xi1> -> vector<16xf32>
        %reduce_max3A_461 = vector.extract %reduce_max3A_460[15] : f32 from vector<16xf32>
        %eq3A_462 = vector.broadcast %reduce_max3A_461 : f32 to vector<16xf32>
        %eq3A_463 = arith.cmpf oeq, %while3A_458#0, %eq3A_462 : vector<16xf32>
        %jit3A_464 = arith.constant 5120 : i32
        %broadcast_in_dim3A_465 = vector.broadcast %jit3A_464 : i32 to vector<16xi32>
        %select_n3A_466 = arith.select %eq3A_463, %while3A_458#1, %broadcast_in_dim3A_465 : vector<16xi1>, vector<16xi32>
        %reduce_min3A = arith.constant true
        %reduce_min3A_467 = vector.broadcast %reduce_min3A : i1 to vector<16xi1>
        %reduce_min3A_468 = arith.constant -2147483648 : i32
        %reduce_min3A_469 = vector.broadcast %reduce_min3A_468 : i32 to vector<16xi32>
        %reduce_min3A_470 = arith.xori %select_n3A_466, %reduce_min3A_469 : vector<16xi32>
        %reduce_min3A_471 = tpu.scan <min>, %reduce_min3A_470 masked %reduce_min3A_467 : vector<16xi32>, vector<16xi1> -> vector<16xi32>
        %reduce_min3A_472 = arith.xori %reduce_min3A_471, %reduce_min3A_469 : vector<16xi32>
        %reduce_min3A_473 = vector.extract %reduce_min3A_472[15] : i32 from vector<16xi32>
        %eq3A_474 = arith.constant 0 : i32
        %eq3A_475 = vector.broadcast %eq3A_474 : i32 to vector<16xi32>
        %eq3A_476 = arith.cmpi eq, %iota3A, %eq3A_475 : vector<16xi32>
        %lt3A_477 = arith.constant 4 : i32
        %lt3A_478 = vector.broadcast %lt3A_477 : i32 to vector<16xi32>
        %lt3A_479 = arith.cmpi slt, %iota3A, %lt3A_478 : vector<16xi32>
        %while3A_480 = arith.constant 0 : i32
        %while3A_481:3 = scf.while (%while3A_501 = %while3A_480, %while3A_502 = %reduce_min3A_473, %while3A_503 = %reduce_max3A_461) : (i32, i32, f32) -> (i32, i32, f32) {
          %lt3A_504 = arith.constant 100 : i32
          %lt3A_505 = arith.cmpi slt, %while3A_501, %lt3A_504 : i32
          %gt3A_506 = arith.constant -1.000000e+00 : f32
          %gt3A_507 = arith.cmpf ogt, %while3A_503, %gt3A_506 : f32
          %and3A_508 = arith.andi %lt3A_505, %gt3A_507 : i1
          scf.condition(%and3A_508) %while3A_501, %while3A_502, %while3A_503 : i32, i32, f32
        } do {
        ^bb0(%while3A_501: i32, %while3A_502: i32, %while3A_503: f32):
          %broadcast_in_dim3A_504 = vector.broadcast %while3A_502 : i32 to vector<16xi32>
          %gather3A_505 = tpu.vector_load_idx %arg17[%broadcast_in_dim3A_504] : memref<1072xf32, #tpu.memory_space<vmem>>[vector<16xi32>], vector<16xf32>,
          %gather3A_506 = tpu.vector_load_idx %arg18[%broadcast_in_dim3A_504] : memref<1072xf32, #tpu.memory_space<vmem>>[vector<16xi32>], vector<16xf32>,
          %gather3A_507 = tpu.vector_load_idx %arg19[%broadcast_in_dim3A_504] : memref<1072xf32, #tpu.memory_space<vmem>>[vector<16xi32>], vector<16xf32>,
          %gather3A_508 = tpu.vector_load_idx %arg20[%broadcast_in_dim3A_504] : memref<1072xf32, #tpu.memory_space<vmem>>[vector<16xi32>], vector<16xf32>,
          %gather3A_509 = tpu.vector_load_idx %arg21[%broadcast_in_dim3A_504] : memref<1072xf32, #tpu.memory_space<vmem>>[vector<16xi32>], vector<16xf32>,
          %broadcast_in_dim3A_510 = vector.broadcast %while3A_501 : i32 to vector<16xi32>
          %broadcast_in_dim3A_511 = vector.broadcast %while3A_503 : f32 to vector<16xf32>
          tpu.vector_store_idx %arg22[%broadcast_in_dim3A_510], %broadcast_in_dim3A_511 masked %eq3A_476 : memref<144xf32, #tpu.memory_space<vmem>>[vector<16xi32>], vector<16xf32>, vector<16xi1>
          %eq3A_512 = arith.constant 0 : i32
          %eq3A_513 = vector.broadcast %eq3A_512 : i32 to vector<16xi32>
          %eq3A_514 = arith.cmpi eq, %iota3A, %eq3A_513 : vector<16xi32>
          %eq3A_515 = arith.constant 1 : i32
          %eq3A_516 = vector.broadcast %eq3A_515 : i32 to vector<16xi32>
          %eq3A_517 = arith.cmpi eq, %iota3A, %eq3A_516 : vector<16xi32>
          %eq3A_518 = arith.constant 2 : i32
          %eq3A_519 = vector.broadcast %eq3A_518 : i32 to vector<16xi32>
          %eq3A_520 = arith.cmpi eq, %iota3A, %eq3A_519 : vector<16xi32>
          %select_n3A_521 = arith.select %eq3A_520, %gather3A_507, %gather3A_508 : vector<16xi1>, vector<16xf32>
          %select_n3A_522 = arith.select %eq3A_517, %gather3A_506, %select_n3A_521 : vector<16xi1>, vector<16xf32>
          %select_n3A_523 = arith.select %eq3A_514, %gather3A_505, %select_n3A_522 : vector<16xi1>, vector<16xf32>
          %mul3A_524 = arith.constant 4 : i32
          %mul3A_525 = arith.muli %mul3A_524, %while3A_501 : i32
          %add3A_526 = vector.broadcast %mul3A_525 : i32 to vector<16xi32>
          %add3A_527 = arith.addi %add3A_526, %iota3A : vector<16xi32>
          tpu.vector_store_idx %arg23[%add3A_527], %select_n3A_523 masked %lt3A_479 : memref<512xf32, #tpu.memory_space<vmem>>[vector<16xi32>], vector<16xf32>, vector<16xi1>
          %broadcast_in_dim3A_528 = arith.constant -4.000000e+00 : f32
          %broadcast_in_dim3A_529 = vector.broadcast %broadcast_in_dim3A_528 : f32 to vector<16xf32>
          %broadcast_in_dim3A_530 = arith.constant 0 : i32
          %broadcast_in_dim3A_531 = vector.broadcast %broadcast_in_dim3A_530 : i32 to vector<16xi32>
          %while3A_532 = arith.constant 0 : i32
          %while3A_533 = arith.subi %select_n3A_166, %while3A_532 : i32
          %while3A_534 = arith.addi %while3A_532, %while3A_533 : i32
          %while3A_535 = arith.constant 1 : i32
          %while3A_536 = arith.divsi %while3A_533, %while3A_535 : i32
          %while3A_537 = arith.muli %while3A_536, %while3A_535 : i32
          %while3A_538 = arith.addi %while3A_532, %while3A_537 : i32
          %while3A_539 = arith.constant 1 : i32
          %while3A_540:4 = scf.for %while3A_567 = %while3A_532 to %while3A_538 step %while3A_539 iter_args(%while3A_568 = %broadcast_in_dim3A_529, %while3A_569 = %broadcast_in_dim3A_531, %while3A_570 = %broadcast_in_dim3A_529, %while3A_571 = %broadcast_in_dim3A_531) -> (vector<16xf32>, vector<16xi32>, vector<16xf32>, vector<16xi32>)  : i32 {
            %mul3A_572 = arith.constant 32 : i32
            %mul3A_573 = arith.muli %mul3A_572, %while3A_567 : i32
            %get3A = arith.index_cast %mul3A_573 : i32 to index
            %get3A_574 = tpu.vector_load %arg10[%get3A] {strides = array<i32>} : memref<5168xf32, #tpu.memory_space<vmem>>, vector<16xf32>,
            %get3A_575 = arith.index_cast %mul3A_573 : i32 to index
            %get3A_576 = tpu.vector_load %arg17[%get3A_575] {strides = array<i32>} : memref<1072xf32, #tpu.memory_space<vmem>>, vector<16xf32>,
            %max3A = arith.maximumf %get3A_576, %gather3A_505 : vector<16xf32>
            %get3A_577 = arith.index_cast %mul3A_573 : i32 to index
            %get3A_578 = tpu.vector_load %arg18[%get3A_577] {strides = array<i32>} : memref<1072xf32, #tpu.memory_space<vmem>>, vector<16xf32>,
            %max3A_579 = arith.maximumf %get3A_578, %gather3A_506 : vector<16xf32>
            %get3A_580 = arith.index_cast %mul3A_573 : i32 to index
            %get3A_581 = tpu.vector_load %arg19[%get3A_580] {strides = array<i32>} : memref<1072xf32, #tpu.memory_space<vmem>>, vector<16xf32>,
            %min3A_582 = arith.minimumf %get3A_581, %gather3A_507 : vector<16xf32>
            %get3A_583 = arith.index_cast %mul3A_573 : i32 to index
            %get3A_584 = tpu.vector_load %arg20[%get3A_583] {strides = array<i32>} : memref<1072xf32, #tpu.memory_space<vmem>>, vector<16xf32>,
            %min3A_585 = arith.minimumf %get3A_584, %gather3A_508 : vector<16xf32>
            %sub3A_586 = arith.subf %min3A_582, %max3A : vector<16xf32>
            %max3A_587 = arith.constant 0.000000e+00 : f32
            %max3A_588 = vector.broadcast %max3A_587 : f32 to vector<16xf32>
            %max3A_589 = arith.maximumf %sub3A_586, %max3A_588 : vector<16xf32>
            %sub3A_590 = arith.subf %min3A_585, %max3A_579 : vector<16xf32>
            %max3A_591 = arith.constant 0.000000e+00 : f32
            %max3A_592 = vector.broadcast %max3A_591 : f32 to vector<16xf32>
            %max3A_593 = arith.maximumf %sub3A_590, %max3A_592 : vector<16xf32>
            %mul3A_594 = arith.mulf %max3A_589, %max3A_593 : vector<16xf32>
            %get3A_595 = arith.index_cast %mul3A_573 : i32 to index
            %get3A_596 = tpu.vector_load %arg21[%get3A_595] {strides = array<i32>} : memref<1072xf32, #tpu.memory_space<vmem>>, vector<16xf32>,
            %add3A_597 = arith.addf %get3A_596, %gather3A_509 : vector<16xf32>
            %sub3A_598 = arith.subf %add3A_597, %mul3A_594 : vector<16xf32>
            %gt3A_599 = arith.constant 0.000000e+00 : f32
            %gt3A_600 = vector.broadcast %gt3A_599 : f32 to vector<16xf32>
            %gt3A_601 = arith.cmpf ogt, %sub3A_598, %gt3A_600 : vector<16xf32>
            %jit3A_602 = arith.constant 1.000000e+00 : f32
            %broadcast_in_dim3A_603 = vector.broadcast %jit3A_602 : f32 to vector<16xf32>
            %select_n3A_604 = arith.select %gt3A_601, %sub3A_598, %broadcast_in_dim3A_603 : vector<16xi1>, vector<16xf32>
            %div3A_605 = arith.divf %mul3A_594, %select_n3A_604 : vector<16xf32>
            %jit3A_606 = arith.constant 0.000000e+00 : f32
            %broadcast_in_dim3A_607 = vector.broadcast %jit3A_606 : f32 to vector<16xf32>
            %select_n3A_608 = arith.select %gt3A_601, %div3A_605, %broadcast_in_dim3A_607 : vector<16xi1>, vector<16xf32>
            %add3A_609 = vector.broadcast %mul3A_573 : i32 to vector<16xi32>
            %add3A_610 = arith.addi %add3A_609, %iota3A : vector<16xi32>
            %gt3A_611 = arith.constant 5.000000e-01 : f32
            %gt3A_612 = vector.broadcast %gt3A_611 : f32 to vector<16xf32>
            %gt3A_613 = arith.cmpf ogt, %select_n3A_608, %gt3A_612 : vector<16xf32>
            %eq3A_614 = vector.broadcast %while3A_502 : i32 to vector<16xi32>
            %eq3A_615 = arith.cmpi eq, %add3A_610, %eq3A_614 : vector<16xi32>
            %or3A = arith.ori %gt3A_613, %eq3A_615 : vector<16xi1>
            %jit3A_616 = arith.constant -1.000000e+00 : f32
            %broadcast_in_dim3A_617 = vector.broadcast %jit3A_616 : f32 to vector<16xf32>
            %select_n3A_618 = arith.select %or3A, %broadcast_in_dim3A_617, %get3A_574 : vector<16xi1>, vector<16xf32>
            %swap3A_619 = arith.index_cast %mul3A_573 : i32 to index
            %swap3A_620 = tpu.vector_load %arg10[%swap3A_619] {strides = array<i32>} : memref<5168xf32, #tpu.memory_space<vmem>>, vector<16xf32>,
            tpu.vector_store %arg10[%swap3A_619], %select_n3A_618 {strides = array<i32>} : memref<5168xf32, #tpu.memory_space<vmem>>, vector<16xf32>,
            %add3A_621 = arith.constant 16 : i32
            %add3A_622 = arith.addi %mul3A_573, %add3A_621 : i32
            %get3A_623 = arith.index_cast %add3A_622 : i32 to index
            %get3A_624 = tpu.vector_load %arg10[%get3A_623] {strides = array<i32>} : memref<5168xf32, #tpu.memory_space<vmem>>, vector<16xf32>,
            %get3A_625 = arith.index_cast %add3A_622 : i32 to index
            %get3A_626 = tpu.vector_load %arg17[%get3A_625] {strides = array<i32>} : memref<1072xf32, #tpu.memory_space<vmem>>, vector<16xf32>,
            %max3A_627 = arith.maximumf %get3A_626, %gather3A_505 : vector<16xf32>
            %get3A_628 = arith.index_cast %add3A_622 : i32 to index
            %get3A_629 = tpu.vector_load %arg18[%get3A_628] {strides = array<i32>} : memref<1072xf32, #tpu.memory_space<vmem>>, vector<16xf32>,
            %max3A_630 = arith.maximumf %get3A_629, %gather3A_506 : vector<16xf32>
            %get3A_631 = arith.index_cast %add3A_622 : i32 to index
            %get3A_632 = tpu.vector_load %arg19[%get3A_631] {strides = array<i32>} : memref<1072xf32, #tpu.memory_space<vmem>>, vector<16xf32>,
            %min3A_633 = arith.minimumf %get3A_632, %gather3A_507 : vector<16xf32>
            %get3A_634 = arith.index_cast %add3A_622 : i32 to index
            %get3A_635 = tpu.vector_load %arg20[%get3A_634] {strides = array<i32>} : memref<1072xf32, #tpu.memory_space<vmem>>, vector<16xf32>,
            %min3A_636 = arith.minimumf %get3A_635, %gather3A_508 : vector<16xf32>
            %sub3A_637 = arith.subf %min3A_633, %max3A_627 : vector<16xf32>
            %max3A_638 = arith.constant 0.000000e+00 : f32
            %max3A_639 = vector.broadcast %max3A_638 : f32 to vector<16xf32>
            %max3A_640 = arith.maximumf %sub3A_637, %max3A_639 : vector<16xf32>
            %sub3A_641 = arith.subf %min3A_636, %max3A_630 : vector<16xf32>
            %max3A_642 = arith.constant 0.000000e+00 : f32
            %max3A_643 = vector.broadcast %max3A_642 : f32 to vector<16xf32>
            %max3A_644 = arith.maximumf %sub3A_641, %max3A_643 : vector<16xf32>
            %mul3A_645 = arith.mulf %max3A_640, %max3A_644 : vector<16xf32>
            %get3A_646 = arith.index_cast %add3A_622 : i32 to index
            %get3A_647 = tpu.vector_load %arg21[%get3A_646] {strides = array<i32>} : memref<1072xf32, #tpu.memory_space<vmem>>, vector<16xf32>,
            %add3A_648 = arith.addf %get3A_647, %gather3A_509 : vector<16xf32>
            %sub3A_649 = arith.subf %add3A_648, %mul3A_645 : vector<16xf32>
            %gt3A_650 = arith.constant 0.000000e+00 : f32
            %gt3A_651 = vector.broadcast %gt3A_650 : f32 to vector<16xf32>
            %gt3A_652 = arith.cmpf ogt, %sub3A_649, %gt3A_651 : vector<16xf32>
            %jit3A_653 = arith.constant 1.000000e+00 : f32
            %broadcast_in_dim3A_654 = vector.broadcast %jit3A_653 : f32 to vector<16xf32>
            %select_n3A_655 = arith.select %gt3A_652, %sub3A_649, %broadcast_in_dim3A_654 : vector<16xi1>, vector<16xf32>
            %div3A_656 = arith.divf %mul3A_645, %select_n3A_655 : vector<16xf32>
            %jit3A_657 = arith.constant 0.000000e+00 : f32
            %broadcast_in_dim3A_658 = vector.broadcast %jit3A_657 : f32 to vector<16xf32>
            %select_n3A_659 = arith.select %gt3A_652, %div3A_656, %broadcast_in_dim3A_658 : vector<16xi1>, vector<16xf32>
            %add3A_660 = vector.broadcast %add3A_622 : i32 to vector<16xi32>
            %add3A_661 = arith.addi %add3A_660, %iota3A : vector<16xi32>
            %gt3A_662 = arith.constant 5.000000e-01 : f32
            %gt3A_663 = vector.broadcast %gt3A_662 : f32 to vector<16xf32>
            %gt3A_664 = arith.cmpf ogt, %select_n3A_659, %gt3A_663 : vector<16xf32>
            %eq3A_665 = vector.broadcast %while3A_502 : i32 to vector<16xi32>
            %eq3A_666 = arith.cmpi eq, %add3A_661, %eq3A_665 : vector<16xi32>
            %or3A_667 = arith.ori %gt3A_664, %eq3A_666 : vector<16xi1>
            %jit3A_668 = arith.constant -1.000000e+00 : f32
            %broadcast_in_dim3A_669 = vector.broadcast %jit3A_668 : f32 to vector<16xf32>
            %select_n3A_670 = arith.select %or3A_667, %broadcast_in_dim3A_669, %get3A_624 : vector<16xi1>, vector<16xf32>
            %swap3A_671 = arith.index_cast %add3A_622 : i32 to index
            %swap3A_672 = tpu.vector_load %arg10[%swap3A_671] {strides = array<i32>} : memref<5168xf32, #tpu.memory_space<vmem>>, vector<16xf32>,
            tpu.vector_store %arg10[%swap3A_671], %select_n3A_670 {strides = array<i32>} : memref<5168xf32, #tpu.memory_space<vmem>>, vector<16xf32>,
            %gt3A_673 = arith.cmpf ogt, %select_n3A_618, %while3A_568 : vector<16xf32>
            %gt3A_674 = arith.cmpf ogt, %select_n3A_670, %while3A_570 : vector<16xf32>
            %select_n3A_675 = arith.select %gt3A_673, %select_n3A_618, %while3A_568 : vector<16xi1>, vector<16xf32>
            %select_n3A_676 = arith.select %gt3A_673, %add3A_610, %while3A_569 : vector<16xi1>, vector<16xi32>
            %select_n3A_677 = arith.select %gt3A_674, %select_n3A_670, %while3A_570 : vector<16xi1>, vector<16xf32>
            %select_n3A_678 = arith.select %gt3A_674, %add3A_661, %while3A_571 : vector<16xi1>, vector<16xi32>
            scf.yield %select_n3A_675, %select_n3A_676, %select_n3A_677, %select_n3A_678 : vector<16xf32>, vector<16xi32>, vector<16xf32>, vector<16xi32>
          }
          %while3A_541 = arith.constant 1 : i32
          %while3A_542:4 = scf.for %while3A_567 = %while3A_538 to %while3A_534 step %while3A_541 iter_args(%while3A_568 = %while3A_540#0, %while3A_569 = %while3A_540#1, %while3A_570 = %while3A_540#2, %while3A_571 = %while3A_540#3) -> (vector<16xf32>, vector<16xi32>, vector<16xf32>, vector<16xi32>)  : i32 {
            %mul3A_572 = arith.constant 32 : i32
            %mul3A_573 = arith.muli %mul3A_572, %while3A_567 : i32
            %get3A = arith.index_cast %mul3A_573 : i32 to index
            %get3A_574 = tpu.vector_load %arg10[%get3A] {strides = array<i32>} : memref<5168xf32, #tpu.memory_space<vmem>>, vector<16xf32>,
            %get3A_575 = arith.index_cast %mul3A_573 : i32 to index
            %get3A_576 = tpu.vector_load %arg17[%get3A_575] {strides = array<i32>} : memref<1072xf32, #tpu.memory_space<vmem>>, vector<16xf32>,
            %max3A = arith.maximumf %get3A_576, %gather3A_505 : vector<16xf32>
            %get3A_577 = arith.index_cast %mul3A_573 : i32 to index
            %get3A_578 = tpu.vector_load %arg18[%get3A_577] {strides = array<i32>} : memref<1072xf32, #tpu.memory_space<vmem>>, vector<16xf32>,
            %max3A_579 = arith.maximumf %get3A_578, %gather3A_506 : vector<16xf32>
            %get3A_580 = arith.index_cast %mul3A_573 : i32 to index
            %get3A_581 = tpu.vector_load %arg19[%get3A_580] {strides = array<i32>} : memref<1072xf32, #tpu.memory_space<vmem>>, vector<16xf32>,
            %min3A_582 = arith.minimumf %get3A_581, %gather3A_507 : vector<16xf32>
            %get3A_583 = arith.index_cast %mul3A_573 : i32 to index
            %get3A_584 = tpu.vector_load %arg20[%get3A_583] {strides = array<i32>} : memref<1072xf32, #tpu.memory_space<vmem>>, vector<16xf32>,
            %min3A_585 = arith.minimumf %get3A_584, %gather3A_508 : vector<16xf32>
            %sub3A_586 = arith.subf %min3A_582, %max3A : vector<16xf32>
            %max3A_587 = arith.constant 0.000000e+00 : f32
            %max3A_588 = vector.broadcast %max3A_587 : f32 to vector<16xf32>
            %max3A_589 = arith.maximumf %sub3A_586, %max3A_588 : vector<16xf32>
            %sub3A_590 = arith.subf %min3A_585, %max3A_579 : vector<16xf32>
            %max3A_591 = arith.constant 0.000000e+00 : f32
            %max3A_592 = vector.broadcast %max3A_591 : f32 to vector<16xf32>
            %max3A_593 = arith.maximumf %sub3A_590, %max3A_592 : vector<16xf32>
            %mul3A_594 = arith.mulf %max3A_589, %max3A_593 : vector<16xf32>
            %get3A_595 = arith.index_cast %mul3A_573 : i32 to index
            %get3A_596 = tpu.vector_load %arg21[%get3A_595] {strides = array<i32>} : memref<1072xf32, #tpu.memory_space<vmem>>, vector<16xf32>,
            %add3A_597 = arith.addf %get3A_596, %gather3A_509 : vector<16xf32>
            %sub3A_598 = arith.subf %add3A_597, %mul3A_594 : vector<16xf32>
            %gt3A_599 = arith.constant 0.000000e+00 : f32
            %gt3A_600 = vector.broadcast %gt3A_599 : f32 to vector<16xf32>
            %gt3A_601 = arith.cmpf ogt, %sub3A_598, %gt3A_600 : vector<16xf32>
            %jit3A_602 = arith.constant 1.000000e+00 : f32
            %broadcast_in_dim3A_603 = vector.broadcast %jit3A_602 : f32 to vector<16xf32>
            %select_n3A_604 = arith.select %gt3A_601, %sub3A_598, %broadcast_in_dim3A_603 : vector<16xi1>, vector<16xf32>
            %div3A_605 = arith.divf %mul3A_594, %select_n3A_604 : vector<16xf32>
            %jit3A_606 = arith.constant 0.000000e+00 : f32
            %broadcast_in_dim3A_607 = vector.broadcast %jit3A_606 : f32 to vector<16xf32>
            %select_n3A_608 = arith.select %gt3A_601, %div3A_605, %broadcast_in_dim3A_607 : vector<16xi1>, vector<16xf32>
            %add3A_609 = vector.broadcast %mul3A_573 : i32 to vector<16xi32>
            %add3A_610 = arith.addi %add3A_609, %iota3A : vector<16xi32>
            %gt3A_611 = arith.constant 5.000000e-01 : f32
            %gt3A_612 = vector.broadcast %gt3A_611 : f32 to vector<16xf32>
            %gt3A_613 = arith.cmpf ogt, %select_n3A_608, %gt3A_612 : vector<16xf32>
            %eq3A_614 = vector.broadcast %while3A_502 : i32 to vector<16xi32>
            %eq3A_615 = arith.cmpi eq, %add3A_610, %eq3A_614 : vector<16xi32>
            %or3A = arith.ori %gt3A_613, %eq3A_615 : vector<16xi1>
            %jit3A_616 = arith.constant -1.000000e+00 : f32
            %broadcast_in_dim3A_617 = vector.broadcast %jit3A_616 : f32 to vector<16xf32>
            %select_n3A_618 = arith.select %or3A, %broadcast_in_dim3A_617, %get3A_574 : vector<16xi1>, vector<16xf32>
            %swap3A_619 = arith.index_cast %mul3A_573 : i32 to index
            %swap3A_620 = tpu.vector_load %arg10[%swap3A_619] {strides = array<i32>} : memref<5168xf32, #tpu.memory_space<vmem>>, vector<16xf32>,
            tpu.vector_store %arg10[%swap3A_619], %select_n3A_618 {strides = array<i32>} : memref<5168xf32, #tpu.memory_space<vmem>>, vector<16xf32>,
            %add3A_621 = arith.constant 16 : i32
            %add3A_622 = arith.addi %mul3A_573, %add3A_621 : i32
            %get3A_623 = arith.index_cast %add3A_622 : i32 to index
            %get3A_624 = tpu.vector_load %arg10[%get3A_623] {strides = array<i32>} : memref<5168xf32, #tpu.memory_space<vmem>>, vector<16xf32>,
            %get3A_625 = arith.index_cast %add3A_622 : i32 to index
            %get3A_626 = tpu.vector_load %arg17[%get3A_625] {strides = array<i32>} : memref<1072xf32, #tpu.memory_space<vmem>>, vector<16xf32>,
            %max3A_627 = arith.maximumf %get3A_626, %gather3A_505 : vector<16xf32>
            %get3A_628 = arith.index_cast %add3A_622 : i32 to index
            %get3A_629 = tpu.vector_load %arg18[%get3A_628] {strides = array<i32>} : memref<1072xf32, #tpu.memory_space<vmem>>, vector<16xf32>,
            %max3A_630 = arith.maximumf %get3A_629, %gather3A_506 : vector<16xf32>
            %get3A_631 = arith.index_cast %add3A_622 : i32 to index
            %get3A_632 = tpu.vector_load %arg19[%get3A_631] {strides = array<i32>} : memref<1072xf32, #tpu.memory_space<vmem>>, vector<16xf32>,
            %min3A_633 = arith.minimumf %get3A_632, %gather3A_507 : vector<16xf32>
            %get3A_634 = arith.index_cast %add3A_622 : i32 to index
            %get3A_635 = tpu.vector_load %arg20[%get3A_634] {strides = array<i32>} : memref<1072xf32, #tpu.memory_space<vmem>>, vector<16xf32>,
            %min3A_636 = arith.minimumf %get3A_635, %gather3A_508 : vector<16xf32>
            %sub3A_637 = arith.subf %min3A_633, %max3A_627 : vector<16xf32>
            %max3A_638 = arith.constant 0.000000e+00 : f32
            %max3A_639 = vector.broadcast %max3A_638 : f32 to vector<16xf32>
            %max3A_640 = arith.maximumf %sub3A_637, %max3A_639 : vector<16xf32>
            %sub3A_641 = arith.subf %min3A_636, %max3A_630 : vector<16xf32>
            %max3A_642 = arith.constant 0.000000e+00 : f32
            %max3A_643 = vector.broadcast %max3A_642 : f32 to vector<16xf32>
            %max3A_644 = arith.maximumf %sub3A_641, %max3A_643 : vector<16xf32>
            %mul3A_645 = arith.mulf %max3A_640, %max3A_644 : vector<16xf32>
            %get3A_646 = arith.index_cast %add3A_622 : i32 to index
            %get3A_647 = tpu.vector_load %arg21[%get3A_646] {strides = array<i32>} : memref<1072xf32, #tpu.memory_space<vmem>>, vector<16xf32>,
            %add3A_648 = arith.addf %get3A_647, %gather3A_509 : vector<16xf32>
            %sub3A_649 = arith.subf %add3A_648, %mul3A_645 : vector<16xf32>
            %gt3A_650 = arith.constant 0.000000e+00 : f32
            %gt3A_651 = vector.broadcast %gt3A_650 : f32 to vector<16xf32>
            %gt3A_652 = arith.cmpf ogt, %sub3A_649, %gt3A_651 : vector<16xf32>
            %jit3A_653 = arith.constant 1.000000e+00 : f32
            %broadcast_in_dim3A_654 = vector.broadcast %jit3A_653 : f32 to vector<16xf32>
            %select_n3A_655 = arith.select %gt3A_652, %sub3A_649, %broadcast_in_dim3A_654 : vector<16xi1>, vector<16xf32>
            %div3A_656 = arith.divf %mul3A_645, %select_n3A_655 : vector<16xf32>
            %jit3A_657 = arith.constant 0.000000e+00 : f32
            %broadcast_in_dim3A_658 = vector.broadcast %jit3A_657 : f32 to vector<16xf32>
            %select_n3A_659 = arith.select %gt3A_652, %div3A_656, %broadcast_in_dim3A_658 : vector<16xi1>, vector<16xf32>
            %add3A_660 = vector.broadcast %add3A_622 : i32 to vector<16xi32>
            %add3A_661 = arith.addi %add3A_660, %iota3A : vector<16xi32>
            %gt3A_662 = arith.constant 5.000000e-01 : f32
            %gt3A_663 = vector.broadcast %gt3A_662 : f32 to vector<16xf32>
            %gt3A_664 = arith.cmpf ogt, %select_n3A_659, %gt3A_663 : vector<16xf32>
            %eq3A_665 = vector.broadcast %while3A_502 : i32 to vector<16xi32>
            %eq3A_666 = arith.cmpi eq, %add3A_661, %eq3A_665 : vector<16xi32>
            %or3A_667 = arith.ori %gt3A_664, %eq3A_666 : vector<16xi1>
            %jit3A_668 = arith.constant -1.000000e+00 : f32
            %broadcast_in_dim3A_669 = vector.broadcast %jit3A_668 : f32 to vector<16xf32>
            %select_n3A_670 = arith.select %or3A_667, %broadcast_in_dim3A_669, %get3A_624 : vector<16xi1>, vector<16xf32>
            %swap3A_671 = arith.index_cast %add3A_622 : i32 to index
            %swap3A_672 = tpu.vector_load %arg10[%swap3A_671] {strides = array<i32>} : memref<5168xf32, #tpu.memory_space<vmem>>, vector<16xf32>,
            tpu.vector_store %arg10[%swap3A_671], %select_n3A_670 {strides = array<i32>} : memref<5168xf32, #tpu.memory_space<vmem>>, vector<16xf32>,
            %gt3A_673 = arith.cmpf ogt, %select_n3A_618, %while3A_568 : vector<16xf32>
            %gt3A_674 = arith.cmpf ogt, %select_n3A_670, %while3A_570 : vector<16xf32>
            %select_n3A_675 = arith.select %gt3A_673, %select_n3A_618, %while3A_568 : vector<16xi1>, vector<16xf32>
            %select_n3A_676 = arith.select %gt3A_673, %add3A_610, %while3A_569 : vector<16xi1>, vector<16xi32>
            %select_n3A_677 = arith.select %gt3A_674, %select_n3A_670, %while3A_570 : vector<16xi1>, vector<16xf32>
            %select_n3A_678 = arith.select %gt3A_674, %add3A_661, %while3A_571 : vector<16xi1>, vector<16xi32>
            scf.yield %select_n3A_675, %select_n3A_676, %select_n3A_677, %select_n3A_678 : vector<16xf32>, vector<16xi32>, vector<16xf32>, vector<16xi32>
          }
          %gt3A_543 = arith.cmpf ogt, %while3A_542#2, %while3A_542#0 : vector<16xf32>
          %eq3A_544 = arith.cmpf oeq, %while3A_542#2, %while3A_542#0 : vector<16xf32>
          %select_n3A_545 = arith.select %gt3A_543, %while3A_542#2, %while3A_542#0 : vector<16xi1>, vector<16xf32>
          %min3A = arith.minsi %while3A_542#1, %while3A_542#3 : vector<16xi32>
          %select_n3A_546 = arith.select %eq3A_544, %min3A, %while3A_542#1 : vector<16xi1>, vector<16xi32>
          %select_n3A_547 = arith.select %gt3A_543, %while3A_542#3, %select_n3A_546 : vector<16xi1>, vector<16xi32>
          %reduce_max3A_548 = arith.constant true
          %reduce_max3A_549 = vector.broadcast %reduce_max3A_548 : i1 to vector<16xi1>
          %reduce_max3A_550 = tpu.scan <max>, %select_n3A_545 masked %reduce_max3A_549 : vector<16xf32>, vector<16xi1> -> vector<16xf32>
          %reduce_max3A_551 = vector.extract %reduce_max3A_550[15] : f32 from vector<16xf32>
          %eq3A_552 = vector.broadcast %reduce_max3A_551 : f32 to vector<16xf32>
          %eq3A_553 = arith.cmpf oeq, %select_n3A_545, %eq3A_552 : vector<16xf32>
          %jit3A_554 = arith.constant 5120 : i32
          %broadcast_in_dim3A_555 = vector.broadcast %jit3A_554 : i32 to vector<16xi32>
          %select_n3A_556 = arith.select %eq3A_553, %select_n3A_547, %broadcast_in_dim3A_555 : vector<16xi1>, vector<16xi32>
          %reduce_min3A_557 = arith.constant true
          %reduce_min3A_558 = vector.broadcast %reduce_min3A_557 : i1 to vector<16xi1>
          %reduce_min3A_559 = arith.constant -2147483648 : i32
          %reduce_min3A_560 = vector.broadcast %reduce_min3A_559 : i32 to vector<16xi32>
          %reduce_min3A_561 = arith.xori %select_n3A_556, %reduce_min3A_560 : vector<16xi32>
          %reduce_min3A_562 = tpu.scan <min>, %reduce_min3A_561 masked %reduce_min3A_558 : vector<16xi32>, vector<16xi1> -> vector<16xi32>
          %reduce_min3A_563 = arith.xori %reduce_min3A_562, %reduce_min3A_560 : vector<16xi32>
          %reduce_min3A_564 = vector.extract %reduce_min3A_563[15] : i32 from vector<16xi32>
          %add3A_565 = arith.constant 1 : i32
          %add3A_566 = arith.addi %while3A_501, %add3A_565 : i32
          scf.yield %add3A_566, %reduce_min3A_564, %reduce_max3A_551 : i32, i32, f32
        }
        %dma_start3A = arith.constant 0 : i32
        %dma_start3A_482 = tpu.memref_slice %arg22[%dma_start3A] : memref<144xf32, #tpu.memory_space<vmem>> -> memref<128xf32, #tpu.memory_space<vmem>>
        %dma_start3A_483 = arith.constant 0 : i32
        %dma_start3A_484 = tpu.memref_slice %arg6[%add3A_35, %dma_start3A_483] : memref<720x128xf32, #tpu.memory_space<hbm>> -> memref<1x128xf32, #tpu.memory_space<hbm>>
        %dma_start3A_485 = tpu.memref_squeeze %dma_start3A_484 : memref<1x128xf32, #tpu.memory_space<hbm>> -> memref<128xf32, #tpu.memory_space<hbm>>
        %dma_start3A_486 = arith.constant 0 : i32
        %dma_start3A_487 = tpu.memref_slice %arg6[%add3A_35, %dma_start3A_486] : memref<720x128xf32, #tpu.memory_space<hbm>> -> memref<1x128xf32, #tpu.memory_space<hbm>>
        %dma_start3A_488 = tpu.memref_squeeze %dma_start3A_487 : memref<1x128xf32, #tpu.memory_space<hbm>> -> memref<128xf32, #tpu.memory_space<hbm>>
        %dma_start3A_489 = arith.constant 0 : i32
        %dma_start3A_490 = tpu.memref_slice %arg22[%dma_start3A_489] : memref<144xf32, #tpu.memory_space<vmem>> -> memref<128xf32, #tpu.memory_space<vmem>>
        tpu.enqueue_dma source(%dma_start3A_490 : memref<128xf32, #tpu.memory_space<vmem>>) target(%dma_start3A_488 : memref<128xf32, #tpu.memory_space<hbm>>) target_semaphore(%arg27 : memref<!tpu.dma_semaphore, #tpu.memory_space<semaphore_mem>>)
        %dma_start3A_491 = arith.constant 0 : i32
        %dma_start3A_492 = tpu.memref_slice %arg23[%dma_start3A_491] : memref<512xf32, #tpu.memory_space<vmem>> -> memref<512xf32, #tpu.memory_space<vmem>>
        %dma_start3A_493 = arith.constant 0 : i32
        %dma_start3A_494 = tpu.memref_slice %arg7[%add3A_35, %dma_start3A_493] : memref<720x512xf32, #tpu.memory_space<hbm>> -> memref<1x512xf32, #tpu.memory_space<hbm>>
        %dma_start3A_495 = tpu.memref_squeeze %dma_start3A_494 : memref<1x512xf32, #tpu.memory_space<hbm>> -> memref<512xf32, #tpu.memory_space<hbm>>
        %dma_start3A_496 = arith.constant 0 : i32
        %dma_start3A_497 = tpu.memref_slice %arg7[%add3A_35, %dma_start3A_496] : memref<720x512xf32, #tpu.memory_space<hbm>> -> memref<1x512xf32, #tpu.memory_space<hbm>>
        %dma_start3A_498 = tpu.memref_squeeze %dma_start3A_497 : memref<1x512xf32, #tpu.memory_space<hbm>> -> memref<512xf32, #tpu.memory_space<hbm>>
        %dma_start3A_499 = arith.constant 0 : i32
        %dma_start3A_500 = tpu.memref_slice %arg23[%dma_start3A_499] : memref<512xf32, #tpu.memory_space<vmem>> -> memref<512xf32, #tpu.memory_space<vmem>>
        tpu.enqueue_dma source(%dma_start3A_500 : memref<512xf32, #tpu.memory_space<vmem>>) target(%dma_start3A_498 : memref<512xf32, #tpu.memory_space<hbm>>) target_semaphore(%arg27 : memref<!tpu.dma_semaphore, #tpu.memory_space<semaphore_mem>>)
      } else {
      }
      %scan3A_39 = arith.constant 0 : i32
      scf.yield %scan3A_39 : i32
    }
    %scan3A_6 = arith.constant 23 : i32
    %add3A_7 = arith.constant 672 : i32
    %add3A_8 = arith.addi %add3A, %add3A_7 : i32
    %lt3A = arith.constant 16 : i32
    %lt3A_9 = arith.cmpi slt, %add3A, %lt3A : i32
    %jit3A = arith.constant 32 : i32
    %jit3A_10 = arith.constant 0 : i32
    %select_n3A = arith.select %lt3A_9, %jit3A, %jit3A_10 : i32
    %add3A_11 = arith.addi %add3A_8, %select_n3A : i32
    %dma_wait3A = arith.constant 0 : i32
    %dma_wait3A_12 = tpu.memref_slice %arg22[%dma_wait3A] : memref<144xf32, #tpu.memory_space<vmem>> -> memref<128xf32, #tpu.memory_space<vmem>>
    %dma_wait3A_13 = arith.constant 0 : i32
    %dma_wait3A_14 = tpu.memref_slice %arg6[%add3A_11, %dma_wait3A_13] : memref<720x128xf32, #tpu.memory_space<hbm>> -> memref<1x128xf32, #tpu.memory_space<hbm>>
    %dma_wait3A_15 = tpu.memref_squeeze %dma_wait3A_14 : memref<1x128xf32, #tpu.memory_space<hbm>> -> memref<128xf32, #tpu.memory_space<hbm>>
    %dma_wait3A_16 = arith.constant 0 : i32
    %dma_wait3A_17 = tpu.memref_slice %arg6[%add3A_11, %dma_wait3A_16] : memref<720x128xf32, #tpu.memory_space<hbm>> -> memref<1x128xf32, #tpu.memory_space<hbm>>
    %dma_wait3A_18 = tpu.memref_squeeze %dma_wait3A_17 : memref<1x128xf32, #tpu.memory_space<hbm>> -> memref<128xf32, #tpu.memory_space<hbm>>
    %dma_wait3A_19 = arith.constant 0 : i32
    %dma_wait3A_20 = tpu.memref_slice %arg22[%dma_wait3A_19] : memref<144xf32, #tpu.memory_space<vmem>> -> memref<128xf32, #tpu.memory_space<vmem>>
    tpu.wait_dma2 semaphore(%arg27 : memref<!tpu.dma_semaphore, #tpu.memory_space<semaphore_mem>>) src(%dma_wait3A_20 : memref<128xf32, #tpu.memory_space<vmem>>) dst(%dma_wait3A_18 : memref<128xf32, #tpu.memory_space<hbm>>)
    %dma_wait3A_21 = arith.constant 0 : i32
    %dma_wait3A_22 = tpu.memref_slice %arg23[%dma_wait3A_21] : memref<512xf32, #tpu.memory_space<vmem>> -> memref<512xf32, #tpu.memory_space<vmem>>
    %dma_wait3A_23 = arith.constant 0 : i32
    %dma_wait3A_24 = tpu.memref_slice %arg7[%add3A_11, %dma_wait3A_23] : memref<720x512xf32, #tpu.memory_space<hbm>> -> memref<1x512xf32, #tpu.memory_space<hbm>>
    %dma_wait3A_25 = tpu.memref_squeeze %dma_wait3A_24 : memref<1x512xf32, #tpu.memory_space<hbm>> -> memref<512xf32, #tpu.memory_space<hbm>>
    %dma_wait3A_26 = arith.constant 0 : i32
    %dma_wait3A_27 = tpu.memref_slice %arg7[%add3A_11, %dma_wait3A_26] : memref<720x512xf32, #tpu.memory_space<hbm>> -> memref<1x512xf32, #tpu.memory_space<hbm>>
    %dma_wait3A_28 = tpu.memref_squeeze %dma_wait3A_27 : memref<1x512xf32, #tpu.memory_space<hbm>> -> memref<512xf32, #tpu.memory_space<hbm>>
    %dma_wait3A_29 = arith.constant 0 : i32
    %dma_wait3A_30 = tpu.memref_slice %arg23[%dma_wait3A_29] : memref<512xf32, #tpu.memory_space<vmem>> -> memref<512xf32, #tpu.memory_space<vmem>>
    tpu.wait_dma2 semaphore(%arg27 : memref<!tpu.dma_semaphore, #tpu.memory_space<semaphore_mem>>) src(%dma_wait3A_30 : memref<512xf32, #tpu.memory_space<vmem>>) dst(%dma_wait3A_28 : memref<512xf32, #tpu.memory_space<hbm>>)
    return
  }
}

module attributes {stable_mosaic.version = 14 : i64} {
  func.func @_softmax_body(%arg0: i32, %arg1: i32, %arg2: memref<1x512x128xf32, #tpu.memory_space<vmem>>, %arg3: memref<128x512xf32, #tpu.memory_space<vmem>>) attributes {dimension_semantics = [#tpu.dimension_semantics<arbitrary>, #tpu.dimension_semantics<arbitrary>], iteration_bounds = array<i64: 8, 10>, scalar_prefetch = 0 : i64, scratch_operands = 0 : i64, tpu.core_type = #tpu.core_type<tc>, window_params = [{transform_indices = @transform_0, window_bounds = array<i64: 1, 512, 128>}, {transform_indices = @transform_1, window_bounds = array<i64: 128, 512>}]} {
    %get3A = arith.constant 0 : index
    %get3A_0 = arith.constant 0 : index
    %get3A_1 = arith.constant 0 : index
    %get3A_2 = vector.load %arg2[%get3A, %get3A_0, %get3A_1] : memref<1x512x128xf32, #tpu.memory_space<vmem>>, vector<1x512x128xf32>
    %get3A_3 = vector.shape_cast %get3A_2 : vector<1x512x128xf32> to vector<512x128xf32>
    %iota3A = tpu.iota {dimensions = array<i32: 1>} : vector<512x128xi32>
    %iota3A_4 = tpu.iota {dimensions = array<i32: 0>} : vector<512x128xi32>
    %mul3A = arith.constant 512 : i32
    %mul3A_5 = arith.muli %arg1, %mul3A : i32
    %add3A = vector.broadcast %mul3A_5 : i32 to vector<512x128xi32>
    %add3A_6 = arith.addi %iota3A_4, %add3A : vector<512x128xi32>
    %lt3A = arith.constant 91 : i32
    %lt3A_7 = vector.broadcast %lt3A : i32 to vector<512x128xi32>
    %lt3A_8 = arith.cmpi slt, %iota3A, %lt3A_7 : vector<512x128xi32>
    %jit3A = arith.constant -1.000000e+30 : f32
    %broadcast_in_dim3A = vector.broadcast %jit3A : f32 to vector<512x128xf32>
    %select_n3A = arith.select %lt3A_8, %get3A_3, %broadcast_in_dim3A : vector<512x128xi1>, vector<512x128xf32>
    %reduce_max3A = arith.constant dense<0xFF800000> : vector<512xf32>
    %reduce_max3A_9 = vector.multi_reduction <maximumf>, %select_n3A, %reduce_max3A [1] : vector<512x128xf32> to vector<512xf32>
    %broadcast_in_dim3A_10 = vector.shape_cast %reduce_max3A_9 : vector<512xf32> to vector<512x1xf32>
    %sub3A = vector.broadcast %broadcast_in_dim3A_10 : vector<512x1xf32> to vector<512x128xf32>
    %sub3A_11 = arith.subf %select_n3A, %sub3A : vector<512x128xf32>
    %exp3A = math.exp %sub3A_11 : vector<512x128xf32>
    %reduce_sum3A = arith.constant dense<0.000000e+00> : vector<512xf32>
    %reduce_sum3A_12 = vector.multi_reduction <add>, %exp3A, %reduce_sum3A [1] : vector<512x128xf32> to vector<512xf32>
    %broadcast_in_dim3A_13 = vector.shape_cast %reduce_sum3A_12 : vector<512xf32> to vector<512x1xf32>
    %div3A = vector.broadcast %broadcast_in_dim3A_13 : vector<512x1xf32> to vector<512x128xf32>
    %div3A_14 = arith.divf %exp3A, %div3A : vector<512x128xf32>
    %lt3A_15 = arith.constant 5000 : i32
    %lt3A_16 = vector.broadcast %lt3A_15 : i32 to vector<512x128xi32>
    %lt3A_17 = arith.cmpi slt, %add3A_6, %lt3A_16 : vector<512x128xi32>
    %jit3A_18 = arith.constant 0.000000e+00 : f32
    %broadcast_in_dim3A_19 = vector.broadcast %jit3A_18 : f32 to vector<512x128xf32>
    %select_n3A_20 = arith.select %lt3A_17, %div3A_14, %broadcast_in_dim3A_19 : vector<512x128xi1>, vector<512x128xf32>
    %transpose3A = tpu.transpose %select_n3A_20, [1, 0] : vector<512x128xf32> -> vector<128x512xf32>
    %swap3A = arith.constant 0 : index
    %swap3A_21 = arith.constant 0 : index
    %swap3A_22 = vector.load %arg3[%swap3A, %swap3A_21] : memref<128x512xf32, #tpu.memory_space<vmem>>, vector<128x512xf32>
    tpu.vector_store %arg3[%swap3A, %swap3A_21], %transpose3A {strides = array<i32>} : memref<128x512xf32, #tpu.memory_space<vmem>>, vector<128x512xf32>,
    return
  }
  func.func @transform_0(%arg0: i32, %arg1: i32) -> (i32, i32, i32) {
    %c0_i32 = arith.constant 0 : i32
    %c0_i32_0 = arith.constant 0 : i32
    return %arg0, %arg1, %c0_i32 : i32, i32, i32
  }
  func.func @transform_1(%arg0: i32, %arg1: i32) -> (i32, i32) {
    %c0_i32 = arith.constant 0 : i32
    return %arg0, %arg1 : i32, i32
  }
}

</mosaic_0001>

<sc_bundles>
// kernel: kernel.5.cloned.1.call-start
scs
__scs_entry_jumppad:
0x0: {  	(pc) =	sbr.rel $0x88, $3  }
0x1: {  	(tag) =	ssettag $0x0;
	lr =	simm.s32 $0x1  }
0x2: {  	[smem:$0x3F9D] =	sst lr;
	_ =	strace $0xD0000000  }
0x3: {  	_ = 	snop  }
0x4: {  	_ = 	snop  }
0x5: {  	_ = 	snop  }
0x6: {  	_ = 	snop  }
0x7: {  	_ = 	snop  }
__scs_overlays_trampoline_lowered:
0x8: {  	[smem:$0x3FAC] =	sst s0  }
0x9: {  	[smem:$0x3FAD] =	sst s1  }
0xa: {  	[smem:$0x3FAE] =	sst s2  }
0xb: {  	[smem:$0x3FAF] =	sst s3  }
0xc: {  	[smem:$0x3FB0] =	sst s4  }
0xd: {  	[smem:$0x3FB1] =	sst s5  }
0xe: {  	[smem:$0x3FB2] =	sst s6  }
0xf: {  	[smem:$0x3FB3] =	sst s7  }
0x10: {  	[smem:$0x3FB4] =	sst s8  }
0x11: {  	[smem:$0x3FB5] =	sst s9;
	s0 =	simm.s32 @!p0 $0x0  }
0x12: {  	s1 =	sld [smem:$0x3F9B];
	s0 =	simm.s32 @p0 $0x1  }
0x13: {  	[smem:$0x3FB6] =	sst s0;
	s0 =	simm.s32 @!p1 $0x0  }
0x14: {  	s2 =	sld [smem:$0x3F9A];
	s0 =	simm.s32 @p1 $0x1  }
0x15: {  	[smem:$0x3FB7] =	sst s0;
	s0 =	simm.s32 @!p2 $0x0  }
0x16: {  	s3 =	sld [smem:$0x3FDB];
	s0 =	simm.s32 @p2 $0x1  }
0x17: {  	s4 =	simm.s32 $0x1BF5;
	[smem:$0x3FB9] =	sst s0  }
0x18: {  	s0 =	sld [smem:$0x3F9C];
	_ =	swait.ge [sflag:s4], $0x0  }
0x19: {  	s7 =	sld [smem:$0x3F9D]  }
0x1a: {  	s8 =	sadd.s32 $0xFFFFE003, lr  }
0x1b: {  	s9 =	sadd.s32 $0xFFFFFEF7, lr;
	s5 =	simm.s32 $0xFFFFFFFF;
	p2 =	slt.u32 s8, $0xFFFFF086  }
0x1c: {  	p1 =	slt.u32 s9, $0xF7A;
	s5 =	simm.s32 @!p2 $0x0  }
0x1d: {  	s5 =	simm.s32 @p1 $0x1;
	p0 =	seq.s32 s7, s2  }
0x1e: {  	s7 =	smul.u32 @!p0 $0xF7A, s2;
	p2 =	seq.s32 @!p0 s5, $0x0  }
0x1f: {  	s9 =	smul.u32 $0xF7A, s1;
	s8 =	simm.s32 @!p0 $0x1BF5;
	p2 =	por !p2, p0  }
0x20: {  	[sflag:s8] =	ssyncset.s32 @!p0 $0xFFFFF086;
	s6 =	sadd.s32 @!p0 s3, s7;
	s7 =	simm.s32 @!p0 $0x108  }
0x21: {  	s3 =	sadd.s32 s3, s9;
	s6 =	sadd.s32 @!p0 $0x88, s6;
	s7 =	simm.s32 @p2 $0x1082  }
0x22: {  	[simem:s7], [sflag:s8] =	dma.local @!p0 [hbm:s6], $0xF7A  }
0x23: {  	s9 =	sor.u32 $0xD0000000, s2;
	s6 =	simm.s32 $0x108;
	_ =	swait.ge @!p0 [sflag:s8], $0x0  }
0x24: {  	s3 =	sadd.s32 $0x88, s3;
	s6 =	simm.s32 @!p1 $0x1082;
	[sflag:s4] =	ssyncset.s32 $0xFFFFF086  }
0x25: {  	[simem:s6], [sflag:s4] =	dma.local [hbm:s3], $0xF7A  }
0x26: {  	[smem:$0x3F9D] =	sst s1;
	(tag) =	ssettag s2;
	_ =	strace s9  }
0x27: {  	s1 =	sld [smem:$0x3FAD]  }
0x28: {  	s2 =	sld [smem:$0x3FAE]  }
0x29: {  	s4 =	sld [smem:$0x3FB0]  }
0x2a: {  	p0 =	seq.s32 s5, $0x0;
	s5 =	sld [smem:$0x3FB1]  }
0x2b: {  	s6 =	sld [smem:$0x3FB2]  }
0x2c: {  	s7 =	sld [smem:$0x3FB3]  }
0x2d: {  	s3 =	simm.s32 $0x108;
	s8 =	sld [smem:$0x3FB4]  }
0x2e: {  	s3 =	simm.s32 @!p0 $0x1082;
	s9 =	sld [smem:$0x3FB5]  }
0x2f: {  	lr =	sadd.s32 s0, s3;
	s0 =	sld [smem:$0x3FAC]  }
0x30: {  	s3 =	sld [smem:$0x3FAF]  }
0x31: {  	[smem:$0x3FB8] =	sst s10  }
0x32: {  	s10 =	sld [smem:$0x3FB6];
	_ =	sdelay $0x3  }
0x33: {  	p0 =	seq.s32 s10, $0x1;
	s10 =	sld [smem:$0x3FB8];
	_ =	sdelay $0x3  }
0x34: {  	[smem:$0x3FB8] =	sst s10  }
0x35: {  	s10 =	sld [smem:$0x3FB7];
	_ =	sdelay $0x3  }
0x36: {  	p1 =	seq.s32 s10, $0x1;
	s10 =	sld [smem:$0x3FB8];
	_ =	sdelay $0x3  }
0x37: {  	[smem:$0x3FB8] =	sst s10  }
0x38: {  	s10 =	sld [smem:$0x3FB9]  }
0x39: {  	_ = 	snop;
	(pc) =	sbr.ind lr, $3  }
0x3a: {  	_ = 	snop  }
0x3b: {  	_ = 	snop  }
0x3c: {  	p2 =	seq.s32 s10, $0x1;
	s10 =	sld [smem:$0x3FB8]  }
0x3d: {  	_ =	shalt  }
0x3e: {  	_ =	shalt  }
0x3f: {  	_ =	shalt  }
0x40: {  	_ =	shalt  }
0x41: {  	_ =	shalt  }
0x42: {  	_ =	shalt  }
0x43: {  	_ =	shalt  }
0x44: {  	_ =	shalt  }
0x45: {  	_ =	shalt  }
0x46: {  	_ =	shalt  }
0x47: {  	_ =	shalt  }
0x48: {  	_ =	shalt  }
0x49: {  	_ =	shalt  }
0x4a: {  	_ =	shalt  }
0x4b: {  	_ =	shalt  }
0x4c: {  	_ =	shalt  }
0x4d: {  	_ =	shalt  }
0x4e: {  	_ =	shalt  }
0x4f: {  	_ =	shalt  }
0x50: {  	_ =	shalt  }
0x51: {  	_ =	shalt  }
0x52: {  	_ =	shalt  }
0x53: {  	_ =	shalt  }
0x54: {  	_ =	shalt  }
0x55: {  	_ =	shalt  }
0x56: {  	_ =	shalt  }
0x57: {  	_ =	shalt  }
0x58: {  	_ =	shalt  }
0x59: {  	_ =	shalt  }
0x5a: {  	_ =	shalt  }
0x5b: {  	_ =	shalt  }
0x5c: {  	_ =	shalt  }
0x5d: {  	_ =	shalt  }
0x5e: {  	_ =	shalt  }
0x5f: {  	_ =	shalt  }
0x60: {  	_ =	shalt  }
0x61: {  	_ =	shalt  }
0x62: {  	_ =	shalt  }
0x63: {  	_ =	shalt  }
0x64: {  	_ =	shalt  }
0x65: {  	_ =	shalt  }
0x66: {  	_ =	shalt  }
0x67: {  	_ =	shalt  }
0x68: {  	_ =	shalt  }
0x69: {  	_ =	shalt  }
0x6a: {  	_ =	shalt  }
0x6b: {  	_ =	shalt  }
0x6c: {  	_ =	shalt  }
0x6d: {  	_ =	shalt  }
0x6e: {  	_ =	shalt  }
0x6f: {  	_ =	shalt  }
0x70: {  	_ =	shalt  }
0x71: {  	_ =	shalt  }
0x72: {  	_ =	shalt  }
0x73: {  	_ =	shalt  }
0x74: {  	_ =	shalt  }
0x75: {  	_ =	shalt  }
0x76: {  	_ =	shalt  }
0x77: {  	_ =	shalt  }
0x78: {  	_ =	shalt  }
0x79: {  	_ =	shalt  }
0x7a: {  	_ =	shalt  }
0x7b: {  	_ =	shalt  }
0x7c: {  	_ =	shalt  }
0x7d: {  	_ =	shalt  }
0x7e: {  	_ =	shalt  }
0x7f: {  	_ =	shalt  }
0x80: {  	_ =	shalt  }
0x81: {  	_ =	shalt  }
0x82: {  	_ =	shalt  }
0x83: {  	_ =	shalt  }
0x84: {  	_ =	shalt  }
0x85: {  	_ =	shalt  }
0x86: {  	_ =	shalt  }
0x87: {  	_ =	shalt  }
.Lfunc_end0:
.L_simem_size_0:
called_computation_lowered:
.L_overlay_start_0:
0x88: {  	s2 =	sld [smem:$0x3FD9]  }
0x89: {  	s3 =	sld [smem:$0x3FFE];
	_ =	sdelay $0x1  }
0x8a: {  	s1 =	srdreg.scid  }
0x8b: {  	s0 =	sand.u32 $0x1, s1  }
0x8c: {  	s14 =	sshll.u32 s0, $0xA;
	s2 =	sadd.s32 s3, s2  }
0x8d: {  	s2 =	sadd.s32 s2, s14  }
0x8e: {  	[smem:$0x3FC4] =	sst s2  }
0x8f: {  	_ = 	snop  }
0x90: {  	s2 =	sld [smem:$0x3FD0];
	_ =	sdelay $0x2  }
0x91: {  	s15 =	simm.s32 $0xA;
	s4 =	simm.s32 $0x10  }
0x92: {  	[smem:s4], [sflag:s15] =	dma.local [hbm:s2], $0x1  }
0x93: {  	_ =	swait.eq [sflag:s15], $0x1  }
0x94: {  	[sflag:s15] =	ssyncset.done $0x0  }
0x95: {  	[sflag:s15] =	ssyncadd.s32 $0xFFFFFFFF  }
0x96: {  	s16 =	sld [smem:$0x13];
	(tm) =	ssettm $0x1  }
0x97: {  	s17 =	sld [smem:$0x3FFB];
	_ =	sdelay $0x3  }
0x98: {  	_ =	strace s17  }
0x99: {  	s3 =	sld [smem:$0x3FFC];
	_ =	sdelay $0x3  }
0x9a: {  	_ =	strace s3  }
0x9b: {  	s3 =	sld [smem:$0x3FFD];
	_ =	sdelay $0x3  }
0x9c: {  	_ =	strace s3  }
0x9d: {  	_ =	strace $0x8FFFFFFF  }
0x9e: {  	s18 =	sld [smem:$0x3FDB];
	_ =	sdelay $0x1  }
0x9f: {  	s19 =	simm.s32 $_scs_section_size  }
0xa0: {  	s5 =	simm.s32 $_size__tile_overlayer_lowered;
	s6 =	simm.s32 $_tile_overlayer_lowered  }
0xa1: {  	s22 =	simm.s32 $0x1BFF;
	s21 =	sshll.u32 s6, $0x1;
	s3 =	sadd.s32 s19, s18  }
0xa2: {  	s7 =	simm.s32 $0x0;
	s20 =	sshll.u32 s5, $0x1;
	s5 =	sadd.s32 s21, s3  }
0xa3: {  	[timem:s7], [sflag:s22] =	dma.local [hbm:s5], s20  }
0xa4: {  	_ =	swait.ge [sflag:s22], s20  }
0xa5: {  	s4 =	ssub.s32 $0x0, s20;
	[sflag:s22] =	ssyncset.done $0x0  }
0xa6: {  	[sflag:s22] =	ssyncadd.s32 s4;
	_ =	sdelay $0x1  }
0xa7: {  	s23 =	simm.s32 $0x1B8B  }
0xa8: {  	_ =	swait.ge [sflag:s23], $0x1  }
0xa9: {  	[sflag:s23] =	ssyncset.done $0x0  }
0xaa: {  	s25 =	simm.s32 $0x1B8E;
	s24 =	sld [smem:$0x3FFE];
	[sflag:s23] =	ssyncadd.s32 $0xFFFFFFFF  }
0xab: {  	s26 =	simm.s32 $execute0_lowered;
	[smem:$0x3FD2] =	sst s25  }
0xac: {  	s5 =	sshll.u32 s26, $0x1;
	_ =	strace $0x80000046;
	[dreg:$0x1] =	wrdreg $0xFFFFFFFF  }
0xad: {  	s28 =	simm.s32 $_size_execute0_lowered;
	s3 =	sadd.s32 s3, s5;
	[dreg:$0x0] =	wrdreg $0x0  }
0xae: {  	s5 =	sshll.u32 s28, $0x1;
	[dreg:$0x2] =	wrdreg s3  }
0xaf: {  	[dreg:$0x3] =	wrdreg s5  }
0xb0: {  	[dreg:$0x4] =	wrdreg $0xC0  }
0xb1: {  	_ =	task [dreg:s7], $0x5FFFF  }
0xb2: {  	[dreg:$0x1] =	wrdreg $0xFFFFFFFF  }
0xb3: {  	[dreg:$0x0] =	wrdreg $0x60  }
0xb4: {  	[dreg:$0x2] =	wrdreg s24  }
0xb5: {  	[dreg:$0x3] =	wrdreg s16  }
0xb6: {  	[dreg:$0x4] =	wrdreg $0x9  }
0xb7: {  	_ =	task.clear_ibuf [dreg:s7], $0x5FFFF;
	_ =	strace $0x90000046  }
0xb8: {  	s29 =	simm.s32 $0x9;
	_ =	strace $0x80000048  }
0xb9: {  	_ =	swait.ge [sflag:s29], $0x1  }
0xba: {  	[sflag:s29] =	ssyncadd.s32 $0xFFFFFFFF  }
0xbb: {  	_ =	strace $0x90000048  }
0xbc: {  	_ =	sfence  }
0xbd: {  	s30 =	sld [smem:$0x0];
	_ =	sdelay $0x2  }
0xbe: {  	s31 =	sshll.u32 s1, $0xD;
	s1 =	sshrl.u32 s1, $0x2  }
0xbf: {  	s3 =	sand.u32 $0x4000, s31;
	s1 =	sadd.s32 s1, s30  }
0xc0: {  	s0 =	sor.u32 s3, s0;
	s1 =	sshll.u32 s1, $0x11  }
0xc1: {  	s0 =	sor.u32 s1, s0  }
0xc2: {  	s0 =	sadd.s32 $0x8F2B, s0  }
0xc3: {  	[sflag:s0] =	ssyncadd.remote.s32 $0x1  }
0xc4: {  	_ =	sfence.sel $0xFFFF  }
0xc5: {  	[dreg:$0x0] =	wrdreg $0xFFFFFFFF;
	(pc) =	sbr.abs _section_cstart, $3  }
0xc6: {  	[dreg:$0x1] =	wrdreg $0xFFFFFFFF  }
0xc7: {  	_ =	task.clear_ibuf [dreg:s7], $0x2FFFF;
	_ =	strace $0x9FFFFFFF  }
0xc8: {  	(tm) =	ssettm $0x7FFFFFFF  }
0xc9: {  	_ =	shalt  }
tec
execute0_lowered:
.L_overlay_start_1:
0x0: {  	(tag) =	ssettag $0x1  }
0x1: {  	s0 =	rddreg [dreg:$0x0];
	s1 =	simm.s32 $0x0  }
0x2: {  	s3 =	simm.s32 $0x0;
	s23 =	srdreg.scid;
	s4 =	stileid.u32  }
0x3: {  	s14 =	simm.s32 $0x1400;
	s15 =	simm.s32 $0x2810;
	s16 =	simm.s32 $0x1  }
0x4: {  	s17 =	simm.s32 $0x80;
	s19 =	simm.s32 $0x4C40;
	s21 =	simm.s32 $0x6C40  }
0x5: {  	s28 =	simm.s32 $0x9070;
	s29 =	simm.s32 $0x94A0;
	s30 =	simm.s32 $0x98D0  }
0x6: {  	s31 =	simm.s32 $0x9D00;
	s5 =	simm.s32 $0xA1C0;
	[smem:$0x7FF] =	sst s1  }
0x7: {  	s2 =	sadd.s32 $0xA1000, s0;
	s6 =	sadd.s32 $0x1D5C00, s0;
	s7 =	sadd.s32 $0x141000, s0  }
0x8: {  	s1 =	sand.u32 $0x1, s23;
	s24 =	sadd.s32 $0x151400, s0;
	_ =	strace $0x80000047  }
.Ltmp0:
0x9: {  	[dreg:$0x4] =	wrdreg s1;
	s1 =	ssub.s32 $0x2, s1;
	(pc) =	sbr.rel .LBB2_1-.Ltmp0, $4  }
0xa: {  	v0 =	vimm.s32 $0x0;
	vm0 =	vcmask $0x300;
	s0 =	sadd.s32 $0x146000, s0;
	[dreg:$0x3] =	wrdreg s2;
	s25 =	sshrl.u32 s1, $0x1  }
0xb: {  	v1 =	vlaneseq.u32;
	v2 =	vimm.f32 $-2.000000000e+00;
	v5 =	vimm.f32 $-1.000000000e+00;
	s10 =	sshll.u32 s4, $0x1;
	[dreg:$0x5] =	wrdreg s24;
	s26 =	ssub.s32 s1, s25  }
0xc: {  	v6 =	vimm.f32 $0.0e+00;
	vm1 =	vcmask $0x3F0C;
	vm2 =	vcmask $0x3F08;
	s4 =	simm.s32 $0x0;
	[dreg:$0x6] =	wrdreg s0;
	s0 =	smax.u32 s26, $0x1  }
0xd: {  	v3 =	vsel vm0, $0x3, v0;
	v4 =	vmul.u32 $0x8, v1;
	vm0 =	vmmov $0x1;
	s26 =	simm.s32 $0x8C40;
	[dreg:$0x7] =	wrdreg s0;
	s0 =	simm.s32 $0xA130  }
.LBB2_54:
0xe: {  	s2 =	simm.s32 $0x3  }
0xf: {  	_ =	swait.ge [sflag:s2], $0x80  }
0x10: {  	[sflag:s2] =	ssyncset.done $0x0  }
0x11: {  	[sflag:s2] =	ssyncadd.s32 $0xFFFFFF80  }
0x12: {  	_ =	swait.ge [sflag:s2], $0x200  }
0x13: {  	s4 =	rddreg [dreg:$0x8]  }
0x14: {  	s1 =	rddreg [dreg:$0x7];
	s4 =	sadd.s32 $0x1, s4  }
0x15: {  	p0 =	sne.s32 s4, s1  }
.Ltmp1:
0x16: {  	_ = 	snop;
	(pc) =	sbr.rel @!p0 .LBB2_55-.Ltmp1, $3  }
0x17: {  	_ =	sdelay $0x1  }
0x18: {  	[sflag:s2] =	ssyncset.done $0x0  }
0x19: {  	[sflag:s2] =	ssyncadd.s32 $0xFFFFFE00  }
.LBB2_1:
0x1a: {  	[dreg:$0x8] =	wrdreg s4  }
0x1b: {  	s1 =	rddreg [dreg:$0x1]  }
.Ltmp2:
0x1c: {  	s2 =	simm.s32 $0xA3C0;
	s25 =	simm.s32 $0x4;
	(pc) =	sbr.rel .LBB2_2-.Ltmp2, $4  }
0x1d: {  	[tilespmem:s2], [sflag:$0x4] =	stream.linear.gather [hbm4b:s1+s3], $0x40, $0x38;
	[tilespmem:$0xA400] =	vst v63  }
0x1e: {  	_ =	swait.ge [sflag:s25], $0x40  }
0x1f: {  	[sflag:s25] =	ssyncset.done $0x0  }
0x20: {  	s13 =	simm.s32 $0x0;
	[sflag:s25] =	ssyncadd.s32 $0xFFFFFFC0  }
.LBB2_52:
0x21: {  	s1 =	sshll.u32 s22, $0x4;
	s2 =	rddreg [dreg:$0x5];
	s24 =	simm.s32 $0x0  }
0x22: {  	s25 =	sshll.u32 s22, $0x6;
	s3 =	rddreg [dreg:$0x6];
	s1 =	sadd.s32 s2, s1  }
0x23: {  	[hbm4b:s1+s24] =	stream.linear.scatter [tilespmem:s0], [sflag:$0x3], $0x80, $0x38;
	[tilespmem:$0xA400] =	vst v63  }
0x24: {  	s1 =	sadd.s32 s3, s25;
	s3 =	simm.s32 $0x0  }
0x25: {  	[hbm4b:s1+s24] =	stream.linear.scatter [tilespmem:s5], [sflag:$0x3], $0x200, $0x38;
	[tilespmem:$0xA400] =	vst v63  }
.LBB2_53:
0x26: {  	s13 =	sadd.s32 $0x1, s13  }
0x27: {  	p0 =	sne.s32 s13, $0x17  }
.Ltmp3:
0x28: {  	_ = 	snop;
	(pc) =	sbr.rel @!p0 .LBB2_54-.Ltmp3, $1  }
0x29: {  	_ =	sdelay $0x3  }
.LBB2_2:
0x2a: {  	s1 =	sshll.u32 s13, $0x5  }
0x2b: {  	s1 =	sor.u32 s10, s1  }
0x2c: {  	p0 =	sgt.u32 s1, $0x2CF  }
.Ltmp4:
0x2d: {  	_ = 	snop;
	(pc) =	sbr.rel @p0 .LBB2_53-.Ltmp4, $1  }
0x2e: {  	_ =	sdelay $0x3  }
0x2f: {  	s2 =	rddreg [dreg:$0x4]  }
0x30: {  	p0 =	sne.s32 s13, $0x0;
	s22 =	sor.u32 s2, s1  }
0x31: {  	s3 =	simm.s32 @p0 $0x2;
	s2 =	smulhi.u32 $0xB60B60B7, s22  }
0x32: {  	_ =	swait.ge @p0 [sflag:s3], $0x1400  }
0x33: {  	[sflag:s3] =	ssyncset.done @p0 $0x0;
	s2 =	sshrl.u32 s2, $0x6  }
0x34: {  	[sflag:s3] =	ssyncadd.s32 @p0 $0xFFFFEC00;
	s3 =	simm.s32 @p0 $0x3;
	s2 =	smul.u32 $0x5A, s2  }
0x35: {  	_ =	swait.ge @p0 [sflag:s3], $0x80  }
0x36: {  	[sflag:s3] =	ssyncset.done @p0 $0x0;
	s25 =	ssub.s32 s22, s2  }
0x37: {  	[sflag:s3] =	ssyncadd.s32 @p0 $0xFFFFFF80;
	s2 =	smul.u32 @!p0 $0x1400, s25  }
0x38: {  	_ =	swait.ge @p0 [sflag:s3], $0x200  }
0x39: {  	s4 =	rddreg [dreg:$0x3];
	s2 =	sshrl.u32 @!p0 s2, $0x3  }
0x3a: {  	[sflag:s3] =	ssyncset.done @p0 $0x0;
	s2 =	sadd.s32 @!p0 s4, s2  }
0x3b: {  	[sflag:s3] =	ssyncadd.s32 @p0 $0xFFFFFE00;
	s3 =	simm.s32 @!p0 $0x0;
	s2 =	sadd.s32 @!p0 $0x280, s2  }
0x3c: {  	[tilespmem:s3], [sflag:$0x4] =	stream.linear.gather @!p0 [hbm4b:s2+s3], $0x1400, $0x38;
	[tilespmem:$0xA400] =	vst v63  }
0x3d: {  	s2 =	simm.s32 @!p0 $0x4  }
0x3e: {  	_ =	swait.ge @!p0 [sflag:s2], $0x1400  }
0x3f: {  	[sflag:s2] =	ssyncset.done @!p0 $0x0  }
0x40: {  	s12 =	simm.s32 $0x10;
	[sflag:s2] =	ssyncadd.s32 @!p0 $0xFFFFEC00  }
0x41: {  	v7 =	vld [tilespmem:s12+$0xFFFFFFF0];
	_ =	sdelay $0x4  }
0x42: {  	vm3 =	vgt.f32 v7, $5.000000070e-02  }
0x43: {  	v8 =	vsel vm3, $0x1, v0  }
0x44: {  	(xrf0) =	vadd.scan.msk.s32 $0xffff, v8;
	_ =	sdelay $0x1  }
0x45: {  	s18 =	simm.s32 $0x0  }
0x46: {  	v8 =	vmov s18  }
0x47: {  	v8 =	vadd.s32 $0xFFFFFFFF, v8  }
0x48: {  	v8 =	vbroadcast v8, $0x0  }
0x49: {  	v9, _, _ =	vpop (xrf0)  }
0x4a: {  	v10 =	vmpcnt.ones.xlane vm3;
	v8 =	vadd.s32 v9, v8  }
0x4b: {  	vm4 =	vgt.s32 v8, $0x0  }
0x4c: {  	(v2sf) =	vpush v10, $0x0;
	v8 =	vnsel vm4, $0x0, v8;
	_ =	sdelay $0x2  }
0x4d: {  	s20 =	simm.s32 $0x0  }
0x4e: {  	v60 =	vor.u32 s20, v1  }
0x4f: {  	[tilespmem:v8+s14+$0x0] =	vst.idx.msk vm3, v60  }
0x50: {  	[tilespmem:v8+s15+$0x0] =	vst.idx.msk vm3, v7  }
0x51: {  	v7 =	vld [tilespmem:s12+$0x0];
	_ =	sdelay $0x4  }
0x52: {  	vm3 =	vgt.f32 v7, $5.000000070e-02  }
0x53: {  	v8 =	vsel vm3, $0x1, v0;
	v61 =	vmpcnt.ones.xlane vm3  }
0x54: {  	(xrf0) =	vadd.scan.msk.s32 $0xffff, v8  }
0x55: {  	s23 =	spop (v2sf);
	(v2sf) =	vpush v61, $0x0  }
0x56: {  	s9 =	sadd.s32 $0x0, s23  }
0x57: {  	v8 =	vmov s9  }
0x58: {  	v8 =	vadd.s32 $0xFFFFFFFF, v8  }
0x59: {  	v8 =	vbroadcast v8, $0x0  }
0x5a: {  	v62, _, _ =	vpop (xrf0)  }
0x5b: {  	v8 =	vadd.s32 v62, v8  }
0x5c: {  	vm15 =	vgt.s32 v8, $0x0  }
0x5d: {  	v8 =	vnsel vm15, $0x0, v8;
	_ =	sdelay $0x3  }
0x5e: {  	v63 =	vor.u32 s12, v1  }
0x5f: {  	s24 =	smul.u32 $0x2D83, s1;
	[tilespmem:v8+s14+$0x0] =	vst.idx.msk vm3, v63  }
0x60: {  	s4 =	simm.s32 $0x50;
	s2 =	simm.s32 $0x30;
	[tilespmem:v8+s15+$0x0] =	vst.idx.msk vm3, v7  }
0x61: {  	s3 =	simm.s32 $0x30;
	s23 =	sshrl.u32 s24, $0x14;
	v7 =	vld [tilespmem:s2+$0xFFFFFFF0];
	s8 =	spop (v2sf)  }
.LBB2_4:
0x62: {  	p0 =	sne.s32 s4, $0x13F0  }
0x63: {  	s9 =	sadd.s32 s9, s8;
	s8 =	smov.u32 s4;
	s4 =	sadd.s32 $0x20, s4  }
0x64: {  	v8 =	vmov s9  }
0x65: {  	v8 =	vadd.s32 $0xFFFFFFFF, v8;
	_ =	sdelay $0x1  }
0x66: {  	vm3 =	vgt.f32 v7, $5.000000070e-02  }
0x67: {  	v9 =	vsel vm3, $0x1, v0;
	v10 =	vmpcnt.ones.xlane vm3  }
0x68: {  	(xrf0) =	vadd.scan.msk.s32 $0xffff, v9  }
0x69: {  	(v2sf) =	vpush v10, $0x0;
	_ =	sdelay $0x3  }
0x6a: {  	v8 =	vbroadcast v8, $0x0  }
0x6b: {  	v9, _, _ =	vpop (xrf0)  }
0x6c: {  	v8 =	vadd.s32 v9, v8  }
0x6d: {  	vm4 =	vgt.s32 v8, $0x0  }
0x6e: {  	v8 =	vnsel vm4, $0x0, v8;
	_ =	sdelay $0x2  }
0x6f: {  	s11 =	sadd.s32 $0xFFFFFFF0, s2  }
0x70: {  	v9 =	vor.u32 s11, v1  }
0x71: {  	[tilespmem:v8+s14+$0x0] =	vst.idx.msk vm3, v9  }
0x72: {  	[tilespmem:v8+s15+$0x0] =	vst.idx.msk vm3, v7  }
0x73: {  	v7 =	vld [tilespmem:s3+$0x0];
	s11 =	spop (v2sf);
	_ =	sdelay $0x4  }
0x74: {  	vm3 =	vgt.f32 v7, $5.000000070e-02  }
0x75: {  	v8 =	vsel vm3, $0x1, v0;
	v9 =	vmpcnt.ones.xlane vm3  }
0x76: {  	(xrf0) =	vadd.scan.msk.s32 $0xffff, v8  }
0x77: {  	(v2sf) =	vpush v9, $0x0  }
0x78: {  	s9 =	sadd.s32 s9, s11  }
0x79: {  	v8 =	vmov s9  }
0x7a: {  	v8 =	vadd.s32 $0xFFFFFFFF, v8  }
0x7b: {  	v8 =	vbroadcast v8, $0x0  }
0x7c: {  	v9, _, _ =	vpop (xrf0)  }
0x7d: {  	v8 =	vadd.s32 v9, v8  }
0x7e: {  	vm4 =	vgt.s32 v8, $0x0  }
0x7f: {  	v8 =	vnsel vm4, $0x0, v8;
	_ =	sdelay $0x2  }
.Ltmp5:
0x80: {  	(pc) =	sbr.rel @p0 .LBB2_4-.Ltmp5, $4  }
0x81: {  	v9 =	vor.u32 s2, v1;
	s2 =	smov.u32 s8  }
0x82: {  	[tilespmem:v8+s14+$0x0] =	vst.idx.msk vm3, v9  }
0x83: {  	s3 =	sadd.s32 $0x20, s3;
	[tilespmem:v8+s15+$0x0] =	vst.idx.msk vm3, v7  }
0x84: {  	v7 =	vld [tilespmem:s3+$0xFFFFFFF0];
	s8 =	spop (v2sf)  }
0x85: {  	_ =	sdelay $0x3  }
0x86: {  	vm3 =	vgt.f32 v7, $5.000000070e-02  }
0x87: {  	v8 =	vsel vm3, $0x1, v0  }
0x88: {  	(xrf0) =	vadd.scan.msk.s32 $0xffff, v8;
	_ =	sdelay $0x1  }
0x89: {  	s4 =	sadd.s32 s9, s8  }
0x8a: {  	v8 =	vmov s4  }
0x8b: {  	v8 =	vadd.s32 $0xFFFFFFFF, v8  }
0x8c: {  	v8 =	vbroadcast v8, $0x0  }
0x8d: {  	v9, _, _ =	vpop (xrf0)  }
0x8e: {  	v8 =	vadd.s32 v9, v8  }
0x8f: {  	vm4 =	vgt.s32 v8, $0x0  }
0x90: {  	v8 =	vnsel vm4, $0x0, v8;
	_ =	sdelay $0x2  }
0x91: {  	s18 =	sadd.s32 $0xFFFFFFF0, s2  }
0x92: {  	v61 =	vor.u32 s18, v1  }
0x93: {  	[tilespmem:v8+s14+$0x0] =	vst.idx.msk vm3, v61  }
0x94: {  	v60 =	vmpcnt.ones.xlane vm3;
	[tilespmem:v8+s15+$0x0] =	vst.idx.msk vm3, v7  }
0x95: {  	v7 =	vld [tilespmem:s3+$0x0]  }
0x96: {  	(v2sf) =	vpush v60, $0x0;
	_ =	sdelay $0x3  }
0x97: {  	vm3 =	vgt.f32 v7, $5.000000070e-02  }
0x98: {  	v8 =	vmpcnt.ones.xlane vm3;
	_ =	sdelay $0x1  }
0x99: {  	(v2sf) =	vpush v8, $0x0;
	_ =	sdelay $0x5  }
0x9a: {  	v8 =	vsel vm3, $0x1, v0  }
0x9b: {  	(xrf0) =	vadd.scan.msk.s32 $0xffff, v8  }
0x9c: {  	s20 =	spop (v2sf)  }
0x9d: {  	s3 =	sadd.s32 s4, s20  }
0x9e: {  	v8 =	vmov s3  }
0x9f: {  	v8 =	vadd.s32 $0xFFFFFFFF, v8  }
0xa0: {  	v8 =	vbroadcast v8, $0x0  }
0xa1: {  	v62, _, _ =	vpop (xrf0)  }
0xa2: {  	v8 =	vadd.s32 v62, v8  }
0xa3: {  	vm15 =	vgt.s32 v8, $0x0;
	s24 =	spop (v2sf)  }
0xa4: {  	v8 =	vnsel vm15, $0x0, v8;
	s24 =	sadd.s32 s3, s24  }
0xa5: {  	p0 =	slt.s32 s24, $0x3E9  }
.Ltmp6:
0xa6: {  	_ = 	snop;
	(pc) =	sbr.rel @p0 .LBB2_15-.Ltmp6, $4  }
0xa7: {  	_ = 	snop  }
0xa8: {  	v63 =	vor.u32 s2, v1  }
0xa9: {  	[tilespmem:v8+s14+$0x0] =	vst.idx.msk vm3, v63  }
0xaa: {  	[tilespmem:v8+s15+$0x0] =	vst.idx.msk vm3, v7  }
0xab: {  	s3 =	simm.s32 $0x0;
	s2 =	simm.s32 $0x3D4CCCCD;
	s4 =	simm.s32 $0x40000000  }
.LBB2_7:
0xac: {  	s8 =	sadd.s32 s2, s4  }
0xad: {  	s9 =	sand.u32 $0x1, s8  }
0xae: {  	p0 =	slt.s32 s8, $0x1;
	p1 =	seq.s32 s9, $0x1  }
0xaf: {  	s17 =	simm.s32 $0x0;
	s11 =	sshrl.u32 s8, $0x1F;
	p0 =	por !p0, !p1  }
0xb0: {  	s8 =	sadd.s32 s11, s8;
	s9 =	simm.s32 $0x1;
	p0 =	por !p0, !p0  }
0xb1: {  	v8 =	vld [tilespmem:s17+$0x0];
	s8 =	sshra.s32 s8, $0x1;
	s9 =	simm.s32 @!p0 $0x0  }
0xb2: {  	s18 =	simm.s32 $0x10;
	s8 =	ssub.s32 s8, s9  }
0xb3: {  	s20 =	simm.s32 $0x20;
	v9 =	vld [tilespmem:s18+$0x0];
	v7 =	vmov s8  }
0xb4: {  	v10 =	vld [tilespmem:s20+$0x0];
	v7 =	vbroadcast v7, $0x0;
	_ =	sdelay $0x1  }
0xb5: {  	vm3 =	vge.f32 v8, v7  }
0xb6: {  	v8 =	vmpcnt.ones.xlane vm3  }
0xb7: {  	vm3 =	vge.f32 v9, v7  }
0xb8: {  	v9 =	vmpcnt.ones.xlane vm3;
	vm3 =	vge.f32 v10, v7;
	(v2sf) =	vpush v8, $0x0  }
0xb9: {  	v10 =	vmpcnt.ones.xlane vm3  }
0xba: {  	(v2sf) =	vpush v9, $0x0  }
0xbb: {  	(v2sf) =	vpush v10, $0x0;
	_ =	sdelay $0x5  }
0xbc: {  	s24 =	simm.s32 $0x30  }
0xbd: {  	v8 =	vld [tilespmem:s24+$0x0];
	_ =	sdelay $0x1  }
0xbe: {  	s11 =	simm.s32 $0x100;
	s9 =	simm.s32 $0x0  }
.LBB2_8:
0xbf: {  	p0 =	sne.s32 s11, $0x4FC0  }
.Ltmp7:
0xc0: {  	s12 =	sshra.s32 s11, $0x2;
	(pc) =	sbr.rel @p0 .LBB2_8-.Ltmp7, $3  }
0xc1: {  	s11 =	sadd.s32 $0x40, s11;
	s17 =	spop (v2sf);
	vm3 =	vge.f32 v8, v7  }
0xc2: {  	s9 =	sadd.s32 s9, s17;
	v8 =	vld [tilespmem:s12+$0x0];
	v9 =	vmpcnt.ones.xlane vm3;
	_ =	sdelay $0x1  }
0xc3: {  	(v2sf) =	vpush v9, $0x0  }
0xc4: {  	_ =	sdelay $0x1  }
0xc5: {  	vm3 =	vge.f32 v8, v7  }
0xc6: {  	v7 =	vmpcnt.ones.xlane vm3;
	_ =	sdelay $0x1  }
0xc7: {  	(v2sf) =	vpush v7, $0x0;
	_ =	sdelay $0xb  }
0xc8: {  	s11 =	spop (v2sf)  }
0xc9: {  	s9 =	sadd.s32 s9, s11;
	s18 =	spop (v2sf)  }
0xca: {  	s9 =	sadd.s32 s9, s18;
	s20 =	spop (v2sf)  }
0xcb: {  	s9 =	sadd.s32 s9, s20;
	s24 =	spop (v2sf)  }
0xcc: {  	s9 =	sadd.s32 s9, s24  }
0xcd: {  	s3 =	sadd.s32 $0x1, s3;
	p0 =	sgt.s32 s9, $0x3E7  }
0xce: {  	s2 =	smov.u32 @p0 s8;
	s8 =	smov.u32 @p0 s4;
	p0 =	sne.s32 s3, $0x1F  }
.Ltmp8:
0xcf: {  	_ = 	snop;
	(pc) =	sbr.rel @p0 .LBB2_7-.Ltmp8, $2  }
0xd0: {  	_ =	sdelay $0x2  }
0xd1: {  	s4 =	smov.u32 s8  }
0xd2: {  	s3 =	simm.s32 $0x0  }
0xd3: {  	v8 =	vld [tilespmem:s3+$0x0]  }
0xd4: {  	s20 =	simm.s32 $0x10  }
0xd5: {  	s24 =	simm.s32 $0x20;
	v7 =	vmov s2;
	v9 =	vld [tilespmem:s20+$0x0]  }
0xd6: {  	v10 =	vld [tilespmem:s24+$0x0];
	v7 =	vbroadcast v7, $0x0;
	_ =	sdelay $0x1  }
0xd7: {  	vm3 =	vgt.f32 v8, v7  }
0xd8: {  	v8 =	vmpcnt.ones.xlane vm3  }
0xd9: {  	vm3 =	vgt.f32 v9, v7  }
0xda: {  	v9 =	vmpcnt.ones.xlane vm3;
	vm3 =	vgt.f32 v10, v7;
	(v2sf) =	vpush v8, $0x0  }
0xdb: {  	v10 =	vmpcnt.ones.xlane vm3  }
0xdc: {  	(v2sf) =	vpush v9, $0x0  }
0xdd: {  	(v2sf) =	vpush v10, $0x0;
	_ =	sdelay $0x5  }
0xde: {  	s4 =	simm.s32 $0x30  }
0xdf: {  	v8 =	vld [tilespmem:s4+$0x0];
	_ =	sdelay $0x1  }
0xe0: {  	s2 =	simm.s32 $0x100;
	s3 =	simm.s32 $0x0  }
.LBB2_11:
0xe1: {  	p0 =	sne.s32 s2, $0x4FC0  }
.Ltmp9:
0xe2: {  	s4 =	sshra.s32 s2, $0x2;
	(pc) =	sbr.rel @p0 .LBB2_11-.Ltmp9, $3  }
0xe3: {  	s2 =	sadd.s32 $0x40, s2;
	s8 =	spop (v2sf);
	vm3 =	vgt.f32 v8, v7  }
0xe4: {  	s3 =	sadd.s32 s3, s8;
	v8 =	vld [tilespmem:s4+$0x0];
	v9 =	vmpcnt.ones.xlane vm3;
	_ =	sdelay $0x1  }
0xe5: {  	(v2sf) =	vpush v9, $0x0  }
0xe6: {  	_ =	sdelay $0x1  }
0xe7: {  	vm3 =	vgt.f32 v8, v7  }
0xe8: {  	v8 =	vmpcnt.ones.xlane vm3;
	_ =	sdelay $0x1  }
0xe9: {  	(v2sf) =	vpush v8, $0x0;
	_ =	sdelay $0x2  }
0xea: {  	s2 =	simm.s32 $0x0  }
0xeb: {  	v9 =	vld [tilespmem:s2+$0x0];
	_ =	sdelay $0x4  }
0xec: {  	vm3 =	veq.f32 v9, v7  }
0xed: {  	v8 =	vsel vm3, $0x1, v0  }
0xee: {  	(xrf0) =	vadd.scan.msk.s32 $0xffff, v8  }
0xef: {  	s4 =	spop (v2sf)  }
0xf0: {  	s3 =	sadd.s32 s3, s4;
	s18 =	spop (v2sf)  }
0xf1: {  	s3 =	sadd.s32 s3, s18;
	s20 =	spop (v2sf)  }
0xf2: {  	s3 =	sadd.s32 s3, s20;
	s24 =	spop (v2sf)  }
0xf3: {  	s3 =	sadd.s32 s3, s24  }
0xf4: {  	v10, _, _ =	vpop (xrf0);
	s3 =	ssub.s32 $0x3E8, s3  }
0xf5: {  	v10 =	vadd.s32 s2, v10;
	v8 =	vmov s3  }
0xf6: {  	vm4 =	vle.s32 v10, v8  }
0xf7: {  	vm5 =	vgt.f32 v9, v7;
	vm3 =	vmand vm3, vm4  }
0xf8: {  	vm4 =	vmor vm5, vm3;
	v10 =	vsel vm3, $0x1, v0  }
0xf9: {  	v11 =	vsel vm4, $0x1, v0;
	(xrf0) =	vadd.scan.msk.s32 $0xffff, v10  }
0xfa: {  	(xrf0) =	vadd.scan.msk.s32 $0xffff, v11;
	_ =	sdelay $0x2  }
0xfb: {  	v10 =	vmov s2  }
0xfc: {  	v10 =	vadd.s32 $0xFFFFFFFF, v10  }
0xfd: {  	v10 =	vbroadcast v10, $0x0;
	v11, _, _ =	vpop (xrf0)  }
0xfe: {  	v12, _, _ =	vpop (xrf0);
	(v2sf) =	vpush v11, $0xF  }
0xff: {  	v10 =	vadd.s32 v12, v10;
	(v2sf) =	vpush v12, $0xF  }
0x100: {  	vm3 =	vgt.s32 v10, $0x0  }
0x101: {  	v10 =	vnsel vm3, $0x0, v10;
	_ =	sdelay $0x3  }
0x102: {  	v13 =	vor.u32 s2, v1  }
0x103: {  	[tilespmem:v10+s14+$0x0] =	vst.idx.msk vm4, v13  }
0x104: {  	s8 =	simm.s32 $0x20;
	s3 =	simm.s32 $0x10;
	[tilespmem:v10+s15+$0x0] =	vst.idx.msk vm4, v9  }
0x105: {  	s9 =	simm.s32 $0x10;
	s17 =	simm.s32 $0x80;
	s4 =	simm.s32 $0x0;
	v9 =	vld [tilespmem:s3+$0x0]  }
.LBB2_13:
0x106: {  	p0 =	sne.s32 s8, $0x13F0;
	_ =	sdelay $0x3  }
0x107: {  	vm3 =	veq.f32 v9, v7;
	s11 =	spop (v2sf)  }
0x108: {  	v10 =	vsel vm3, $0x1, v0;
	s2 =	sadd.s32 s2, s11;
	s11 =	spop (v2sf)  }
0x109: {  	(xrf0) =	vadd.scan.msk.s32 $0xffff, v10;
	s4 =	sadd.s32 s4, s11  }
0x10a: {  	v10 =	vmov s4  }
0x10b: {  	v10 =	vadd.s32 $0xFFFFFFFF, v10  }
0x10c: {  	v10 =	vbroadcast v10, $0x0;
	_ =	sdelay $0x2  }
0x10d: {  	v11, _, _ =	vpop (xrf0)  }
0x10e: {  	v11 =	vadd.s32 s2, v11  }
0x10f: {  	vm4 =	vle.s32 v11, v8  }
0x110: {  	vm5 =	vgt.f32 v9, v7;
	vm3 =	vmand vm3, vm4  }
0x111: {  	vm4 =	vmor vm5, vm3;
	v11 =	vsel vm3, $0x1, v0  }
0x112: {  	v12 =	vsel vm4, $0x1, v0;
	(xrf0) =	vadd.scan.msk.s32 $0xffff, v11  }
0x113: {  	(xrf0) =	vadd.scan.msk.s32 $0xffff, v12;
	_ =	sdelay $0x4  }
0x114: {  	v11, _, _ =	vpop (xrf0)  }
0x115: {  	v12, _, _ =	vpop (xrf0);
	(v2sf) =	vpush v11, $0xF  }
0x116: {  	v10 =	vadd.s32 v12, v10;
	(v2sf) =	vpush v12, $0xF  }
0x117: {  	vm3 =	vgt.s32 v10, $0x0  }
0x118: {  	v10 =	vnsel vm3, $0x0, v10;
	_ =	sdelay $0x2  }
.Ltmp10:
0x119: {  	(pc) =	sbr.rel @p0 .LBB2_13-.Ltmp10, $4  }
0x11a: {  	v11 =	vor.u32 s3, v1;
	s3 =	smov.u32 s8  }
0x11b: {  	[tilespmem:v10+s14+$0x0] =	vst.idx.msk vm4, v11  }
0x11c: {  	s9 =	sadd.s32 $0x10, s9;
	[tilespmem:v10+s15+$0x0] =	vst.idx.msk vm4, v9  }
0x11d: {  	s8 =	sadd.s32 $0x10, s8;
	v9 =	vld [tilespmem:s9+$0x0]  }
0x11e: {  	_ =	sdelay $0x3  }
0x11f: {  	vm3 =	veq.f32 v9, v7  }
0x120: {  	v10 =	vsel vm3, $0x1, v0  }
0x121: {  	(xrf0) =	vadd.scan.msk.s32 $0xffff, v10;
	_ =	sdelay $0x4  }
0x122: {  	s8 =	spop (v2sf)  }
0x123: {  	s2 =	sadd.s32 s2, s8;
	v10, _, _ =	vpop (xrf0)  }
0x124: {  	v10 =	vadd.s32 s2, v10  }
0x125: {  	vm4 =	vle.s32 v10, v8  }
0x126: {  	vm5 =	vgt.f32 v9, v7;
	vm3 =	vmand vm3, vm4  }
0x127: {  	vm4 =	vmor vm5, vm3;
	v7 =	vsel vm3, $0x1, v0  }
0x128: {  	v8 =	vsel vm4, $0x1, v0;
	(xrf0) =	vadd.scan.msk.s32 $0xffff, v7  }
0x129: {  	(xrf0) =	vadd.scan.msk.s32 $0xffff, v8;
	_ =	sdelay $0x4  }
0x12a: {  	v7, _, _ =	vpop (xrf0)  }
0x12b: {  	v8, _, _ =	vpop (xrf0);
	(v2sf) =	vpush v7, $0xF  }
0x12c: {  	(v2sf) =	vpush v8, $0xF;
	_ =	sdelay $0x1  }
0x12d: {  	s20 =	spop (v2sf)  }
0x12e: {  	s2 =	sadd.s32 s4, s20  }
0x12f: {  	v7 =	vmov s2  }
0x130: {  	v7 =	vadd.s32 $0xFFFFFFFF, v7  }
0x131: {  	v7 =	vbroadcast v7, $0x0;
	_ =	sdelay $0x1  }
0x132: {  	v7 =	vadd.s32 v8, v7  }
0x133: {  	vm3 =	vgt.s32 v7, $0x0  }
0x134: {  	v7 =	vnsel vm3, $0x0, v7;
	_ =	sdelay $0x3  }
0x135: {  	v8 =	vor.u32 s3, v1;
	s24 =	spop (v2sf)  }
0x136: {  	[tilespmem:v7+s14+$0x0] =	vst.idx.msk vm4, v8;
	s3 =	spop (v2sf)  }
0x137: {  	[tilespmem:v7+s15+$0x0] =	vst.idx.msk vm4, v9;
	s24 =	sadd.s32 s2, s3  }
.LBB2_15:
0x138: {  	p0 =	sgt.u32 s1, $0x2AF  }
0x139: {  	s1 =	sadd.s32 @!p0 $0x20, s22  }
0x13a: {  	s2 =	smulhi.u32 @!p0 $0xB60B60B7, s1;
	_ =	sdelay $0x1  }
0x13b: {  	s2 =	sshrl.u32 @!p0 s2, $0x6  }
0x13c: {  	s3 =	smul.u32 @!p0 $0x5A, s2;
	_ =	sdelay $0x1  }
0x13d: {  	s2 =	sshll.u32 @!p0 s2, $0x7;
	s1 =	ssub.s32 @!p0 s1, s3  }
0x13e: {  	s1 =	sor.u32 @!p0 s1, s2  }
0x13f: {  	s1 =	smul.u32 @!p0 $0x1400, s1  }
0x140: {  	v7 =	vadd.s32 s24, v1;
	s18 =	sadd.s32 $0x10, s24  }
0x141: {  	v8 =	vadd.s32 s18, v1;
	s2 =	rddreg [dreg:$0x3];
	s1 =	sshrl.u32 @!p0 s1, $0x3  }
0x142: {  	s1 =	sadd.s32 @!p0 s2, s1  }
0x143: {  	s2 =	simm.s32 @!p0 $0x0;
	s1 =	sadd.s32 @!p0 $0x280, s1  }
0x144: {  	[tilespmem:s2], [sflag:$0x2] =	stream.linear.gather @!p0 [hbm4b:s1+s2], $0x1400, $0x38;
	[tilespmem:$0xA400] =	vst v63  }
0x145: {  	[tilespmem:v7+s15+$0x0] =	vst.idx.msk $0xffff, v2  }
0x146: {  	s1 =	simm.s32 $0x0;
	[tilespmem:v8+s15+$0x0] =	vst.idx.msk $0xffff, v2  }
0x147: {  	v7 =	vld [tilespmem:s1+$0x1400];
	_ =	sdelay $0x2  }
0x148: {  	s20 =	smul.u32 $0x6F158, s23;
	_ =	sdelay $0x1  }
0x149: {  	s2 =	sadd.s32 s20, s25;
	s25 =	smul.u32 $0x1388, s23;
	vm3 =	vgt.s32 v7, $0x0  }
0x14a: {  	v9 =	vnsel vm3, $0x0, v7  }
0x14b: {  	s2 =	sadd.s32 $0x1, s2;
	v8 =	vmov s25;
	v9 =	vmin.u32 v9, $0x1387  }
0x14c: {  	v7 =	vmov s2;
	s2 =	simm.s32 $0x10;
	v11 =	vmul.u32 $0x5B, v9;
	v12 =	vand.u32 $0x1, v9  }
0x14d: {  	v10 =	vadd.s32 v8, v9;
	vm4 =	veq.s32 v12, $0x1;
	v12 =	vshll.u32 v9, $0x2;
	v9 =	vld [tilespmem:s2+$0x1400];
	_ =	sdelay $0x2  }
0x14e: {  	vm3 =	veq.s32 v10, $0x0  }
0x14f: {  	s3 =	simm.s32 $0x80;
	v11 =	vadd.s32 v7, v11;
	vm3 =	vmand vm3, vm4;
	v12 =	vand.u32 $0x4, v12  }
.LBB2_16:
0x150: {  	s4 =	sshra.s32 s3, $0x2;
	p0 =	sne.s32 s3, $0xFC0;
	s3 =	sadd.s32 $0x40, s3;
	vm4 =	vgt.s32 v9, $0x0;
	v10 =	vshrl.u32 v10, $0x1;
	v13 =	vsel vm3, $0xFFFFFFFF, v0;
	[tilespmem:s1+$0x4840] =	vst v12  }
.Ltmp11:
0x151: {  	v14 =	vshll.u32 v11, $0x2;
	v12 =	vnsel vm4, $0x0, v9;
	v9 =	vld [tilespmem:s4+$0x1400];
	v10 =	vadd.s32 v13, v10;
	(pc) =	sbr.rel @p0 .LBB2_16-.Ltmp11, $4  }
0x152: {  	v11 =	vshrl.u32 v11, $0x1;
	v13 =	vand.u32 $0x4, v14;
	v12 =	vmin.u32 v12, $0x1387;
	[tilespmem:s1+$0x4440] =	vst v10  }
0x153: {  	v14 =	vmul.u32 $0x5B, v12;
	v10 =	vadd.s32 v8, v12;
	v15 =	vand.u32 $0x1, v12;
	[tilespmem:s1+$0x4040] =	vst v13  }
0x154: {  	v12 =	vshll.u32 v12, $0x2;
	vm3 =	veq.s32 v10, $0x0;
	vm4 =	veq.s32 v15, $0x1;
	[tilespmem:s1+$0x3C40] =	vst v11;
	s1 =	smov.u32 s2;
	s2 =	smov.u32 s4  }
0x155: {  	v12 =	vand.u32 $0x4, v12;
	v11 =	vadd.s32 v7, v14;
	vm3 =	vmand vm3, vm4  }
0x156: {  	vm4 =	vgt.s32 v9, $0x0  }
0x157: {  	v10 =	vshrl.u32 v10, $0x1;
	v13 =	vsel vm3, $0xFFFFFFFF, v0;
	v9 =	vnsel vm4, $0x0, v9  }
0x158: {  	v14 =	vshll.u32 v11, $0x2;
	v58 =	vshrl.u32 v11, $0x1;
	v9 =	vmin.u32 v9, $0x1387  }
0x159: {  	[tilespmem:s1+$0x4840] =	vst v12;
	v10 =	vadd.s32 v13, v10;
	v61 =	vand.u32 $0x4, v14;
	v59 =	vmul.u32 $0x5B, v9  }
0x15a: {  	[tilespmem:s1+$0x3C40] =	vst v58;
	v8 =	vadd.s32 v8, v9;
	v60 =	vand.u32 $0x1, v9;
	v9 =	vshll.u32 v9, $0x2  }
0x15b: {  	p0 =	slt.s32 s24, $0x1;
	[tilespmem:s1+$0x4440] =	vst v10;
	vm3 =	veq.s32 v8, $0x0;
	vm15 =	veq.s32 v60, $0x1;
	v9 =	vand.u32 $0x4, v9  }
.Ltmp12:
0x15c: {  	[tilespmem:s1+$0x4040] =	vst v61;
	v8 =	vshrl.u32 v8, $0x1;
	v7 =	vadd.s32 v7, v59;
	vm3 =	vmand vm3, vm15;
	(pc) =	sbr.rel @p0 .LBB2_35-.Ltmp12, $4  }
0x15d: {  	[tilespmem:s2+$0x4840] =	vst v9;
	v62 =	vsel vm3, $0xFFFFFFFF, v0;
	v63 =	vshll.u32 v7, $0x2;
	v7 =	vshrl.u32 v7, $0x1  }
0x15e: {  	v8 =	vadd.s32 v62, v8;
	[tilespmem:s2+$0x3C40] =	vst v7  }
0x15f: {  	v9 =	vand.u32 $0x4, v63;
	[tilespmem:s2+$0x4440] =	vst v8  }
0x160: {  	[tilespmem:s2+$0x4040] =	vst v9  }
0x161: {  	s1 =	simm.s32 $0x3C40;
	p0 =	slt.u32 s24, $0x81  }
0x162: {  	[tilespmem:s19], [sflag:$0x1] =	stream.indirect.gather [hbm4b:s6+s17], $0x8, s1, s17, $0xb8;
	[tilespmem:$0xA400] =	vst v63  }
0x163: {  	p1 =	slt.u32 @!p0 s24, $0x101  }
0x164: {  	s25 =	simm.s32 $0x4440;
	p3 =	por p0, p1  }
0x165: {  	[tilespmem:s21], [sflag:$0x1] =	stream.indirect.gather [hbm4b:s7+s17], $0x8, s25, s17, $0xb8;
	[tilespmem:$0xA400] =	vst v63  }
0x166: {  	s1 =	simm.s32 @!p0 $0x80;
	p1 =	slt.u32 @!p3 s24, $0x181  }
0x167: {  	s2 =	simm.s32 @!p0 $0x3CC0;
	s3 =	simm.s32 @!p0 $0x5040;
	p5 =	por p3, p1  }
0x168: {  	[tilespmem:s3], [sflag:$0x1] =	stream.indirect.gather @!p0 [hbm4b:s6+s1], $0x8, s2, s1, $0xb8;
	[tilespmem:$0xA400] =	vst v63  }
0x169: {  	s2 =	simm.s32 @!p0 $0x44C0;
	s3 =	simm.s32 @!p0 $0x7040;
	p1 =	slt.u32 @!p5 s24, $0x201  }
0x16a: {  	[tilespmem:s3], [sflag:$0x1] =	stream.indirect.gather @!p0 [hbm4b:s7+s1], $0x8, s2, s1, $0xb8;
	[tilespmem:$0xA400] =	vst v63  }
0x16b: {  	s1 =	simm.s32 @!p3 $0x80;
	s2 =	simm.s32 @!p3 $0x3D40;
	s3 =	simm.s32 @!p3 $0x5440  }
0x16c: {  	[tilespmem:s3], [sflag:$0x1] =	stream.indirect.gather @!p3 [hbm4b:s6+s1], $0x8, s2, s1, $0xb8;
	[tilespmem:$0xA400] =	vst v63  }
0x16d: {  	p1 =	por p5, p1;
	s2 =	simm.s32 @!p3 $0x4540;
	s3 =	simm.s32 @!p3 $0x7440  }
0x16e: {  	[tilespmem:s3], [sflag:$0x1] =	stream.indirect.gather @!p3 [hbm4b:s7+s1], $0x8, s2, s1, $0xb8;
	[tilespmem:$0xA400] =	vst v63  }
.Ltmp13:
0x16f: {  	_ = 	snop;
	(pc) =	sbr.rel @p1 .LBB2_19-.Ltmp13, $4  }
0x170: {  	s1 =	simm.s32 @!p5 $0x80;
	s2 =	simm.s32 @!p5 $0x3DC0;
	s3 =	simm.s32 @!p5 $0x5840  }
0x171: {  	[tilespmem:s3], [sflag:$0x1] =	stream.indirect.gather @!p5 [hbm4b:s6+s1], $0x8, s2, s1, $0xb8;
	[tilespmem:$0xA400] =	vst v63  }
0x172: {  	s2 =	simm.s32 @!p5 $0x45C0;
	s3 =	simm.s32 @!p5 $0x7840  }
0x173: {  	[tilespmem:s3], [sflag:$0x1] =	stream.indirect.gather @!p5 [hbm4b:s7+s1], $0x8, s2, s1, $0xb8;
	[tilespmem:$0xA400] =	vst v63  }
0x174: {  	s1 =	simm.s32 $0x3E40;
	s2 =	simm.s32 $0x5C40;
	p5 =	slt.u32 s24, $0x281  }
0x175: {  	[tilespmem:s2], [sflag:$0x1] =	stream.indirect.gather [hbm4b:s6+s17], $0x8, s1, s17, $0xb8;
	[tilespmem:$0xA400] =	vst v63  }
0x176: {  	s9 =	simm.s32 $0x4640;
	p1 =	slt.u32 @!p5 s24, $0x301  }
0x177: {  	s11 =	simm.s32 $0x7C40;
	s1 =	simm.s32 @!p5 $0x80;
	p2 =	por p1, p5  }
0x178: {  	[tilespmem:s11], [sflag:$0x1] =	stream.indirect.gather [hbm4b:s7+s17], $0x8, s9, s17, $0xb8;
	[tilespmem:$0xA400] =	vst v63  }
0x179: {  	s2 =	simm.s32 @!p5 $0x3EC0;
	s3 =	simm.s32 @!p5 $0x6040;
	p3 =	slt.u32 @!p2 s24, $0x381  }
0x17a: {  	[tilespmem:s3], [sflag:$0x1] =	stream.indirect.gather @!p5 [hbm4b:s6+s1], $0x8, s2, s1, $0xb8;
	[tilespmem:$0xA400] =	vst v63  }
0x17b: {  	p4 =	por @!p5 p3, p1;
	s2 =	simm.s32 @!p5 $0x46C0;
	s3 =	simm.s32 @!p5 $0x8040  }
0x17c: {  	[tilespmem:s3], [sflag:$0x1] =	stream.indirect.gather @!p5 [hbm4b:s7+s1], $0x8, s2, s1, $0xb8;
	[tilespmem:$0xA400] =	vst v63  }
0x17d: {  	s1 =	simm.s32 @!p2 $0x80;
	s2 =	simm.s32 @!p2 $0x3F40;
	s3 =	simm.s32 @!p2 $0x6440  }
0x17e: {  	[tilespmem:s3], [sflag:$0x1] =	stream.indirect.gather @!p2 [hbm4b:s6+s1], $0x8, s2, s1, $0xb8;
	[tilespmem:$0xA400] =	vst v63  }
0x17f: {  	p4 =	por p4, p5;
	s2 =	simm.s32 @!p2 $0x4740;
	s3 =	simm.s32 @!p2 $0x8440  }
0x180: {  	[tilespmem:s3], [sflag:$0x1] =	stream.indirect.gather @!p2 [hbm4b:s7+s1], $0x8, s2, s1, $0xb8;
	[tilespmem:$0xA400] =	vst v63  }
0x181: {  	s1 =	simm.s32 @!p4 $0x80;
	s2 =	simm.s32 @!p4 $0x3FC0;
	s3 =	simm.s32 @!p4 $0x6840  }
0x182: {  	[tilespmem:s3], [sflag:$0x1] =	stream.indirect.gather @!p4 [hbm4b:s6+s1], $0x8, s2, s1, $0xb8;
	[tilespmem:$0xA400] =	vst v63  }
0x183: {  	s2 =	simm.s32 @!p4 $0x47C0;
	s3 =	simm.s32 @!p4 $0x8840  }
0x184: {  	[tilespmem:s3], [sflag:$0x1] =	stream.indirect.gather @!p4 [hbm4b:s7+s1], $0x8, s2, s1, $0xb8;
	[tilespmem:$0xA400] =	vst v63  }
0x185: {  	p4 =	por @!p4 $0x1, $0x1  }
0x186: {  	p6 =	por @!p5 !p3, p1;
	s1 =	simm.s32 @!p4 $0x0  }
0x187: {  	p6 =	por !p6, p5;
	s1 =	simm.s32 @p4 $0x1  }
0x188: {  	p3 =	por @!p2 $0x1, $0x1;
	[smem:$0x7F8] =	sst s1;
	s1 =	simm.s32 @!p6 $0x0  }
0x189: {  	p3 =	por @!p6 p4, p4;
	s1 =	simm.s32 @p6 $0x1;
	s12 =	sld [smem:$0x7F8]  }
0x18a: {  	[smem:$0x7F9] =	sst s1;
	s1 =	simm.s32 @!p3 $0x0  }
0x18b: {  	s1 =	simm.s32 @p3 $0x1;
	s18 =	sld [smem:$0x7F9]  }
0x18c: {  	[smem:$0x7FA] =	sst s1  }
0x18d: {  	s20 =	sld [smem:$0x7FA]  }
0x18e: {  	p1 =	por !p1, p5  }
0x18f: {  	p4 =	por @!p2 $0x0, $0x0;
	p6 =	seq.s32 s12, $0x1;
	p2 =	seq.s32 s18, $0x1  }
0x190: {  	p4 =	por @!p2 p6, p6;
	p6 =	por @!p5 $0x0, $0x0;
	p2 =	seq.s32 s20, $0x1  }
0x191: {  	p2 =	por @!p1 p6, p6;
	p6 =	por @!p5 $0x1, $0x1  }
0x192: {  	p3 =	por @!p1 p6, p6;
	p6 =	por @!p5 $0x0, $0x0  }
0x193: {  	p4 =	por @!p1 p6, p6;
	p1 =	por $0x0, $0x0  }
0x194: {  	p1 =	por @!p5 p2, p2  }
0x195: {  	p2 =	por $0x1, $0x1;
	s1 =	simm.s32 @!p1 $0x0  }
0x196: {  	p2 =	por @!p5 p3, p3;
	s1 =	simm.s32 @p1 $0x1  }
0x197: {  	p6 =	por $0x0, $0x0;
	[smem:$0x7FC] =	sst s1;
	s1 =	simm.s32 @!p2 $0x0  }
.Ltmp14:
0x198: {  	s1 =	simm.s32 @p2 $0x1;
	p2 =	por $0x1, $0x1;
	(pc) =	sbr.rel .LBB2_21-.Ltmp14, $4  }
0x199: {  	p6 =	por @!p5 p3, p3;
	s25 =	sld [smem:$0x7FC];
	p2 =	por @!p5 p3, p3  }
0x19a: {  	p1 =	por $0x1, $0x1;
	[smem:$0x7FD] =	sst s1;
	s1 =	simm.s32 @!p2 $0x0  }
0x19b: {  	p1 =	por @!p5 p3, p3;
	s1 =	simm.s32 @p2 $0x1;
	p2 =	por $0x0, $0x0  }
0x19c: {  	p3 =	seq.s32 s25, $0x1;
	[smem:$0x7FB] =	sst s1;
	p2 =	por @!p5 p4, p4  }
.LBB2_19:
0x19d: {  	p2 =	por @!p0 $0x0, $0x0;
	p1 =	por $0x0, $0x0  }
0x19e: {  	p1 =	por @!p0 p2, p2  }
0x19f: {  	p4 =	por @!p3 $0x0, $0x0;
	p6 =	por @!p3 $0x1, $0x1;
	p2 =	por p1, p1  }
0x1a0: {  	p1 =	por @!p3 p6, p6;
	p2 =	por @!p3 p4, p4  }
0x1a1: {  	p3 =	por @!p5 $0x1, $0x1;
	p6 =	por p2, p2;
	s1 =	simm.s32 @!p2 $0x0  }
0x1a2: {  	p1 =	por @!p5 p3, p3;
	p3 =	por @!p5 $0x1, $0x1;
	s1 =	simm.s32 @p2 $0x1  }
0x1a3: {  	p6 =	por @!p5 p3, p3;
	[smem:$0x7FC] =	sst s1  }
0x1a4: {  	s1 =	simm.s32 @!p6 $0x0;
	s25 =	sld [smem:$0x7FC]  }
0x1a5: {  	p4 =	por @!p5 $0x0, $0x0;
	s1 =	simm.s32 @p6 $0x1;
	p6 =	por p2, p2  }
0x1a6: {  	p6 =	por @!p5 p4, p4  }
0x1a7: {  	[smem:$0x7FB] =	sst s1;
	s1 =	simm.s32 @!p6 $0x0;
	p3 =	seq.s32 s25, $0x1  }
0x1a8: {  	s1 =	simm.s32 @p6 $0x1;
	p6 =	por p2, p2;
	p2 =	por @!p5 p4, p4  }
0x1a9: {  	p3 =	por @!p5 p4, p4;
	[smem:$0x7FD] =	sst s1;
	p6 =	por @!p5 p4, p4  }
.LBB2_21:
0x1aa: {  	_ =	swait.ge [sflag:s16], $0x400  }
.Ltmp15:
0x1ab: {  	[sflag:s16] =	ssyncset.done $0x0;
	(pc) =	sbr.rel @p0 .LBB2_28-.Ltmp15, $4  }
0x1ac: {  	[sflag:s16] =	ssyncadd.s32 $0xFFFFFC00  }
0x1ad: {  	_ =	swait.ge [sflag:s16], $0x400  }
0x1ae: {  	[sflag:s16] =	ssyncset.done $0x0  }
0x1af: {  	[sflag:s16] =	ssyncadd.s32 $0xFFFFFC00  }
0x1b0: {  	_ =	swait.ge [sflag:s16], $0x400  }
.Ltmp16:
0x1b1: {  	[sflag:s16] =	ssyncset.done $0x0;
	(pc) =	sbr.rel @p1 .LBB2_29-.Ltmp16, $4  }
0x1b2: {  	[sflag:s16] =	ssyncadd.s32 $0xFFFFFC00  }
0x1b3: {  	_ =	swait.ge [sflag:s16], $0x400  }
0x1b4: {  	[sflag:s16] =	ssyncset.done $0x0  }
0x1b5: {  	[sflag:s16] =	ssyncadd.s32 $0xFFFFFC00  }
.LBB2_23:
0x1b6: {  	s1 =	sld [smem:$0x7FB];
	_ =	sdelay $0x2  }
0x1b7: {  	p0 =	seq.s32 s1, $0x1  }
.Ltmp17:
0x1b8: {  	_ = 	snop;
	(pc) =	sbr.rel @!p0 .LBB2_24-.Ltmp17, $1  }
0x1b9: {  	_ =	sdelay $0x3  }
.LBB2_30:
0x1ba: {  	_ =	swait.ge [sflag:s16], $0x400  }
0x1bb: {  	[sflag:s16] =	ssyncset.done $0x0  }
0x1bc: {  	[sflag:s16] =	ssyncadd.s32 $0xFFFFFC00  }
0x1bd: {  	_ =	swait.ge [sflag:s16], $0x400  }
0x1be: {  	s1 =	sld [smem:$0x7FD];
	_ =	sdelay $0x2  }
0x1bf: {  	p0 =	seq.s32 s1, $0x1  }
.Ltmp18:
0x1c0: {  	_ = 	snop;
	(pc) =	sbr.rel @p0 .LBB2_31-.Ltmp18, $3  }
0x1c1: {  	_ =	sdelay $0x1  }
0x1c2: {  	[sflag:s16] =	ssyncset.done $0x0  }
0x1c3: {  	[sflag:s16] =	ssyncadd.s32 $0xFFFFFC00  }
.LBB2_25:
.Ltmp19:
0x1c4: {  	(pc) =	sbr.rel @!p6 .LBB2_26-.Ltmp19, $1  }
0x1c5: {  	_ =	sdelay $0x3  }
.LBB2_32:
0x1c6: {  	_ =	swait.ge [sflag:s16], $0x400  }
.Ltmp20:
0x1c7: {  	[sflag:s16] =	ssyncset.done $0x0;
	(pc) =	sbr.rel @p3 .LBB2_33-.Ltmp20, $4  }
0x1c8: {  	[sflag:s16] =	ssyncadd.s32 $0xFFFFFC00  }
0x1c9: {  	_ =	swait.ge [sflag:s16], $0x400  }
0x1ca: {  	[sflag:s16] =	ssyncset.done $0x0  }
0x1cb: {  	[sflag:s16] =	ssyncadd.s32 $0xFFFFFC00  }
.LBB2_27:
.Ltmp21:
0x1cc: {  	(pc) =	sbr.rel @!p2 .LBB2_35-.Ltmp21, $1  }
0x1cd: {  	_ =	sdelay $0x3  }
.LBB2_34:
0x1ce: {  	_ =	swait.ge [sflag:s16], $0x400  }
0x1cf: {  	[sflag:s16] =	ssyncset.done $0x0  }
0x1d0: {  	[sflag:s16] =	ssyncadd.s32 $0xFFFFFC00  }
0x1d1: {  	_ =	swait.ge [sflag:s16], $0x400  }
0x1d2: {  	[sflag:s16] =	ssyncset.done $0x0  }
0x1d3: {  	[sflag:s16] =	ssyncadd.s32 $0xFFFFFC00  }
.LBB2_35:
0x1d4: {  	s1 =	sadd.s32 $0xF, s24  }
0x1d5: {  	s2 =	sand.u32 $0xF, s1  }
0x1d6: {  	s3 =	sshra.s32 s1, $0x1F;
	p0 =	slt.s32 s1, $0x1;
	p1 =	sne.s32 s2, $0x0  }
0x1d7: {  	s25 =	sshrl.u32 s3, $0x1C;
	p0 =	por !p0, !p1  }
0x1d8: {  	s2 =	simm.s32 $0x1;
	s1 =	sadd.s32 s25, s1;
	p0 =	por !p0, !p0  }
0x1d9: {  	s1 =	sshra.s32 s1, $0x4;
	s2 =	simm.s32 @!p0 $0x0  }
0x1da: {  	s1 =	ssub.s32 s1, s2  }
0x1db: {  	p0 =	slt.s32 s1, $0x1  }
.Ltmp22:
0x1dc: {  	_ = 	snop;
	(pc) =	sbr.rel @p0 .LBB2_39-.Ltmp22, $1  }
0x1dd: {  	_ =	sdelay $0x3  }
0x1de: {  	s25 =	simm.s32 $0x4040  }
0x1df: {  	v7 =	vld [tilespmem:s25+$0x0];
	_ =	sdelay $0x2  }
0x1e0: {  	s2 =	simm.s32 $0x0;
	s18 =	simm.s32 $0x4840  }
0x1e1: {  	v8 =	vmov s2;
	v9 =	vld [tilespmem:s18+$0x0]  }
0x1e2: {  	v8 =	vshll.u32 v8, $0x3;
	v10 =	vadd.s32 $0x2, v7  }
0x1e3: {  	v8 =	vor.u32 v4, v8;
	v11 =	vadd.s32 $0x3, v7;
	v12 =	vand.u32 $0xFFFFFFF8, v10  }
0x1e4: {  	v10 =	vand.u32 $0x7, v10;
	v13 =	vand.u32 $0xFFFFFFF8, v11;
	v12 =	vadd.s32 v8, v12  }
0x1e5: {  	v11 =	vand.u32 $0x7, v11;
	v13 =	vadd.s32 v8, v13;
	v10 =	vor.u32 v10, v12  }
0x1e6: {  	v14 =	vadd.s32 $0x2, v9;
	v11 =	vor.u32 v11, v13  }
0x1e7: {  	v15 =	vand.u32 $0xFFFFFFF8, v9;
	v16 =	vand.u32 $0xFFFFFFF8, v14  }
0x1e8: {  	v14 =	vand.u32 $0x7, v14;
	v15 =	vadd.s32 v8, v15;
	v16 =	vadd.s32 v8, v16  }
0x1e9: {  	v12 =	vand.u32 $0x7, v9;
	v13 =	vadd.s32 $0x1, v9;
	v14 =	vor.u32 v14, v16  }
0x1ea: {  	v9 =	vadd.s32 $0x3, v9;
	v17 =	vand.u32 $0xFFFFFFF8, v13;
	v12 =	vor.u32 v12, v15;
	v10 =	vld.idx.msk [tilespmem:v10+s19+$0x0], $0xffff  }
0x1eb: {  	v13 =	vand.u32 $0x7, v13;
	v59 =	vand.u32 $0xFFFFFFF8, v9;
	v15 =	vadd.s32 v8, v17;
	v11 =	vld.idx.msk [tilespmem:v11+s19+$0x0], $0xffff  }
0x1ec: {  	v9 =	vand.u32 $0x7, v9;
	v13 =	vor.u32 v13, v15;
	v15 =	vadd.s32 v8, v59  }
0x1ed: {  	v9 =	vor.u32 v9, v15  }
0x1ee: {  	v61 =	vand.u32 $0xFFFFFFF8, v7;
	v14 =	vld.idx.msk [tilespmem:v14+s21+$0x0], $0xffff  }
0x1ef: {  	v17 =	vadd.s32 v8, v61;
	v15 =	vadd.s32 $0x1, v7;
	v12 =	vld.idx.msk [tilespmem:v12+s21+$0x0], $0xffff;
	v10 =	vmin.f32 v10, $4.135166650e+00  }
0x1f0: {  	v7 =	vand.u32 $0x7, v7;
	v11 =	vmin.f32 v11, $4.135166650e+00;
	v10 =	vmul.f32 $1.442695020e+00, v10  }
0x1f1: {  	v60 =	vand.u32 $0xFFFFFFF8, v15;
	v7 =	vor.u32 v7, v17;
	v13 =	vld.idx.msk [tilespmem:v13+s21+$0x0], $0xffff;
	v11 =	vmul.f32 $1.442695020e+00, v11  }
0x1f2: {  	v15 =	vand.u32 $0x7, v15;
	v8 =	vadd.s32 v8, v60;
	v9 =	vld.idx.msk [tilespmem:v9+s21+$0x0], $0xffff;
	(erf) = vpow2.f32 v10  }
0x1f3: {  	v8 =	vor.u32 v15, v8;
	(erf) = vpow2.f32 v11  }
0x1f4: {  	v10 =	vsub.f32 v14, v12;
	_ =	sdelay $0x1  }
0x1f5: {  	s4 =	sshll.u32 s23, $0x3;
	v7 =	vld.idx.msk [tilespmem:v7+s19+$0x0], $0xffff;
	v10 =	vadd.f32 $1.000000000e+00, v10  }
0x1f6: {  	v11 =	vmov s4;
	v9 =	vsub.f32 v9, v13  }
0x1f7: {  	v8 =	vld.idx.msk [tilespmem:v8+s19+$0x0], $0xffff;
	v11 =	vshrl.u32 v11, $0x3;
	v15 =	vmul.f32 $5.000000000e-01, v10  }
0x1f8: {  	v11 =	vshll.u32 v11, v3;
	v9 =	vadd.f32 $1.000000000e+00, v9  }
0x1f9: {  	v14 =	vbroadcast v11, $0x0  }
0x1fa: {  	v11 =	vadd.s32 $0x1, v11;
	v7 =	vmul.f32 v10, v7;
	v62 =	vmul.f32 $5.000000000e-01, v9;
	v63 =	vpop (erf)  }
0x1fb: {  	v11 =	vbroadcast v11, $0x0;
	v12 =	vadd.f32 v15, v12;
	v10 =	vmul.f32 v10, v63;
	v15 =	vpop (erf)  }
0x1fc: {  	v8 =	vmul.f32 v9, v8;
	v13 =	vadd.f32 v62, v13;
	v9 =	vmul.f32 v9, v15  }
0x1fd: {  	v7 =	vadd.f32 v12, v7;
	v12 =	vmul.f32 $5.000000000e-01, v10  }
0x1fe: {  	v8 =	vadd.f32 v13, v8;
	v13 =	vmul.f32 $5.000000000e-01, v9  }
0x1ff: {  	s8 =	simm.s32 $0xA3C0;
	v12 =	vsub.f32 v7, v12  }
0x200: {  	v7 =	vld.idx.msk [tilespmem:v14+s8+$0x0], $0xffff;
	v13 =	vsub.f32 v8, v13  }
0x201: {  	v8 =	vld.idx.msk [tilespmem:v11+s8+$0x0], $0xffff;
	v10 =	vadd.f32 v12, v10  }
0x202: {  	p1 =	sne.s32 s1, $0x1;
	v9 =	vadd.f32 v13, v9  }
.Ltmp23:
0x203: {  	v10 =	vadd.f32 $-1.000000000e+00, v10;
	(pc) =	sbr.rel @!p1 .LBB2_38-.Ltmp23, $4  }
0x204: {  	s23 =	simm.s32 $0x8C40;
	s9 =	simm.s32 $0x9070;
	v11 =	vmax.f32 v12, $0.0e+00;
	v12 =	vadd.f32 $-1.000000000e+00, v9  }
0x205: {  	s11 =	simm.s32 $0x94A0;
	s12 =	simm.s32 $0x98D0;
	s20 =	simm.s32 $0x9D00;
	v9 =	vmax.f32 v13, $0.0e+00;
	v13 =	vmin.f32 v11, v7;
	v10 =	vmax.f32 v10, $0.0e+00  }
0x206: {  	s17 =	sadd.s32 $0xFFFFFFFF, s1;
	s3 =	simm.s32 $0x98E0;
	s2 =	simm.s32 $0x94B0;
	v11 =	vmin.f32 v9, v8;
	[tilespmem:s23+$0x0] =	vst v13;
	v9 =	vmin.f32 v10, v7;
	v10 =	vmax.f32 v12, $0.0e+00  }
0x207: {  	s4 =	simm.s32 $0x9D10;
	s8 =	simm.s32 $0x10;
	[tilespmem:s9+$0x0] =	vst v11;
	s9 =	simm.s32 $0x9080;
	v10 =	vmin.f32 v10, v8;
	v12 =	vsub.f32 v9, v13  }
.LBB2_37:
0x208: {  	v11 =	vsub.f32 v10, v11;
	s25 =	sadd.s32 $0x10, s25;
	s18 =	sadd.s32 $0x10, s18;
	s23 =	sadd.s32 $0x10, s23  }
0x209: {  	p1 =	sne.s32 s17, $0x1;
	s17 =	sadd.s32 $0xFFFFFFFF, s17  }
0x20a: {  	[tilespmem:s11+$0x0] =	vst v9;
	v9 =	vmax.f32 v12, $0.0e+00;
	v11 =	vmax.f32 v11, $0.0e+00;
	s11 =	smov.u32 s2  }
0x20b: {  	[tilespmem:s12+$0x0] =	vst v10;
	v9 =	vmul.f32 v11, v9;
	s12 =	smov.u32 s3;
	_ =	sdelay $0x1  }
0x20c: {  	[tilespmem:s20+$0x0] =	vst v9;
	s20 =	smov.u32 s4  }
0x20d: {  	v9 =	vmov s8;
	v10 =	vld [tilespmem:s25+$0x0]  }
0x20e: {  	v9 =	vshll.u32 v9, $0x3;
	_ =	sdelay $0x1  }
0x20f: {  	v9 =	vor.u32 v4, v9  }
0x210: {  	v11 =	vld [tilespmem:s18+$0x0]  }
0x211: {  	v12 =	vadd.s32 $0x1, v10;
	v13 =	vadd.s32 $0x2, v10;
	v14 =	vadd.s32 $0x3, v10  }
0x212: {  	v15 =	vand.u32 $0xFFFFFFF8, v13;
	v13 =	vand.u32 $0x7, v13;
	v16 =	vand.u32 $0xFFFFFFF8, v14  }
0x213: {  	v14 =	vand.u32 $0x7, v14;
	v15 =	vadd.s32 v9, v15;
	v16 =	vadd.s32 v9, v16  }
0x214: {  	v17 =	vand.u32 $0xFFFFFFF8, v12;
	v13 =	vor.u32 v13, v15;
	v14 =	vor.u32 v14, v16  }
0x215: {  	v15 =	vand.u32 $0x7, v11;
	v16 =	vadd.s32 $0x1, v11;
	v18 =	vadd.s32 $0x2, v11  }
0x216: {  	v19 =	vand.u32 $0xFFFFFFF8, v11;
	v11 =	vadd.s32 $0x3, v11;
	v20 =	vand.u32 $0xFFFFFFF8, v18  }
0x217: {  	v21 =	vand.u32 $0xFFFFFFF8, v16;
	v18 =	vand.u32 $0x7, v18;
	v20 =	vadd.s32 v9, v20  }
0x218: {  	v19 =	vadd.s32 v9, v19;
	v16 =	vand.u32 $0x7, v16;
	v18 =	vor.u32 v18, v20  }
0x219: {  	v15 =	vor.u32 v15, v19;
	v19 =	vadd.s32 v9, v21;
	v20 =	vand.u32 $0xFFFFFFF8, v11;
	v13 =	vld.idx.msk [tilespmem:v13+s19+$0x0], $0xffff  }
0x21a: {  	v16 =	vor.u32 v16, v19;
	v11 =	vand.u32 $0x7, v11;
	v19 =	vadd.s32 v9, v20;
	v14 =	vld.idx.msk [tilespmem:v14+s19+$0x0], $0xffff  }
0x21b: {  	v12 =	vand.u32 $0x7, v12;
	v17 =	vadd.s32 v9, v17;
	v11 =	vor.u32 v11, v19  }
0x21c: {  	v12 =	vor.u32 v12, v17;
	v19 =	vand.u32 $0xFFFFFFF8, v10  }
0x21d: {  	v10 =	vand.u32 $0x7, v10;
	v9 =	vadd.s32 v9, v19;
	v17 =	vld.idx.msk [tilespmem:v18+s21+$0x0], $0xffff  }
0x21e: {  	v9 =	vor.u32 v10, v9;
	v10 =	vld.idx.msk [tilespmem:v15+s21+$0x0], $0xffff  }
0x21f: {  	v13 =	vmin.f32 v13, $4.135166650e+00;
	v15 =	vld.idx.msk [tilespmem:v16+s21+$0x0], $0xffff  }
0x220: {  	v14 =	vmin.f32 v14, $4.135166650e+00;
	v13 =	vmul.f32 $1.442695020e+00, v13  }
0x221: {  	v14 =	vmul.f32 $1.442695020e+00, v14;
	v11 =	vld.idx.msk [tilespmem:v11+s21+$0x0], $0xffff  }
0x222: {  	(erf) = vpow2.f32 v13  }
0x223: {  	(erf) = vpow2.f32 v14  }
0x224: {  	v13 =	vsub.f32 v17, v10  }
0x225: {  	v12 =	vld.idx.msk [tilespmem:v12+s19+$0x0], $0xffff  }
0x226: {  	v9 =	vld.idx.msk [tilespmem:v9+s19+$0x0], $0xffff  }
0x227: {  	v11 =	vsub.f32 v11, v15  }
0x228: {  	v13 =	vadd.f32 $1.000000000e+00, v13  }
0x229: {  	v11 =	vadd.f32 $1.000000000e+00, v11  }
0x22a: {  	v18 =	vmul.f32 $5.000000000e-01, v13  }
0x22b: {  	v12 =	vmul.f32 v11, v12;
	v16 =	vmul.f32 $5.000000000e-01, v11;
	v17 =	vpop (erf)  }
0x22c: {  	v10 =	vadd.f32 v18, v10;
	v9 =	vmul.f32 v13, v9;
	v13 =	vmul.f32 v13, v17;
	v14 =	vpop (erf)  }
0x22d: {  	v15 =	vadd.f32 v16, v15;
	v11 =	vmul.f32 v11, v14  }
0x22e: {  	v9 =	vadd.f32 v10, v9;
	v10 =	vmul.f32 $5.000000000e-01, v13  }
0x22f: {  	v12 =	vadd.f32 v15, v12;
	v14 =	vmul.f32 $5.000000000e-01, v11  }
0x230: {  	v9 =	vsub.f32 v9, v10  }
0x231: {  	v10 =	vsub.f32 v12, v14  }
0x232: {  	v12 =	vadd.f32 v9, v13;
	v9 =	vmax.f32 v9, $0.0e+00  }
0x233: {  	v11 =	vadd.f32 v10, v11;
	v10 =	vmax.f32 v10, $0.0e+00  }
.Ltmp24:
0x234: {  	v12 =	vadd.f32 $-1.000000000e+00, v12;
	(pc) =	sbr.rel @p1 .LBB2_37-.Ltmp24, $4  }
0x235: {  	v13 =	vadd.f32 $-1.000000000e+00, v11  }
0x236: {  	v14 =	vmin.f32 v9, v7;
	v9 =	vmax.f32 v12, $0.0e+00  }
0x237: {  	s4 =	sadd.s32 $0x10, s4;
	s8 =	sadd.s32 $0x10, s8;
	v11 =	vmin.f32 v10, v8;
	v9 =	vmin.f32 v9, v7;
	v10 =	vmax.f32 v13, $0.0e+00;
	[tilespmem:s23+$0x0] =	vst v14  }
0x238: {  	s2 =	sadd.s32 $0x10, s2;
	s3 =	sadd.s32 $0x10, s3;
	v10 =	vmin.f32 v10, v8;
	[tilespmem:s9+$0x0] =	vst v11;
	v12 =	vsub.f32 v9, v14;
	s9 =	sadd.s32 $0x10, s9  }
.LBB2_38:
0x239: {  	v7 =	vsub.f32 v10, v11;
	_ =	sdelay $0x1  }
0x23a: {  	v8 =	vmax.f32 v12, $0.0e+00;
	v7 =	vmax.f32 v7, $0.0e+00  }
0x23b: {  	[tilespmem:s11+$0x0] =	vst v9;
	v7 =	vmul.f32 v7, v8  }
0x23c: {  	[tilespmem:s12+$0x0] =	vst v10  }
0x23d: {  	s17 =	simm.s32 $0x80;
	[tilespmem:s20+$0x0] =	vst v7  }
.LBB2_39:
0x23e: {  	[tilespmem:$0xA130] =	vst v5  }
0x23f: {  	[tilespmem:$0xA140] =	vst v5  }
0x240: {  	[tilespmem:$0xA150] =	vst v5  }
0x241: {  	[tilespmem:$0xA160] =	vst v5  }
0x242: {  	[tilespmem:$0xA170] =	vst v5  }
0x243: {  	[tilespmem:$0xA180] =	vst v5  }
0x244: {  	[tilespmem:$0xA190] =	vst v5  }
0x245: {  	[tilespmem:$0xA1A0] =	vst v5  }
0x246: {  	[tilespmem:$0xA1B0] =	vst v5  }
0x247: {  	[tilespmem:$0xA1C0] =	vst v6  }
0x248: {  	[tilespmem:$0xA1D0] =	vst v6  }
0x249: {  	[tilespmem:$0xA1E0] =	vst v6  }
0x24a: {  	[tilespmem:$0xA1F0] =	vst v6  }
0x24b: {  	[tilespmem:$0xA200] =	vst v6  }
0x24c: {  	[tilespmem:$0xA210] =	vst v6  }
0x24d: {  	[tilespmem:$0xA220] =	vst v6  }
0x24e: {  	[tilespmem:$0xA230] =	vst v6  }
0x24f: {  	[tilespmem:$0xA240] =	vst v6  }
0x250: {  	[tilespmem:$0xA250] =	vst v6  }
0x251: {  	[tilespmem:$0xA260] =	vst v6  }
0x252: {  	[tilespmem:$0xA270] =	vst v6  }
0x253: {  	[tilespmem:$0xA280] =	vst v6  }
0x254: {  	[tilespmem:$0xA290] =	vst v6  }
0x255: {  	[tilespmem:$0xA2A0] =	vst v6  }
0x256: {  	[tilespmem:$0xA2B0] =	vst v6  }
0x257: {  	[tilespmem:$0xA2C0] =	vst v6  }
0x258: {  	[tilespmem:$0xA2D0] =	vst v6  }
0x259: {  	[tilespmem:$0xA2E0] =	vst v6  }
0x25a: {  	[tilespmem:$0xA2F0] =	vst v6  }
0x25b: {  	[tilespmem:$0xA300] =	vst v6  }
0x25c: {  	[tilespmem:$0xA310] =	vst v6  }
0x25d: {  	[tilespmem:$0xA320] =	vst v6  }
0x25e: {  	[tilespmem:$0xA330] =	vst v6  }
0x25f: {  	[tilespmem:$0xA340] =	vst v6  }
0x260: {  	[tilespmem:$0xA350] =	vst v6  }
0x261: {  	[tilespmem:$0xA360] =	vst v6  }
.Ltmp25:
0x262: {  	[tilespmem:$0xA370] =	vst v6;
	(pc) =	sbr.rel @p0 .LBB2_40-.Ltmp25, $4  }
0x263: {  	[tilespmem:$0xA380] =	vst v6  }
0x264: {  	[tilespmem:$0xA390] =	vst v6  }
0x265: {  	[tilespmem:$0xA3A0] =	vst v6  }
0x266: {  	[tilespmem:$0xA3B0] =	vst v6;
	v7 =	vimm.f32 $-4.000000000e+00  }
0x267: {  	s2 =	simm.s32 $0x2810  }
0x268: {  	p0 =	sne.s32 s1, $0x1;
	v8 =	vld [tilespmem:s2+$0x0]  }
.Ltmp26:
0x269: {  	_ = 	snop;
	(pc) =	sbr.rel @!p0 .LBB2_43-.Ltmp26, $3  }
0x26a: {  	_ =	sdelay $0x1  }
0x26b: {  	s2 =	simm.s32 $0x0  }
0x26c: {  	v9 =	vimm.s32 $0x0;
	s1 =	sadd.s32 $0xFFFFFFFF, s1;
	s3 =	simm.s32 $0x2820;
	v10 =	vor.u32 s2, v1;
	vm3 =	vgt.f32 v8, v7  }
.LBB2_42:
0x26d: {  	p0 =	sne.s32 s1, $0x1;
	s1 =	sadd.s32 $0xFFFFFFFF, s1;
	v7 =	vsel vm3, v8, v7;
	v8 =	vld [tilespmem:s3+$0x0];
	v9 =	vsel vm3, v10, v9  }
.Ltmp27:
0x26e: {  	(pc) =	sbr.rel @p0 .LBB2_42-.Ltmp27, $3  }
0x26f: {  	_ =	sdelay $0x1  }
0x270: {  	s2 =	sadd.s32 $0x10, s2  }
0x271: {  	s3 =	sadd.s32 $0x10, s3;
	v10 =	vor.u32 s2, v1;
	vm3 =	vgt.f32 v8, v7  }
.LBB2_43:
.Ltmp28:
0x272: {  	(pc) =	sbr.rel .LBB2_44-.Ltmp28, $3  }
0x273: {  	_ =	sdelay $0x1  }
0x274: {  	v9 =	vsel vm3, v10, v9  }
0x275: {  	v7 =	vsel vm3, v8, v7;
	v8 =	vxor.u32 $0x80000000, v9  }
.LBB2_40:
0x276: {  	v8 =	vimm.s32 $0x80000000  }
.LBB2_44:
0x277: {  	(xrf0) =	vmax.scan.msk.f32 $0xffff, v7;
	_ =	sdelay $0x5  }
0x278: {  	v9, _, _ =	vpop (xrf0)  }
0x279: {  	(v2sf) =	vpush v9, $0xF;
	_ =	sdelay $0xe  }
0x27a: {  	s2 =	spop (v2sf)  }
0x27b: {  	p0 =	sgt.f32 s2, $-1.000000000e+00  }
.Ltmp29:
0x27c: {  	_ = 	snop;
	(pc) =	sbr.rel @!p0 .LBB2_52-.Ltmp29, $1  }
0x27d: {  	_ =	sdelay $0x3  }
0x27e: {  	v9 =	vbroadcast v9, $0xF;
	_ =	sdelay $0x1  }
0x27f: {  	vm3 =	veq.f32 v7, v9  }
0x280: {  	v7 =	vnsel vm3, $0x80001400, v8  }
0x281: {  	(xrf0) =	vmin.scan.msk.u32 $0xffff, v7;
	_ =	sdelay $0x5  }
0x282: {  	v7, _, _ =	vpop (xrf0)  }
0x283: {  	(v2sf) =	vpush v7, $0xF;
	_ =	sdelay $0x8  }
0x284: {  	s1 =	sadd.s32 $0x1F, s24  }
0x285: {  	s3 =	sand.u32 $0x1F, s1;
	s4 =	sshra.s32 s1, $0x1F  }
.Ltmp30:
0x286: {  	p0 =	slt.s32 s1, $0x1;
	p1 =	sne.s32 s3, $0x0;
	(pc) =	sbr.rel .LBB2_46-.Ltmp30, $4  }
0x287: {  	s25 =	sshrl.u32 s4, $0x1B;
	p0 =	por !p0, !p1  }
0x288: {  	s3 =	simm.s32 $0x1;
	s1 =	sadd.s32 s25, s1;
	p0 =	por !p0, !p0  }
0x289: {  	s23 =	simm.s32 $0x0;
	s1 =	sshra.s32 s1, $0x5;
	s3 =	simm.s32 @!p0 $0x0  }
0x28a: {  	s24 =	simm.s32 $0x0;
	s1 =	ssub.s32 s1, s3;
	s3 =	spop (v2sf)  }
.LBB2_47:
0x28b: {  	v10 =	vimm.f32 $-4.000000000e+00;
	v9 =	vimm.s32 $0x0  }
.LBB2_51:
0x28c: {  	vm3 =	vgt.f32 v10, v8  }
0x28d: {  	v11 =	vsel vm3, v10, v8  }
0x28e: {  	(xrf0) =	vmax.scan.msk.f32 $0xffff, v11;
	_ =	sdelay $0x4  }
0x28f: {  	vm4 =	vlt.s32 v7, v9  }
0x290: {  	vm5 =	veq.f32 v10, v8;
	v8 =	vsel vm4, v7, v9;
	v63, _, _ =	vpop (xrf0)  }
0x291: {  	v7 =	vsel vm5, v8, v7;
	v8 =	vbroadcast v63, $0xF  }
0x292: {  	v7 =	vsel vm3, v9, v7  }
0x293: {  	v7 =	vxor.u32 $0x80000000, v7;
	vm3 =	veq.f32 v11, v8  }
0x294: {  	(v2sf) =	vpush v63, $0xF;
	v7 =	vnsel vm3, $0x80001400, v7  }
0x295: {  	(xrf0) =	vmin.scan.msk.u32 $0xffff, v7;
	_ =	sdelay $0x5  }
0x296: {  	v7, _, _ =	vpop (xrf0)  }
0x297: {  	(v2sf) =	vpush v7, $0xF;
	_ =	sdelay $0x6  }
0x298: {  	p0 =	sgt.u32 s24, $0x62;
	s2 =	spop (v2sf)  }
0x299: {  	p1 =	sgt.f32 @!p0 s2, $-1.000000000e+00;
	_ =	sdelay $0x1  }
0x29a: {  	p0 =	por p0, !p1  }
.Ltmp31:
0x29b: {  	_ = 	snop;
	(pc) =	sbr.rel @p0 .LBB2_52-.Ltmp31, $2  }
0x29c: {  	_ =	sdelay $0x2  }
0x29d: {  	s24 =	sadd.s32 $0x1, s24;
	s3 =	spop (v2sf)  }
.LBB2_46:
0x29e: {  	s3 =	sxor.u32 $0x80000000, s3  }
0x29f: {  	v9 =	vmov s3;
	_ =	sdelay $0x4  }
0x2a0: {  	v10 =	vld.idx.msk [tilespmem:v9+s29+$0x0], $0xffff  }
0x2a1: {  	v11 =	vld.idx.msk [tilespmem:v9+s30+$0x0], $0xffff  }
0x2a2: {  	v12 =	vld.idx.msk [tilespmem:v9+s28+$0x0], $0xffff  }
0x2a3: {  	v7 =	vmov s24;
	s25 =	sshll.u32 s24, $0x2;
	v13 =	vld.idx.msk [tilespmem:v9+s26+$0x0], $0xffff  }
0x2a4: {  	p0 =	slt.s32 s1, $0x1;
	v8 =	vadd.s32 s25, v1  }
.Ltmp32:
0x2a5: {  	_ = 	snop;
	(pc) =	sbr.rel @p0 .LBB2_47-.Ltmp32, $4  }
0x2a6: {  	v15 =	vsel vm1, v11, v10  }
0x2a7: {  	v16 =	vmov s2;
	v15 =	vsel vm2, v15, v12  }
0x2a8: {  	v14 =	vld.idx.msk [tilespmem:v9+s31+$0x0], $0xffff;
	[tilespmem:v7+s0+$0x0] =	vst.idx.msk $0x1, v16;
	v7 =	vsel vm0, v13, v15  }
0x2a9: {  	[tilespmem:v8+s5+$0x0] =	vst.idx.msk $0xf, v7;
	v8 =	vimm.f32 $-4.000000000e+00;
	v7 =	vimm.s32 $0x0  }
0x2aa: {  	s2 =	simm.s32 $0x98E0  }
0x2ab: {  	s3 =	simm.s32 $0x94B0;
	v15 =	vld [tilespmem:s2+$0xFFFFFFF0]  }
0x2ac: {  	s18 =	simm.s32 $0x9080;
	v16 =	vld [tilespmem:s3+$0xFFFFFFF0]  }
0x2ad: {  	s25 =	simm.s32 $0x8C50;
	v17 =	vld [tilespmem:s18+$0xFFFFFFF0]  }
0x2ae: {  	v18 =	vld [tilespmem:s25+$0xFFFFFFF0];
	_ =	sdelay $0x2  }
0x2af: {  	s4 =	simm.s32 $0x9D10  }
0x2b0: {  	v19 =	vld [tilespmem:s4+$0xFFFFFFF0];
	v16 =	vmin.f32 v16, v10  }
0x2b1: {  	v17 =	vmax.f32 v17, v12;
	v15 =	vmin.f32 v15, v11;
	v18 =	vmax.f32 v18, v13  }
0x2b2: {  	v15 =	vsub.f32 v15, v17;
	v16 =	vsub.f32 v16, v18;
	_ =	sdelay $0x1  }
0x2b3: {  	v15 =	vmax.f32 v15, $0.0e+00;
	v16 =	vmax.f32 v16, $0.0e+00  }
0x2b4: {  	v15 =	vmul.f32 v15, v16;
	v16 =	vadd.f32 v19, v14;
	_ =	sdelay $0x1  }
0x2b5: {  	v16 =	vsub.f32 v16, v15;
	_ =	sdelay $0x1  }
0x2b6: {  	vm3 =	vgt.f32 v16, $0.0e+00  }
0x2b7: {  	v16 =	vnsel vm3, $0x3F800000, v16  }
0x2b8: {  	(erf) = vrcp.f32 v16;
	_ =	sdelay $0x8  }
0x2b9: {  	s20 =	simm.s32 $0x2820;
	v16 =	vpop (erf)  }
0x2ba: {  	v17 =	vld [tilespmem:s20+$0xFFFFFFF0];
	v15 =	vmul.f32 v16, v15;
	_ =	sdelay $0x1  }
0x2bb: {  	v16 =	vor.u32 s23, v1;
	vm4 =	vgt.f32 v15, $5.000000000e-01  }
0x2bc: {  	vm3 =	vmand vm3, vm4;
	vm4 =	veq.s32 v16, v9  }
0x2bd: {  	vm3 =	vmor vm4, vm3  }
0x2be: {  	v15 =	vsel vm3, $0xBF800000, v17  }
0x2bf: {  	[tilespmem:s20+$0xFFFFFFF0] =	vst v15  }
0x2c0: {  	v17 =	vld [tilespmem:s2+$0x0]  }
0x2c1: {  	v18 =	vld [tilespmem:s3+$0x0]  }
0x2c2: {  	v19 =	vld [tilespmem:s18+$0x0]  }
0x2c3: {  	v20 =	vld [tilespmem:s25+$0x0];
	_ =	sdelay $0x3  }
0x2c4: {  	v21 =	vld [tilespmem:s4+$0x0];
	v17 =	vmin.f32 v17, v11  }
0x2c5: {  	v18 =	vmin.f32 v18, v10;
	v19 =	vmax.f32 v19, v12;
	v20 =	vmax.f32 v20, v13  }
0x2c6: {  	v17 =	vsub.f32 v17, v19;
	v18 =	vsub.f32 v18, v20;
	_ =	sdelay $0x1  }
0x2c7: {  	v17 =	vmax.f32 v17, $0.0e+00;
	v18 =	vmax.f32 v18, $0.0e+00  }
0x2c8: {  	v19 =	vadd.f32 v21, v14;
	v17 =	vmul.f32 v17, v18;
	_ =	sdelay $0x1  }
0x2c9: {  	v18 =	vsub.f32 v19, v17;
	_ =	sdelay $0x1  }
0x2ca: {  	vm4 =	vgt.f32 v18, $0.0e+00  }
0x2cb: {  	v18 =	vnsel vm4, $0x3F800000, v18  }
0x2cc: {  	(erf) = vrcp.f32 v18;
	_ =	sdelay $0x8  }
0x2cd: {  	v18 =	vpop (erf)  }
0x2ce: {  	p0 =	sne.s32 s1, $0x1;
	v18 =	vmul.f32 v18, v17  }
.Ltmp33:
0x2cf: {  	_ = 	snop;
	(pc) =	sbr.rel @!p0 .LBB2_50-.Ltmp33, $4  }
0x2d0: {  	vm5 =	vgt.f32 v18, $5.000000000e-01;
	v18 =	vld [tilespmem:s20+$0x0]  }
0x2d1: {  	s12 =	simm.s32 $0x10;
	vm3 =	vgt.f32 v15, v8  }
0x2d2: {  	s8 =	simm.s32 $0x9900;
	s9 =	simm.s32 $0x9D30;
	s11 =	simm.s32 $0x0;
	v15 =	vsel vm3, v15, v8;
	v17 =	vor.u32 s12, v1  }
0x2d3: {  	s2 =	sadd.s32 $0xFFFFFFFF, s1;
	s3 =	simm.s32 $0x2840;
	s4 =	simm.s32 $0x94D0;
	v16 =	vsel vm3, v16, v7;
	vm3 =	veq.s32 v17, v9;
	vm4 =	vmand vm4, vm5  }
.LBB2_49:
0x2d4: {  	vm3 =	vmor vm3, vm4;
	s11 =	sadd.s32 $0x20, s11;
	s25 =	sadd.s32 $0x20, s25;
	s18 =	sadd.s32 $0x20, s18  }
0x2d5: {  	p0 =	sne.s32 s2, $0x1;
	s2 =	sadd.s32 $0xFFFFFFFF, s2;
	v18 =	vsel vm3, $0xBF800000, v18  }
0x2d6: {  	[tilespmem:s20+$0x0] =	vst v18;
	vm3 =	vgt.f32 v18, v8;
	s20 =	smov.u32 s3  }
0x2d7: {  	v19 =	vld [tilespmem:s8+$0xFFFFFFF0];
	v8 =	vsel vm3, v18, v8;
	v7 =	vsel vm3, v17, v7  }
0x2d8: {  	v17 =	vld [tilespmem:s4+$0xFFFFFFF0]  }
0x2d9: {  	v18 =	vld [tilespmem:s18+$0xFFFFFFF0]  }
0x2da: {  	v20 =	vld [tilespmem:s25+$0xFFFFFFF0];
	_ =	sdelay $0x2  }
0x2db: {  	v17 =	vmin.f32 v17, v10  }
0x2dc: {  	v19 =	vmin.f32 v19, v11;
	v18 =	vmax.f32 v18, v12;
	v21 =	vld [tilespmem:s9+$0xFFFFFFF0]  }
0x2dd: {  	v20 =	vmax.f32 v20, v13;
	v18 =	vsub.f32 v19, v18  }
0x2de: {  	v17 =	vsub.f32 v17, v20  }
0x2df: {  	v18 =	vmax.f32 v18, $0.0e+00  }
0x2e0: {  	v17 =	vmax.f32 v17, $0.0e+00  }
0x2e1: {  	v17 =	vmul.f32 v18, v17;
	v18 =	vadd.f32 v21, v14;
	_ =	sdelay $0x1  }
0x2e2: {  	v18 =	vsub.f32 v18, v17;
	_ =	sdelay $0x1  }
0x2e3: {  	vm3 =	vgt.f32 v18, $0.0e+00  }
0x2e4: {  	v18 =	vnsel vm3, $0x3F800000, v18  }
0x2e5: {  	(erf) = vrcp.f32 v18;
	_ =	sdelay $0x8  }
0x2e6: {  	v18 =	vpop (erf)  }
0x2e7: {  	v19 =	vld [tilespmem:s3+$0xFFFFFFF0];
	v17 =	vmul.f32 v18, v17;
	_ =	sdelay $0x1  }
0x2e8: {  	v18 =	vor.u32 s11, v1;
	vm4 =	vgt.f32 v17, $5.000000000e-01  }
0x2e9: {  	vm3 =	vmand vm3, vm4;
	vm4 =	veq.s32 v18, v9  }
0x2ea: {  	vm3 =	vmor vm4, vm3  }
0x2eb: {  	v17 =	vsel vm3, $0xBF800000, v19  }
0x2ec: {  	[tilespmem:s3+$0xFFFFFFF0] =	vst v17;
	vm3 =	vgt.f32 v17, v15  }
0x2ed: {  	v19 =	vld [tilespmem:s8+$0x0];
	v15 =	vsel vm3, v17, v15;
	v16 =	vsel vm3, v18, v16  }
0x2ee: {  	v17 =	vld [tilespmem:s4+$0x0]  }
0x2ef: {  	v18 =	vld [tilespmem:s18+$0x0]  }
0x2f0: {  	v20 =	vld [tilespmem:s25+$0x0];
	_ =	sdelay $0x1  }
0x2f1: {  	v19 =	vmin.f32 v19, v11  }
0x2f2: {  	v17 =	vmin.f32 v17, v10;
	v21 =	vld [tilespmem:s9+$0x0]  }
0x2f3: {  	v18 =	vmax.f32 v18, v12  }
0x2f4: {  	v20 =	vmax.f32 v20, v13;
	v18 =	vsub.f32 v19, v18  }
0x2f5: {  	v17 =	vsub.f32 v17, v20  }
0x2f6: {  	v18 =	vmax.f32 v18, $0.0e+00  }
0x2f7: {  	v17 =	vmax.f32 v17, $0.0e+00;
	v19 =	vadd.f32 v21, v14  }
0x2f8: {  	v17 =	vmul.f32 v18, v17;
	_ =	sdelay $0x1  }
0x2f9: {  	v18 =	vsub.f32 v19, v17;
	_ =	sdelay $0x1  }
0x2fa: {  	vm4 =	vgt.f32 v18, $0.0e+00  }
0x2fb: {  	v18 =	vnsel vm4, $0x3F800000, v18  }
0x2fc: {  	(erf) = vrcp.f32 v18;
	_ =	sdelay $0x8  }
.Ltmp34:
0x2fd: {  	v18 =	vld [tilespmem:s3+$0x0];
	v19 =	vpop (erf);
	(pc) =	sbr.rel @p0 .LBB2_49-.Ltmp34, $4  }
0x2fe: {  	s12 =	sadd.s32 $0x10, s11;
	v19 =	vmul.f32 v19, v17  }
0x2ff: {  	v17 =	vor.u32 s12, v1  }
0x300: {  	s3 =	sadd.s32 $0x20, s3;
	vm3 =	veq.s32 v17, v9;
	vm5 =	vgt.f32 v19, $5.000000000e-01  }
0x301: {  	s8 =	sadd.s32 $0x20, s8;
	s4 =	sadd.s32 $0x20, s4;
	s9 =	sadd.s32 $0x20, s9;
	vm4 =	vmand vm4, vm5  }
.LBB2_50:
.Ltmp35:
0x302: {  	(pc) =	sbr.rel .LBB2_51-.Ltmp35, $4  }
0x303: {  	vm3 =	vmor vm3, vm4  }
0x304: {  	v11 =	vsel vm3, $0xBF800000, v18  }
0x305: {  	vm3 =	vgt.f32 v11, v8  }
0x306: {  	[tilespmem:s20+$0x0] =	vst v11;
	v10 =	vsel vm3, v11, v8;
	v9 =	vsel vm3, v17, v7;
	v8 =	vmovc v15;
	v7 =	vmov v16  }
.LBB2_28:
.Ltmp36:
0x307: {  	(pc) =	sbr.rel @!p1 .LBB2_23-.Ltmp36, $1  }
0x308: {  	_ =	sdelay $0x3  }
.LBB2_29:
0x309: {  	_ =	swait.ge [sflag:s16], $0x400  }
0x30a: {  	[sflag:s16] =	ssyncset.done $0x0  }
0x30b: {  	[sflag:s16] =	ssyncadd.s32 $0xFFFFFC00  }
0x30c: {  	_ =	swait.ge [sflag:s16], $0x400  }
0x30d: {  	s1 =	sld [smem:$0x7FB];
	_ =	sdelay $0x2  }
0x30e: {  	p0 =	seq.s32 s1, $0x1  }
.Ltmp37:
0x30f: {  	_ = 	snop;
	(pc) =	sbr.rel @p0 .LBB2_30-.Ltmp37, $3  }
0x310: {  	_ =	sdelay $0x1  }
0x311: {  	[sflag:s16] =	ssyncset.done $0x0  }
0x312: {  	[sflag:s16] =	ssyncadd.s32 $0xFFFFFC00  }
.LBB2_24:
0x313: {  	s1 =	sld [smem:$0x7FD];
	_ =	sdelay $0x2  }
0x314: {  	p0 =	seq.s32 s1, $0x1  }
.Ltmp38:
0x315: {  	_ = 	snop;
	(pc) =	sbr.rel @!p0 .LBB2_25-.Ltmp38, $1  }
0x316: {  	_ =	sdelay $0x3  }
.LBB2_31:
0x317: {  	_ =	swait.ge [sflag:s16], $0x400  }
.Ltmp39:
0x318: {  	[sflag:s16] =	ssyncset.done $0x0;
	(pc) =	sbr.rel @p6 .LBB2_32-.Ltmp39, $4  }
0x319: {  	[sflag:s16] =	ssyncadd.s32 $0xFFFFFC00  }
0x31a: {  	_ =	swait.ge [sflag:s16], $0x400  }
0x31b: {  	[sflag:s16] =	ssyncset.done $0x0  }
0x31c: {  	[sflag:s16] =	ssyncadd.s32 $0xFFFFFC00  }
.LBB2_26:
.Ltmp40:
0x31d: {  	(pc) =	sbr.rel @!p3 .LBB2_27-.Ltmp40, $1  }
0x31e: {  	_ =	sdelay $0x3  }
.LBB2_33:
0x31f: {  	_ =	swait.ge [sflag:s16], $0x400  }
.Ltmp41:
0x320: {  	[sflag:s16] =	ssyncset.done $0x0;
	(pc) =	sbr.rel @!p2 .LBB2_35-.Ltmp41, $4  }
.Ltmp42:
0x321: {  	[sflag:s16] =	ssyncadd.s32 $0xFFFFFC00;
	(pc) =	sbr.rel @p2 .LBB2_34-.Ltmp42, $4  }
0x322: {  	_ =	swait.ge [sflag:s16], $0x400  }
0x323: {  	[sflag:s16] =	ssyncset.done $0x0  }
0x324: {  	[sflag:s16] =	ssyncadd.s32 $0xFFFFFC00  }
0x325: {  	_ = 	snop  }
.LBB2_55:
0x326: {  	_ =	sfence.sel $0x180000  }
0x327: {  	[bflag:$0x0] =	sbarrier.arrive $0xFFFF  }
0x328: {  	_ =	strace $0x90000047  }
0x329: {  	s0 =	stileid.u32;
	[bflag:$0x2] =	sbarrier.arrive $0xFFFF  }
0x32a: {  	p0 =	sne.s32 s0, $0x0;
	s0 =	rddreg [dreg:$0x2]  }
0x32b: {  	s0 =	sadd.s32 @!p0 $0x100000, s0  }
0x32c: {  	[sflag:s0] =	ssyncadd.tile.s32 @!p0 $0x1;
	_ =	shalt  }
.Lfunc_end2:
_tile_overlayer_lowered:
.L_overlay_start_2:
0x32d: {  	(tag) =	ssettag $0x2  }
0x32e: {  	s0 =	rddreg [dreg:$0x0];
	s2 =	stileid.u32  }
0x32f: {  	s1 =	rddreg [dreg:$0x1];
	p0 =	sne.s32 s2, $0x0  }
0x330: {  	s3 =	rddreg [dreg:$0x2];
	[bflag:$0x3] =	sbarrier.arrive $0xFFFF;
	s2 =	simm.s32 @!p0 $0x1C04  }
0x331: {  	[timem:s3], [sflag:s2] =	dma.local @!p0 [hbm:s0], s1  }
0x332: {  	s0 =	simm.s32 @!p0 $0x4  }
0x333: {  	_ =	swait.ge @!p0 [sflag:s0], s1  }
0x334: {  	s1 =	ssub.s32 @!p0 $0x0, s1;
	[sflag:s0] =	ssyncset.done @!p0 $0x0  }
0x335: {  	[sflag:s0] =	ssyncadd.s32 @!p0 s1  }
0x336: {  	[bflag:$0x3] =	sbarrier.arrive $0xFFFF  }
0x337: {  	_ =	shalt  }

// kernel: kernel.8.cloned.1.call-start
scs
__scs_entry_jumppad:
0x0: {  	(pc) =	sbr.rel $0x88, $3  }
0x1: {  	(tag) =	ssettag $0x0;
	lr =	simm.s32 $0x1  }
0x2: {  	[smem:$0x3F9D] =	sst lr;
	_ =	strace $0xD0000000  }
0x3: {  	_ = 	snop  }
0x4: {  	_ = 	snop  }
0x5: {  	_ = 	snop  }
0x6: {  	_ = 	snop  }
0x7: {  	_ = 	snop  }
__scs_overlays_trampoline_lowered:
0x8: {  	[smem:$0x3FAC] =	sst s0  }
0x9: {  	[smem:$0x3FAD] =	sst s1  }
0xa: {  	[smem:$0x3FAE] =	sst s2  }
0xb: {  	[smem:$0x3FAF] =	sst s3  }
0xc: {  	[smem:$0x3FB0] =	sst s4  }
0xd: {  	[smem:$0x3FB1] =	sst s5  }
0xe: {  	[smem:$0x3FB2] =	sst s6  }
0xf: {  	[smem:$0x3FB3] =	sst s7  }
0x10: {  	[smem:$0x3FB4] =	sst s8  }
0x11: {  	[smem:$0x3FB5] =	sst s9;
	s0 =	simm.s32 @!p0 $0x0  }
0x12: {  	s1 =	sld [smem:$0x3F9B];
	s0 =	simm.s32 @p0 $0x1  }
0x13: {  	[smem:$0x3FB6] =	sst s0;
	s0 =	simm.s32 @!p1 $0x0  }
0x14: {  	s2 =	sld [smem:$0x3F9A];
	s0 =	simm.s32 @p1 $0x1  }
0x15: {  	[smem:$0x3FB7] =	sst s0;
	s0 =	simm.s32 @!p2 $0x0  }
0x16: {  	s3 =	sld [smem:$0x3FDB];
	s0 =	simm.s32 @p2 $0x1  }
0x17: {  	s4 =	simm.s32 $0x1BF5;
	[smem:$0x3FB9] =	sst s0  }
0x18: {  	s0 =	sld [smem:$0x3F9C];
	_ =	swait.ge [sflag:s4], $0x0  }
0x19: {  	s7 =	sld [smem:$0x3F9D]  }
0x1a: {  	s8 =	sadd.s32 $0xFFFFE003, lr  }
0x1b: {  	s9 =	sadd.s32 $0xFFFFFEF7, lr;
	s5 =	simm.s32 $0xFFFFFFFF;
	p2 =	slt.u32 s8, $0xFFFFF086  }
0x1c: {  	p1 =	slt.u32 s9, $0xF7A;
	s5 =	simm.s32 @!p2 $0x0  }
0x1d: {  	s5 =	simm.s32 @p1 $0x1;
	p0 =	seq.s32 s7, s2  }
0x1e: {  	s7 =	smul.u32 @!p0 $0xF7A, s2;
	p2 =	seq.s32 @!p0 s5, $0x0  }
0x1f: {  	s9 =	smul.u32 $0xF7A, s1;
	s8 =	simm.s32 @!p0 $0x1BF5;
	p2 =	por !p2, p0  }
0x20: {  	[sflag:s8] =	ssyncset.s32 @!p0 $0xFFFFF086;
	s6 =	sadd.s32 @!p0 s3, s7;
	s7 =	simm.s32 @!p0 $0x108  }
0x21: {  	s3 =	sadd.s32 s3, s9;
	s6 =	sadd.s32 @!p0 $0x88, s6;
	s7 =	simm.s32 @p2 $0x1082  }
0x22: {  	[simem:s7], [sflag:s8] =	dma.local @!p0 [hbm:s6], $0xF7A  }
0x23: {  	s9 =	sor.u32 $0xD0000000, s2;
	s6 =	simm.s32 $0x108;
	_ =	swait.ge @!p0 [sflag:s8], $0x0  }
0x24: {  	s3 =	sadd.s32 $0x88, s3;
	s6 =	simm.s32 @!p1 $0x1082;
	[sflag:s4] =	ssyncset.s32 $0xFFFFF086  }
0x25: {  	[simem:s6], [sflag:s4] =	dma.local [hbm:s3], $0xF7A  }
0x26: {  	[smem:$0x3F9D] =	sst s1;
	(tag) =	ssettag s2;
	_ =	strace s9  }
0x27: {  	s1 =	sld [smem:$0x3FAD]  }
0x28: {  	s2 =	sld [smem:$0x3FAE]  }
0x29: {  	s4 =	sld [smem:$0x3FB0]  }
0x2a: {  	p0 =	seq.s32 s5, $0x0;
	s5 =	sld [smem:$0x3FB1]  }
0x2b: {  	s6 =	sld [smem:$0x3FB2]  }
0x2c: {  	s7 =	sld [smem:$0x3FB3]  }
0x2d: {  	s3 =	simm.s32 $0x108;
	s8 =	sld [smem:$0x3FB4]  }
0x2e: {  	s3 =	simm.s32 @!p0 $0x1082;
	s9 =	sld [smem:$0x3FB5]  }
0x2f: {  	lr =	sadd.s32 s0, s3;
	s0 =	sld [smem:$0x3FAC]  }
0x30: {  	s3 =	sld [smem:$0x3FAF]  }
0x31: {  	[smem:$0x3FB8] =	sst s10  }
0x32: {  	s10 =	sld [smem:$0x3FB6];
	_ =	sdelay $0x3  }
0x33: {  	p0 =	seq.s32 s10, $0x1;
	s10 =	sld [smem:$0x3FB8];
	_ =	sdelay $0x3  }
0x34: {  	[smem:$0x3FB8] =	sst s10  }
0x35: {  	s10 =	sld [smem:$0x3FB7];
	_ =	sdelay $0x3  }
0x36: {  	p1 =	seq.s32 s10, $0x1;
	s10 =	sld [smem:$0x3FB8];
	_ =	sdelay $0x3  }
0x37: {  	[smem:$0x3FB8] =	sst s10  }
0x38: {  	s10 =	sld [smem:$0x3FB9]  }
0x39: {  	_ = 	snop;
	(pc) =	sbr.ind lr, $3  }
0x3a: {  	_ = 	snop  }
0x3b: {  	_ = 	snop  }
0x3c: {  	p2 =	seq.s32 s10, $0x1;
	s10 =	sld [smem:$0x3FB8]  }
0x3d: {  	_ =	shalt  }
0x3e: {  	_ =	shalt  }
0x3f: {  	_ =	shalt  }
0x40: {  	_ =	shalt  }
0x41: {  	_ =	shalt  }
0x42: {  	_ =	shalt  }
0x43: {  	_ =	shalt  }
0x44: {  	_ =	shalt  }
0x45: {  	_ =	shalt  }
0x46: {  	_ =	shalt  }
0x47: {  	_ =	shalt  }
0x48: {  	_ =	shalt  }
0x49: {  	_ =	shalt  }
0x4a: {  	_ =	shalt  }
0x4b: {  	_ =	shalt  }
0x4c: {  	_ =	shalt  }
0x4d: {  	_ =	shalt  }
0x4e: {  	_ =	shalt  }
0x4f: {  	_ =	shalt  }
0x50: {  	_ =	shalt  }
0x51: {  	_ =	shalt  }
0x52: {  	_ =	shalt  }
0x53: {  	_ =	shalt  }
0x54: {  	_ =	shalt  }
0x55: {  	_ =	shalt  }
0x56: {  	_ =	shalt  }
0x57: {  	_ =	shalt  }
0x58: {  	_ =	shalt  }
0x59: {  	_ =	shalt  }
0x5a: {  	_ =	shalt  }
0x5b: {  	_ =	shalt  }
0x5c: {  	_ =	shalt  }
0x5d: {  	_ =	shalt  }
0x5e: {  	_ =	shalt  }
0x5f: {  	_ =	shalt  }
0x60: {  	_ =	shalt  }
0x61: {  	_ =	shalt  }
0x62: {  	_ =	shalt  }
0x63: {  	_ =	shalt  }
0x64: {  	_ =	shalt  }
0x65: {  	_ =	shalt  }
0x66: {  	_ =	shalt  }
0x67: {  	_ =	shalt  }
0x68: {  	_ =	shalt  }
0x69: {  	_ =	shalt  }
0x6a: {  	_ =	shalt  }
0x6b: {  	_ =	shalt  }
0x6c: {  	_ =	shalt  }
0x6d: {  	_ =	shalt  }
0x6e: {  	_ =	shalt  }
0x6f: {  	_ =	shalt  }
0x70: {  	_ =	shalt  }
0x71: {  	_ =	shalt  }
0x72: {  	_ =	shalt  }
0x73: {  	_ =	shalt  }
0x74: {  	_ =	shalt  }
0x75: {  	_ =	shalt  }
0x76: {  	_ =	shalt  }
0x77: {  	_ =	shalt  }
0x78: {  	_ =	shalt  }
0x79: {  	_ =	shalt  }
0x7a: {  	_ =	shalt  }
0x7b: {  	_ =	shalt  }
0x7c: {  	_ =	shalt  }
0x7d: {  	_ =	shalt  }
0x7e: {  	_ =	shalt  }
0x7f: {  	_ =	shalt  }
0x80: {  	_ =	shalt  }
0x81: {  	_ =	shalt  }
0x82: {  	_ =	shalt  }
0x83: {  	_ =	shalt  }
0x84: {  	_ =	shalt  }
0x85: {  	_ =	shalt  }
0x86: {  	_ =	shalt  }
0x87: {  	_ =	shalt  }
.Lfunc_end0:
.L_simem_size_0:
called_computation.1_lowered:
.L_overlay_start_0:
0x88: {  	s2 =	sld [smem:$0x3FD9]  }
0x89: {  	s3 =	sld [smem:$0x3FFE];
	_ =	sdelay $0x1  }
0x8a: {  	s1 =	srdreg.scid  }
0x8b: {  	s0 =	sand.u32 $0x1, s1  }
0x8c: {  	s14 =	sshll.u32 s0, $0xA;
	s2 =	sadd.s32 s3, s2  }
0x8d: {  	s2 =	sadd.s32 s2, s14  }
0x8e: {  	[smem:$0x3FC4] =	sst s2  }
0x8f: {  	_ = 	snop  }
0x90: {  	s2 =	sld [smem:$0x3FD0];
	_ =	sdelay $0x2  }
0x91: {  	s15 =	simm.s32 $0xA;
	s4 =	simm.s32 $0x10  }
0x92: {  	[smem:s4], [sflag:s15] =	dma.local [hbm:s2], $0x1  }
0x93: {  	_ =	swait.eq [sflag:s15], $0x1  }
0x94: {  	s16 =	sld [smem:$0x10];
	[sflag:s15] =	ssyncset.done $0x0  }
0x95: {  	s17 =	sld [smem:$0x11];
	[sflag:s15] =	ssyncadd.s32 $0xFFFFFFFF  }
0x96: {  	s18 =	sld [smem:$0x12];
	(tm) =	ssettm $0x1  }
0x97: {  	s5 =	sld [smem:$0x3FFB];
	_ =	sdelay $0x3  }
0x98: {  	_ =	strace s5  }
0x99: {  	s5 =	sld [smem:$0x3FFC];
	_ =	sdelay $0x3  }
0x9a: {  	_ =	strace s5  }
0x9b: {  	s5 =	sld [smem:$0x3FFD];
	_ =	sdelay $0x3  }
0x9c: {  	_ =	strace s5  }
0x9d: {  	_ =	strace $0x8FFFFFFF  }
0x9e: {  	s19 =	sld [smem:$0x3FDB];
	_ =	sdelay $0x1  }
0x9f: {  	s6 =	simm.s32 $_scs_section_size  }
0xa0: {  	s7 =	simm.s32 $_size__tile_overlayer_lowered;
	s8 =	simm.s32 $_tile_overlayer_lowered  }
0xa1: {  	s22 =	simm.s32 $0x1BFF;
	s21 =	sshll.u32 s8, $0x1;
	s5 =	sadd.s32 s6, s19  }
0xa2: {  	s9 =	simm.s32 $0x0;
	s20 =	sshll.u32 s7, $0x1;
	s7 =	sadd.s32 s21, s5  }
0xa3: {  	[timem:s9], [sflag:s22] =	dma.local [hbm:s7], s20  }
0xa4: {  	_ =	swait.ge [sflag:s22], s20  }
0xa5: {  	s6 =	ssub.s32 $0x0, s20;
	[sflag:s22] =	ssyncset.done $0x0  }
0xa6: {  	[sflag:s22] =	ssyncadd.s32 s6;
	_ =	sdelay $0x1  }
0xa7: {  	s23 =	simm.s32 $0x1B8B  }
0xa8: {  	_ =	swait.ge [sflag:s23], $0x1  }
0xa9: {  	[sflag:s23] =	ssyncset.done $0x0  }
0xaa: {  	s25 =	simm.s32 $0x1B8E;
	s24 =	sld [smem:$0x3FFE];
	[sflag:s23] =	ssyncadd.s32 $0xFFFFFFFF  }
0xab: {  	s26 =	simm.s32 $execute0_lowered;
	[smem:$0x3FD2] =	sst s25  }
0xac: {  	s7 =	sshll.u32 s26, $0x1;
	_ =	strace $0x80000049;
	[dreg:$0x1] =	wrdreg $0xFFFFFFFF  }
0xad: {  	s28 =	simm.s32 $_size_execute0_lowered;
	s5 =	sadd.s32 s5, s7;
	[dreg:$0x0] =	wrdreg $0x0  }
0xae: {  	s7 =	sshll.u32 s28, $0x1;
	[dreg:$0x2] =	wrdreg s5  }
0xaf: {  	[dreg:$0x3] =	wrdreg s7  }
0xb0: {  	[dreg:$0x4] =	wrdreg $0xC0  }
0xb1: {  	_ =	task [dreg:s9], $0x5FFFF  }
0xb2: {  	[dreg:$0x1] =	wrdreg $0xFFFFFFFF  }
0xb3: {  	[dreg:$0x0] =	wrdreg $0x60  }
0xb4: {  	[dreg:$0x2] =	wrdreg s24  }
0xb5: {  	[dreg:$0x3] =	wrdreg s16  }
0xb6: {  	[dreg:$0x4] =	wrdreg s17  }
0xb7: {  	[dreg:$0x5] =	wrdreg s18  }
0xb8: {  	[dreg:$0x6] =	wrdreg $0x9  }
0xb9: {  	_ =	task.clear_ibuf [dreg:s9], $0x7FFFF;
	_ =	strace $0x90000049  }
0xba: {  	s29 =	simm.s32 $0x9;
	_ =	strace $0x8000004B  }
0xbb: {  	_ =	swait.ge [sflag:s29], $0x1  }
0xbc: {  	[sflag:s29] =	ssyncadd.s32 $0xFFFFFFFF  }
0xbd: {  	_ =	strace $0x9000004B  }
0xbe: {  	_ =	sfence  }
0xbf: {  	s30 =	sld [smem:$0x0];
	_ =	sdelay $0x2  }
0xc0: {  	s31 =	sshll.u32 s1, $0xD;
	s1 =	sshrl.u32 s1, $0x2  }
0xc1: {  	s3 =	sand.u32 $0x4000, s31;
	s1 =	sadd.s32 s1, s30  }
0xc2: {  	s0 =	sor.u32 s3, s0;
	s1 =	sshll.u32 s1, $0x11  }
0xc3: {  	s0 =	sor.u32 s1, s0  }
0xc4: {  	s0 =	sadd.s32 $0x8F2B, s0  }
0xc5: {  	[sflag:s0] =	ssyncadd.remote.s32 $0x1  }
0xc6: {  	_ =	sfence.sel $0xFFFF  }
0xc7: {  	[dreg:$0x0] =	wrdreg $0xFFFFFFFF;
	(pc) =	sbr.abs _section_cstart, $3  }
0xc8: {  	[dreg:$0x1] =	wrdreg $0xFFFFFFFF  }
0xc9: {  	_ =	task.clear_ibuf [dreg:s9], $0x2FFFF;
	_ =	strace $0x9FFFFFFF  }
0xca: {  	(tm) =	ssettm $0x7FFFFFFF  }
0xcb: {  	_ =	shalt  }
tec
execute0_lowered:
.L_overlay_start_1:
0x0: {  	(tag) =	ssettag $0x1  }
0x1: {  	s1 =	stileid.u32  }
0x2: {  	s3 =	rddreg [dreg:$0x0];
	p0 =	sgt.u32 s1, $0x3  }
.Ltmp0:
0x3: {  	s6 =	rddreg [dreg:$0x1];
	(pc) =	sbr.rel @p0 .LBB2_5-.Ltmp0, $4  }
0x4: {  	s4 =	rddreg [dreg:$0x2]  }
0x5: {  	s5 =	rddreg [dreg:$0x3];
	s2 =	simm.s32 $0x0  }
0x6: {  	[smem:$0x7FF] =	sst s2  }
0x7: {  	s0 =	rddreg [dreg:$0x4];
	_ =	strace $0x8000004A  }
0x8: {  	v0 =	vimm.s32 $0x2C80;
	vm0 =	vcmask $0x300;
	v9 =	vimm.s32 $0x0  }
0x9: {  	s30 =	sadd.s32 $0xC400, s3;
	v1 =	vsel vm0, $0x2800, v0;
	vm0 =	vcmask $0x704;
	v0 =	vlaneseq.u32  }
0xa: {  	s14 =	simm.s32 $0xE180;
	s15 =	simm.s32 $0xE200;
	s16 =	simm.s32 $0xE300;
	v2 =	vsel vm0, $0x2880, v1;
	vm0 =	vcmask $0xB08;
	v1 =	vmul.u32 $0x80, v0  }
0xb: {  	s7 =	srdreg.scid;
	s8 =	sshll.u32 s1, $0x5;
	s13 =	simm.s32 $0x1;
	v7 =	vor.u32 $0x80000010, v0;
	v8 =	vor.u32 $0x80000020, v0;
	v10 =	vor.u32 $0x80000000, v0  }
0xc: {  	s17 =	simm.s32 $0xE400;
	s18 =	simm.s32 $0xE100;
	s7 =	sand.u32 $0x1, s7;
	v11 =	vor.u32 $0x80000030, v0;
	v2 =	vsel vm0, $0x2900, v2;
	vm0 =	vcmask $0xF0C  }
0xd: {  	s19 =	simm.s32 $0xE600;
	s9 =	sshll.u32 s7, $0x4;
	s11 =	ssub.s32 $0x2, s7;
	v12 =	vor.u32 $0x80000040, v0;
	v3 =	vsel vm0, $0x2980, v2;
	vm0 =	vcmask $0x1310  }
0xe: {  	s20 =	simm.s32 $0x0;
	v13 =	vor.u32 $0x80000050, v0;
	s8 =	sor.u32 s9, s8;
	s12 =	sshrl.u32 s11, $0x1;
	v4 =	vsel vm0, $0x2A00, v3;
	vm0 =	vcmask $0x1714  }
0xf: {  	s10 =	sadd.s32 s8, s3;
	s4 =	sadd.s32 s4, s8;
	v2 =	vor.u32 $0x800, v1;
	s5 =	sadd.s32 s5, s8;
	v5 =	vsel vm0, $0x2A80, v4;
	vm0 =	vcmask $0x1B18  }
0x10: {  	s6 =	sadd.s32 s6, s8;
	s31 =	ssub.s32 s11, s12;
	s8 =	sadd.s32 s30, s8;
	v3 =	vor.u32 $0x1000, v1;
	v6 =	vsel vm0, $0x2B00, v5;
	vm0 =	vcmask $0x1F1C  }
0x11: {  	s11 =	simm.s32 $0x2D00;
	s12 =	simm.s32 $0x80;
	s3 =	sadd.s32 $0x1000, s10;
	v4 =	vor.u32 $0x1800, v1;
	v6 =	vsel vm0, $0x2B80, v6;
	vm0 =	vcmask $0x2320  }
0x12: {  	s7 =	sadd.s32 $0xF200, s10;
	s9 =	smax.u32 s31, $0x1;
	s10 =	simm.s32 $0x400;
	v5 =	vor.u32 $0x2000, v1;
	v6 =	vsel vm0, $0x2C00, v6;
	vm0 =	vmmov $0x3ff  }
.LBB2_2:
0x13: {  	s21 =	simm.s32 $0x0  }
0x14: {  	[tilespmem:s21], [sflag:$0x1] =	stream.strided.gather [hbm4b:s8+s12], $0x2D00, s10, s12, $0x38;
	[tilespmem:$0xE680] =	vst v63  }
0x15: {  	_ =	swait.ge [sflag:s13], $0x2D00  }
0x16: {  	[sflag:s13] =	ssyncset.done $0x0  }
0x17: {  	[sflag:s13] =	ssyncadd.s32 $0xFFFFD300  }
0x18: {  	[tilespmem:s11], [sflag:$0x1] =	stream.strided.gather [hbm4b:s3+s12], $0xB400, s10, s12, $0x38;
	[tilespmem:$0xE680] =	vst v63  }
0x19: {  	_ =	swait.ge [sflag:s13], $0xB400  }
0x1a: {  	[sflag:s13] =	ssyncset.done $0x0  }
0x1b: {  	[sflag:s13] =	ssyncadd.s32 $0xFFFF4C00  }
0x1c: {  	v14 =	vld.idx.msk [tilespmem:v1+s21+$0x0], $0xffff;
	_ =	sdelay $0x3  }
0x1d: {  	[tilespmem:$0xE180] =	vst v9  }
0x1e: {  	[tilespmem:$0xE100] =	vst v14  }
0x1f: {  	v14 =	vld.idx.msk [tilespmem:v2+s21+$0x0], $0xffff;
	_ =	sdelay $0x3  }
0x20: {  	[tilespmem:$0xE190] =	vst v9  }
0x21: {  	[tilespmem:$0xE110] =	vst v14  }
0x22: {  	v14 =	vld.idx.msk [tilespmem:v3+s21+$0x0], $0xffff;
	_ =	sdelay $0x3  }
0x23: {  	[tilespmem:$0xE1A0] =	vst v9  }
0x24: {  	[tilespmem:$0xE120] =	vst v14  }
0x25: {  	v14 =	vld.idx.msk [tilespmem:v4+s21+$0x0], $0xffff;
	_ =	sdelay $0x3  }
0x26: {  	[tilespmem:$0xE1B0] =	vst v9  }
0x27: {  	[tilespmem:$0xE130] =	vst v14  }
0x28: {  	v14 =	vld.idx.msk [tilespmem:v5+s21+$0x0], $0xffff;
	_ =	sdelay $0x3  }
0x29: {  	[tilespmem:$0xE1C0] =	vst v9  }
0x2a: {  	[tilespmem:$0xE140] =	vst v14  }
0x2b: {  	v14 =	vld.idx.msk [tilespmem:v6+s21+$0x0], $0xffff;
	_ =	sdelay $0x4  }
0x2c: {  	[tilespmem:$0xE1D0] =	vst v9;
	v14 =	vnsel vm0, $0xC0400000, v14  }
0x2d: {  	s22 =	simm.s32 $0x0;
	s23 =	simm.s32 $0x0;
	[tilespmem:$0xE150] =	vst v14  }
.LBB2_3:
0x2e: {  	v14 =	vld [tilespmem:$0xE100];
	_ =	sdelay $0x1  }
0x2f: {  	v15 =	vld [tilespmem:$0xE110];
	_ =	sdelay $0x1  }
0x30: {  	v16 =	vld [tilespmem:$0xE120]  }
0x31: {  	vm1 =	vgt.f32 v14, $-4.000000000e+00  }
0x32: {  	v17 =	vld [tilespmem:$0xE130];
	v14 =	vnsel vm1, $0xC0800000, v14  }
0x33: {  	vm2 =	vgt.f32 v15, v14  }
0x34: {  	v14 =	vsel vm2, v15, v14;
	v15 =	vld [tilespmem:$0xE140]  }
0x35: {  	vm3 =	vgt.f32 v16, v14  }
0x36: {  	v58 =	vld [tilespmem:$0xE150];
	v14 =	vsel vm3, v16, v14  }
0x37: {  	vm4 =	vgt.f32 v17, v14  }
0x38: {  	v14 =	vsel vm4, v17, v14  }
0x39: {  	vm5 =	vgt.f32 v15, v14  }
0x3a: {  	v14 =	vsel vm5, v15, v14  }
0x3b: {  	vm6 =	vgt.f32 v58, v14  }
0x3c: {  	v14 =	vsel vm6, v58, v14  }
0x3d: {  	(xrf0) =	vmax.scan.msk.f32 $0xffff, v14;
	_ =	sdelay $0x3  }
0x3e: {  	v15 =	vnsel vm1, $0x80000000, v10  }
0x3f: {  	v15 =	vsel vm2, v7, v15  }
0x40: {  	v15 =	vsel vm3, v8, v15;
	v59, _, _ =	vpop (xrf0)  }
0x41: {  	v15 =	vsel vm4, v11, v15;
	v60 =	vbroadcast v59, $0xF  }
0x42: {  	v15 =	vsel vm5, v12, v15  }
0x43: {  	vm1 =	veq.f32 v14, v60;
	v14 =	vsel vm6, v13, v15  }
0x44: {  	v14 =	vnsel vm1, $0x800003E7, v14  }
0x45: {  	(xrf0) =	vmin.scan.msk.u32 $0xffff, v14;
	_ =	sdelay $0x5  }
0x46: {  	(v2sf) =	vpush v59, $0xF;
	v14, _, _ =	vpop (xrf0)  }
0x47: {  	(v2sf) =	vpush v14, $0xF;
	_ =	sdelay $0xd  }
0x48: {  	s24 =	spop (v2sf)  }
0x49: {  	s25 =	spop (v2sf)  }
0x4a: {  	s26 =	sxor.u32 $0x80000000, s25  }
0x4b: {  	v14 =	vmov s26;
	_ =	sdelay $0x4  }
0x4c: {  	v15 =	vld.idx.msk [tilespmem:v14+s14+$0x0], $0xffff;
	_ =	sdelay $0x4  }
0x4d: {  	(v2sf) =	vpush v15, $0x0;
	_ =	sdelay $0xe  }
0x4e: {  	s25 =	sshll.u32 s25, $0x7;
	s30 =	spop (v2sf)  }
0x4f: {  	s25 =	sadd.s32 s30, s25  }
0x50: {  	s28 =	sshll.u32 s25, $0x2  }
0x51: {  	v15 =	vmov s23;
	v61 =	vadd.s32 s28, v0  }
0x52: {  	vm1 =	vlt.s32 v61, $0xB3FF  }
0x53: {  	v16 =	vnsel vm1, $0xB3FF, v61;
	_ =	sdelay $0x2  }
0x54: {  	[tilespmem:v15+s15+$0x0] =	vst.idx.msk $0x1, v60;
	s25 =	sadd.s32 $0x1, s25  }
0x55: {  	[tilespmem:v15+s16+$0x0] =	vst.idx.msk $0x1, v14;
	p0 =	slt.s32 s25, $0x2CFF  }
0x56: {  	v62 =	vadd.s32 s21, v0;
	s25 =	simm.s32 @!p0 $0x2CFF;
	v15 =	vld.idx.msk [tilespmem:v16+s11+$0x0], $0xffff  }
0x57: {  	v63 =	vmov s25;
	_ =	sdelay $0x3  }
0x58: {  	[tilespmem:v62+s17+$0x0] =	vst.idx.msk $0xf, v15  }
0x59: {  	v15 =	vld.idx.msk [tilespmem:v63+s2+$0x0], $0xffff;
	_ =	sdelay $0x4  }
0x5a: {  	(v2sf) =	vpush v15, $0x0;
	_ =	sdelay $0xd  }
0x5b: {  	s31 =	sadd.s32 $0x1, s30  }
0x5c: {  	p0 =	slt.s32 s31, $0x64;
	s26 =	spop (v2sf)  }
0x5d: {  	s26 =	simm.s32 @!p0 $0xC0000000;
	p0 =	sgt.f32 s24, $-1.000000000e+00  }
0x5e: {  	s24 =	simm.s32 $0x1  }
0x5f: {  	s24 =	simm.s32 @!p0 $0x0;
	p0 =	sne.s32 s23, $0x63  }
.Ltmp1:
0x60: {  	_ = 	snop;
	(pc) =	sbr.rel @p0 .LBB2_3-.Ltmp1, $4  }
0x61: {  	_ = 	snop  }
0x62: {  	v15 =	vmov s26  }
0x63: {  	[tilespmem:v14+s18+$0x0] =	vst.idx.msk $0x1, v15;
	v15 =	vmov s31  }
0x64: {  	s21 =	sadd.s32 $0x4, s21;
	s23 =	sadd.s32 $0x1, s23;
	[tilespmem:v14+s14+$0x0] =	vst.idx.msk $0x1, v15;
	s22 =	sadd.s32 s24, s22  }
0x65: {  	_ =	sdelay $0x2  }
0x66: {  	v14 =	vmov s22  }
0x67: {  	[tilespmem:v0+s19+$0x0] =	vst.idx.msk $0x1, v14  }
0x68: {  	[hbm4b:s4+s2] =	stream.linear.scatter [tilespmem:s15], [sflag:$0x1], $0x80, $0x38;
	[tilespmem:$0xE680] =	vst v63  }
0x69: {  	_ =	swait.ge [sflag:s13], $0x80  }
0x6a: {  	[sflag:s13] =	ssyncset.done $0x0  }
0x6b: {  	[sflag:s13] =	ssyncadd.s32 $0xFFFFFF80  }
0x6c: {  	[hbm4b:s5+s2] =	stream.linear.scatter [tilespmem:s16], [sflag:$0x1], $0x80, $0x38;
	[tilespmem:$0xE680] =	vst v63  }
0x6d: {  	_ =	swait.ge [sflag:s13], $0x80  }
0x6e: {  	[sflag:s13] =	ssyncset.done $0x0  }
0x6f: {  	[sflag:s13] =	ssyncadd.s32 $0xFFFFFF80  }
0x70: {  	[hbm4b:s6+s12] =	stream.strided.scatter [tilespmem:s17], [sflag:$0x1], $0x200, s10, s12, $0x38;
	[tilespmem:$0xE680] =	vst v63  }
0x71: {  	s20 =	sadd.s32 $0x1, s20;
	_ =	swait.ge [sflag:s13], $0x200  }
0x72: {  	p0 =	sne.s32 s20, s9;
	[sflag:s13] =	ssyncset.done $0x0  }
.Ltmp2:
0x73: {  	[sflag:s13] =	ssyncadd.s32 $0xFFFFFE00;
	(pc) =	sbr.rel @p0 .LBB2_2-.Ltmp2, $4  }
0x74: {  	[hbm4b:s7+s2] =	stream.linear.scatter [tilespmem:s19], [sflag:$0x1], $0x80, $0x38;
	[tilespmem:$0xE680] =	vst v63  }
0x75: {  	_ =	swait.ge [sflag:s13], $0x80  }
0x76: {  	[sflag:s13] =	ssyncset.done $0x0  }
0x77: {  	[sflag:s13] =	ssyncadd.s32 $0xFFFFFF80  }
.LBB2_5:
0x78: {  	_ =	sfence.sel $0x180000  }
0x79: {  	[bflag:$0x0] =	sbarrier.arrive $0xFFFF  }
0x7a: {  	p0 =	sne.s32 s1, $0x0;
	_ =	strace $0x9000004A  }
0x7b: {  	s0 =	sadd.s32 @!p0 $0x100000, s0;
	[bflag:$0x2] =	sbarrier.arrive $0xFFFF  }
0x7c: {  	[sflag:s0] =	ssyncadd.tile.s32 @!p0 $0x1;
	_ =	shalt  }
.Lfunc_end2:
_tile_overlayer_lowered:
.L_overlay_start_2:
0x7d: {  	(tag) =	ssettag $0x2  }
0x7e: {  	s0 =	rddreg [dreg:$0x0];
	s2 =	stileid.u32  }
0x7f: {  	s1 =	rddreg [dreg:$0x1];
	p0 =	sne.s32 s2, $0x0  }
0x80: {  	s3 =	rddreg [dreg:$0x2];
	[bflag:$0x3] =	sbarrier.arrive $0xFFFF;
	s2 =	simm.s32 @!p0 $0x1C01  }
0x81: {  	[timem:s3], [sflag:s2] =	dma.local @!p0 [hbm:s0], s1  }
0x82: {  	s0 =	simm.s32 @!p0 $0x1  }
0x83: {  	_ =	swait.ge @!p0 [sflag:s0], s1  }
0x84: {  	s1 =	ssub.s32 @!p0 $0x0, s1;
	[sflag:s0] =	ssyncset.done @!p0 $0x0  }
0x85: {  	[sflag:s0] =	ssyncadd.s32 @!p0 s1  }
0x86: {  	[bflag:$0x3] =	sbarrier.arrive $0xFFFF  }
0x87: {  	_ =	shalt  }

</sc_bundles>
